<compile_context>
chip_gen: v7x
topology: tpu7x:2x2x1
jax: 0.10.2.dev20260603
libtpu: 0.0.44.dev20260713+nightly
codegen_flags: <defaults>
</compile_context>

<pallas_src>
import functools

import jax
import jax.numpy as jnp
import numpy as np
from jax import lax
from jax.experimental import pallas as pl
from jax.experimental.pallas import tpu as pltpu
from jax.experimental.pallas import tpu_sc as plsc

B = 4096
NEWS_NUM = 5
TITLE_LEN = 30
ENTITY_LEN = 5
UC, US, UN = 8, 4, 5
USR_COL0 = NEWS_NUM * 5 + UC + UC * US
DATA_W = 225

VOCAB = 100000
COMB_W = 48

NC, NS = 2, 16
NW = NC * NS
L = 16

N_TGT = B * NEWS_NUM
TGT_PER_W = N_TGT // NW
B_PER_W = B // NW

CHUNK = 128
T_WORDS = CHUNK * TITLE_LEN
E_WORDS = CHUNK * ENTITY_LEN
TGT_CHUNKS = TGT_PER_W // CHUNK

UCHUNK = 256
U_CHUNKS = UC * NEWS_NUM * 2
NSLOT = 2

BUILD_CHUNK = 400
BUILD_CHUNKS_TOTAL = VOCAB // BUILD_CHUNK

_mesh = plsc.VectorSubcoreMesh(core_axis_name="c", subcore_axis_name="s")
_params = pltpu.CompilerParams(use_tc_tiling_on_sc=False,
                               needs_layout_passes=False)



@functools.partial(
    pl.kernel,
    out_type=jax.ShapeDtypeStruct((VOCAB, COMB_W), jnp.int32),
    mesh=_mesh,
    compiler_params=_params,
    scratch_types=[
        pltpu.VMEM((BUILD_CHUNK * TITLE_LEN,), jnp.int32),
        pltpu.VMEM((BUILD_CHUNK * ENTITY_LEN,), jnp.int32),
        pltpu.VMEM((BUILD_CHUNK, COMB_W), jnp.int32),
    ],
)
def _build_kernel(title_hbm, ent_hbm, comb_out, title_v, ent_v, comb_v):
    wid = lax.axis_index("s") * NC + lax.axis_index("c")
    nchunks = jnp.where(wid < BUILD_CHUNKS_TOTAL % NW, 1 + BUILD_CHUNKS_TOTAL // NW,
                        BUILD_CHUNKS_TOTAL // NW)

    lane = lax.iota(jnp.int32, L)
    b_tcol = jnp.minimum(16 + lane, TITLE_LEN - 1)
    b_ecol = jnp.clip(lane - 14, 0, ENTITY_LEN - 1)
    b_is_t = lane < 14
    c_ecol = jnp.minimum(2 + lane, ENTITY_LEN - 1)
    c_dcol = jnp.minimum(32 + lane, COMB_W - 1)
    c_mask = lane < 3

    def chunk_body(k, carry):
        cid = wid + k * NW
        pltpu.sync_copy(title_hbm.at[pl.ds(cid * BUILD_CHUNK * TITLE_LEN,
                                           BUILD_CHUNK * TITLE_LEN)], title_v)
        pltpu.sync_copy(ent_hbm.at[pl.ds(cid * BUILD_CHUNK * ENTITY_LEN,
                                         BUILD_CHUNK * ENTITY_LEN)], ent_v)

        def row_body(r, c2):
            rowv = jnp.full((L,), r, jnp.int32)
            t_base = r * TITLE_LEN
            e_base = r * ENTITY_LEN
            a_vals = plsc.load_gather(title_v, [t_base + lane])
            plsc.store_scatter(comb_v, [rowv, lane], a_vals)
            b_t = plsc.load_gather(title_v, [t_base + b_tcol])
            b_e = plsc.load_gather(ent_v, [e_base + b_ecol])
            plsc.store_scatter(comb_v, [rowv, 16 + lane],
                               jnp.where(b_is_t, b_t, b_e))
            c_e = plsc.load_gather(ent_v, [e_base + c_ecol])
            plsc.store_scatter(comb_v, [rowv, c_dcol], c_e, mask=c_mask)
            return c2
        lax.fori_loop(0, BUILD_CHUNK, row_body, 0)

        pltpu.sync_copy(comb_v, comb_out.at[pl.ds(cid * BUILD_CHUNK, BUILD_CHUNK)])
        return carry
    lax.fori_loop(0, nchunks, chunk_body, 0)



@functools.partial(
    pl.kernel,
    out_type=[
        jax.ShapeDtypeStruct((N_TGT * TITLE_LEN,), jnp.int32),
        jax.ShapeDtypeStruct((N_TGT * ENTITY_LEN,), jnp.int32),
        jax.ShapeDtypeStruct((UC * NEWS_NUM * TITLE_LEN, NW, 2, UCHUNK), jnp.int32),
        jax.ShapeDtypeStruct((UC * NEWS_NUM * ENTITY_LEN, NW, 2, UCHUNK), jnp.int32),
    ],
    mesh=_mesh,
    compiler_params=_params,
    scratch_types=[
        pltpu.VMEM((B_PER_W * DATA_W,), jnp.int32),
        pltpu.VMEM((TGT_PER_W + L,), jnp.int32),
        pltpu.VMEM((U_CHUNKS * UCHUNK,), jnp.int32),
        [pltpu.VMEM((UCHUNK, COMB_W), jnp.int32) for _ in range(NSLOT)],
        [pltpu.VMEM((TITLE_LEN, UCHUNK + 1), jnp.int32) for _ in range(NSLOT)],
        [pltpu.VMEM((ENTITY_LEN, UCHUNK + 1), jnp.int32) for _ in range(NSLOT)],
        pltpu.VMEM((T_WORDS,), jnp.int32),
        pltpu.VMEM((E_WORDS + L,), jnp.int32),
        [pltpu.SemaphoreType.DMA for _ in range(NSLOT)],
        [pltpu.SemaphoreType.DMA for _ in range(NSLOT)],
    ],
)
def _gather_kernel(data_hbm, comb_hbm,
                   tgt_title_out, tgt_ent_out, usr_title_out, usr_ent_out,
                   data_v, tgt_idx_v, usr_idx_v, gbufs, uts, ues,
                   ct, ce, gsems, ssems):
    wid = lax.axis_index("s") * NC + lax.axis_index("c")
    pltpu.sync_copy(data_hbm.at[pl.ds(wid * B_PER_W * DATA_W, B_PER_W * DATA_W)],
                    data_v)

    lane = lax.iota(jnp.int32, L)

    def tgt_extract(r, carry):
        v = data_v[pl.ds(r * DATA_W, L)]
        tgt_idx_v[pl.ds(r * NEWS_NUM, L)] = v
        return carry
    lax.fori_loop(0, B_PER_W, tgt_extract, 0)

    def usr_extract(k, carry):
        rowbase = (k * L + lane) * DATA_W
        for c8 in range(UC):
            for s4 in range(US):
                for n5 in range(NEWS_NUM):
                    col = USR_COL0 + (c8 * US + s4) * UN + n5
                    dst = ((c8 * NEWS_NUM + n5) * US + s4) * CHUNK + k * L
                    usr_idx_v[pl.ds(dst, L)] = plsc.load_gather(
                        data_v, [rowbase + col])
        return carry
    lax.fori_loop(0, B_PER_W // L, usr_extract, 0)

    tgt_t_base = wid * TGT_PER_W * TITLE_LEN
    tgt_e_base = wid * TGT_PER_W * ENTITY_LEN

    def tgt_body(j, carry):
        idx = tgt_idx_v.at[pl.ds(j * CHUNK, CHUNK)]
        gb = gbufs[0]
        pltpu.async_copy(comb_hbm.at[idx], gb.at[pl.ds(0, CHUNK)], gsems[0]).wait()

        def tcomp(i, c2):
            ct[pl.ds(i * TITLE_LEN, L)] = gb[i, pl.ds(0, L)]
            ct[pl.ds(i * TITLE_LEN + 14, L)] = gb[i, pl.ds(14, L)]
            ce[pl.ds(i * ENTITY_LEN, L)] = gb[i, pl.ds(TITLE_LEN, L)]
            return c2
        lax.fori_loop(0, CHUNK, tcomp, 0)

        pltpu.sync_copy(ct, tgt_title_out.at[pl.ds(tgt_t_base + j * T_WORDS, T_WORDS)])
        pltpu.sync_copy(ce.at[pl.ds(0, E_WORDS)],
                        tgt_ent_out.at[pl.ds(tgt_e_base + j * E_WORDS, E_WORDS)])
        return carry
    lax.fori_loop(0, TGT_CHUNKS, tgt_body, 0)

    def start_gather(c, slot):
        cc = jnp.minimum(c, U_CHUNKS - 1)
        base = cc * UCHUNK
        pltpu.async_copy(comb_hbm.at[usr_idx_v.at[pl.ds(base, CHUNK)]],
                         gbufs[slot].at[pl.ds(0, CHUNK)], gsems[slot])
        pltpu.async_copy(comb_hbm.at[usr_idx_v.at[pl.ds(base + CHUNK, CHUNK)]],
                         gbufs[slot].at[pl.ds(CHUNK, CHUNK)], gsems[slot])

    def wait_gather(slot):
        pltpu.make_async_copy(comb_hbm.at[pl.ds(0, UCHUNK)], gbufs[slot],
                              gsems[slot]).wait()

    def ut_slice(q, h):
        return usr_title_out.at[pl.ds(q * TITLE_LEN, TITLE_LEN), wid, h]


    def ue_slice(q, h):
        return usr_ent_out.at[pl.ds(q * ENTITY_LEN, ENTITY_LEN), wid, h]

    def ut_src(slot):
        return uts[slot].at[pl.ds(0, TITLE_LEN), pl.ds(0, UCHUNK)]

    def ue_src(slot):
        return ues[slot].at[pl.ds(0, ENTITY_LEN), pl.ds(0, UCHUNK)]

    def drain_store_pair(slot):
        pltpu.make_async_copy(ut_src(slot), ut_slice(0, 0), ssems[slot]).wait()
        pltpu.make_async_copy(ue_src(slot), ue_slice(0, 0), ssems[slot]).wait()

    def compact_u(slot):
        gb = gbufs[slot]
        ut, ue = uts[slot], ues[slot]
        w2 = 14 + lane
        ecol = jnp.clip(lane, 0, ENTITY_LEN - 1)
        emask = lane < ENTITY_LEN

        def rbody(r, c2):
            for rr in (2 * r, 2 * r + 1):
                rv = jnp.full((L,), rr, jnp.int32)
                plsc.store_scatter(ut, [lane, rv], gb[rr, pl.ds(0, L)])
                plsc.store_scatter(ut, [w2, rv], gb[rr, pl.ds(14, L)])
                plsc.store_scatter(ue, [ecol, rv], gb[rr, pl.ds(TITLE_LEN, L)],
                                   mask=emask)
            return c2
        lax.fori_loop(0, UCHUNK // 2, rbody, 0)

    for s in range(NSLOT):
        start_gather(s, s)
        pltpu.async_copy(ut_src(s), ut_slice(0, s), ssems[s])
        pltpu.async_copy(ue_src(s), ue_slice(0, s), ssems[s])

    def usr_body(t, carry):
        for s in range(NSLOT):
            c = NSLOT * t + s
            drain_store_pair(s)
            wait_gather(s)
            compact_u(s)
            start_gather(c + NSLOT, s)
            pltpu.async_copy(ut_src(s), ut_slice(t, s), ssems[s])
            pltpu.async_copy(ue_src(s), ue_slice(t, s), ssems[s])
        return carry
    lax.fori_loop(0, U_CHUNKS // NSLOT, usr_body, 0)

    for s in range(NSLOT):
        wait_gather(s)
        drain_store_pair(s)


def kernel(data, news_title_indexes, news_entity_indexes):
    comb = _build_kernel(news_title_indexes.reshape(-1),
                         news_entity_indexes.reshape(-1))

    tgt_title, tgt_ent, ut3, ue3 = _gather_kernel(data.reshape(-1), comb)

    usr_title = (ut3.reshape(UC, NEWS_NUM, TITLE_LEN, NW, US, 128)
                 .transpose(3, 5, 0, 4, 1, 2).reshape(B, UC, US, UN, TITLE_LEN))
    usr_ent = (ue3.reshape(UC, NEWS_NUM, ENTITY_LEN, NW, US, 128)
               .transpose(3, 5, 0, 4, 1, 2).reshape(B, UC, US, UN, ENTITY_LEN))

    return (
        tgt_title.reshape(B, NEWS_NUM, TITLE_LEN),
        tgt_ent.reshape(B, NEWS_NUM, ENTITY_LEN),
        usr_title,
        usr_ent,
    )

# --- scband reference (transcript-rebuilt; emitter-appended) ---
"""Pipeline reference for scband-hie-rec-38654705664858 (READ-ONLY COPY).

The authoritative reference and input builder live on the scoring server;
editing this copy changes nothing except your own understanding.
"""

import jax, jax.numpy as jnp
import numpy as np

B = 4096
NEWS_VOCAB = 100000
TITLE_LEN = 30
ENTITY_LEN = 5
NEWS_NUM = 5  # neg_count + 1
UC, US, UN = 8, 4, 5  # ucatgeory_number, usubcate_number, usubcate_news
DATA_W = NEWS_NUM * 5 + UC + UC * US + UC * US * UN  # 225


def setup_inputs(seed: int = 0) -> dict:
    key = jax.random.key(seed)
    k1, k2, k3 = jax.random.split(key, 3)
    data = jax.random.randint(k1, (B, DATA_W), 0, NEWS_VOCAB, dtype=jnp.int32)
    news_title_indexes = jax.random.randint(k2, (NEWS_VOCAB, TITLE_LEN), 0, 50000, dtype=jnp.int32)
    news_entity_indexes = jax.random.randint(k3, (NEWS_VOCAB, ENTITY_LEN), 0, 20000, dtype=jnp.int32)
    return {
        "data": data,
        "news_title_indexes": news_title_indexes,
        "news_entity_indexes": news_entity_indexes,
    }


def reference(data, news_title_indexes, news_entity_indexes):
    news_num = NEWS_NUM
    news_id = data[:, :news_num]
    news_category_index = data[:, news_num:news_num * 2]
    news_subcategory_index = data[:, news_num * 2:news_num * 3]
    news_coefficient_category = data[:, news_num * 3:news_num * 4]
    news_coefficient_subcategory = data[:, news_num * 4:news_num * 5]
    user_emb = data[:, news_num * 5:]
    user_categories = user_emb[:, :UC]
    user_subcategories = user_emb[:, UC:UC + UC * US].reshape(-1, UC, US)
    user_news_id = user_emb[:, UC + UC * US:].reshape(-1, UC, US, UN)
    target_news_title = jnp.take(news_title_indexes, news_id, axis=0)
    target_news_entity = jnp.take(news_entity_indexes, news_id, axis=0)
    user_news_title = jnp.take(news_title_indexes, user_news_id, axis=0)
    user_news_entity = jnp.take(news_entity_indexes, user_news_id, axis=0)
    return (target_news_title, target_news_entity, user_news_title, user_news_entity)

if __name__ == "__main__":
    import jax
    _d = setup_inputs()
    print(jax.jit(kernel)(*tuple(_d.values())))

</pallas_src>

<mosaic_0001>
#map = affine_map<(d0, d1) -> (0)>
#map1 = affine_map<(d0, d1) -> (0, 0)>
module attributes {stable_mosaic.version = 14 : i64} {
  func.func @_build_kernel(%arg0: i32, %arg1: i32, %arg2: memref<3000000xi32, #tpu.memory_space<hbm>>, %arg3: memref<500000xi32, #tpu.memory_space<hbm>>, %arg4: memref<100000x48xi32, #tpu.memory_space<hbm>>, %arg5: memref<12000xi32, #tpu.memory_space<vmem>>, %arg6: memref<2000xi32, #tpu.memory_space<vmem>>, %arg7: memref<400x48xi32, #tpu.memory_space<vmem>>) attributes {dimension_semantics = [#tpu.dimension_semantics<core_parallel>, #tpu.dimension_semantics<subcore_parallel>], iteration_bounds = array<i64: 2, 16>, scalar_prefetch = 0 : i64, scratch_operands = 3 : i64, tpu.core_type = #tpu.core_type<sc_vector_subcore>, window_params = [{transform_indices = #map}, {transform_indices = #map}, {transform_indices = #map1}]} {
    %mul3A = arith.constant 2 : i32
    %mul3A_0 = arith.muli %arg1, %mul3A : i32
    %add3A = arith.addi %mul3A_0, %arg0 : i32
    %lt3A = arith.constant 26 : i32
    %lt3A_1 = arith.cmpi slt, %add3A, %lt3A : i32
    %jit3A = arith.constant 8 : i32
    %jit3A_2 = arith.constant 7 : i32
    %select_n3A = arith.select %lt3A_1, %jit3A, %jit3A_2 : i32
    %iota3A = tpu.iota {dimensions = array<i32: 0>} : vector<16xi32>
    %add3A_3 = arith.constant 16 : i32
    %add3A_4 = vector.broadcast %add3A_3 : i32 to vector<16xi32>
    %add3A_5 = arith.addi %add3A_4, %iota3A : vector<16xi32>
    %min3A = arith.constant 29 : i32
    %min3A_6 = vector.broadcast %min3A : i32 to vector<16xi32>
    %min3A_7 = arith.minsi %add3A_5, %min3A_6 : vector<16xi32>
    %sub3A = arith.constant 14 : i32
    %sub3A_8 = vector.broadcast %sub3A : i32 to vector<16xi32>
    %sub3A_9 = arith.subi %iota3A, %sub3A_8 : vector<16xi32>
    %jit3A_10 = arith.constant 0 : i32
    %jit3A_11 = arith.constant 4 : i32
    %max3A = vector.broadcast %jit3A_10 : i32 to vector<16xi32>
    %max3A_12 = arith.maxsi %max3A, %sub3A_9 : vector<16xi32>
    %min3A_13 = vector.broadcast %jit3A_11 : i32 to vector<16xi32>
    %min3A_14 = arith.minsi %min3A_13, %max3A_12 : vector<16xi32>
    %lt3A_15 = arith.constant 14 : i32
    %lt3A_16 = vector.broadcast %lt3A_15 : i32 to vector<16xi32>
    %lt3A_17 = arith.cmpi slt, %iota3A, %lt3A_16 : vector<16xi32>
    %add3A_18 = arith.constant 2 : i32
    %add3A_19 = vector.broadcast %add3A_18 : i32 to vector<16xi32>
    %add3A_20 = arith.addi %add3A_19, %iota3A : vector<16xi32>
    %min3A_21 = arith.constant 4 : i32
    %min3A_22 = vector.broadcast %min3A_21 : i32 to vector<16xi32>
    %min3A_23 = arith.minsi %add3A_20, %min3A_22 : vector<16xi32>
    %add3A_24 = arith.constant 32 : i32
    %add3A_25 = vector.broadcast %add3A_24 : i32 to vector<16xi32>
    %add3A_26 = arith.addi %add3A_25, %iota3A : vector<16xi32>
    %min3A_27 = arith.constant 47 : i32
    %min3A_28 = vector.broadcast %min3A_27 : i32 to vector<16xi32>
    %min3A_29 = arith.minsi %add3A_26, %min3A_28 : vector<16xi32>
    %lt3A_30 = arith.constant 3 : i32
    %lt3A_31 = vector.broadcast %lt3A_30 : i32 to vector<16xi32>
    %lt3A_32 = arith.cmpi slt, %iota3A, %lt3A_31 : vector<16xi32>
    %while3A = arith.constant 0 : i32
    %while3A_33 = arith.constant 0 : i32
    %while3A_34 = arith.subi %select_n3A, %while3A_33 : i32
    %while3A_35 = arith.addi %while3A_33, %while3A_34 : i32
    %while3A_36 = arith.constant 1 : i32
    %while3A_37 = arith.divsi %while3A_34, %while3A_36 : i32
    %while3A_38 = arith.muli %while3A_37, %while3A_36 : i32
    %while3A_39 = arith.addi %while3A_33, %while3A_38 : i32
    %while3A_40 = arith.constant 1 : i32
    scf.for %while3A_42 = %while3A_33 to %while3A_39 step %while3A_40  : i32 {
      %mul3A_43 = arith.constant 32 : i32
      %mul3A_44 = arith.muli %while3A_42, %mul3A_43 : i32
      %add3A_45 = arith.addi %add3A, %mul3A_44 : i32
      %mul3A_46 = arith.constant 400 : i32
      %mul3A_47 = arith.muli %add3A_45, %mul3A_46 : i32
      %mul3A_48 = arith.constant 30 : i32
      %mul3A_49 = arith.muli %mul3A_47, %mul3A_48 : i32
      "tpu.region"() ({
        %run_scoped3A = tpu.sem_alloc : memref<!tpu.dma_semaphore, #tpu.memory_space<semaphore_mem>>
        %dma_start3A = tpu.memref_slice %arg2[%mul3A_49] : memref<3000000xi32, #tpu.memory_space<hbm>> -> memref<12000xi32, #tpu.memory_space<hbm>>
        %dma_start3A_61 = tpu.memref_slice %arg2[%mul3A_49] : memref<3000000xi32, #tpu.memory_space<hbm>> -> memref<12000xi32, #tpu.memory_space<hbm>>
        tpu.enqueue_dma source(%dma_start3A_61 : memref<12000xi32, #tpu.memory_space<hbm>>) target(%arg5 : memref<12000xi32, #tpu.memory_space<vmem>>) target_semaphore(%run_scoped3A : memref<!tpu.dma_semaphore, #tpu.memory_space<semaphore_mem>>)
        %dma_wait3A = tpu.memref_slice %arg2[%mul3A_49] : memref<3000000xi32, #tpu.memory_space<hbm>> -> memref<12000xi32, #tpu.memory_space<hbm>>
        %dma_wait3A_62 = tpu.memref_slice %arg2[%mul3A_49] : memref<3000000xi32, #tpu.memory_space<hbm>> -> memref<12000xi32, #tpu.memory_space<hbm>>
        tpu.wait_dma2 semaphore(%run_scoped3A : memref<!tpu.dma_semaphore, #tpu.memory_space<semaphore_mem>>) src(%dma_wait3A_62 : memref<12000xi32, #tpu.memory_space<hbm>>) dst(%arg5 : memref<12000xi32, #tpu.memory_space<vmem>>)
        tpu.yield
      }) : () -> ()
      %mul3A_50 = arith.constant 400 : i32
      %mul3A_51 = arith.muli %add3A_45, %mul3A_50 : i32
      %mul3A_52 = arith.constant 5 : i32
      %mul3A_53 = arith.muli %mul3A_51, %mul3A_52 : i32
      "tpu.region"() ({
        %run_scoped3A = tpu.sem_alloc : memref<!tpu.dma_semaphore, #tpu.memory_space<semaphore_mem>>
        %dma_start3A = tpu.memref_slice %arg3[%mul3A_53] : memref<500000xi32, #tpu.memory_space<hbm>> -> memref<2000xi32, #tpu.memory_space<hbm>>
        %dma_start3A_61 = tpu.memref_slice %arg3[%mul3A_53] : memref<500000xi32, #tpu.memory_space<hbm>> -> memref<2000xi32, #tpu.memory_space<hbm>>
        tpu.enqueue_dma source(%dma_start3A_61 : memref<2000xi32, #tpu.memory_space<hbm>>) target(%arg6 : memref<2000xi32, #tpu.memory_space<vmem>>) target_semaphore(%run_scoped3A : memref<!tpu.dma_semaphore, #tpu.memory_space<semaphore_mem>>)
        %dma_wait3A = tpu.memref_slice %arg3[%mul3A_53] : memref<500000xi32, #tpu.memory_space<hbm>> -> memref<2000xi32, #tpu.memory_space<hbm>>
        %dma_wait3A_62 = tpu.memref_slice %arg3[%mul3A_53] : memref<500000xi32, #tpu.memory_space<hbm>> -> memref<2000xi32, #tpu.memory_space<hbm>>
        tpu.wait_dma2 semaphore(%run_scoped3A : memref<!tpu.dma_semaphore, #tpu.memory_space<semaphore_mem>>) src(%dma_wait3A_62 : memref<2000xi32, #tpu.memory_space<hbm>>) dst(%arg6 : memref<2000xi32, #tpu.memory_space<vmem>>)
        tpu.yield
      }) : () -> ()
      %scan3A = arith.constant 0 : i32
      %scan3A_54 = arith.constant 0 : i32
      %scan3A_55 = arith.constant 400 : i32
      %scan3A_56 = arith.addi %scan3A_54, %scan3A_55 : i32
      %scan3A_57 = arith.constant 1 : i32
      scf.for %scan3A_61 = %scan3A_54 to %scan3A_56 step %scan3A_57  : i32 {
        %broadcast_in_dim3A = vector.broadcast %scan3A_61 : i32 to vector<16xi32>
        %mul3A_62 = arith.constant 30 : i32
        %mul3A_63 = arith.muli %scan3A_61, %mul3A_62 : i32
        %mul3A_64 = arith.constant 5 : i32
        %mul3A_65 = arith.muli %scan3A_61, %mul3A_64 : i32
        %add3A_66 = vector.broadcast %mul3A_63 : i32 to vector<16xi32>
        %add3A_67 = arith.addi %add3A_66, %iota3A : vector<16xi32>
        %gather3A = tpu.vector_load_idx %arg5[%add3A_67] : memref<12000xi32, #tpu.memory_space<vmem>>[vector<16xi32>], vector<16xi32>,
        tpu.vector_store_idx %arg7[%broadcast_in_dim3A, %iota3A], %gather3A : memref<400x48xi32, #tpu.memory_space<vmem>>[vector<16xi32>, vector<16xi32>], vector<16xi32>,
        %add3A_68 = vector.broadcast %mul3A_63 : i32 to vector<16xi32>
        %add3A_69 = arith.addi %add3A_68, %min3A_7 : vector<16xi32>
        %gather3A_70 = tpu.vector_load_idx %arg5[%add3A_69] : memref<12000xi32, #tpu.memory_space<vmem>>[vector<16xi32>], vector<16xi32>,
        %add3A_71 = vector.broadcast %mul3A_65 : i32 to vector<16xi32>
        %add3A_72 = arith.addi %add3A_71, %min3A_14 : vector<16xi32>
        %gather3A_73 = tpu.vector_load_idx %arg6[%add3A_72] : memref<2000xi32, #tpu.memory_space<vmem>>[vector<16xi32>], vector<16xi32>,
        %add3A_74 = arith.constant 16 : i32
        %add3A_75 = vector.broadcast %add3A_74 : i32 to vector<16xi32>
        %add3A_76 = arith.addi %add3A_75, %iota3A : vector<16xi32>
        %select_n3A_77 = arith.select %lt3A_17, %gather3A_70, %gather3A_73 : vector<16xi1>, vector<16xi32>
        tpu.vector_store_idx %arg7[%broadcast_in_dim3A, %add3A_76], %select_n3A_77 : memref<400x48xi32, #tpu.memory_space<vmem>>[vector<16xi32>, vector<16xi32>], vector<16xi32>,
        %add3A_78 = vector.broadcast %mul3A_65 : i32 to vector<16xi32>
        %add3A_79 = arith.addi %add3A_78, %min3A_23 : vector<16xi32>
        %gather3A_80 = tpu.vector_load_idx %arg6[%add3A_79] : memref<2000xi32, #tpu.memory_space<vmem>>[vector<16xi32>], vector<16xi32>,
        tpu.vector_store_idx %arg7[%broadcast_in_dim3A, %min3A_29], %gather3A_80 masked %lt3A_32 : memref<400x48xi32, #tpu.memory_space<vmem>>[vector<16xi32>, vector<16xi32>], vector<16xi32>, vector<16xi1>
      }
      %scan3A_58 = arith.constant 400 : i32
      %mul3A_59 = arith.constant 400 : i32
      %mul3A_60 = arith.muli %add3A_45, %mul3A_59 : i32
      "tpu.region"() ({
        %run_scoped3A = tpu.sem_alloc : memref<!tpu.dma_semaphore, #tpu.memory_space<semaphore_mem>>
        %dma_start3A = arith.constant 0 : i32
        %dma_start3A_61 = tpu.memref_slice %arg4[%mul3A_60, %dma_start3A] : memref<100000x48xi32, #tpu.memory_space<hbm>> -> memref<400x48xi32, #tpu.memory_space<hbm>>
        %dma_start3A_62 = arith.constant 0 : i32
        %dma_start3A_63 = tpu.memref_slice %arg4[%mul3A_60, %dma_start3A_62] : memref<100000x48xi32, #tpu.memory_space<hbm>> -> memref<400x48xi32, #tpu.memory_space<hbm>>
        tpu.enqueue_dma source(%arg7 : memref<400x48xi32, #tpu.memory_space<vmem>>) target(%dma_start3A_63 : memref<400x48xi32, #tpu.memory_space<hbm>>) target_semaphore(%run_scoped3A : memref<!tpu.dma_semaphore, #tpu.memory_space<semaphore_mem>>)
        %dma_wait3A = arith.constant 0 : i32
        %dma_wait3A_64 = tpu.memref_slice %arg4[%mul3A_60, %dma_wait3A] : memref<100000x48xi32, #tpu.memory_space<hbm>> -> memref<400x48xi32, #tpu.memory_space<hbm>>
        %dma_wait3A_65 = arith.constant 0 : i32
        %dma_wait3A_66 = tpu.memref_slice %arg4[%mul3A_60, %dma_wait3A_65] : memref<100000x48xi32, #tpu.memory_space<hbm>> -> memref<400x48xi32, #tpu.memory_space<hbm>>
        tpu.wait_dma2 semaphore(%run_scoped3A : memref<!tpu.dma_semaphore, #tpu.memory_space<semaphore_mem>>) src(%arg7 : memref<400x48xi32, #tpu.memory_space<vmem>>) dst(%dma_wait3A_66 : memref<400x48xi32, #tpu.memory_space<hbm>>)
        tpu.yield
      }) : () -> ()
    }
    %while3A_41 = arith.constant 1 : i32
    scf.for %while3A_42 = %while3A_39 to %while3A_35 step %while3A_41  : i32 {
      %mul3A_43 = arith.constant 32 : i32
      %mul3A_44 = arith.muli %while3A_42, %mul3A_43 : i32
      %add3A_45 = arith.addi %add3A, %mul3A_44 : i32
      %mul3A_46 = arith.constant 400 : i32
      %mul3A_47 = arith.muli %add3A_45, %mul3A_46 : i32
      %mul3A_48 = arith.constant 30 : i32
      %mul3A_49 = arith.muli %mul3A_47, %mul3A_48 : i32
      "tpu.region"() ({
        %run_scoped3A = tpu.sem_alloc : memref<!tpu.dma_semaphore, #tpu.memory_space<semaphore_mem>>
        %dma_start3A = tpu.memref_slice %arg2[%mul3A_49] : memref<3000000xi32, #tpu.memory_space<hbm>> -> memref<12000xi32, #tpu.memory_space<hbm>>
        %dma_start3A_61 = tpu.memref_slice %arg2[%mul3A_49] : memref<3000000xi32, #tpu.memory_space<hbm>> -> memref<12000xi32, #tpu.memory_space<hbm>>
        tpu.enqueue_dma source(%dma_start3A_61 : memref<12000xi32, #tpu.memory_space<hbm>>) target(%arg5 : memref<12000xi32, #tpu.memory_space<vmem>>) target_semaphore(%run_scoped3A : memref<!tpu.dma_semaphore, #tpu.memory_space<semaphore_mem>>)
        %dma_wait3A = tpu.memref_slice %arg2[%mul3A_49] : memref<3000000xi32, #tpu.memory_space<hbm>> -> memref<12000xi32, #tpu.memory_space<hbm>>
        %dma_wait3A_62 = tpu.memref_slice %arg2[%mul3A_49] : memref<3000000xi32, #tpu.memory_space<hbm>> -> memref<12000xi32, #tpu.memory_space<hbm>>
        tpu.wait_dma2 semaphore(%run_scoped3A : memref<!tpu.dma_semaphore, #tpu.memory_space<semaphore_mem>>) src(%dma_wait3A_62 : memref<12000xi32, #tpu.memory_space<hbm>>) dst(%arg5 : memref<12000xi32, #tpu.memory_space<vmem>>)
        tpu.yield
      }) : () -> ()
      %mul3A_50 = arith.constant 400 : i32
      %mul3A_51 = arith.muli %add3A_45, %mul3A_50 : i32
      %mul3A_52 = arith.constant 5 : i32
      %mul3A_53 = arith.muli %mul3A_51, %mul3A_52 : i32
      "tpu.region"() ({
        %run_scoped3A = tpu.sem_alloc : memref<!tpu.dma_semaphore, #tpu.memory_space<semaphore_mem>>
        %dma_start3A = tpu.memref_slice %arg3[%mul3A_53] : memref<500000xi32, #tpu.memory_space<hbm>> -> memref<2000xi32, #tpu.memory_space<hbm>>
        %dma_start3A_61 = tpu.memref_slice %arg3[%mul3A_53] : memref<500000xi32, #tpu.memory_space<hbm>> -> memref<2000xi32, #tpu.memory_space<hbm>>
        tpu.enqueue_dma source(%dma_start3A_61 : memref<2000xi32, #tpu.memory_space<hbm>>) target(%arg6 : memref<2000xi32, #tpu.memory_space<vmem>>) target_semaphore(%run_scoped3A : memref<!tpu.dma_semaphore, #tpu.memory_space<semaphore_mem>>)
        %dma_wait3A = tpu.memref_slice %arg3[%mul3A_53] : memref<500000xi32, #tpu.memory_space<hbm>> -> memref<2000xi32, #tpu.memory_space<hbm>>
        %dma_wait3A_62 = tpu.memref_slice %arg3[%mul3A_53] : memref<500000xi32, #tpu.memory_space<hbm>> -> memref<2000xi32, #tpu.memory_space<hbm>>
        tpu.wait_dma2 semaphore(%run_scoped3A : memref<!tpu.dma_semaphore, #tpu.memory_space<semaphore_mem>>) src(%dma_wait3A_62 : memref<2000xi32, #tpu.memory_space<hbm>>) dst(%arg6 : memref<2000xi32, #tpu.memory_space<vmem>>)
        tpu.yield
      }) : () -> ()
      %scan3A = arith.constant 0 : i32
      %scan3A_54 = arith.constant 0 : i32
      %scan3A_55 = arith.constant 400 : i32
      %scan3A_56 = arith.addi %scan3A_54, %scan3A_55 : i32
      %scan3A_57 = arith.constant 1 : i32
      scf.for %scan3A_61 = %scan3A_54 to %scan3A_56 step %scan3A_57  : i32 {
        %broadcast_in_dim3A = vector.broadcast %scan3A_61 : i32 to vector<16xi32>
        %mul3A_62 = arith.constant 30 : i32
        %mul3A_63 = arith.muli %scan3A_61, %mul3A_62 : i32
        %mul3A_64 = arith.constant 5 : i32
        %mul3A_65 = arith.muli %scan3A_61, %mul3A_64 : i32
        %add3A_66 = vector.broadcast %mul3A_63 : i32 to vector<16xi32>
        %add3A_67 = arith.addi %add3A_66, %iota3A : vector<16xi32>
        %gather3A = tpu.vector_load_idx %arg5[%add3A_67] : memref<12000xi32, #tpu.memory_space<vmem>>[vector<16xi32>], vector<16xi32>,
        tpu.vector_store_idx %arg7[%broadcast_in_dim3A, %iota3A], %gather3A : memref<400x48xi32, #tpu.memory_space<vmem>>[vector<16xi32>, vector<16xi32>], vector<16xi32>,
        %add3A_68 = vector.broadcast %mul3A_63 : i32 to vector<16xi32>
        %add3A_69 = arith.addi %add3A_68, %min3A_7 : vector<16xi32>
        %gather3A_70 = tpu.vector_load_idx %arg5[%add3A_69] : memref<12000xi32, #tpu.memory_space<vmem>>[vector<16xi32>], vector<16xi32>,
        %add3A_71 = vector.broadcast %mul3A_65 : i32 to vector<16xi32>
        %add3A_72 = arith.addi %add3A_71, %min3A_14 : vector<16xi32>
        %gather3A_73 = tpu.vector_load_idx %arg6[%add3A_72] : memref<2000xi32, #tpu.memory_space<vmem>>[vector<16xi32>], vector<16xi32>,
        %add3A_74 = arith.constant 16 : i32
        %add3A_75 = vector.broadcast %add3A_74 : i32 to vector<16xi32>
        %add3A_76 = arith.addi %add3A_75, %iota3A : vector<16xi32>
        %select_n3A_77 = arith.select %lt3A_17, %gather3A_70, %gather3A_73 : vector<16xi1>, vector<16xi32>
        tpu.vector_store_idx %arg7[%broadcast_in_dim3A, %add3A_76], %select_n3A_77 : memref<400x48xi32, #tpu.memory_space<vmem>>[vector<16xi32>, vector<16xi32>], vector<16xi32>,
        %add3A_78 = vector.broadcast %mul3A_65 : i32 to vector<16xi32>
        %add3A_79 = arith.addi %add3A_78, %min3A_23 : vector<16xi32>
        %gather3A_80 = tpu.vector_load_idx %arg6[%add3A_79] : memref<2000xi32, #tpu.memory_space<vmem>>[vector<16xi32>], vector<16xi32>,
        tpu.vector_store_idx %arg7[%broadcast_in_dim3A, %min3A_29], %gather3A_80 masked %lt3A_32 : memref<400x48xi32, #tpu.memory_space<vmem>>[vector<16xi32>, vector<16xi32>], vector<16xi32>, vector<16xi1>
      }
      %scan3A_58 = arith.constant 400 : i32
      %mul3A_59 = arith.constant 400 : i32
      %mul3A_60 = arith.muli %add3A_45, %mul3A_59 : i32
      "tpu.region"() ({
        %run_scoped3A = tpu.sem_alloc : memref<!tpu.dma_semaphore, #tpu.memory_space<semaphore_mem>>
        %dma_start3A = arith.constant 0 : i32
        %dma_start3A_61 = tpu.memref_slice %arg4[%mul3A_60, %dma_start3A] : memref<100000x48xi32, #tpu.memory_space<hbm>> -> memref<400x48xi32, #tpu.memory_space<hbm>>
        %dma_start3A_62 = arith.constant 0 : i32
        %dma_start3A_63 = tpu.memref_slice %arg4[%mul3A_60, %dma_start3A_62] : memref<100000x48xi32, #tpu.memory_space<hbm>> -> memref<400x48xi32, #tpu.memory_space<hbm>>
        tpu.enqueue_dma source(%arg7 : memref<400x48xi32, #tpu.memory_space<vmem>>) target(%dma_start3A_63 : memref<400x48xi32, #tpu.memory_space<hbm>>) target_semaphore(%run_scoped3A : memref<!tpu.dma_semaphore, #tpu.memory_space<semaphore_mem>>)
        %dma_wait3A = arith.constant 0 : i32
        %dma_wait3A_64 = tpu.memref_slice %arg4[%mul3A_60, %dma_wait3A] : memref<100000x48xi32, #tpu.memory_space<hbm>> -> memref<400x48xi32, #tpu.memory_space<hbm>>
        %dma_wait3A_65 = arith.constant 0 : i32
        %dma_wait3A_66 = tpu.memref_slice %arg4[%mul3A_60, %dma_wait3A_65] : memref<100000x48xi32, #tpu.memory_space<hbm>> -> memref<400x48xi32, #tpu.memory_space<hbm>>
        tpu.wait_dma2 semaphore(%run_scoped3A : memref<!tpu.dma_semaphore, #tpu.memory_space<semaphore_mem>>) src(%arg7 : memref<400x48xi32, #tpu.memory_space<vmem>>) dst(%dma_wait3A_66 : memref<400x48xi32, #tpu.memory_space<hbm>>)
        tpu.yield
      }) : () -> ()
    }
    return
  }
}

#map = affine_map<(d0, d1) -> (0)>
#map1 = affine_map<(d0, d1) -> (0, 0)>
#map2 = affine_map<(d0, d1) -> (0, 0, 0, 0)>
module attributes {stable_mosaic.version = 14 : i64} {
  func.func @_gather_kernel(%arg0: i32, %arg1: i32, %arg2: memref<921600xi32, #tpu.memory_space<hbm>>, %arg3: memref<100000x48xi32, #tpu.memory_space<hbm>>, %arg4: memref<614400xi32, #tpu.memory_space<hbm>>, %arg5: memref<102400xi32, #tpu.memory_space<hbm>>, %arg6: memref<1200x32x2x256xi32, #tpu.memory_space<hbm>>, %arg7: memref<200x32x2x256xi32, #tpu.memory_space<hbm>>, %arg8: memref<28800xi32, #tpu.memory_space<vmem>>, %arg9: memref<656xi32, #tpu.memory_space<vmem>>, %arg10: memref<20480xi32, #tpu.memory_space<vmem>>, %arg11: memref<256x48xi32, #tpu.memory_space<vmem>>, %arg12: memref<256x48xi32, #tpu.memory_space<vmem>>, %arg13: memref<30x257xi32, #tpu.memory_space<vmem>>, %arg14: memref<30x257xi32, #tpu.memory_space<vmem>>, %arg15: memref<5x257xi32, #tpu.memory_space<vmem>>, %arg16: memref<5x257xi32, #tpu.memory_space<vmem>>, %arg17: memref<3840xi32, #tpu.memory_space<vmem>>, %arg18: memref<656xi32, #tpu.memory_space<vmem>>, %arg19: memref<!tpu.dma_semaphore, #tpu.memory_space<semaphore_mem>>, %arg20: memref<!tpu.dma_semaphore, #tpu.memory_space<semaphore_mem>>, %arg21: memref<!tpu.dma_semaphore, #tpu.memory_space<semaphore_mem>>, %arg22: memref<!tpu.dma_semaphore, #tpu.memory_space<semaphore_mem>>) attributes {dimension_semantics = [#tpu.dimension_semantics<core_parallel>, #tpu.dimension_semantics<subcore_parallel>], iteration_bounds = array<i64: 2, 16>, scalar_prefetch = 0 : i64, scratch_operands = 15 : i64, tpu.core_type = #tpu.core_type<sc_vector_subcore>, window_params = [{transform_indices = #map}, {transform_indices = #map1}, {transform_indices = #map}, {transform_indices = #map}, {transform_indices = #map2}, {transform_indices = #map2}]} {
    %mul3A = arith.constant 2 : i32
    %mul3A_0 = arith.muli %arg1, %mul3A : i32
    %add3A = arith.addi %mul3A_0, %arg0 : i32
    %mul3A_1 = arith.constant 128 : i32
    %mul3A_2 = arith.muli %add3A, %mul3A_1 : i32
    %mul3A_3 = arith.constant 225 : i32
    %mul3A_4 = arith.muli %mul3A_2, %mul3A_3 : i32
    "tpu.region"() ({
      %run_scoped3A = tpu.sem_alloc : memref<!tpu.dma_semaphore, #tpu.memory_space<semaphore_mem>>
      %dma_start3A_207 = tpu.memref_slice %arg2[%mul3A_4] : memref<921600xi32, #tpu.memory_space<hbm>> -> memref<28800xi32, #tpu.memory_space<hbm>>
      %dma_start3A_208 = tpu.memref_slice %arg2[%mul3A_4] : memref<921600xi32, #tpu.memory_space<hbm>> -> memref<28800xi32, #tpu.memory_space<hbm>>
      tpu.enqueue_dma source(%dma_start3A_208 : memref<28800xi32, #tpu.memory_space<hbm>>) target(%arg8 : memref<28800xi32, #tpu.memory_space<vmem>>) target_semaphore(%run_scoped3A : memref<!tpu.dma_semaphore, #tpu.memory_space<semaphore_mem>>)
      %dma_wait3A_209 = tpu.memref_slice %arg2[%mul3A_4] : memref<921600xi32, #tpu.memory_space<hbm>> -> memref<28800xi32, #tpu.memory_space<hbm>>
      %dma_wait3A_210 = tpu.memref_slice %arg2[%mul3A_4] : memref<921600xi32, #tpu.memory_space<hbm>> -> memref<28800xi32, #tpu.memory_space<hbm>>
      tpu.wait_dma2 semaphore(%run_scoped3A : memref<!tpu.dma_semaphore, #tpu.memory_space<semaphore_mem>>) src(%dma_wait3A_210 : memref<28800xi32, #tpu.memory_space<hbm>>) dst(%arg8 : memref<28800xi32, #tpu.memory_space<vmem>>)
      tpu.yield
    }) : () -> ()
    %iota3A = tpu.iota {dimensions = array<i32: 0>} : vector<16xi32>
    %scan3A = arith.constant 0 : i32
    %scan3A_5 = arith.constant 0 : i32
    %scan3A_6 = arith.constant 128 : i32
    %scan3A_7 = arith.addi %scan3A_5, %scan3A_6 : i32
    %scan3A_8 = arith.constant 1 : i32
    scf.for %scan3A_207 = %scan3A_5 to %scan3A_7 step %scan3A_8  : i32 {
      %mul3A_208 = arith.constant 225 : i32
      %mul3A_209 = arith.muli %scan3A_207, %mul3A_208 : i32
      %get3A = arith.index_cast %mul3A_209 : i32 to index
      %get3A_210 = tpu.vector_load %arg8[%get3A] {strides = array<i32>} : memref<28800xi32, #tpu.memory_space<vmem>>, vector<16xi32>,
      %mul3A_211 = arith.constant 5 : i32
      %mul3A_212 = arith.muli %scan3A_207, %mul3A_211 : i32
      %swap3A = arith.index_cast %mul3A_212 : i32 to index
      %swap3A_213 = tpu.vector_load %arg9[%swap3A] {strides = array<i32>} : memref<656xi32, #tpu.memory_space<vmem>>, vector<16xi32>,
      tpu.vector_store %arg9[%swap3A], %get3A_210 {strides = array<i32>} : memref<656xi32, #tpu.memory_space<vmem>>, vector<16xi32>,
    }
    %scan3A_9 = arith.constant 128 : i32
    %scan3A_10 = arith.constant 0 : i32
    %scan3A_11 = arith.constant 0 : i32
    %scan3A_12 = arith.constant 8 : i32
    %scan3A_13 = arith.addi %scan3A_11, %scan3A_12 : i32
    %scan3A_14 = arith.constant 1 : i32
    scf.for %scan3A_207 = %scan3A_11 to %scan3A_13 step %scan3A_14  : i32 {
      %mul3A_208 = arith.constant 16 : i32
      %mul3A_209 = arith.muli %scan3A_207, %mul3A_208 : i32
      %add3A_210 = vector.broadcast %mul3A_209 : i32 to vector<16xi32>
      %add3A_211 = arith.addi %add3A_210, %iota3A : vector<16xi32>
      %mul3A_212 = arith.constant 225 : i32
      %mul3A_213 = vector.broadcast %mul3A_212 : i32 to vector<16xi32>
      %mul3A_214 = arith.muli %add3A_211, %mul3A_213 : vector<16xi32>
      %mul3A_215 = arith.constant 16 : i32
      %mul3A_216 = arith.muli %scan3A_207, %mul3A_215 : i32
      %add3A_217 = arith.constant 0 : i32
      %add3A_218 = arith.addi %add3A_217, %mul3A_216 : i32
      %add3A_219 = arith.constant 65 : i32
      %add3A_220 = vector.broadcast %add3A_219 : i32 to vector<16xi32>
      %add3A_221 = arith.addi %mul3A_214, %add3A_220 : vector<16xi32>
      %gather3A = tpu.vector_load_idx %arg8[%add3A_221] : memref<28800xi32, #tpu.memory_space<vmem>>[vector<16xi32>], vector<16xi32>,
      %swap3A = arith.index_cast %add3A_218 : i32 to index
      %swap3A_222 = tpu.vector_load %arg10[%swap3A] {strides = array<i32>} : memref<20480xi32, #tpu.memory_space<vmem>>, vector<16xi32>,
      tpu.vector_store %arg10[%swap3A], %gather3A {strides = array<i32>} : memref<20480xi32, #tpu.memory_space<vmem>>, vector<16xi32>,
      %mul3A_223 = arith.constant 16 : i32
      %mul3A_224 = arith.muli %scan3A_207, %mul3A_223 : i32
      %add3A_225 = arith.constant 512 : i32
      %add3A_226 = arith.addi %add3A_225, %mul3A_224 : i32
      %add3A_227 = arith.constant 66 : i32
      %add3A_228 = vector.broadcast %add3A_227 : i32 to vector<16xi32>
      %add3A_229 = arith.addi %mul3A_214, %add3A_228 : vector<16xi32>
      %gather3A_230 = tpu.vector_load_idx %arg8[%add3A_229] : memref<28800xi32, #tpu.memory_space<vmem>>[vector<16xi32>], vector<16xi32>,
      %swap3A_231 = arith.index_cast %add3A_226 : i32 to index
      %swap3A_232 = tpu.vector_load %arg10[%swap3A_231] {strides = array<i32>} : memref<20480xi32, #tpu.memory_space<vmem>>, vector<16xi32>,
      tpu.vector_store %arg10[%swap3A_231], %gather3A_230 {strides = array<i32>} : memref<20480xi32, #tpu.memory_space<vmem>>, vector<16xi32>,
      %mul3A_233 = arith.constant 16 : i32
      %mul3A_234 = arith.muli %scan3A_207, %mul3A_233 : i32
      %add3A_235 = arith.constant 1024 : i32
      %add3A_236 = arith.addi %add3A_235, %mul3A_234 : i32
      %add3A_237 = arith.constant 67 : i32
      %add3A_238 = vector.broadcast %add3A_237 : i32 to vector<16xi32>
      %add3A_239 = arith.addi %mul3A_214, %add3A_238 : vector<16xi32>
      %gather3A_240 = tpu.vector_load_idx %arg8[%add3A_239] : memref<28800xi32, #tpu.memory_space<vmem>>[vector<16xi32>], vector<16xi32>,
      %swap3A_241 = arith.index_cast %add3A_236 : i32 to index
      %swap3A_242 = tpu.vector_load %arg10[%swap3A_241] {strides = array<i32>} : memref<20480xi32, #tpu.memory_space<vmem>>, vector<16xi32>,
      tpu.vector_store %arg10[%swap3A_241], %gather3A_240 {strides = array<i32>} : memref<20480xi32, #tpu.memory_space<vmem>>, vector<16xi32>,
      %mul3A_243 = arith.constant 16 : i32
      %mul3A_244 = arith.muli %scan3A_207, %mul3A_243 : i32
      %add3A_245 = arith.constant 1536 : i32
      %add3A_246 = arith.addi %add3A_245, %mul3A_244 : i32
      %add3A_247 = arith.constant 68 : i32
      %add3A_248 = vector.broadcast %add3A_247 : i32 to vector<16xi32>
      %add3A_249 = arith.addi %mul3A_214, %add3A_248 : vector<16xi32>
      %gather3A_250 = tpu.vector_load_idx %arg8[%add3A_249] : memref<28800xi32, #tpu.memory_space<vmem>>[vector<16xi32>], vector<16xi32>,
      %swap3A_251 = arith.index_cast %add3A_246 : i32 to index
      %swap3A_252 = tpu.vector_load %arg10[%swap3A_251] {strides = array<i32>} : memref<20480xi32, #tpu.memory_space<vmem>>, vector<16xi32>,
      tpu.vector_store %arg10[%swap3A_251], %gather3A_250 {strides = array<i32>} : memref<20480xi32, #tpu.memory_space<vmem>>, vector<16xi32>,
      %mul3A_253 = arith.constant 16 : i32
      %mul3A_254 = arith.muli %scan3A_207, %mul3A_253 : i32
      %add3A_255 = arith.constant 2048 : i32
      %add3A_256 = arith.addi %add3A_255, %mul3A_254 : i32
      %add3A_257 = arith.constant 69 : i32
      %add3A_258 = vector.broadcast %add3A_257 : i32 to vector<16xi32>
      %add3A_259 = arith.addi %mul3A_214, %add3A_258 : vector<16xi32>
      %gather3A_260 = tpu.vector_load_idx %arg8[%add3A_259] : memref<28800xi32, #tpu.memory_space<vmem>>[vector<16xi32>], vector<16xi32>,
      %swap3A_261 = arith.index_cast %add3A_256 : i32 to index
      %swap3A_262 = tpu.vector_load %arg10[%swap3A_261] {strides = array<i32>} : memref<20480xi32, #tpu.memory_space<vmem>>, vector<16xi32>,
      tpu.vector_store %arg10[%swap3A_261], %gather3A_260 {strides = array<i32>} : memref<20480xi32, #tpu.memory_space<vmem>>, vector<16xi32>,
      %mul3A_263 = arith.constant 16 : i32
      %mul3A_264 = arith.muli %scan3A_207, %mul3A_263 : i32
      %add3A_265 = arith.constant 128 : i32
      %add3A_266 = arith.addi %add3A_265, %mul3A_264 : i32
      %add3A_267 = arith.constant 70 : i32
      %add3A_268 = vector.broadcast %add3A_267 : i32 to vector<16xi32>
      %add3A_269 = arith.addi %mul3A_214, %add3A_268 : vector<16xi32>
      %gather3A_270 = tpu.vector_load_idx %arg8[%add3A_269] : memref<28800xi32, #tpu.memory_space<vmem>>[vector<16xi32>], vector<16xi32>,
      %swap3A_271 = arith.index_cast %add3A_266 : i32 to index
      %swap3A_272 = tpu.vector_load %arg10[%swap3A_271] {strides = array<i32>} : memref<20480xi32, #tpu.memory_space<vmem>>, vector<16xi32>,
      tpu.vector_store %arg10[%swap3A_271], %gather3A_270 {strides = array<i32>} : memref<20480xi32, #tpu.memory_space<vmem>>, vector<16xi32>,
      %mul3A_273 = arith.constant 16 : i32
      %mul3A_274 = arith.muli %scan3A_207, %mul3A_273 : i32
      %add3A_275 = arith.constant 640 : i32
      %add3A_276 = arith.addi %add3A_275, %mul3A_274 : i32
      %add3A_277 = arith.constant 71 : i32
      %add3A_278 = vector.broadcast %add3A_277 : i32 to vector<16xi32>
      %add3A_279 = arith.addi %mul3A_214, %add3A_278 : vector<16xi32>
      %gather3A_280 = tpu.vector_load_idx %arg8[%add3A_279] : memref<28800xi32, #tpu.memory_space<vmem>>[vector<16xi32>], vector<16xi32>,
      %swap3A_281 = arith.index_cast %add3A_276 : i32 to index
      %swap3A_282 = tpu.vector_load %arg10[%swap3A_281] {strides = array<i32>} : memref<20480xi32, #tpu.memory_space<vmem>>, vector<16xi32>,
      tpu.vector_store %arg10[%swap3A_281], %gather3A_280 {strides = array<i32>} : memref<20480xi32, #tpu.memory_space<vmem>>, vector<16xi32>,
      %mul3A_283 = arith.constant 16 : i32
      %mul3A_284 = arith.muli %scan3A_207, %mul3A_283 : i32
      %add3A_285 = arith.constant 1152 : i32
      %add3A_286 = arith.addi %add3A_285, %mul3A_284 : i32
      %add3A_287 = arith.constant 72 : i32
      %add3A_288 = vector.broadcast %add3A_287 : i32 to vector<16xi32>
      %add3A_289 = arith.addi %mul3A_214, %add3A_288 : vector<16xi32>
      %gather3A_290 = tpu.vector_load_idx %arg8[%add3A_289] : memref<28800xi32, #tpu.memory_space<vmem>>[vector<16xi32>], vector<16xi32>,
      %swap3A_291 = arith.index_cast %add3A_286 : i32 to index
      %swap3A_292 = tpu.vector_load %arg10[%swap3A_291] {strides = array<i32>} : memref<20480xi32, #tpu.memory_space<vmem>>, vector<16xi32>,
      tpu.vector_store %arg10[%swap3A_291], %gather3A_290 {strides = array<i32>} : memref<20480xi32, #tpu.memory_space<vmem>>, vector<16xi32>,
      %mul3A_293 = arith.constant 16 : i32
      %mul3A_294 = arith.muli %scan3A_207, %mul3A_293 : i32
      %add3A_295 = arith.constant 1664 : i32
      %add3A_296 = arith.addi %add3A_295, %mul3A_294 : i32
      %add3A_297 = arith.constant 73 : i32
      %add3A_298 = vector.broadcast %add3A_297 : i32 to vector<16xi32>
      %add3A_299 = arith.addi %mul3A_214, %add3A_298 : vector<16xi32>
      %gather3A_300 = tpu.vector_load_idx %arg8[%add3A_299] : memref<28800xi32, #tpu.memory_space<vmem>>[vector<16xi32>], vector<16xi32>,
      %swap3A_301 = arith.index_cast %add3A_296 : i32 to index
      %swap3A_302 = tpu.vector_load %arg10[%swap3A_301] {strides = array<i32>} : memref<20480xi32, #tpu.memory_space<vmem>>, vector<16xi32>,
      tpu.vector_store %arg10[%swap3A_301], %gather3A_300 {strides = array<i32>} : memref<20480xi32, #tpu.memory_space<vmem>>, vector<16xi32>,
      %mul3A_303 = arith.constant 16 : i32
      %mul3A_304 = arith.muli %scan3A_207, %mul3A_303 : i32
      %add3A_305 = arith.constant 2176 : i32
      %add3A_306 = arith.addi %add3A_305, %mul3A_304 : i32
      %add3A_307 = arith.constant 74 : i32
      %add3A_308 = vector.broadcast %add3A_307 : i32 to vector<16xi32>
      %add3A_309 = arith.addi %mul3A_214, %add3A_308 : vector<16xi32>
      %gather3A_310 = tpu.vector_load_idx %arg8[%add3A_309] : memref<28800xi32, #tpu.memory_space<vmem>>[vector<16xi32>], vector<16xi32>,
      %swap3A_311 = arith.index_cast %add3A_306 : i32 to index
      %swap3A_312 = tpu.vector_load %arg10[%swap3A_311] {strides = array<i32>} : memref<20480xi32, #tpu.memory_space<vmem>>, vector<16xi32>,
      tpu.vector_store %arg10[%swap3A_311], %gather3A_310 {strides = array<i32>} : memref<20480xi32, #tpu.memory_space<vmem>>, vector<16xi32>,
      %mul3A_313 = arith.constant 16 : i32
      %mul3A_314 = arith.muli %scan3A_207, %mul3A_313 : i32
      %add3A_315 = arith.constant 256 : i32
      %add3A_316 = arith.addi %add3A_315, %mul3A_314 : i32
      %add3A_317 = arith.constant 75 : i32
      %add3A_318 = vector.broadcast %add3A_317 : i32 to vector<16xi32>
      %add3A_319 = arith.addi %mul3A_214, %add3A_318 : vector<16xi32>
      %gather3A_320 = tpu.vector_load_idx %arg8[%add3A_319] : memref<28800xi32, #tpu.memory_space<vmem>>[vector<16xi32>], vector<16xi32>,
      %swap3A_321 = arith.index_cast %add3A_316 : i32 to index
      %swap3A_322 = tpu.vector_load %arg10[%swap3A_321] {strides = array<i32>} : memref<20480xi32, #tpu.memory_space<vmem>>, vector<16xi32>,
      tpu.vector_store %arg10[%swap3A_321], %gather3A_320 {strides = array<i32>} : memref<20480xi32, #tpu.memory_space<vmem>>, vector<16xi32>,
      %mul3A_323 = arith.constant 16 : i32
      %mul3A_324 = arith.muli %scan3A_207, %mul3A_323 : i32
      %add3A_325 = arith.constant 768 : i32
      %add3A_326 = arith.addi %add3A_325, %mul3A_324 : i32
      %add3A_327 = arith.constant 76 : i32
      %add3A_328 = vector.broadcast %add3A_327 : i32 to vector<16xi32>
      %add3A_329 = arith.addi %mul3A_214, %add3A_328 : vector<16xi32>
      %gather3A_330 = tpu.vector_load_idx %arg8[%add3A_329] : memref<28800xi32, #tpu.memory_space<vmem>>[vector<16xi32>], vector<16xi32>,
      %swap3A_331 = arith.index_cast %add3A_326 : i32 to index
      %swap3A_332 = tpu.vector_load %arg10[%swap3A_331] {strides = array<i32>} : memref<20480xi32, #tpu.memory_space<vmem>>, vector<16xi32>,
      tpu.vector_store %arg10[%swap3A_331], %gather3A_330 {strides = array<i32>} : memref<20480xi32, #tpu.memory_space<vmem>>, vector<16xi32>,
      %mul3A_333 = arith.constant 16 : i32
      %mul3A_334 = arith.muli %scan3A_207, %mul3A_333 : i32
      %add3A_335 = arith.constant 1280 : i32
      %add3A_336 = arith.addi %add3A_335, %mul3A_334 : i32
      %add3A_337 = arith.constant 77 : i32
      %add3A_338 = vector.broadcast %add3A_337 : i32 to vector<16xi32>
      %add3A_339 = arith.addi %mul3A_214, %add3A_338 : vector<16xi32>
      %gather3A_340 = tpu.vector_load_idx %arg8[%add3A_339] : memref<28800xi32, #tpu.memory_space<vmem>>[vector<16xi32>], vector<16xi32>,
      %swap3A_341 = arith.index_cast %add3A_336 : i32 to index
      %swap3A_342 = tpu.vector_load %arg10[%swap3A_341] {strides = array<i32>} : memref<20480xi32, #tpu.memory_space<vmem>>, vector<16xi32>,
      tpu.vector_store %arg10[%swap3A_341], %gather3A_340 {strides = array<i32>} : memref<20480xi32, #tpu.memory_space<vmem>>, vector<16xi32>,
      %mul3A_343 = arith.constant 16 : i32
      %mul3A_344 = arith.muli %scan3A_207, %mul3A_343 : i32
      %add3A_345 = arith.constant 1792 : i32
      %add3A_346 = arith.addi %add3A_345, %mul3A_344 : i32
      %add3A_347 = arith.constant 78 : i32
      %add3A_348 = vector.broadcast %add3A_347 : i32 to vector<16xi32>
      %add3A_349 = arith.addi %mul3A_214, %add3A_348 : vector<16xi32>
      %gather3A_350 = tpu.vector_load_idx %arg8[%add3A_349] : memref<28800xi32, #tpu.memory_space<vmem>>[vector<16xi32>], vector<16xi32>,
      %swap3A_351 = arith.index_cast %add3A_346 : i32 to index
      %swap3A_352 = tpu.vector_load %arg10[%swap3A_351] {strides = array<i32>} : memref<20480xi32, #tpu.memory_space<vmem>>, vector<16xi32>,
      tpu.vector_store %arg10[%swap3A_351], %gather3A_350 {strides = array<i32>} : memref<20480xi32, #tpu.memory_space<vmem>>, vector<16xi32>,
      %mul3A_353 = arith.constant 16 : i32
      %mul3A_354 = arith.muli %scan3A_207, %mul3A_353 : i32
      %add3A_355 = arith.constant 2304 : i32
      %add3A_356 = arith.addi %add3A_355, %mul3A_354 : i32
      %add3A_357 = arith.constant 79 : i32
      %add3A_358 = vector.broadcast %add3A_357 : i32 to vector<16xi32>
      %add3A_359 = arith.addi %mul3A_214, %add3A_358 : vector<16xi32>
      %gather3A_360 = tpu.vector_load_idx %arg8[%add3A_359] : memref<28800xi32, #tpu.memory_space<vmem>>[vector<16xi32>], vector<16xi32>,
      %swap3A_361 = arith.index_cast %add3A_356 : i32 to index
      %swap3A_362 = tpu.vector_load %arg10[%swap3A_361] {strides = array<i32>} : memref<20480xi32, #tpu.memory_space<vmem>>, vector<16xi32>,
      tpu.vector_store %arg10[%swap3A_361], %gather3A_360 {strides = array<i32>} : memref<20480xi32, #tpu.memory_space<vmem>>, vector<16xi32>,
      %mul3A_363 = arith.constant 16 : i32
      %mul3A_364 = arith.muli %scan3A_207, %mul3A_363 : i32
      %add3A_365 = arith.constant 384 : i32
      %add3A_366 = arith.addi %add3A_365, %mul3A_364 : i32
      %add3A_367 = arith.constant 80 : i32
      %add3A_368 = vector.broadcast %add3A_367 : i32 to vector<16xi32>
      %add3A_369 = arith.addi %mul3A_214, %add3A_368 : vector<16xi32>
      %gather3A_370 = tpu.vector_load_idx %arg8[%add3A_369] : memref<28800xi32, #tpu.memory_space<vmem>>[vector<16xi32>], vector<16xi32>,
      %swap3A_371 = arith.index_cast %add3A_366 : i32 to index
      %swap3A_372 = tpu.vector_load %arg10[%swap3A_371] {strides = array<i32>} : memref<20480xi32, #tpu.memory_space<vmem>>, vector<16xi32>,
      tpu.vector_store %arg10[%swap3A_371], %gather3A_370 {strides = array<i32>} : memref<20480xi32, #tpu.memory_space<vmem>>, vector<16xi32>,
      %mul3A_373 = arith.constant 16 : i32
      %mul3A_374 = arith.muli %scan3A_207, %mul3A_373 : i32
      %add3A_375 = arith.constant 896 : i32
      %add3A_376 = arith.addi %add3A_375, %mul3A_374 : i32
      %add3A_377 = arith.constant 81 : i32
      %add3A_378 = vector.broadcast %add3A_377 : i32 to vector<16xi32>
      %add3A_379 = arith.addi %mul3A_214, %add3A_378 : vector<16xi32>
      %gather3A_380 = tpu.vector_load_idx %arg8[%add3A_379] : memref<28800xi32, #tpu.memory_space<vmem>>[vector<16xi32>], vector<16xi32>,
      %swap3A_381 = arith.index_cast %add3A_376 : i32 to index
      %swap3A_382 = tpu.vector_load %arg10[%swap3A_381] {strides = array<i32>} : memref<20480xi32, #tpu.memory_space<vmem>>, vector<16xi32>,
      tpu.vector_store %arg10[%swap3A_381], %gather3A_380 {strides = array<i32>} : memref<20480xi32, #tpu.memory_space<vmem>>, vector<16xi32>,
      %mul3A_383 = arith.constant 16 : i32
      %mul3A_384 = arith.muli %scan3A_207, %mul3A_383 : i32
      %add3A_385 = arith.constant 1408 : i32
      %add3A_386 = arith.addi %add3A_385, %mul3A_384 : i32
      %add3A_387 = arith.constant 82 : i32
      %add3A_388 = vector.broadcast %add3A_387 : i32 to vector<16xi32>
      %add3A_389 = arith.addi %mul3A_214, %add3A_388 : vector<16xi32>
      %gather3A_390 = tpu.vector_load_idx %arg8[%add3A_389] : memref<28800xi32, #tpu.memory_space<vmem>>[vector<16xi32>], vector<16xi32>,
      %swap3A_391 = arith.index_cast %add3A_386 : i32 to index
      %swap3A_392 = tpu.vector_load %arg10[%swap3A_391] {strides = array<i32>} : memref<20480xi32, #tpu.memory_space<vmem>>, vector<16xi32>,
      tpu.vector_store %arg10[%swap3A_391], %gather3A_390 {strides = array<i32>} : memref<20480xi32, #tpu.memory_space<vmem>>, vector<16xi32>,
      %mul3A_393 = arith.constant 16 : i32
      %mul3A_394 = arith.muli %scan3A_207, %mul3A_393 : i32
      %add3A_395 = arith.constant 1920 : i32
      %add3A_396 = arith.addi %add3A_395, %mul3A_394 : i32
      %add3A_397 = arith.constant 83 : i32
      %add3A_398 = vector.broadcast %add3A_397 : i32 to vector<16xi32>
      %add3A_399 = arith.addi %mul3A_214, %add3A_398 : vector<16xi32>
      %gather3A_400 = tpu.vector_load_idx %arg8[%add3A_399] : memref<28800xi32, #tpu.memory_space<vmem>>[vector<16xi32>], vector<16xi32>,
      %swap3A_401 = arith.index_cast %add3A_396 : i32 to index
      %swap3A_402 = tpu.vector_load %arg10[%swap3A_401] {strides = array<i32>} : memref<20480xi32, #tpu.memory_space<vmem>>, vector<16xi32>,
      tpu.vector_store %arg10[%swap3A_401], %gather3A_400 {strides = array<i32>} : memref<20480xi32, #tpu.memory_space<vmem>>, vector<16xi32>,
      %mul3A_403 = arith.constant 16 : i32
      %mul3A_404 = arith.muli %scan3A_207, %mul3A_403 : i32
      %add3A_405 = arith.constant 2432 : i32
      %add3A_406 = arith.addi %add3A_405, %mul3A_404 : i32
      %add3A_407 = arith.constant 84 : i32
      %add3A_408 = vector.broadcast %add3A_407 : i32 to vector<16xi32>
      %add3A_409 = arith.addi %mul3A_214, %add3A_408 : vector<16xi32>
      %gather3A_410 = tpu.vector_load_idx %arg8[%add3A_409] : memref<28800xi32, #tpu.memory_space<vmem>>[vector<16xi32>], vector<16xi32>,
      %swap3A_411 = arith.index_cast %add3A_406 : i32 to index
      %swap3A_412 = tpu.vector_load %arg10[%swap3A_411] {strides = array<i32>} : memref<20480xi32, #tpu.memory_space<vmem>>, vector<16xi32>,
      tpu.vector_store %arg10[%swap3A_411], %gather3A_410 {strides = array<i32>} : memref<20480xi32, #tpu.memory_space<vmem>>, vector<16xi32>,
      %mul3A_413 = arith.constant 16 : i32
      %mul3A_414 = arith.muli %scan3A_207, %mul3A_413 : i32
      %add3A_415 = arith.constant 2560 : i32
      %add3A_416 = arith.addi %add3A_415, %mul3A_414 : i32
      %add3A_417 = arith.constant 85 : i32
      %add3A_418 = vector.broadcast %add3A_417 : i32 to vector<16xi32>
      %add3A_419 = arith.addi %mul3A_214, %add3A_418 : vector<16xi32>
      %gather3A_420 = tpu.vector_load_idx %arg8[%add3A_419] : memref<28800xi32, #tpu.memory_space<vmem>>[vector<16xi32>], vector<16xi32>,
      %swap3A_421 = arith.index_cast %add3A_416 : i32 to index
      %swap3A_422 = tpu.vector_load %arg10[%swap3A_421] {strides = array<i32>} : memref<20480xi32, #tpu.memory_space<vmem>>, vector<16xi32>,
      tpu.vector_store %arg10[%swap3A_421], %gather3A_420 {strides = array<i32>} : memref<20480xi32, #tpu.memory_space<vmem>>, vector<16xi32>,
      %mul3A_423 = arith.constant 16 : i32
      %mul3A_424 = arith.muli %scan3A_207, %mul3A_423 : i32
      %add3A_425 = arith.constant 3072 : i32
      %add3A_426 = arith.addi %add3A_425, %mul3A_424 : i32
      %add3A_427 = arith.constant 86 : i32
      %add3A_428 = vector.broadcast %add3A_427 : i32 to vector<16xi32>
      %add3A_429 = arith.addi %mul3A_214, %add3A_428 : vector<16xi32>
      %gather3A_430 = tpu.vector_load_idx %arg8[%add3A_429] : memref<28800xi32, #tpu.memory_space<vmem>>[vector<16xi32>], vector<16xi32>,
      %swap3A_431 = arith.index_cast %add3A_426 : i32 to index
      %swap3A_432 = tpu.vector_load %arg10[%swap3A_431] {strides = array<i32>} : memref<20480xi32, #tpu.memory_space<vmem>>, vector<16xi32>,
      tpu.vector_store %arg10[%swap3A_431], %gather3A_430 {strides = array<i32>} : memref<20480xi32, #tpu.memory_space<vmem>>, vector<16xi32>,
      %mul3A_433 = arith.constant 16 : i32
      %mul3A_434 = arith.muli %scan3A_207, %mul3A_433 : i32
      %add3A_435 = arith.constant 3584 : i32
      %add3A_436 = arith.addi %add3A_435, %mul3A_434 : i32
      %add3A_437 = arith.constant 87 : i32
      %add3A_438 = vector.broadcast %add3A_437 : i32 to vector<16xi32>
      %add3A_439 = arith.addi %mul3A_214, %add3A_438 : vector<16xi32>
      %gather3A_440 = tpu.vector_load_idx %arg8[%add3A_439] : memref<28800xi32, #tpu.memory_space<vmem>>[vector<16xi32>], vector<16xi32>,
      %swap3A_441 = arith.index_cast %add3A_436 : i32 to index
      %swap3A_442 = tpu.vector_load %arg10[%swap3A_441] {strides = array<i32>} : memref<20480xi32, #tpu.memory_space<vmem>>, vector<16xi32>,
      tpu.vector_store %arg10[%swap3A_441], %gather3A_440 {strides = array<i32>} : memref<20480xi32, #tpu.memory_space<vmem>>, vector<16xi32>,
      %mul3A_443 = arith.constant 16 : i32
      %mul3A_444 = arith.muli %scan3A_207, %mul3A_443 : i32
      %add3A_445 = arith.constant 4096 : i32
      %add3A_446 = arith.addi %add3A_445, %mul3A_444 : i32
      %add3A_447 = arith.constant 88 : i32
      %add3A_448 = vector.broadcast %add3A_447 : i32 to vector<16xi32>
      %add3A_449 = arith.addi %mul3A_214, %add3A_448 : vector<16xi32>
      %gather3A_450 = tpu.vector_load_idx %arg8[%add3A_449] : memref<28800xi32, #tpu.memory_space<vmem>>[vector<16xi32>], vector<16xi32>,
      %swap3A_451 = arith.index_cast %add3A_446 : i32 to index
      %swap3A_452 = tpu.vector_load %arg10[%swap3A_451] {strides = array<i32>} : memref<20480xi32, #tpu.memory_space<vmem>>, vector<16xi32>,
      tpu.vector_store %arg10[%swap3A_451], %gather3A_450 {strides = array<i32>} : memref<20480xi32, #tpu.memory_space<vmem>>, vector<16xi32>,
      %mul3A_453 = arith.constant 16 : i32
      %mul3A_454 = arith.muli %scan3A_207, %mul3A_453 : i32
      %add3A_455 = arith.constant 4608 : i32
      %add3A_456 = arith.addi %add3A_455, %mul3A_454 : i32
      %add3A_457 = arith.constant 89 : i32
      %add3A_458 = vector.broadcast %add3A_457 : i32 to vector<16xi32>
      %add3A_459 = arith.addi %mul3A_214, %add3A_458 : vector<16xi32>
      %gather3A_460 = tpu.vector_load_idx %arg8[%add3A_459] : memref<28800xi32, #tpu.memory_space<vmem>>[vector<16xi32>], vector<16xi32>,
      %swap3A_461 = arith.index_cast %add3A_456 : i32 to index
      %swap3A_462 = tpu.vector_load %arg10[%swap3A_461] {strides = array<i32>} : memref<20480xi32, #tpu.memory_space<vmem>>, vector<16xi32>,
      tpu.vector_store %arg10[%swap3A_461], %gather3A_460 {strides = array<i32>} : memref<20480xi32, #tpu.memory_space<vmem>>, vector<16xi32>,
      %mul3A_463 = arith.constant 16 : i32
      %mul3A_464 = arith.muli %scan3A_207, %mul3A_463 : i32
      %add3A_465 = arith.constant 2688 : i32
      %add3A_466 = arith.addi %add3A_465, %mul3A_464 : i32
      %add3A_467 = arith.constant 90 : i32
      %add3A_468 = vector.broadcast %add3A_467 : i32 to vector<16xi32>
      %add3A_469 = arith.addi %mul3A_214, %add3A_468 : vector<16xi32>
      %gather3A_470 = tpu.vector_load_idx %arg8[%add3A_469] : memref<28800xi32, #tpu.memory_space<vmem>>[vector<16xi32>], vector<16xi32>,
      %swap3A_471 = arith.index_cast %add3A_466 : i32 to index
      %swap3A_472 = tpu.vector_load %arg10[%swap3A_471] {strides = array<i32>} : memref<20480xi32, #tpu.memory_space<vmem>>, vector<16xi32>,
      tpu.vector_store %arg10[%swap3A_471], %gather3A_470 {strides = array<i32>} : memref<20480xi32, #tpu.memory_space<vmem>>, vector<16xi32>,
      %mul3A_473 = arith.constant 16 : i32
      %mul3A_474 = arith.muli %scan3A_207, %mul3A_473 : i32
      %add3A_475 = arith.constant 3200 : i32
      %add3A_476 = arith.addi %add3A_475, %mul3A_474 : i32
      %add3A_477 = arith.constant 91 : i32
      %add3A_478 = vector.broadcast %add3A_477 : i32 to vector<16xi32>
      %add3A_479 = arith.addi %mul3A_214, %add3A_478 : vector<16xi32>
      %gather3A_480 = tpu.vector_load_idx %arg8[%add3A_479] : memref<28800xi32, #tpu.memory_space<vmem>>[vector<16xi32>], vector<16xi32>,
      %swap3A_481 = arith.index_cast %add3A_476 : i32 to index
      %swap3A_482 = tpu.vector_load %arg10[%swap3A_481] {strides = array<i32>} : memref<20480xi32, #tpu.memory_space<vmem>>, vector<16xi32>,
      tpu.vector_store %arg10[%swap3A_481], %gather3A_480 {strides = array<i32>} : memref<20480xi32, #tpu.memory_space<vmem>>, vector<16xi32>,
      %mul3A_483 = arith.constant 16 : i32
      %mul3A_484 = arith.muli %scan3A_207, %mul3A_483 : i32
      %add3A_485 = arith.constant 3712 : i32
      %add3A_486 = arith.addi %add3A_485, %mul3A_484 : i32
      %add3A_487 = arith.constant 92 : i32
      %add3A_488 = vector.broadcast %add3A_487 : i32 to vector<16xi32>
      %add3A_489 = arith.addi %mul3A_214, %add3A_488 : vector<16xi32>
      %gather3A_490 = tpu.vector_load_idx %arg8[%add3A_489] : memref<28800xi32, #tpu.memory_space<vmem>>[vector<16xi32>], vector<16xi32>,
      %swap3A_491 = arith.index_cast %add3A_486 : i32 to index
      %swap3A_492 = tpu.vector_load %arg10[%swap3A_491] {strides = array<i32>} : memref<20480xi32, #tpu.memory_space<vmem>>, vector<16xi32>,
      tpu.vector_store %arg10[%swap3A_491], %gather3A_490 {strides = array<i32>} : memref<20480xi32, #tpu.memory_space<vmem>>, vector<16xi32>,
      %mul3A_493 = arith.constant 16 : i32
      %mul3A_494 = arith.muli %scan3A_207, %mul3A_493 : i32
      %add3A_495 = arith.constant 4224 : i32
      %add3A_496 = arith.addi %add3A_495, %mul3A_494 : i32
      %add3A_497 = arith.constant 93 : i32
      %add3A_498 = vector.broadcast %add3A_497 : i32 to vector<16xi32>
      %add3A_499 = arith.addi %mul3A_214, %add3A_498 : vector<16xi32>
      %gather3A_500 = tpu.vector_load_idx %arg8[%add3A_499] : memref<28800xi32, #tpu.memory_space<vmem>>[vector<16xi32>], vector<16xi32>,
      %swap3A_501 = arith.index_cast %add3A_496 : i32 to index
      %swap3A_502 = tpu.vector_load %arg10[%swap3A_501] {strides = array<i32>} : memref<20480xi32, #tpu.memory_space<vmem>>, vector<16xi32>,
      tpu.vector_store %arg10[%swap3A_501], %gather3A_500 {strides = array<i32>} : memref<20480xi32, #tpu.memory_space<vmem>>, vector<16xi32>,
      %mul3A_503 = arith.constant 16 : i32
      %mul3A_504 = arith.muli %scan3A_207, %mul3A_503 : i32
      %add3A_505 = arith.constant 4736 : i32
      %add3A_506 = arith.addi %add3A_505, %mul3A_504 : i32
      %add3A_507 = arith.constant 94 : i32
      %add3A_508 = vector.broadcast %add3A_507 : i32 to vector<16xi32>
      %add3A_509 = arith.addi %mul3A_214, %add3A_508 : vector<16xi32>
      %gather3A_510 = tpu.vector_load_idx %arg8[%add3A_509] : memref<28800xi32, #tpu.memory_space<vmem>>[vector<16xi32>], vector<16xi32>,
      %swap3A_511 = arith.index_cast %add3A_506 : i32 to index
      %swap3A_512 = tpu.vector_load %arg10[%swap3A_511] {strides = array<i32>} : memref<20480xi32, #tpu.memory_space<vmem>>, vector<16xi32>,
      tpu.vector_store %arg10[%swap3A_511], %gather3A_510 {strides = array<i32>} : memref<20480xi32, #tpu.memory_space<vmem>>, vector<16xi32>,
      %mul3A_513 = arith.constant 16 : i32
      %mul3A_514 = arith.muli %scan3A_207, %mul3A_513 : i32
      %add3A_515 = arith.constant 2816 : i32
      %add3A_516 = arith.addi %add3A_515, %mul3A_514 : i32
      %add3A_517 = arith.constant 95 : i32
      %add3A_518 = vector.broadcast %add3A_517 : i32 to vector<16xi32>
      %add3A_519 = arith.addi %mul3A_214, %add3A_518 : vector<16xi32>
      %gather3A_520 = tpu.vector_load_idx %arg8[%add3A_519] : memref<28800xi32, #tpu.memory_space<vmem>>[vector<16xi32>], vector<16xi32>,
      %swap3A_521 = arith.index_cast %add3A_516 : i32 to index
      %swap3A_522 = tpu.vector_load %arg10[%swap3A_521] {strides = array<i32>} : memref<20480xi32, #tpu.memory_space<vmem>>, vector<16xi32>,
      tpu.vector_store %arg10[%swap3A_521], %gather3A_520 {strides = array<i32>} : memref<20480xi32, #tpu.memory_space<vmem>>, vector<16xi32>,
      %mul3A_523 = arith.constant 16 : i32
      %mul3A_524 = arith.muli %scan3A_207, %mul3A_523 : i32
      %add3A_525 = arith.constant 3328 : i32
      %add3A_526 = arith.addi %add3A_525, %mul3A_524 : i32
      %add3A_527 = arith.constant 96 : i32
      %add3A_528 = vector.broadcast %add3A_527 : i32 to vector<16xi32>
      %add3A_529 = arith.addi %mul3A_214, %add3A_528 : vector<16xi32>
      %gather3A_530 = tpu.vector_load_idx %arg8[%add3A_529] : memref<28800xi32, #tpu.memory_space<vmem>>[vector<16xi32>], vector<16xi32>,
      %swap3A_531 = arith.index_cast %add3A_526 : i32 to index
      %swap3A_532 = tpu.vector_load %arg10[%swap3A_531] {strides = array<i32>} : memref<20480xi32, #tpu.memory_space<vmem>>, vector<16xi32>,
      tpu.vector_store %arg10[%swap3A_531], %gather3A_530 {strides = array<i32>} : memref<20480xi32, #tpu.memory_space<vmem>>, vector<16xi32>,
      %mul3A_533 = arith.constant 16 : i32
      %mul3A_534 = arith.muli %scan3A_207, %mul3A_533 : i32
      %add3A_535 = arith.constant 3840 : i32
      %add3A_536 = arith.addi %add3A_535, %mul3A_534 : i32
      %add3A_537 = arith.constant 97 : i32
      %add3A_538 = vector.broadcast %add3A_537 : i32 to vector<16xi32>
      %add3A_539 = arith.addi %mul3A_214, %add3A_538 : vector<16xi32>
      %gather3A_540 = tpu.vector_load_idx %arg8[%add3A_539] : memref<28800xi32, #tpu.memory_space<vmem>>[vector<16xi32>], vector<16xi32>,
      %swap3A_541 = arith.index_cast %add3A_536 : i32 to index
      %swap3A_542 = tpu.vector_load %arg10[%swap3A_541] {strides = array<i32>} : memref<20480xi32, #tpu.memory_space<vmem>>, vector<16xi32>,
      tpu.vector_store %arg10[%swap3A_541], %gather3A_540 {strides = array<i32>} : memref<20480xi32, #tpu.memory_space<vmem>>, vector<16xi32>,
      %mul3A_543 = arith.constant 16 : i32
      %mul3A_544 = arith.muli %scan3A_207, %mul3A_543 : i32
      %add3A_545 = arith.constant 4352 : i32
      %add3A_546 = arith.addi %add3A_545, %mul3A_544 : i32
      %add3A_547 = arith.constant 98 : i32
      %add3A_548 = vector.broadcast %add3A_547 : i32 to vector<16xi32>
      %add3A_549 = arith.addi %mul3A_214, %add3A_548 : vector<16xi32>
      %gather3A_550 = tpu.vector_load_idx %arg8[%add3A_549] : memref<28800xi32, #tpu.memory_space<vmem>>[vector<16xi32>], vector<16xi32>,
      %swap3A_551 = arith.index_cast %add3A_546 : i32 to index
      %swap3A_552 = tpu.vector_load %arg10[%swap3A_551] {strides = array<i32>} : memref<20480xi32, #tpu.memory_space<vmem>>, vector<16xi32>,
      tpu.vector_store %arg10[%swap3A_551], %gather3A_550 {strides = array<i32>} : memref<20480xi32, #tpu.memory_space<vmem>>, vector<16xi32>,
      %mul3A_553 = arith.constant 16 : i32
      %mul3A_554 = arith.muli %scan3A_207, %mul3A_553 : i32
      %add3A_555 = arith.constant 4864 : i32
      %add3A_556 = arith.addi %add3A_555, %mul3A_554 : i32
      %add3A_557 = arith.constant 99 : i32
      %add3A_558 = vector.broadcast %add3A_557 : i32 to vector<16xi32>
      %add3A_559 = arith.addi %mul3A_214, %add3A_558 : vector<16xi32>
      %gather3A_560 = tpu.vector_load_idx %arg8[%add3A_559] : memref<28800xi32, #tpu.memory_space<vmem>>[vector<16xi32>], vector<16xi32>,
      %swap3A_561 = arith.index_cast %add3A_556 : i32 to index
      %swap3A_562 = tpu.vector_load %arg10[%swap3A_561] {strides = array<i32>} : memref<20480xi32, #tpu.memory_space<vmem>>, vector<16xi32>,
      tpu.vector_store %arg10[%swap3A_561], %gather3A_560 {strides = array<i32>} : memref<20480xi32, #tpu.memory_space<vmem>>, vector<16xi32>,
      %mul3A_563 = arith.constant 16 : i32
      %mul3A_564 = arith.muli %scan3A_207, %mul3A_563 : i32
      %add3A_565 = arith.constant 2944 : i32
      %add3A_566 = arith.addi %add3A_565, %mul3A_564 : i32
      %add3A_567 = arith.constant 100 : i32
      %add3A_568 = vector.broadcast %add3A_567 : i32 to vector<16xi32>
      %add3A_569 = arith.addi %mul3A_214, %add3A_568 : vector<16xi32>
      %gather3A_570 = tpu.vector_load_idx %arg8[%add3A_569] : memref<28800xi32, #tpu.memory_space<vmem>>[vector<16xi32>], vector<16xi32>,
      %swap3A_571 = arith.index_cast %add3A_566 : i32 to index
      %swap3A_572 = tpu.vector_load %arg10[%swap3A_571] {strides = array<i32>} : memref<20480xi32, #tpu.memory_space<vmem>>, vector<16xi32>,
      tpu.vector_store %arg10[%swap3A_571], %gather3A_570 {strides = array<i32>} : memref<20480xi32, #tpu.memory_space<vmem>>, vector<16xi32>,
      %mul3A_573 = arith.constant 16 : i32
      %mul3A_574 = arith.muli %scan3A_207, %mul3A_573 : i32
      %add3A_575 = arith.constant 3456 : i32
      %add3A_576 = arith.addi %add3A_575, %mul3A_574 : i32
      %add3A_577 = arith.constant 101 : i32
      %add3A_578 = vector.broadcast %add3A_577 : i32 to vector<16xi32>
      %add3A_579 = arith.addi %mul3A_214, %add3A_578 : vector<16xi32>
      %gather3A_580 = tpu.vector_load_idx %arg8[%add3A_579] : memref<28800xi32, #tpu.memory_space<vmem>>[vector<16xi32>], vector<16xi32>,
      %swap3A_581 = arith.index_cast %add3A_576 : i32 to index
      %swap3A_582 = tpu.vector_load %arg10[%swap3A_581] {strides = array<i32>} : memref<20480xi32, #tpu.memory_space<vmem>>, vector<16xi32>,
      tpu.vector_store %arg10[%swap3A_581], %gather3A_580 {strides = array<i32>} : memref<20480xi32, #tpu.memory_space<vmem>>, vector<16xi32>,
      %mul3A_583 = arith.constant 16 : i32
      %mul3A_584 = arith.muli %scan3A_207, %mul3A_583 : i32
      %add3A_585 = arith.constant 3968 : i32
      %add3A_586 = arith.addi %add3A_585, %mul3A_584 : i32
      %add3A_587 = arith.constant 102 : i32
      %add3A_588 = vector.broadcast %add3A_587 : i32 to vector<16xi32>
      %add3A_589 = arith.addi %mul3A_214, %add3A_588 : vector<16xi32>
      %gather3A_590 = tpu.vector_load_idx %arg8[%add3A_589] : memref<28800xi32, #tpu.memory_space<vmem>>[vector<16xi32>], vector<16xi32>,
      %swap3A_591 = arith.index_cast %add3A_586 : i32 to index
      %swap3A_592 = tpu.vector_load %arg10[%swap3A_591] {strides = array<i32>} : memref<20480xi32, #tpu.memory_space<vmem>>, vector<16xi32>,
      tpu.vector_store %arg10[%swap3A_591], %gather3A_590 {strides = array<i32>} : memref<20480xi32, #tpu.memory_space<vmem>>, vector<16xi32>,
      %mul3A_593 = arith.constant 16 : i32
      %mul3A_594 = arith.muli %scan3A_207, %mul3A_593 : i32
      %add3A_595 = arith.constant 4480 : i32
      %add3A_596 = arith.addi %add3A_595, %mul3A_594 : i32
      %add3A_597 = arith.constant 103 : i32
      %add3A_598 = vector.broadcast %add3A_597 : i32 to vector<16xi32>
      %add3A_599 = arith.addi %mul3A_214, %add3A_598 : vector<16xi32>
      %gather3A_600 = tpu.vector_load_idx %arg8[%add3A_599] : memref<28800xi32, #tpu.memory_space<vmem>>[vector<16xi32>], vector<16xi32>,
      %swap3A_601 = arith.index_cast %add3A_596 : i32 to index
      %swap3A_602 = tpu.vector_load %arg10[%swap3A_601] {strides = array<i32>} : memref<20480xi32, #tpu.memory_space<vmem>>, vector<16xi32>,
      tpu.vector_store %arg10[%swap3A_601], %gather3A_600 {strides = array<i32>} : memref<20480xi32, #tpu.memory_space<vmem>>, vector<16xi32>,
      %mul3A_603 = arith.constant 16 : i32
      %mul3A_604 = arith.muli %scan3A_207, %mul3A_603 : i32
      %add3A_605 = arith.constant 4992 : i32
      %add3A_606 = arith.addi %add3A_605, %mul3A_604 : i32
      %add3A_607 = arith.constant 104 : i32
      %add3A_608 = vector.broadcast %add3A_607 : i32 to vector<16xi32>
      %add3A_609 = arith.addi %mul3A_214, %add3A_608 : vector<16xi32>
      %gather3A_610 = tpu.vector_load_idx %arg8[%add3A_609] : memref<28800xi32, #tpu.memory_space<vmem>>[vector<16xi32>], vector<16xi32>,
      %swap3A_611 = arith.index_cast %add3A_606 : i32 to index
      %swap3A_612 = tpu.vector_load %arg10[%swap3A_611] {strides = array<i32>} : memref<20480xi32, #tpu.memory_space<vmem>>, vector<16xi32>,
      tpu.vector_store %arg10[%swap3A_611], %gather3A_610 {strides = array<i32>} : memref<20480xi32, #tpu.memory_space<vmem>>, vector<16xi32>,
      %mul3A_613 = arith.constant 16 : i32
      %mul3A_614 = arith.muli %scan3A_207, %mul3A_613 : i32
      %add3A_615 = arith.constant 5120 : i32
      %add3A_616 = arith.addi %add3A_615, %mul3A_614 : i32
      %add3A_617 = arith.constant 105 : i32
      %add3A_618 = vector.broadcast %add3A_617 : i32 to vector<16xi32>
      %add3A_619 = arith.addi %mul3A_214, %add3A_618 : vector<16xi32>
      %gather3A_620 = tpu.vector_load_idx %arg8[%add3A_619] : memref<28800xi32, #tpu.memory_space<vmem>>[vector<16xi32>], vector<16xi32>,
      %swap3A_621 = arith.index_cast %add3A_616 : i32 to index
      %swap3A_622 = tpu.vector_load %arg10[%swap3A_621] {strides = array<i32>} : memref<20480xi32, #tpu.memory_space<vmem>>, vector<16xi32>,
      tpu.vector_store %arg10[%swap3A_621], %gather3A_620 {strides = array<i32>} : memref<20480xi32, #tpu.memory_space<vmem>>, vector<16xi32>,
      %mul3A_623 = arith.constant 16 : i32
      %mul3A_624 = arith.muli %scan3A_207, %mul3A_623 : i32
      %add3A_625 = arith.constant 5632 : i32
      %add3A_626 = arith.addi %add3A_625, %mul3A_624 : i32
      %add3A_627 = arith.constant 106 : i32
      %add3A_628 = vector.broadcast %add3A_627 : i32 to vector<16xi32>
      %add3A_629 = arith.addi %mul3A_214, %add3A_628 : vector<16xi32>
      %gather3A_630 = tpu.vector_load_idx %arg8[%add3A_629] : memref<28800xi32, #tpu.memory_space<vmem>>[vector<16xi32>], vector<16xi32>,
      %swap3A_631 = arith.index_cast %add3A_626 : i32 to index
      %swap3A_632 = tpu.vector_load %arg10[%swap3A_631] {strides = array<i32>} : memref<20480xi32, #tpu.memory_space<vmem>>, vector<16xi32>,
      tpu.vector_store %arg10[%swap3A_631], %gather3A_630 {strides = array<i32>} : memref<20480xi32, #tpu.memory_space<vmem>>, vector<16xi32>,
      %mul3A_633 = arith.constant 16 : i32
      %mul3A_634 = arith.muli %scan3A_207, %mul3A_633 : i32
      %add3A_635 = arith.constant 6144 : i32
      %add3A_636 = arith.addi %add3A_635, %mul3A_634 : i32
      %add3A_637 = arith.constant 107 : i32
      %add3A_638 = vector.broadcast %add3A_637 : i32 to vector<16xi32>
      %add3A_639 = arith.addi %mul3A_214, %add3A_638 : vector<16xi32>
      %gather3A_640 = tpu.vector_load_idx %arg8[%add3A_639] : memref<28800xi32, #tpu.memory_space<vmem>>[vector<16xi32>], vector<16xi32>,
      %swap3A_641 = arith.index_cast %add3A_636 : i32 to index
      %swap3A_642 = tpu.vector_load %arg10[%swap3A_641] {strides = array<i32>} : memref<20480xi32, #tpu.memory_space<vmem>>, vector<16xi32>,
      tpu.vector_store %arg10[%swap3A_641], %gather3A_640 {strides = array<i32>} : memref<20480xi32, #tpu.memory_space<vmem>>, vector<16xi32>,
      %mul3A_643 = arith.constant 16 : i32
      %mul3A_644 = arith.muli %scan3A_207, %mul3A_643 : i32
      %add3A_645 = arith.constant 6656 : i32
      %add3A_646 = arith.addi %add3A_645, %mul3A_644 : i32
      %add3A_647 = arith.constant 108 : i32
      %add3A_648 = vector.broadcast %add3A_647 : i32 to vector<16xi32>
      %add3A_649 = arith.addi %mul3A_214, %add3A_648 : vector<16xi32>
      %gather3A_650 = tpu.vector_load_idx %arg8[%add3A_649] : memref<28800xi32, #tpu.memory_space<vmem>>[vector<16xi32>], vector<16xi32>,
      %swap3A_651 = arith.index_cast %add3A_646 : i32 to index
      %swap3A_652 = tpu.vector_load %arg10[%swap3A_651] {strides = array<i32>} : memref<20480xi32, #tpu.memory_space<vmem>>, vector<16xi32>,
      tpu.vector_store %arg10[%swap3A_651], %gather3A_650 {strides = array<i32>} : memref<20480xi32, #tpu.memory_space<vmem>>, vector<16xi32>,
      %mul3A_653 = arith.constant 16 : i32
      %mul3A_654 = arith.muli %scan3A_207, %mul3A_653 : i32
      %add3A_655 = arith.constant 7168 : i32
      %add3A_656 = arith.addi %add3A_655, %mul3A_654 : i32
      %add3A_657 = arith.constant 109 : i32
      %add3A_658 = vector.broadcast %add3A_657 : i32 to vector<16xi32>
      %add3A_659 = arith.addi %mul3A_214, %add3A_658 : vector<16xi32>
      %gather3A_660 = tpu.vector_load_idx %arg8[%add3A_659] : memref<28800xi32, #tpu.memory_space<vmem>>[vector<16xi32>], vector<16xi32>,
      %swap3A_661 = arith.index_cast %add3A_656 : i32 to index
      %swap3A_662 = tpu.vector_load %arg10[%swap3A_661] {strides = array<i32>} : memref<20480xi32, #tpu.memory_space<vmem>>, vector<16xi32>,
      tpu.vector_store %arg10[%swap3A_661], %gather3A_660 {strides = array<i32>} : memref<20480xi32, #tpu.memory_space<vmem>>, vector<16xi32>,
      %mul3A_663 = arith.constant 16 : i32
      %mul3A_664 = arith.muli %scan3A_207, %mul3A_663 : i32
      %add3A_665 = arith.constant 5248 : i32
      %add3A_666 = arith.addi %add3A_665, %mul3A_664 : i32
      %add3A_667 = arith.constant 110 : i32
      %add3A_668 = vector.broadcast %add3A_667 : i32 to vector<16xi32>
      %add3A_669 = arith.addi %mul3A_214, %add3A_668 : vector<16xi32>
      %gather3A_670 = tpu.vector_load_idx %arg8[%add3A_669] : memref<28800xi32, #tpu.memory_space<vmem>>[vector<16xi32>], vector<16xi32>,
      %swap3A_671 = arith.index_cast %add3A_666 : i32 to index
      %swap3A_672 = tpu.vector_load %arg10[%swap3A_671] {strides = array<i32>} : memref<20480xi32, #tpu.memory_space<vmem>>, vector<16xi32>,
      tpu.vector_store %arg10[%swap3A_671], %gather3A_670 {strides = array<i32>} : memref<20480xi32, #tpu.memory_space<vmem>>, vector<16xi32>,
      %mul3A_673 = arith.constant 16 : i32
      %mul3A_674 = arith.muli %scan3A_207, %mul3A_673 : i32
      %add3A_675 = arith.constant 5760 : i32
      %add3A_676 = arith.addi %add3A_675, %mul3A_674 : i32
      %add3A_677 = arith.constant 111 : i32
      %add3A_678 = vector.broadcast %add3A_677 : i32 to vector<16xi32>
      %add3A_679 = arith.addi %mul3A_214, %add3A_678 : vector<16xi32>
      %gather3A_680 = tpu.vector_load_idx %arg8[%add3A_679] : memref<28800xi32, #tpu.memory_space<vmem>>[vector<16xi32>], vector<16xi32>,
      %swap3A_681 = arith.index_cast %add3A_676 : i32 to index
      %swap3A_682 = tpu.vector_load %arg10[%swap3A_681] {strides = array<i32>} : memref<20480xi32, #tpu.memory_space<vmem>>, vector<16xi32>,
      tpu.vector_store %arg10[%swap3A_681], %gather3A_680 {strides = array<i32>} : memref<20480xi32, #tpu.memory_space<vmem>>, vector<16xi32>,
      %mul3A_683 = arith.constant 16 : i32
      %mul3A_684 = arith.muli %scan3A_207, %mul3A_683 : i32
      %add3A_685 = arith.constant 6272 : i32
      %add3A_686 = arith.addi %add3A_685, %mul3A_684 : i32
      %add3A_687 = arith.constant 112 : i32
      %add3A_688 = vector.broadcast %add3A_687 : i32 to vector<16xi32>
      %add3A_689 = arith.addi %mul3A_214, %add3A_688 : vector<16xi32>
      %gather3A_690 = tpu.vector_load_idx %arg8[%add3A_689] : memref<28800xi32, #tpu.memory_space<vmem>>[vector<16xi32>], vector<16xi32>,
      %swap3A_691 = arith.index_cast %add3A_686 : i32 to index
      %swap3A_692 = tpu.vector_load %arg10[%swap3A_691] {strides = array<i32>} : memref<20480xi32, #tpu.memory_space<vmem>>, vector<16xi32>,
      tpu.vector_store %arg10[%swap3A_691], %gather3A_690 {strides = array<i32>} : memref<20480xi32, #tpu.memory_space<vmem>>, vector<16xi32>,
      %mul3A_693 = arith.constant 16 : i32
      %mul3A_694 = arith.muli %scan3A_207, %mul3A_693 : i32
      %add3A_695 = arith.constant 6784 : i32
      %add3A_696 = arith.addi %add3A_695, %mul3A_694 : i32
      %add3A_697 = arith.constant 113 : i32
      %add3A_698 = vector.broadcast %add3A_697 : i32 to vector<16xi32>
      %add3A_699 = arith.addi %mul3A_214, %add3A_698 : vector<16xi32>
      %gather3A_700 = tpu.vector_load_idx %arg8[%add3A_699] : memref<28800xi32, #tpu.memory_space<vmem>>[vector<16xi32>], vector<16xi32>,
      %swap3A_701 = arith.index_cast %add3A_696 : i32 to index
      %swap3A_702 = tpu.vector_load %arg10[%swap3A_701] {strides = array<i32>} : memref<20480xi32, #tpu.memory_space<vmem>>, vector<16xi32>,
      tpu.vector_store %arg10[%swap3A_701], %gather3A_700 {strides = array<i32>} : memref<20480xi32, #tpu.memory_space<vmem>>, vector<16xi32>,
      %mul3A_703 = arith.constant 16 : i32
      %mul3A_704 = arith.muli %scan3A_207, %mul3A_703 : i32
      %add3A_705 = arith.constant 7296 : i32
      %add3A_706 = arith.addi %add3A_705, %mul3A_704 : i32
      %add3A_707 = arith.constant 114 : i32
      %add3A_708 = vector.broadcast %add3A_707 : i32 to vector<16xi32>
      %add3A_709 = arith.addi %mul3A_214, %add3A_708 : vector<16xi32>
      %gather3A_710 = tpu.vector_load_idx %arg8[%add3A_709] : memref<28800xi32, #tpu.memory_space<vmem>>[vector<16xi32>], vector<16xi32>,
      %swap3A_711 = arith.index_cast %add3A_706 : i32 to index
      %swap3A_712 = tpu.vector_load %arg10[%swap3A_711] {strides = array<i32>} : memref<20480xi32, #tpu.memory_space<vmem>>, vector<16xi32>,
      tpu.vector_store %arg10[%swap3A_711], %gather3A_710 {strides = array<i32>} : memref<20480xi32, #tpu.memory_space<vmem>>, vector<16xi32>,
      %mul3A_713 = arith.constant 16 : i32
      %mul3A_714 = arith.muli %scan3A_207, %mul3A_713 : i32
      %add3A_715 = arith.constant 5376 : i32
      %add3A_716 = arith.addi %add3A_715, %mul3A_714 : i32
      %add3A_717 = arith.constant 115 : i32
      %add3A_718 = vector.broadcast %add3A_717 : i32 to vector<16xi32>
      %add3A_719 = arith.addi %mul3A_214, %add3A_718 : vector<16xi32>
      %gather3A_720 = tpu.vector_load_idx %arg8[%add3A_719] : memref<28800xi32, #tpu.memory_space<vmem>>[vector<16xi32>], vector<16xi32>,
      %swap3A_721 = arith.index_cast %add3A_716 : i32 to index
      %swap3A_722 = tpu.vector_load %arg10[%swap3A_721] {strides = array<i32>} : memref<20480xi32, #tpu.memory_space<vmem>>, vector<16xi32>,
      tpu.vector_store %arg10[%swap3A_721], %gather3A_720 {strides = array<i32>} : memref<20480xi32, #tpu.memory_space<vmem>>, vector<16xi32>,
      %mul3A_723 = arith.constant 16 : i32
      %mul3A_724 = arith.muli %scan3A_207, %mul3A_723 : i32
      %add3A_725 = arith.constant 5888 : i32
      %add3A_726 = arith.addi %add3A_725, %mul3A_724 : i32
      %add3A_727 = arith.constant 116 : i32
      %add3A_728 = vector.broadcast %add3A_727 : i32 to vector<16xi32>
      %add3A_729 = arith.addi %mul3A_214, %add3A_728 : vector<16xi32>
      %gather3A_730 = tpu.vector_load_idx %arg8[%add3A_729] : memref<28800xi32, #tpu.memory_space<vmem>>[vector<16xi32>], vector<16xi32>,
      %swap3A_731 = arith.index_cast %add3A_726 : i32 to index
      %swap3A_732 = tpu.vector_load %arg10[%swap3A_731] {strides = array<i32>} : memref<20480xi32, #tpu.memory_space<vmem>>, vector<16xi32>,
      tpu.vector_store %arg10[%swap3A_731], %gather3A_730 {strides = array<i32>} : memref<20480xi32, #tpu.memory_space<vmem>>, vector<16xi32>,
      %mul3A_733 = arith.constant 16 : i32
      %mul3A_734 = arith.muli %scan3A_207, %mul3A_733 : i32
      %add3A_735 = arith.constant 6400 : i32
      %add3A_736 = arith.addi %add3A_735, %mul3A_734 : i32
      %add3A_737 = arith.constant 117 : i32
      %add3A_738 = vector.broadcast %add3A_737 : i32 to vector<16xi32>
      %add3A_739 = arith.addi %mul3A_214, %add3A_738 : vector<16xi32>
      %gather3A_740 = tpu.vector_load_idx %arg8[%add3A_739] : memref<28800xi32, #tpu.memory_space<vmem>>[vector<16xi32>], vector<16xi32>,
      %swap3A_741 = arith.index_cast %add3A_736 : i32 to index
      %swap3A_742 = tpu.vector_load %arg10[%swap3A_741] {strides = array<i32>} : memref<20480xi32, #tpu.memory_space<vmem>>, vector<16xi32>,
      tpu.vector_store %arg10[%swap3A_741], %gather3A_740 {strides = array<i32>} : memref<20480xi32, #tpu.memory_space<vmem>>, vector<16xi32>,
      %mul3A_743 = arith.constant 16 : i32
      %mul3A_744 = arith.muli %scan3A_207, %mul3A_743 : i32
      %add3A_745 = arith.constant 6912 : i32
      %add3A_746 = arith.addi %add3A_745, %mul3A_744 : i32
      %add3A_747 = arith.constant 118 : i32
      %add3A_748 = vector.broadcast %add3A_747 : i32 to vector<16xi32>
      %add3A_749 = arith.addi %mul3A_214, %add3A_748 : vector<16xi32>
      %gather3A_750 = tpu.vector_load_idx %arg8[%add3A_749] : memref<28800xi32, #tpu.memory_space<vmem>>[vector<16xi32>], vector<16xi32>,
      %swap3A_751 = arith.index_cast %add3A_746 : i32 to index
      %swap3A_752 = tpu.vector_load %arg10[%swap3A_751] {strides = array<i32>} : memref<20480xi32, #tpu.memory_space<vmem>>, vector<16xi32>,
      tpu.vector_store %arg10[%swap3A_751], %gather3A_750 {strides = array<i32>} : memref<20480xi32, #tpu.memory_space<vmem>>, vector<16xi32>,
      %mul3A_753 = arith.constant 16 : i32
      %mul3A_754 = arith.muli %scan3A_207, %mul3A_753 : i32
      %add3A_755 = arith.constant 7424 : i32
      %add3A_756 = arith.addi %add3A_755, %mul3A_754 : i32
      %add3A_757 = arith.constant 119 : i32
      %add3A_758 = vector.broadcast %add3A_757 : i32 to vector<16xi32>
      %add3A_759 = arith.addi %mul3A_214, %add3A_758 : vector<16xi32>
      %gather3A_760 = tpu.vector_load_idx %arg8[%add3A_759] : memref<28800xi32, #tpu.memory_space<vmem>>[vector<16xi32>], vector<16xi32>,
      %swap3A_761 = arith.index_cast %add3A_756 : i32 to index
      %swap3A_762 = tpu.vector_load %arg10[%swap3A_761] {strides = array<i32>} : memref<20480xi32, #tpu.memory_space<vmem>>, vector<16xi32>,
      tpu.vector_store %arg10[%swap3A_761], %gather3A_760 {strides = array<i32>} : memref<20480xi32, #tpu.memory_space<vmem>>, vector<16xi32>,
      %mul3A_763 = arith.constant 16 : i32
      %mul3A_764 = arith.muli %scan3A_207, %mul3A_763 : i32
      %add3A_765 = arith.constant 5504 : i32
      %add3A_766 = arith.addi %add3A_765, %mul3A_764 : i32
      %add3A_767 = arith.constant 120 : i32
      %add3A_768 = vector.broadcast %add3A_767 : i32 to vector<16xi32>
      %add3A_769 = arith.addi %mul3A_214, %add3A_768 : vector<16xi32>
      %gather3A_770 = tpu.vector_load_idx %arg8[%add3A_769] : memref<28800xi32, #tpu.memory_space<vmem>>[vector<16xi32>], vector<16xi32>,
      %swap3A_771 = arith.index_cast %add3A_766 : i32 to index
      %swap3A_772 = tpu.vector_load %arg10[%swap3A_771] {strides = array<i32>} : memref<20480xi32, #tpu.memory_space<vmem>>, vector<16xi32>,
      tpu.vector_store %arg10[%swap3A_771], %gather3A_770 {strides = array<i32>} : memref<20480xi32, #tpu.memory_space<vmem>>, vector<16xi32>,
      %mul3A_773 = arith.constant 16 : i32
      %mul3A_774 = arith.muli %scan3A_207, %mul3A_773 : i32
      %add3A_775 = arith.constant 6016 : i32
      %add3A_776 = arith.addi %add3A_775, %mul3A_774 : i32
      %add3A_777 = arith.constant 121 : i32
      %add3A_778 = vector.broadcast %add3A_777 : i32 to vector<16xi32>
      %add3A_779 = arith.addi %mul3A_214, %add3A_778 : vector<16xi32>
      %gather3A_780 = tpu.vector_load_idx %arg8[%add3A_779] : memref<28800xi32, #tpu.memory_space<vmem>>[vector<16xi32>], vector<16xi32>,
      %swap3A_781 = arith.index_cast %add3A_776 : i32 to index
      %swap3A_782 = tpu.vector_load %arg10[%swap3A_781] {strides = array<i32>} : memref<20480xi32, #tpu.memory_space<vmem>>, vector<16xi32>,
      tpu.vector_store %arg10[%swap3A_781], %gather3A_780 {strides = array<i32>} : memref<20480xi32, #tpu.memory_space<vmem>>, vector<16xi32>,
      %mul3A_783 = arith.constant 16 : i32
      %mul3A_784 = arith.muli %scan3A_207, %mul3A_783 : i32
      %add3A_785 = arith.constant 6528 : i32
      %add3A_786 = arith.addi %add3A_785, %mul3A_784 : i32
      %add3A_787 = arith.constant 122 : i32
      %add3A_788 = vector.broadcast %add3A_787 : i32 to vector<16xi32>
      %add3A_789 = arith.addi %mul3A_214, %add3A_788 : vector<16xi32>
      %gather3A_790 = tpu.vector_load_idx %arg8[%add3A_789] : memref<28800xi32, #tpu.memory_space<vmem>>[vector<16xi32>], vector<16xi32>,
      %swap3A_791 = arith.index_cast %add3A_786 : i32 to index
      %swap3A_792 = tpu.vector_load %arg10[%swap3A_791] {strides = array<i32>} : memref<20480xi32, #tpu.memory_space<vmem>>, vector<16xi32>,
      tpu.vector_store %arg10[%swap3A_791], %gather3A_790 {strides = array<i32>} : memref<20480xi32, #tpu.memory_space<vmem>>, vector<16xi32>,
      %mul3A_793 = arith.constant 16 : i32
      %mul3A_794 = arith.muli %scan3A_207, %mul3A_793 : i32
      %add3A_795 = arith.constant 7040 : i32
      %add3A_796 = arith.addi %add3A_795, %mul3A_794 : i32
      %add3A_797 = arith.constant 123 : i32
      %add3A_798 = vector.broadcast %add3A_797 : i32 to vector<16xi32>
      %add3A_799 = arith.addi %mul3A_214, %add3A_798 : vector<16xi32>
      %gather3A_800 = tpu.vector_load_idx %arg8[%add3A_799] : memref<28800xi32, #tpu.memory_space<vmem>>[vector<16xi32>], vector<16xi32>,
      %swap3A_801 = arith.index_cast %add3A_796 : i32 to index
      %swap3A_802 = tpu.vector_load %arg10[%swap3A_801] {strides = array<i32>} : memref<20480xi32, #tpu.memory_space<vmem>>, vector<16xi32>,
      tpu.vector_store %arg10[%swap3A_801], %gather3A_800 {strides = array<i32>} : memref<20480xi32, #tpu.memory_space<vmem>>, vector<16xi32>,
      %mul3A_803 = arith.constant 16 : i32
      %mul3A_804 = arith.muli %scan3A_207, %mul3A_803 : i32
      %add3A_805 = arith.constant 7552 : i32
      %add3A_806 = arith.addi %add3A_805, %mul3A_804 : i32
      %add3A_807 = arith.constant 124 : i32
      %add3A_808 = vector.broadcast %add3A_807 : i32 to vector<16xi32>
      %add3A_809 = arith.addi %mul3A_214, %add3A_808 : vector<16xi32>
      %gather3A_810 = tpu.vector_load_idx %arg8[%add3A_809] : memref<28800xi32, #tpu.memory_space<vmem>>[vector<16xi32>], vector<16xi32>,
      %swap3A_811 = arith.index_cast %add3A_806 : i32 to index
      %swap3A_812 = tpu.vector_load %arg10[%swap3A_811] {strides = array<i32>} : memref<20480xi32, #tpu.memory_space<vmem>>, vector<16xi32>,
      tpu.vector_store %arg10[%swap3A_811], %gather3A_810 {strides = array<i32>} : memref<20480xi32, #tpu.memory_space<vmem>>, vector<16xi32>,
      %mul3A_813 = arith.constant 16 : i32
      %mul3A_814 = arith.muli %scan3A_207, %mul3A_813 : i32
      %add3A_815 = arith.constant 7680 : i32
      %add3A_816 = arith.addi %add3A_815, %mul3A_814 : i32
      %add3A_817 = arith.constant 125 : i32
      %add3A_818 = vector.broadcast %add3A_817 : i32 to vector<16xi32>
      %add3A_819 = arith.addi %mul3A_214, %add3A_818 : vector<16xi32>
      %gather3A_820 = tpu.vector_load_idx %arg8[%add3A_819] : memref<28800xi32, #tpu.memory_space<vmem>>[vector<16xi32>], vector<16xi32>,
      %swap3A_821 = arith.index_cast %add3A_816 : i32 to index
      %swap3A_822 = tpu.vector_load %arg10[%swap3A_821] {strides = array<i32>} : memref<20480xi32, #tpu.memory_space<vmem>>, vector<16xi32>,
      tpu.vector_store %arg10[%swap3A_821], %gather3A_820 {strides = array<i32>} : memref<20480xi32, #tpu.memory_space<vmem>>, vector<16xi32>,
      %mul3A_823 = arith.constant 16 : i32
      %mul3A_824 = arith.muli %scan3A_207, %mul3A_823 : i32
      %add3A_825 = arith.constant 8192 : i32
      %add3A_826 = arith.addi %add3A_825, %mul3A_824 : i32
      %add3A_827 = arith.constant 126 : i32
      %add3A_828 = vector.broadcast %add3A_827 : i32 to vector<16xi32>
      %add3A_829 = arith.addi %mul3A_214, %add3A_828 : vector<16xi32>
      %gather3A_830 = tpu.vector_load_idx %arg8[%add3A_829] : memref<28800xi32, #tpu.memory_space<vmem>>[vector<16xi32>], vector<16xi32>,
      %swap3A_831 = arith.index_cast %add3A_826 : i32 to index
      %swap3A_832 = tpu.vector_load %arg10[%swap3A_831] {strides = array<i32>} : memref<20480xi32, #tpu.memory_space<vmem>>, vector<16xi32>,
      tpu.vector_store %arg10[%swap3A_831], %gather3A_830 {strides = array<i32>} : memref<20480xi32, #tpu.memory_space<vmem>>, vector<16xi32>,
      %mul3A_833 = arith.constant 16 : i32
      %mul3A_834 = arith.muli %scan3A_207, %mul3A_833 : i32
      %add3A_835 = arith.constant 8704 : i32
      %add3A_836 = arith.addi %add3A_835, %mul3A_834 : i32
      %add3A_837 = arith.constant 127 : i32
      %add3A_838 = vector.broadcast %add3A_837 : i32 to vector<16xi32>
      %add3A_839 = arith.addi %mul3A_214, %add3A_838 : vector<16xi32>
      %gather3A_840 = tpu.vector_load_idx %arg8[%add3A_839] : memref<28800xi32, #tpu.memory_space<vmem>>[vector<16xi32>], vector<16xi32>,
      %swap3A_841 = arith.index_cast %add3A_836 : i32 to index
      %swap3A_842 = tpu.vector_load %arg10[%swap3A_841] {strides = array<i32>} : memref<20480xi32, #tpu.memory_space<vmem>>, vector<16xi32>,
      tpu.vector_store %arg10[%swap3A_841], %gather3A_840 {strides = array<i32>} : memref<20480xi32, #tpu.memory_space<vmem>>, vector<16xi32>,
      %mul3A_843 = arith.constant 16 : i32
      %mul3A_844 = arith.muli %scan3A_207, %mul3A_843 : i32
      %add3A_845 = arith.constant 9216 : i32
      %add3A_846 = arith.addi %add3A_845, %mul3A_844 : i32
      %add3A_847 = arith.constant 128 : i32
      %add3A_848 = vector.broadcast %add3A_847 : i32 to vector<16xi32>
      %add3A_849 = arith.addi %mul3A_214, %add3A_848 : vector<16xi32>
      %gather3A_850 = tpu.vector_load_idx %arg8[%add3A_849] : memref<28800xi32, #tpu.memory_space<vmem>>[vector<16xi32>], vector<16xi32>,
      %swap3A_851 = arith.index_cast %add3A_846 : i32 to index
      %swap3A_852 = tpu.vector_load %arg10[%swap3A_851] {strides = array<i32>} : memref<20480xi32, #tpu.memory_space<vmem>>, vector<16xi32>,
      tpu.vector_store %arg10[%swap3A_851], %gather3A_850 {strides = array<i32>} : memref<20480xi32, #tpu.memory_space<vmem>>, vector<16xi32>,
      %mul3A_853 = arith.constant 16 : i32
      %mul3A_854 = arith.muli %scan3A_207, %mul3A_853 : i32
      %add3A_855 = arith.constant 9728 : i32
      %add3A_856 = arith.addi %add3A_855, %mul3A_854 : i32
      %add3A_857 = arith.constant 129 : i32
      %add3A_858 = vector.broadcast %add3A_857 : i32 to vector<16xi32>
      %add3A_859 = arith.addi %mul3A_214, %add3A_858 : vector<16xi32>
      %gather3A_860 = tpu.vector_load_idx %arg8[%add3A_859] : memref<28800xi32, #tpu.memory_space<vmem>>[vector<16xi32>], vector<16xi32>,
      %swap3A_861 = arith.index_cast %add3A_856 : i32 to index
      %swap3A_862 = tpu.vector_load %arg10[%swap3A_861] {strides = array<i32>} : memref<20480xi32, #tpu.memory_space<vmem>>, vector<16xi32>,
      tpu.vector_store %arg10[%swap3A_861], %gather3A_860 {strides = array<i32>} : memref<20480xi32, #tpu.memory_space<vmem>>, vector<16xi32>,
      %mul3A_863 = arith.constant 16 : i32
      %mul3A_864 = arith.muli %scan3A_207, %mul3A_863 : i32
      %add3A_865 = arith.constant 7808 : i32
      %add3A_866 = arith.addi %add3A_865, %mul3A_864 : i32
      %add3A_867 = arith.constant 130 : i32
      %add3A_868 = vector.broadcast %add3A_867 : i32 to vector<16xi32>
      %add3A_869 = arith.addi %mul3A_214, %add3A_868 : vector<16xi32>
      %gather3A_870 = tpu.vector_load_idx %arg8[%add3A_869] : memref<28800xi32, #tpu.memory_space<vmem>>[vector<16xi32>], vector<16xi32>,
      %swap3A_871 = arith.index_cast %add3A_866 : i32 to index
      %swap3A_872 = tpu.vector_load %arg10[%swap3A_871] {strides = array<i32>} : memref<20480xi32, #tpu.memory_space<vmem>>, vector<16xi32>,
      tpu.vector_store %arg10[%swap3A_871], %gather3A_870 {strides = array<i32>} : memref<20480xi32, #tpu.memory_space<vmem>>, vector<16xi32>,
      %mul3A_873 = arith.constant 16 : i32
      %mul3A_874 = arith.muli %scan3A_207, %mul3A_873 : i32
      %add3A_875 = arith.constant 8320 : i32
      %add3A_876 = arith.addi %add3A_875, %mul3A_874 : i32
      %add3A_877 = arith.constant 131 : i32
      %add3A_878 = vector.broadcast %add3A_877 : i32 to vector<16xi32>
      %add3A_879 = arith.addi %mul3A_214, %add3A_878 : vector<16xi32>
      %gather3A_880 = tpu.vector_load_idx %arg8[%add3A_879] : memref<28800xi32, #tpu.memory_space<vmem>>[vector<16xi32>], vector<16xi32>,
      %swap3A_881 = arith.index_cast %add3A_876 : i32 to index
      %swap3A_882 = tpu.vector_load %arg10[%swap3A_881] {strides = array<i32>} : memref<20480xi32, #tpu.memory_space<vmem>>, vector<16xi32>,
      tpu.vector_store %arg10[%swap3A_881], %gather3A_880 {strides = array<i32>} : memref<20480xi32, #tpu.memory_space<vmem>>, vector<16xi32>,
      %mul3A_883 = arith.constant 16 : i32
      %mul3A_884 = arith.muli %scan3A_207, %mul3A_883 : i32
      %add3A_885 = arith.constant 8832 : i32
      %add3A_886 = arith.addi %add3A_885, %mul3A_884 : i32
      %add3A_887 = arith.constant 132 : i32
      %add3A_888 = vector.broadcast %add3A_887 : i32 to vector<16xi32>
      %add3A_889 = arith.addi %mul3A_214, %add3A_888 : vector<16xi32>
      %gather3A_890 = tpu.vector_load_idx %arg8[%add3A_889] : memref<28800xi32, #tpu.memory_space<vmem>>[vector<16xi32>], vector<16xi32>,
      %swap3A_891 = arith.index_cast %add3A_886 : i32 to index
      %swap3A_892 = tpu.vector_load %arg10[%swap3A_891] {strides = array<i32>} : memref<20480xi32, #tpu.memory_space<vmem>>, vector<16xi32>,
      tpu.vector_store %arg10[%swap3A_891], %gather3A_890 {strides = array<i32>} : memref<20480xi32, #tpu.memory_space<vmem>>, vector<16xi32>,
      %mul3A_893 = arith.constant 16 : i32
      %mul3A_894 = arith.muli %scan3A_207, %mul3A_893 : i32
      %add3A_895 = arith.constant 9344 : i32
      %add3A_896 = arith.addi %add3A_895, %mul3A_894 : i32
      %add3A_897 = arith.constant 133 : i32
      %add3A_898 = vector.broadcast %add3A_897 : i32 to vector<16xi32>
      %add3A_899 = arith.addi %mul3A_214, %add3A_898 : vector<16xi32>
      %gather3A_900 = tpu.vector_load_idx %arg8[%add3A_899] : memref<28800xi32, #tpu.memory_space<vmem>>[vector<16xi32>], vector<16xi32>,
      %swap3A_901 = arith.index_cast %add3A_896 : i32 to index
      %swap3A_902 = tpu.vector_load %arg10[%swap3A_901] {strides = array<i32>} : memref<20480xi32, #tpu.memory_space<vmem>>, vector<16xi32>,
      tpu.vector_store %arg10[%swap3A_901], %gather3A_900 {strides = array<i32>} : memref<20480xi32, #tpu.memory_space<vmem>>, vector<16xi32>,
      %mul3A_903 = arith.constant 16 : i32
      %mul3A_904 = arith.muli %scan3A_207, %mul3A_903 : i32
      %add3A_905 = arith.constant 9856 : i32
      %add3A_906 = arith.addi %add3A_905, %mul3A_904 : i32
      %add3A_907 = arith.constant 134 : i32
      %add3A_908 = vector.broadcast %add3A_907 : i32 to vector<16xi32>
      %add3A_909 = arith.addi %mul3A_214, %add3A_908 : vector<16xi32>
      %gather3A_910 = tpu.vector_load_idx %arg8[%add3A_909] : memref<28800xi32, #tpu.memory_space<vmem>>[vector<16xi32>], vector<16xi32>,
      %swap3A_911 = arith.index_cast %add3A_906 : i32 to index
      %swap3A_912 = tpu.vector_load %arg10[%swap3A_911] {strides = array<i32>} : memref<20480xi32, #tpu.memory_space<vmem>>, vector<16xi32>,
      tpu.vector_store %arg10[%swap3A_911], %gather3A_910 {strides = array<i32>} : memref<20480xi32, #tpu.memory_space<vmem>>, vector<16xi32>,
      %mul3A_913 = arith.constant 16 : i32
      %mul3A_914 = arith.muli %scan3A_207, %mul3A_913 : i32
      %add3A_915 = arith.constant 7936 : i32
      %add3A_916 = arith.addi %add3A_915, %mul3A_914 : i32
      %add3A_917 = arith.constant 135 : i32
      %add3A_918 = vector.broadcast %add3A_917 : i32 to vector<16xi32>
      %add3A_919 = arith.addi %mul3A_214, %add3A_918 : vector<16xi32>
      %gather3A_920 = tpu.vector_load_idx %arg8[%add3A_919] : memref<28800xi32, #tpu.memory_space<vmem>>[vector<16xi32>], vector<16xi32>,
      %swap3A_921 = arith.index_cast %add3A_916 : i32 to index
      %swap3A_922 = tpu.vector_load %arg10[%swap3A_921] {strides = array<i32>} : memref<20480xi32, #tpu.memory_space<vmem>>, vector<16xi32>,
      tpu.vector_store %arg10[%swap3A_921], %gather3A_920 {strides = array<i32>} : memref<20480xi32, #tpu.memory_space<vmem>>, vector<16xi32>,
      %mul3A_923 = arith.constant 16 : i32
      %mul3A_924 = arith.muli %scan3A_207, %mul3A_923 : i32
      %add3A_925 = arith.constant 8448 : i32
      %add3A_926 = arith.addi %add3A_925, %mul3A_924 : i32
      %add3A_927 = arith.constant 136 : i32
      %add3A_928 = vector.broadcast %add3A_927 : i32 to vector<16xi32>
      %add3A_929 = arith.addi %mul3A_214, %add3A_928 : vector<16xi32>
      %gather3A_930 = tpu.vector_load_idx %arg8[%add3A_929] : memref<28800xi32, #tpu.memory_space<vmem>>[vector<16xi32>], vector<16xi32>,
      %swap3A_931 = arith.index_cast %add3A_926 : i32 to index
      %swap3A_932 = tpu.vector_load %arg10[%swap3A_931] {strides = array<i32>} : memref<20480xi32, #tpu.memory_space<vmem>>, vector<16xi32>,
      tpu.vector_store %arg10[%swap3A_931], %gather3A_930 {strides = array<i32>} : memref<20480xi32, #tpu.memory_space<vmem>>, vector<16xi32>,
      %mul3A_933 = arith.constant 16 : i32
      %mul3A_934 = arith.muli %scan3A_207, %mul3A_933 : i32
      %add3A_935 = arith.constant 8960 : i32
      %add3A_936 = arith.addi %add3A_935, %mul3A_934 : i32
      %add3A_937 = arith.constant 137 : i32
      %add3A_938 = vector.broadcast %add3A_937 : i32 to vector<16xi32>
      %add3A_939 = arith.addi %mul3A_214, %add3A_938 : vector<16xi32>
      %gather3A_940 = tpu.vector_load_idx %arg8[%add3A_939] : memref<28800xi32, #tpu.memory_space<vmem>>[vector<16xi32>], vector<16xi32>,
      %swap3A_941 = arith.index_cast %add3A_936 : i32 to index
      %swap3A_942 = tpu.vector_load %arg10[%swap3A_941] {strides = array<i32>} : memref<20480xi32, #tpu.memory_space<vmem>>, vector<16xi32>,
      tpu.vector_store %arg10[%swap3A_941], %gather3A_940 {strides = array<i32>} : memref<20480xi32, #tpu.memory_space<vmem>>, vector<16xi32>,
      %mul3A_943 = arith.constant 16 : i32
      %mul3A_944 = arith.muli %scan3A_207, %mul3A_943 : i32
      %add3A_945 = arith.constant 9472 : i32
      %add3A_946 = arith.addi %add3A_945, %mul3A_944 : i32
      %add3A_947 = arith.constant 138 : i32
      %add3A_948 = vector.broadcast %add3A_947 : i32 to vector<16xi32>
      %add3A_949 = arith.addi %mul3A_214, %add3A_948 : vector<16xi32>
      %gather3A_950 = tpu.vector_load_idx %arg8[%add3A_949] : memref<28800xi32, #tpu.memory_space<vmem>>[vector<16xi32>], vector<16xi32>,
      %swap3A_951 = arith.index_cast %add3A_946 : i32 to index
      %swap3A_952 = tpu.vector_load %arg10[%swap3A_951] {strides = array<i32>} : memref<20480xi32, #tpu.memory_space<vmem>>, vector<16xi32>,
      tpu.vector_store %arg10[%swap3A_951], %gather3A_950 {strides = array<i32>} : memref<20480xi32, #tpu.memory_space<vmem>>, vector<16xi32>,
      %mul3A_953 = arith.constant 16 : i32
      %mul3A_954 = arith.muli %scan3A_207, %mul3A_953 : i32
      %add3A_955 = arith.constant 9984 : i32
      %add3A_956 = arith.addi %add3A_955, %mul3A_954 : i32
      %add3A_957 = arith.constant 139 : i32
      %add3A_958 = vector.broadcast %add3A_957 : i32 to vector<16xi32>
      %add3A_959 = arith.addi %mul3A_214, %add3A_958 : vector<16xi32>
      %gather3A_960 = tpu.vector_load_idx %arg8[%add3A_959] : memref<28800xi32, #tpu.memory_space<vmem>>[vector<16xi32>], vector<16xi32>,
      %swap3A_961 = arith.index_cast %add3A_956 : i32 to index
      %swap3A_962 = tpu.vector_load %arg10[%swap3A_961] {strides = array<i32>} : memref<20480xi32, #tpu.memory_space<vmem>>, vector<16xi32>,
      tpu.vector_store %arg10[%swap3A_961], %gather3A_960 {strides = array<i32>} : memref<20480xi32, #tpu.memory_space<vmem>>, vector<16xi32>,
      %mul3A_963 = arith.constant 16 : i32
      %mul3A_964 = arith.muli %scan3A_207, %mul3A_963 : i32
      %add3A_965 = arith.constant 8064 : i32
      %add3A_966 = arith.addi %add3A_965, %mul3A_964 : i32
      %add3A_967 = arith.constant 140 : i32
      %add3A_968 = vector.broadcast %add3A_967 : i32 to vector<16xi32>
      %add3A_969 = arith.addi %mul3A_214, %add3A_968 : vector<16xi32>
      %gather3A_970 = tpu.vector_load_idx %arg8[%add3A_969] : memref<28800xi32, #tpu.memory_space<vmem>>[vector<16xi32>], vector<16xi32>,
      %swap3A_971 = arith.index_cast %add3A_966 : i32 to index
      %swap3A_972 = tpu.vector_load %arg10[%swap3A_971] {strides = array<i32>} : memref<20480xi32, #tpu.memory_space<vmem>>, vector<16xi32>,
      tpu.vector_store %arg10[%swap3A_971], %gather3A_970 {strides = array<i32>} : memref<20480xi32, #tpu.memory_space<vmem>>, vector<16xi32>,
      %mul3A_973 = arith.constant 16 : i32
      %mul3A_974 = arith.muli %scan3A_207, %mul3A_973 : i32
      %add3A_975 = arith.constant 8576 : i32
      %add3A_976 = arith.addi %add3A_975, %mul3A_974 : i32
      %add3A_977 = arith.constant 141 : i32
      %add3A_978 = vector.broadcast %add3A_977 : i32 to vector<16xi32>
      %add3A_979 = arith.addi %mul3A_214, %add3A_978 : vector<16xi32>
      %gather3A_980 = tpu.vector_load_idx %arg8[%add3A_979] : memref<28800xi32, #tpu.memory_space<vmem>>[vector<16xi32>], vector<16xi32>,
      %swap3A_981 = arith.index_cast %add3A_976 : i32 to index
      %swap3A_982 = tpu.vector_load %arg10[%swap3A_981] {strides = array<i32>} : memref<20480xi32, #tpu.memory_space<vmem>>, vector<16xi32>,
      tpu.vector_store %arg10[%swap3A_981], %gather3A_980 {strides = array<i32>} : memref<20480xi32, #tpu.memory_space<vmem>>, vector<16xi32>,
      %mul3A_983 = arith.constant 16 : i32
      %mul3A_984 = arith.muli %scan3A_207, %mul3A_983 : i32
      %add3A_985 = arith.constant 9088 : i32
      %add3A_986 = arith.addi %add3A_985, %mul3A_984 : i32
      %add3A_987 = arith.constant 142 : i32
      %add3A_988 = vector.broadcast %add3A_987 : i32 to vector<16xi32>
      %add3A_989 = arith.addi %mul3A_214, %add3A_988 : vector<16xi32>
      %gather3A_990 = tpu.vector_load_idx %arg8[%add3A_989] : memref<28800xi32, #tpu.memory_space<vmem>>[vector<16xi32>], vector<16xi32>,
      %swap3A_991 = arith.index_cast %add3A_986 : i32 to index
      %swap3A_992 = tpu.vector_load %arg10[%swap3A_991] {strides = array<i32>} : memref<20480xi32, #tpu.memory_space<vmem>>, vector<16xi32>,
      tpu.vector_store %arg10[%swap3A_991], %gather3A_990 {strides = array<i32>} : memref<20480xi32, #tpu.memory_space<vmem>>, vector<16xi32>,
      %mul3A_993 = arith.constant 16 : i32
      %mul3A_994 = arith.muli %scan3A_207, %mul3A_993 : i32
      %add3A_995 = arith.constant 9600 : i32
      %add3A_996 = arith.addi %add3A_995, %mul3A_994 : i32
      %add3A_997 = arith.constant 143 : i32
      %add3A_998 = vector.broadcast %add3A_997 : i32 to vector<16xi32>
      %add3A_999 = arith.addi %mul3A_214, %add3A_998 : vector<16xi32>
      %gather3A_1000 = tpu.vector_load_idx %arg8[%add3A_999] : memref<28800xi32, #tpu.memory_space<vmem>>[vector<16xi32>], vector<16xi32>,
      %swap3A_1001 = arith.index_cast %add3A_996 : i32 to index
      %swap3A_1002 = tpu.vector_load %arg10[%swap3A_1001] {strides = array<i32>} : memref<20480xi32, #tpu.memory_space<vmem>>, vector<16xi32>,
      tpu.vector_store %arg10[%swap3A_1001], %gather3A_1000 {strides = array<i32>} : memref<20480xi32, #tpu.memory_space<vmem>>, vector<16xi32>,
      %mul3A_1003 = arith.constant 16 : i32
      %mul3A_1004 = arith.muli %scan3A_207, %mul3A_1003 : i32
      %add3A_1005 = arith.constant 10112 : i32
      %add3A_1006 = arith.addi %add3A_1005, %mul3A_1004 : i32
      %add3A_1007 = arith.constant 144 : i32
      %add3A_1008 = vector.broadcast %add3A_1007 : i32 to vector<16xi32>
      %add3A_1009 = arith.addi %mul3A_214, %add3A_1008 : vector<16xi32>
      %gather3A_1010 = tpu.vector_load_idx %arg8[%add3A_1009] : memref<28800xi32, #tpu.memory_space<vmem>>[vector<16xi32>], vector<16xi32>,
      %swap3A_1011 = arith.index_cast %add3A_1006 : i32 to index
      %swap3A_1012 = tpu.vector_load %arg10[%swap3A_1011] {strides = array<i32>} : memref<20480xi32, #tpu.memory_space<vmem>>, vector<16xi32>,
      tpu.vector_store %arg10[%swap3A_1011], %gather3A_1010 {strides = array<i32>} : memref<20480xi32, #tpu.memory_space<vmem>>, vector<16xi32>,
      %mul3A_1013 = arith.constant 16 : i32
      %mul3A_1014 = arith.muli %scan3A_207, %mul3A_1013 : i32
      %add3A_1015 = arith.constant 10240 : i32
      %add3A_1016 = arith.addi %add3A_1015, %mul3A_1014 : i32
      %add3A_1017 = arith.constant 145 : i32
      %add3A_1018 = vector.broadcast %add3A_1017 : i32 to vector<16xi32>
      %add3A_1019 = arith.addi %mul3A_214, %add3A_1018 : vector<16xi32>
      %gather3A_1020 = tpu.vector_load_idx %arg8[%add3A_1019] : memref<28800xi32, #tpu.memory_space<vmem>>[vector<16xi32>], vector<16xi32>,
      %swap3A_1021 = arith.index_cast %add3A_1016 : i32 to index
      %swap3A_1022 = tpu.vector_load %arg10[%swap3A_1021] {strides = array<i32>} : memref<20480xi32, #tpu.memory_space<vmem>>, vector<16xi32>,
      tpu.vector_store %arg10[%swap3A_1021], %gather3A_1020 {strides = array<i32>} : memref<20480xi32, #tpu.memory_space<vmem>>, vector<16xi32>,
      %mul3A_1023 = arith.constant 16 : i32
      %mul3A_1024 = arith.muli %scan3A_207, %mul3A_1023 : i32
      %add3A_1025 = arith.constant 10752 : i32
      %add3A_1026 = arith.addi %add3A_1025, %mul3A_1024 : i32
      %add3A_1027 = arith.constant 146 : i32
      %add3A_1028 = vector.broadcast %add3A_1027 : i32 to vector<16xi32>
      %add3A_1029 = arith.addi %mul3A_214, %add3A_1028 : vector<16xi32>
      %gather3A_1030 = tpu.vector_load_idx %arg8[%add3A_1029] : memref<28800xi32, #tpu.memory_space<vmem>>[vector<16xi32>], vector<16xi32>,
      %swap3A_1031 = arith.index_cast %add3A_1026 : i32 to index
      %swap3A_1032 = tpu.vector_load %arg10[%swap3A_1031] {strides = array<i32>} : memref<20480xi32, #tpu.memory_space<vmem>>, vector<16xi32>,
      tpu.vector_store %arg10[%swap3A_1031], %gather3A_1030 {strides = array<i32>} : memref<20480xi32, #tpu.memory_space<vmem>>, vector<16xi32>,
      %mul3A_1033 = arith.constant 16 : i32
      %mul3A_1034 = arith.muli %scan3A_207, %mul3A_1033 : i32
      %add3A_1035 = arith.constant 11264 : i32
      %add3A_1036 = arith.addi %add3A_1035, %mul3A_1034 : i32
      %add3A_1037 = arith.constant 147 : i32
      %add3A_1038 = vector.broadcast %add3A_1037 : i32 to vector<16xi32>
      %add3A_1039 = arith.addi %mul3A_214, %add3A_1038 : vector<16xi32>
      %gather3A_1040 = tpu.vector_load_idx %arg8[%add3A_1039] : memref<28800xi32, #tpu.memory_space<vmem>>[vector<16xi32>], vector<16xi32>,
      %swap3A_1041 = arith.index_cast %add3A_1036 : i32 to index
      %swap3A_1042 = tpu.vector_load %arg10[%swap3A_1041] {strides = array<i32>} : memref<20480xi32, #tpu.memory_space<vmem>>, vector<16xi32>,
      tpu.vector_store %arg10[%swap3A_1041], %gather3A_1040 {strides = array<i32>} : memref<20480xi32, #tpu.memory_space<vmem>>, vector<16xi32>,
      %mul3A_1043 = arith.constant 16 : i32
      %mul3A_1044 = arith.muli %scan3A_207, %mul3A_1043 : i32
      %add3A_1045 = arith.constant 11776 : i32
      %add3A_1046 = arith.addi %add3A_1045, %mul3A_1044 : i32
      %add3A_1047 = arith.constant 148 : i32
      %add3A_1048 = vector.broadcast %add3A_1047 : i32 to vector<16xi32>
      %add3A_1049 = arith.addi %mul3A_214, %add3A_1048 : vector<16xi32>
      %gather3A_1050 = tpu.vector_load_idx %arg8[%add3A_1049] : memref<28800xi32, #tpu.memory_space<vmem>>[vector<16xi32>], vector<16xi32>,
      %swap3A_1051 = arith.index_cast %add3A_1046 : i32 to index
      %swap3A_1052 = tpu.vector_load %arg10[%swap3A_1051] {strides = array<i32>} : memref<20480xi32, #tpu.memory_space<vmem>>, vector<16xi32>,
      tpu.vector_store %arg10[%swap3A_1051], %gather3A_1050 {strides = array<i32>} : memref<20480xi32, #tpu.memory_space<vmem>>, vector<16xi32>,
      %mul3A_1053 = arith.constant 16 : i32
      %mul3A_1054 = arith.muli %scan3A_207, %mul3A_1053 : i32
      %add3A_1055 = arith.constant 12288 : i32
      %add3A_1056 = arith.addi %add3A_1055, %mul3A_1054 : i32
      %add3A_1057 = arith.constant 149 : i32
      %add3A_1058 = vector.broadcast %add3A_1057 : i32 to vector<16xi32>
      %add3A_1059 = arith.addi %mul3A_214, %add3A_1058 : vector<16xi32>
      %gather3A_1060 = tpu.vector_load_idx %arg8[%add3A_1059] : memref<28800xi32, #tpu.memory_space<vmem>>[vector<16xi32>], vector<16xi32>,
      %swap3A_1061 = arith.index_cast %add3A_1056 : i32 to index
      %swap3A_1062 = tpu.vector_load %arg10[%swap3A_1061] {strides = array<i32>} : memref<20480xi32, #tpu.memory_space<vmem>>, vector<16xi32>,
      tpu.vector_store %arg10[%swap3A_1061], %gather3A_1060 {strides = array<i32>} : memref<20480xi32, #tpu.memory_space<vmem>>, vector<16xi32>,
      %mul3A_1063 = arith.constant 16 : i32
      %mul3A_1064 = arith.muli %scan3A_207, %mul3A_1063 : i32
      %add3A_1065 = arith.constant 10368 : i32
      %add3A_1066 = arith.addi %add3A_1065, %mul3A_1064 : i32
      %add3A_1067 = arith.constant 150 : i32
      %add3A_1068 = vector.broadcast %add3A_1067 : i32 to vector<16xi32>
      %add3A_1069 = arith.addi %mul3A_214, %add3A_1068 : vector<16xi32>
      %gather3A_1070 = tpu.vector_load_idx %arg8[%add3A_1069] : memref<28800xi32, #tpu.memory_space<vmem>>[vector<16xi32>], vector<16xi32>,
      %swap3A_1071 = arith.index_cast %add3A_1066 : i32 to index
      %swap3A_1072 = tpu.vector_load %arg10[%swap3A_1071] {strides = array<i32>} : memref<20480xi32, #tpu.memory_space<vmem>>, vector<16xi32>,
      tpu.vector_store %arg10[%swap3A_1071], %gather3A_1070 {strides = array<i32>} : memref<20480xi32, #tpu.memory_space<vmem>>, vector<16xi32>,
      %mul3A_1073 = arith.constant 16 : i32
      %mul3A_1074 = arith.muli %scan3A_207, %mul3A_1073 : i32
      %add3A_1075 = arith.constant 10880 : i32
      %add3A_1076 = arith.addi %add3A_1075, %mul3A_1074 : i32
      %add3A_1077 = arith.constant 151 : i32
      %add3A_1078 = vector.broadcast %add3A_1077 : i32 to vector<16xi32>
      %add3A_1079 = arith.addi %mul3A_214, %add3A_1078 : vector<16xi32>
      %gather3A_1080 = tpu.vector_load_idx %arg8[%add3A_1079] : memref<28800xi32, #tpu.memory_space<vmem>>[vector<16xi32>], vector<16xi32>,
      %swap3A_1081 = arith.index_cast %add3A_1076 : i32 to index
      %swap3A_1082 = tpu.vector_load %arg10[%swap3A_1081] {strides = array<i32>} : memref<20480xi32, #tpu.memory_space<vmem>>, vector<16xi32>,
      tpu.vector_store %arg10[%swap3A_1081], %gather3A_1080 {strides = array<i32>} : memref<20480xi32, #tpu.memory_space<vmem>>, vector<16xi32>,
      %mul3A_1083 = arith.constant 16 : i32
      %mul3A_1084 = arith.muli %scan3A_207, %mul3A_1083 : i32
      %add3A_1085 = arith.constant 11392 : i32
      %add3A_1086 = arith.addi %add3A_1085, %mul3A_1084 : i32
      %add3A_1087 = arith.constant 152 : i32
      %add3A_1088 = vector.broadcast %add3A_1087 : i32 to vector<16xi32>
      %add3A_1089 = arith.addi %mul3A_214, %add3A_1088 : vector<16xi32>
      %gather3A_1090 = tpu.vector_load_idx %arg8[%add3A_1089] : memref<28800xi32, #tpu.memory_space<vmem>>[vector<16xi32>], vector<16xi32>,
      %swap3A_1091 = arith.index_cast %add3A_1086 : i32 to index
      %swap3A_1092 = tpu.vector_load %arg10[%swap3A_1091] {strides = array<i32>} : memref<20480xi32, #tpu.memory_space<vmem>>, vector<16xi32>,
      tpu.vector_store %arg10[%swap3A_1091], %gather3A_1090 {strides = array<i32>} : memref<20480xi32, #tpu.memory_space<vmem>>, vector<16xi32>,
      %mul3A_1093 = arith.constant 16 : i32
      %mul3A_1094 = arith.muli %scan3A_207, %mul3A_1093 : i32
      %add3A_1095 = arith.constant 11904 : i32
      %add3A_1096 = arith.addi %add3A_1095, %mul3A_1094 : i32
      %add3A_1097 = arith.constant 153 : i32
      %add3A_1098 = vector.broadcast %add3A_1097 : i32 to vector<16xi32>
      %add3A_1099 = arith.addi %mul3A_214, %add3A_1098 : vector<16xi32>
      %gather3A_1100 = tpu.vector_load_idx %arg8[%add3A_1099] : memref<28800xi32, #tpu.memory_space<vmem>>[vector<16xi32>], vector<16xi32>,
      %swap3A_1101 = arith.index_cast %add3A_1096 : i32 to index
      %swap3A_1102 = tpu.vector_load %arg10[%swap3A_1101] {strides = array<i32>} : memref<20480xi32, #tpu.memory_space<vmem>>, vector<16xi32>,
      tpu.vector_store %arg10[%swap3A_1101], %gather3A_1100 {strides = array<i32>} : memref<20480xi32, #tpu.memory_space<vmem>>, vector<16xi32>,
      %mul3A_1103 = arith.constant 16 : i32
      %mul3A_1104 = arith.muli %scan3A_207, %mul3A_1103 : i32
      %add3A_1105 = arith.constant 12416 : i32
      %add3A_1106 = arith.addi %add3A_1105, %mul3A_1104 : i32
      %add3A_1107 = arith.constant 154 : i32
      %add3A_1108 = vector.broadcast %add3A_1107 : i32 to vector<16xi32>
      %add3A_1109 = arith.addi %mul3A_214, %add3A_1108 : vector<16xi32>
      %gather3A_1110 = tpu.vector_load_idx %arg8[%add3A_1109] : memref<28800xi32, #tpu.memory_space<vmem>>[vector<16xi32>], vector<16xi32>,
      %swap3A_1111 = arith.index_cast %add3A_1106 : i32 to index
      %swap3A_1112 = tpu.vector_load %arg10[%swap3A_1111] {strides = array<i32>} : memref<20480xi32, #tpu.memory_space<vmem>>, vector<16xi32>,
      tpu.vector_store %arg10[%swap3A_1111], %gather3A_1110 {strides = array<i32>} : memref<20480xi32, #tpu.memory_space<vmem>>, vector<16xi32>,
      %mul3A_1113 = arith.constant 16 : i32
      %mul3A_1114 = arith.muli %scan3A_207, %mul3A_1113 : i32
      %add3A_1115 = arith.constant 10496 : i32
      %add3A_1116 = arith.addi %add3A_1115, %mul3A_1114 : i32
      %add3A_1117 = arith.constant 155 : i32
      %add3A_1118 = vector.broadcast %add3A_1117 : i32 to vector<16xi32>
      %add3A_1119 = arith.addi %mul3A_214, %add3A_1118 : vector<16xi32>
      %gather3A_1120 = tpu.vector_load_idx %arg8[%add3A_1119] : memref<28800xi32, #tpu.memory_space<vmem>>[vector<16xi32>], vector<16xi32>,
      %swap3A_1121 = arith.index_cast %add3A_1116 : i32 to index
      %swap3A_1122 = tpu.vector_load %arg10[%swap3A_1121] {strides = array<i32>} : memref<20480xi32, #tpu.memory_space<vmem>>, vector<16xi32>,
      tpu.vector_store %arg10[%swap3A_1121], %gather3A_1120 {strides = array<i32>} : memref<20480xi32, #tpu.memory_space<vmem>>, vector<16xi32>,
      %mul3A_1123 = arith.constant 16 : i32
      %mul3A_1124 = arith.muli %scan3A_207, %mul3A_1123 : i32
      %add3A_1125 = arith.constant 11008 : i32
      %add3A_1126 = arith.addi %add3A_1125, %mul3A_1124 : i32
      %add3A_1127 = arith.constant 156 : i32
      %add3A_1128 = vector.broadcast %add3A_1127 : i32 to vector<16xi32>
      %add3A_1129 = arith.addi %mul3A_214, %add3A_1128 : vector<16xi32>
      %gather3A_1130 = tpu.vector_load_idx %arg8[%add3A_1129] : memref<28800xi32, #tpu.memory_space<vmem>>[vector<16xi32>], vector<16xi32>,
      %swap3A_1131 = arith.index_cast %add3A_1126 : i32 to index
      %swap3A_1132 = tpu.vector_load %arg10[%swap3A_1131] {strides = array<i32>} : memref<20480xi32, #tpu.memory_space<vmem>>, vector<16xi32>,
      tpu.vector_store %arg10[%swap3A_1131], %gather3A_1130 {strides = array<i32>} : memref<20480xi32, #tpu.memory_space<vmem>>, vector<16xi32>,
      %mul3A_1133 = arith.constant 16 : i32
      %mul3A_1134 = arith.muli %scan3A_207, %mul3A_1133 : i32
      %add3A_1135 = arith.constant 11520 : i32
      %add3A_1136 = arith.addi %add3A_1135, %mul3A_1134 : i32
      %add3A_1137 = arith.constant 157 : i32
      %add3A_1138 = vector.broadcast %add3A_1137 : i32 to vector<16xi32>
      %add3A_1139 = arith.addi %mul3A_214, %add3A_1138 : vector<16xi32>
      %gather3A_1140 = tpu.vector_load_idx %arg8[%add3A_1139] : memref<28800xi32, #tpu.memory_space<vmem>>[vector<16xi32>], vector<16xi32>,
      %swap3A_1141 = arith.index_cast %add3A_1136 : i32 to index
      %swap3A_1142 = tpu.vector_load %arg10[%swap3A_1141] {strides = array<i32>} : memref<20480xi32, #tpu.memory_space<vmem>>, vector<16xi32>,
      tpu.vector_store %arg10[%swap3A_1141], %gather3A_1140 {strides = array<i32>} : memref<20480xi32, #tpu.memory_space<vmem>>, vector<16xi32>,
      %mul3A_1143 = arith.constant 16 : i32
      %mul3A_1144 = arith.muli %scan3A_207, %mul3A_1143 : i32
      %add3A_1145 = arith.constant 12032 : i32
      %add3A_1146 = arith.addi %add3A_1145, %mul3A_1144 : i32
      %add3A_1147 = arith.constant 158 : i32
      %add3A_1148 = vector.broadcast %add3A_1147 : i32 to vector<16xi32>
      %add3A_1149 = arith.addi %mul3A_214, %add3A_1148 : vector<16xi32>
      %gather3A_1150 = tpu.vector_load_idx %arg8[%add3A_1149] : memref<28800xi32, #tpu.memory_space<vmem>>[vector<16xi32>], vector<16xi32>,
      %swap3A_1151 = arith.index_cast %add3A_1146 : i32 to index
      %swap3A_1152 = tpu.vector_load %arg10[%swap3A_1151] {strides = array<i32>} : memref<20480xi32, #tpu.memory_space<vmem>>, vector<16xi32>,
      tpu.vector_store %arg10[%swap3A_1151], %gather3A_1150 {strides = array<i32>} : memref<20480xi32, #tpu.memory_space<vmem>>, vector<16xi32>,
      %mul3A_1153 = arith.constant 16 : i32
      %mul3A_1154 = arith.muli %scan3A_207, %mul3A_1153 : i32
      %add3A_1155 = arith.constant 12544 : i32
      %add3A_1156 = arith.addi %add3A_1155, %mul3A_1154 : i32
      %add3A_1157 = arith.constant 159 : i32
      %add3A_1158 = vector.broadcast %add3A_1157 : i32 to vector<16xi32>
      %add3A_1159 = arith.addi %mul3A_214, %add3A_1158 : vector<16xi32>
      %gather3A_1160 = tpu.vector_load_idx %arg8[%add3A_1159] : memref<28800xi32, #tpu.memory_space<vmem>>[vector<16xi32>], vector<16xi32>,
      %swap3A_1161 = arith.index_cast %add3A_1156 : i32 to index
      %swap3A_1162 = tpu.vector_load %arg10[%swap3A_1161] {strides = array<i32>} : memref<20480xi32, #tpu.memory_space<vmem>>, vector<16xi32>,
      tpu.vector_store %arg10[%swap3A_1161], %gather3A_1160 {strides = array<i32>} : memref<20480xi32, #tpu.memory_space<vmem>>, vector<16xi32>,
      %mul3A_1163 = arith.constant 16 : i32
      %mul3A_1164 = arith.muli %scan3A_207, %mul3A_1163 : i32
      %add3A_1165 = arith.constant 10624 : i32
      %add3A_1166 = arith.addi %add3A_1165, %mul3A_1164 : i32
      %add3A_1167 = arith.constant 160 : i32
      %add3A_1168 = vector.broadcast %add3A_1167 : i32 to vector<16xi32>
      %add3A_1169 = arith.addi %mul3A_214, %add3A_1168 : vector<16xi32>
      %gather3A_1170 = tpu.vector_load_idx %arg8[%add3A_1169] : memref<28800xi32, #tpu.memory_space<vmem>>[vector<16xi32>], vector<16xi32>,
      %swap3A_1171 = arith.index_cast %add3A_1166 : i32 to index
      %swap3A_1172 = tpu.vector_load %arg10[%swap3A_1171] {strides = array<i32>} : memref<20480xi32, #tpu.memory_space<vmem>>, vector<16xi32>,
      tpu.vector_store %arg10[%swap3A_1171], %gather3A_1170 {strides = array<i32>} : memref<20480xi32, #tpu.memory_space<vmem>>, vector<16xi32>,
      %mul3A_1173 = arith.constant 16 : i32
      %mul3A_1174 = arith.muli %scan3A_207, %mul3A_1173 : i32
      %add3A_1175 = arith.constant 11136 : i32
      %add3A_1176 = arith.addi %add3A_1175, %mul3A_1174 : i32
      %add3A_1177 = arith.constant 161 : i32
      %add3A_1178 = vector.broadcast %add3A_1177 : i32 to vector<16xi32>
      %add3A_1179 = arith.addi %mul3A_214, %add3A_1178 : vector<16xi32>
      %gather3A_1180 = tpu.vector_load_idx %arg8[%add3A_1179] : memref<28800xi32, #tpu.memory_space<vmem>>[vector<16xi32>], vector<16xi32>,
      %swap3A_1181 = arith.index_cast %add3A_1176 : i32 to index
      %swap3A_1182 = tpu.vector_load %arg10[%swap3A_1181] {strides = array<i32>} : memref<20480xi32, #tpu.memory_space<vmem>>, vector<16xi32>,
      tpu.vector_store %arg10[%swap3A_1181], %gather3A_1180 {strides = array<i32>} : memref<20480xi32, #tpu.memory_space<vmem>>, vector<16xi32>,
      %mul3A_1183 = arith.constant 16 : i32
      %mul3A_1184 = arith.muli %scan3A_207, %mul3A_1183 : i32
      %add3A_1185 = arith.constant 11648 : i32
      %add3A_1186 = arith.addi %add3A_1185, %mul3A_1184 : i32
      %add3A_1187 = arith.constant 162 : i32
      %add3A_1188 = vector.broadcast %add3A_1187 : i32 to vector<16xi32>
      %add3A_1189 = arith.addi %mul3A_214, %add3A_1188 : vector<16xi32>
      %gather3A_1190 = tpu.vector_load_idx %arg8[%add3A_1189] : memref<28800xi32, #tpu.memory_space<vmem>>[vector<16xi32>], vector<16xi32>,
      %swap3A_1191 = arith.index_cast %add3A_1186 : i32 to index
      %swap3A_1192 = tpu.vector_load %arg10[%swap3A_1191] {strides = array<i32>} : memref<20480xi32, #tpu.memory_space<vmem>>, vector<16xi32>,
      tpu.vector_store %arg10[%swap3A_1191], %gather3A_1190 {strides = array<i32>} : memref<20480xi32, #tpu.memory_space<vmem>>, vector<16xi32>,
      %mul3A_1193 = arith.constant 16 : i32
      %mul3A_1194 = arith.muli %scan3A_207, %mul3A_1193 : i32
      %add3A_1195 = arith.constant 12160 : i32
      %add3A_1196 = arith.addi %add3A_1195, %mul3A_1194 : i32
      %add3A_1197 = arith.constant 163 : i32
      %add3A_1198 = vector.broadcast %add3A_1197 : i32 to vector<16xi32>
      %add3A_1199 = arith.addi %mul3A_214, %add3A_1198 : vector<16xi32>
      %gather3A_1200 = tpu.vector_load_idx %arg8[%add3A_1199] : memref<28800xi32, #tpu.memory_space<vmem>>[vector<16xi32>], vector<16xi32>,
      %swap3A_1201 = arith.index_cast %add3A_1196 : i32 to index
      %swap3A_1202 = tpu.vector_load %arg10[%swap3A_1201] {strides = array<i32>} : memref<20480xi32, #tpu.memory_space<vmem>>, vector<16xi32>,
      tpu.vector_store %arg10[%swap3A_1201], %gather3A_1200 {strides = array<i32>} : memref<20480xi32, #tpu.memory_space<vmem>>, vector<16xi32>,
      %mul3A_1203 = arith.constant 16 : i32
      %mul3A_1204 = arith.muli %scan3A_207, %mul3A_1203 : i32
      %add3A_1205 = arith.constant 12672 : i32
      %add3A_1206 = arith.addi %add3A_1205, %mul3A_1204 : i32
      %add3A_1207 = arith.constant 164 : i32
      %add3A_1208 = vector.broadcast %add3A_1207 : i32 to vector<16xi32>
      %add3A_1209 = arith.addi %mul3A_214, %add3A_1208 : vector<16xi32>
      %gather3A_1210 = tpu.vector_load_idx %arg8[%add3A_1209] : memref<28800xi32, #tpu.memory_space<vmem>>[vector<16xi32>], vector<16xi32>,
      %swap3A_1211 = arith.index_cast %add3A_1206 : i32 to index
      %swap3A_1212 = tpu.vector_load %arg10[%swap3A_1211] {strides = array<i32>} : memref<20480xi32, #tpu.memory_space<vmem>>, vector<16xi32>,
      tpu.vector_store %arg10[%swap3A_1211], %gather3A_1210 {strides = array<i32>} : memref<20480xi32, #tpu.memory_space<vmem>>, vector<16xi32>,
      %mul3A_1213 = arith.constant 16 : i32
      %mul3A_1214 = arith.muli %scan3A_207, %mul3A_1213 : i32
      %add3A_1215 = arith.constant 12800 : i32
      %add3A_1216 = arith.addi %add3A_1215, %mul3A_1214 : i32
      %add3A_1217 = arith.constant 165 : i32
      %add3A_1218 = vector.broadcast %add3A_1217 : i32 to vector<16xi32>
      %add3A_1219 = arith.addi %mul3A_214, %add3A_1218 : vector<16xi32>
      %gather3A_1220 = tpu.vector_load_idx %arg8[%add3A_1219] : memref<28800xi32, #tpu.memory_space<vmem>>[vector<16xi32>], vector<16xi32>,
      %swap3A_1221 = arith.index_cast %add3A_1216 : i32 to index
      %swap3A_1222 = tpu.vector_load %arg10[%swap3A_1221] {strides = array<i32>} : memref<20480xi32, #tpu.memory_space<vmem>>, vector<16xi32>,
      tpu.vector_store %arg10[%swap3A_1221], %gather3A_1220 {strides = array<i32>} : memref<20480xi32, #tpu.memory_space<vmem>>, vector<16xi32>,
      %mul3A_1223 = arith.constant 16 : i32
      %mul3A_1224 = arith.muli %scan3A_207, %mul3A_1223 : i32
      %add3A_1225 = arith.constant 13312 : i32
      %add3A_1226 = arith.addi %add3A_1225, %mul3A_1224 : i32
      %add3A_1227 = arith.constant 166 : i32
      %add3A_1228 = vector.broadcast %add3A_1227 : i32 to vector<16xi32>
      %add3A_1229 = arith.addi %mul3A_214, %add3A_1228 : vector<16xi32>
      %gather3A_1230 = tpu.vector_load_idx %arg8[%add3A_1229] : memref<28800xi32, #tpu.memory_space<vmem>>[vector<16xi32>], vector<16xi32>,
      %swap3A_1231 = arith.index_cast %add3A_1226 : i32 to index
      %swap3A_1232 = tpu.vector_load %arg10[%swap3A_1231] {strides = array<i32>} : memref<20480xi32, #tpu.memory_space<vmem>>, vector<16xi32>,
      tpu.vector_store %arg10[%swap3A_1231], %gather3A_1230 {strides = array<i32>} : memref<20480xi32, #tpu.memory_space<vmem>>, vector<16xi32>,
      %mul3A_1233 = arith.constant 16 : i32
      %mul3A_1234 = arith.muli %scan3A_207, %mul3A_1233 : i32
      %add3A_1235 = arith.constant 13824 : i32
      %add3A_1236 = arith.addi %add3A_1235, %mul3A_1234 : i32
      %add3A_1237 = arith.constant 167 : i32
      %add3A_1238 = vector.broadcast %add3A_1237 : i32 to vector<16xi32>
      %add3A_1239 = arith.addi %mul3A_214, %add3A_1238 : vector<16xi32>
      %gather3A_1240 = tpu.vector_load_idx %arg8[%add3A_1239] : memref<28800xi32, #tpu.memory_space<vmem>>[vector<16xi32>], vector<16xi32>,
      %swap3A_1241 = arith.index_cast %add3A_1236 : i32 to index
      %swap3A_1242 = tpu.vector_load %arg10[%swap3A_1241] {strides = array<i32>} : memref<20480xi32, #tpu.memory_space<vmem>>, vector<16xi32>,
      tpu.vector_store %arg10[%swap3A_1241], %gather3A_1240 {strides = array<i32>} : memref<20480xi32, #tpu.memory_space<vmem>>, vector<16xi32>,
      %mul3A_1243 = arith.constant 16 : i32
      %mul3A_1244 = arith.muli %scan3A_207, %mul3A_1243 : i32
      %add3A_1245 = arith.constant 14336 : i32
      %add3A_1246 = arith.addi %add3A_1245, %mul3A_1244 : i32
      %add3A_1247 = arith.constant 168 : i32
      %add3A_1248 = vector.broadcast %add3A_1247 : i32 to vector<16xi32>
      %add3A_1249 = arith.addi %mul3A_214, %add3A_1248 : vector<16xi32>
      %gather3A_1250 = tpu.vector_load_idx %arg8[%add3A_1249] : memref<28800xi32, #tpu.memory_space<vmem>>[vector<16xi32>], vector<16xi32>,
      %swap3A_1251 = arith.index_cast %add3A_1246 : i32 to index
      %swap3A_1252 = tpu.vector_load %arg10[%swap3A_1251] {strides = array<i32>} : memref<20480xi32, #tpu.memory_space<vmem>>, vector<16xi32>,
      tpu.vector_store %arg10[%swap3A_1251], %gather3A_1250 {strides = array<i32>} : memref<20480xi32, #tpu.memory_space<vmem>>, vector<16xi32>,
      %mul3A_1253 = arith.constant 16 : i32
      %mul3A_1254 = arith.muli %scan3A_207, %mul3A_1253 : i32
      %add3A_1255 = arith.constant 14848 : i32
      %add3A_1256 = arith.addi %add3A_1255, %mul3A_1254 : i32
      %add3A_1257 = arith.constant 169 : i32
      %add3A_1258 = vector.broadcast %add3A_1257 : i32 to vector<16xi32>
      %add3A_1259 = arith.addi %mul3A_214, %add3A_1258 : vector<16xi32>
      %gather3A_1260 = tpu.vector_load_idx %arg8[%add3A_1259] : memref<28800xi32, #tpu.memory_space<vmem>>[vector<16xi32>], vector<16xi32>,
      %swap3A_1261 = arith.index_cast %add3A_1256 : i32 to index
      %swap3A_1262 = tpu.vector_load %arg10[%swap3A_1261] {strides = array<i32>} : memref<20480xi32, #tpu.memory_space<vmem>>, vector<16xi32>,
      tpu.vector_store %arg10[%swap3A_1261], %gather3A_1260 {strides = array<i32>} : memref<20480xi32, #tpu.memory_space<vmem>>, vector<16xi32>,
      %mul3A_1263 = arith.constant 16 : i32
      %mul3A_1264 = arith.muli %scan3A_207, %mul3A_1263 : i32
      %add3A_1265 = arith.constant 12928 : i32
      %add3A_1266 = arith.addi %add3A_1265, %mul3A_1264 : i32
      %add3A_1267 = arith.constant 170 : i32
      %add3A_1268 = vector.broadcast %add3A_1267 : i32 to vector<16xi32>
      %add3A_1269 = arith.addi %mul3A_214, %add3A_1268 : vector<16xi32>
      %gather3A_1270 = tpu.vector_load_idx %arg8[%add3A_1269] : memref<28800xi32, #tpu.memory_space<vmem>>[vector<16xi32>], vector<16xi32>,
      %swap3A_1271 = arith.index_cast %add3A_1266 : i32 to index
      %swap3A_1272 = tpu.vector_load %arg10[%swap3A_1271] {strides = array<i32>} : memref<20480xi32, #tpu.memory_space<vmem>>, vector<16xi32>,
      tpu.vector_store %arg10[%swap3A_1271], %gather3A_1270 {strides = array<i32>} : memref<20480xi32, #tpu.memory_space<vmem>>, vector<16xi32>,
      %mul3A_1273 = arith.constant 16 : i32
      %mul3A_1274 = arith.muli %scan3A_207, %mul3A_1273 : i32
      %add3A_1275 = arith.constant 13440 : i32
      %add3A_1276 = arith.addi %add3A_1275, %mul3A_1274 : i32
      %add3A_1277 = arith.constant 171 : i32
      %add3A_1278 = vector.broadcast %add3A_1277 : i32 to vector<16xi32>
      %add3A_1279 = arith.addi %mul3A_214, %add3A_1278 : vector<16xi32>
      %gather3A_1280 = tpu.vector_load_idx %arg8[%add3A_1279] : memref<28800xi32, #tpu.memory_space<vmem>>[vector<16xi32>], vector<16xi32>,
      %swap3A_1281 = arith.index_cast %add3A_1276 : i32 to index
      %swap3A_1282 = tpu.vector_load %arg10[%swap3A_1281] {strides = array<i32>} : memref<20480xi32, #tpu.memory_space<vmem>>, vector<16xi32>,
      tpu.vector_store %arg10[%swap3A_1281], %gather3A_1280 {strides = array<i32>} : memref<20480xi32, #tpu.memory_space<vmem>>, vector<16xi32>,
      %mul3A_1283 = arith.constant 16 : i32
      %mul3A_1284 = arith.muli %scan3A_207, %mul3A_1283 : i32
      %add3A_1285 = arith.constant 13952 : i32
      %add3A_1286 = arith.addi %add3A_1285, %mul3A_1284 : i32
      %add3A_1287 = arith.constant 172 : i32
      %add3A_1288 = vector.broadcast %add3A_1287 : i32 to vector<16xi32>
      %add3A_1289 = arith.addi %mul3A_214, %add3A_1288 : vector<16xi32>
      %gather3A_1290 = tpu.vector_load_idx %arg8[%add3A_1289] : memref<28800xi32, #tpu.memory_space<vmem>>[vector<16xi32>], vector<16xi32>,
      %swap3A_1291 = arith.index_cast %add3A_1286 : i32 to index
      %swap3A_1292 = tpu.vector_load %arg10[%swap3A_1291] {strides = array<i32>} : memref<20480xi32, #tpu.memory_space<vmem>>, vector<16xi32>,
      tpu.vector_store %arg10[%swap3A_1291], %gather3A_1290 {strides = array<i32>} : memref<20480xi32, #tpu.memory_space<vmem>>, vector<16xi32>,
      %mul3A_1293 = arith.constant 16 : i32
      %mul3A_1294 = arith.muli %scan3A_207, %mul3A_1293 : i32
      %add3A_1295 = arith.constant 14464 : i32
      %add3A_1296 = arith.addi %add3A_1295, %mul3A_1294 : i32
      %add3A_1297 = arith.constant 173 : i32
      %add3A_1298 = vector.broadcast %add3A_1297 : i32 to vector<16xi32>
      %add3A_1299 = arith.addi %mul3A_214, %add3A_1298 : vector<16xi32>
      %gather3A_1300 = tpu.vector_load_idx %arg8[%add3A_1299] : memref<28800xi32, #tpu.memory_space<vmem>>[vector<16xi32>], vector<16xi32>,
      %swap3A_1301 = arith.index_cast %add3A_1296 : i32 to index
      %swap3A_1302 = tpu.vector_load %arg10[%swap3A_1301] {strides = array<i32>} : memref<20480xi32, #tpu.memory_space<vmem>>, vector<16xi32>,
      tpu.vector_store %arg10[%swap3A_1301], %gather3A_1300 {strides = array<i32>} : memref<20480xi32, #tpu.memory_space<vmem>>, vector<16xi32>,
      %mul3A_1303 = arith.constant 16 : i32
      %mul3A_1304 = arith.muli %scan3A_207, %mul3A_1303 : i32
      %add3A_1305 = arith.constant 14976 : i32
      %add3A_1306 = arith.addi %add3A_1305, %mul3A_1304 : i32
      %add3A_1307 = arith.constant 174 : i32
      %add3A_1308 = vector.broadcast %add3A_1307 : i32 to vector<16xi32>
      %add3A_1309 = arith.addi %mul3A_214, %add3A_1308 : vector<16xi32>
      %gather3A_1310 = tpu.vector_load_idx %arg8[%add3A_1309] : memref<28800xi32, #tpu.memory_space<vmem>>[vector<16xi32>], vector<16xi32>,
      %swap3A_1311 = arith.index_cast %add3A_1306 : i32 to index
      %swap3A_1312 = tpu.vector_load %arg10[%swap3A_1311] {strides = array<i32>} : memref<20480xi32, #tpu.memory_space<vmem>>, vector<16xi32>,
      tpu.vector_store %arg10[%swap3A_1311], %gather3A_1310 {strides = array<i32>} : memref<20480xi32, #tpu.memory_space<vmem>>, vector<16xi32>,
      %mul3A_1313 = arith.constant 16 : i32
      %mul3A_1314 = arith.muli %scan3A_207, %mul3A_1313 : i32
      %add3A_1315 = arith.constant 13056 : i32
      %add3A_1316 = arith.addi %add3A_1315, %mul3A_1314 : i32
      %add3A_1317 = arith.constant 175 : i32
      %add3A_1318 = vector.broadcast %add3A_1317 : i32 to vector<16xi32>
      %add3A_1319 = arith.addi %mul3A_214, %add3A_1318 : vector<16xi32>
      %gather3A_1320 = tpu.vector_load_idx %arg8[%add3A_1319] : memref<28800xi32, #tpu.memory_space<vmem>>[vector<16xi32>], vector<16xi32>,
      %swap3A_1321 = arith.index_cast %add3A_1316 : i32 to index
      %swap3A_1322 = tpu.vector_load %arg10[%swap3A_1321] {strides = array<i32>} : memref<20480xi32, #tpu.memory_space<vmem>>, vector<16xi32>,
      tpu.vector_store %arg10[%swap3A_1321], %gather3A_1320 {strides = array<i32>} : memref<20480xi32, #tpu.memory_space<vmem>>, vector<16xi32>,
      %mul3A_1323 = arith.constant 16 : i32
      %mul3A_1324 = arith.muli %scan3A_207, %mul3A_1323 : i32
      %add3A_1325 = arith.constant 13568 : i32
      %add3A_1326 = arith.addi %add3A_1325, %mul3A_1324 : i32
      %add3A_1327 = arith.constant 176 : i32
      %add3A_1328 = vector.broadcast %add3A_1327 : i32 to vector<16xi32>
      %add3A_1329 = arith.addi %mul3A_214, %add3A_1328 : vector<16xi32>
      %gather3A_1330 = tpu.vector_load_idx %arg8[%add3A_1329] : memref<28800xi32, #tpu.memory_space<vmem>>[vector<16xi32>], vector<16xi32>,
      %swap3A_1331 = arith.index_cast %add3A_1326 : i32 to index
      %swap3A_1332 = tpu.vector_load %arg10[%swap3A_1331] {strides = array<i32>} : memref<20480xi32, #tpu.memory_space<vmem>>, vector<16xi32>,
      tpu.vector_store %arg10[%swap3A_1331], %gather3A_1330 {strides = array<i32>} : memref<20480xi32, #tpu.memory_space<vmem>>, vector<16xi32>,
      %mul3A_1333 = arith.constant 16 : i32
      %mul3A_1334 = arith.muli %scan3A_207, %mul3A_1333 : i32
      %add3A_1335 = arith.constant 14080 : i32
      %add3A_1336 = arith.addi %add3A_1335, %mul3A_1334 : i32
      %add3A_1337 = arith.constant 177 : i32
      %add3A_1338 = vector.broadcast %add3A_1337 : i32 to vector<16xi32>
      %add3A_1339 = arith.addi %mul3A_214, %add3A_1338 : vector<16xi32>
      %gather3A_1340 = tpu.vector_load_idx %arg8[%add3A_1339] : memref<28800xi32, #tpu.memory_space<vmem>>[vector<16xi32>], vector<16xi32>,
      %swap3A_1341 = arith.index_cast %add3A_1336 : i32 to index
      %swap3A_1342 = tpu.vector_load %arg10[%swap3A_1341] {strides = array<i32>} : memref<20480xi32, #tpu.memory_space<vmem>>, vector<16xi32>,
      tpu.vector_store %arg10[%swap3A_1341], %gather3A_1340 {strides = array<i32>} : memref<20480xi32, #tpu.memory_space<vmem>>, vector<16xi32>,
      %mul3A_1343 = arith.constant 16 : i32
      %mul3A_1344 = arith.muli %scan3A_207, %mul3A_1343 : i32
      %add3A_1345 = arith.constant 14592 : i32
      %add3A_1346 = arith.addi %add3A_1345, %mul3A_1344 : i32
      %add3A_1347 = arith.constant 178 : i32
      %add3A_1348 = vector.broadcast %add3A_1347 : i32 to vector<16xi32>
      %add3A_1349 = arith.addi %mul3A_214, %add3A_1348 : vector<16xi32>
      %gather3A_1350 = tpu.vector_load_idx %arg8[%add3A_1349] : memref<28800xi32, #tpu.memory_space<vmem>>[vector<16xi32>], vector<16xi32>,
      %swap3A_1351 = arith.index_cast %add3A_1346 : i32 to index
      %swap3A_1352 = tpu.vector_load %arg10[%swap3A_1351] {strides = array<i32>} : memref<20480xi32, #tpu.memory_space<vmem>>, vector<16xi32>,
      tpu.vector_store %arg10[%swap3A_1351], %gather3A_1350 {strides = array<i32>} : memref<20480xi32, #tpu.memory_space<vmem>>, vector<16xi32>,
      %mul3A_1353 = arith.constant 16 : i32
      %mul3A_1354 = arith.muli %scan3A_207, %mul3A_1353 : i32
      %add3A_1355 = arith.constant 15104 : i32
      %add3A_1356 = arith.addi %add3A_1355, %mul3A_1354 : i32
      %add3A_1357 = arith.constant 179 : i32
      %add3A_1358 = vector.broadcast %add3A_1357 : i32 to vector<16xi32>
      %add3A_1359 = arith.addi %mul3A_214, %add3A_1358 : vector<16xi32>
      %gather3A_1360 = tpu.vector_load_idx %arg8[%add3A_1359] : memref<28800xi32, #tpu.memory_space<vmem>>[vector<16xi32>], vector<16xi32>,
      %swap3A_1361 = arith.index_cast %add3A_1356 : i32 to index
      %swap3A_1362 = tpu.vector_load %arg10[%swap3A_1361] {strides = array<i32>} : memref<20480xi32, #tpu.memory_space<vmem>>, vector<16xi32>,
      tpu.vector_store %arg10[%swap3A_1361], %gather3A_1360 {strides = array<i32>} : memref<20480xi32, #tpu.memory_space<vmem>>, vector<16xi32>,
      %mul3A_1363 = arith.constant 16 : i32
      %mul3A_1364 = arith.muli %scan3A_207, %mul3A_1363 : i32
      %add3A_1365 = arith.constant 13184 : i32
      %add3A_1366 = arith.addi %add3A_1365, %mul3A_1364 : i32
      %add3A_1367 = arith.constant 180 : i32
      %add3A_1368 = vector.broadcast %add3A_1367 : i32 to vector<16xi32>
      %add3A_1369 = arith.addi %mul3A_214, %add3A_1368 : vector<16xi32>
      %gather3A_1370 = tpu.vector_load_idx %arg8[%add3A_1369] : memref<28800xi32, #tpu.memory_space<vmem>>[vector<16xi32>], vector<16xi32>,
      %swap3A_1371 = arith.index_cast %add3A_1366 : i32 to index
      %swap3A_1372 = tpu.vector_load %arg10[%swap3A_1371] {strides = array<i32>} : memref<20480xi32, #tpu.memory_space<vmem>>, vector<16xi32>,
      tpu.vector_store %arg10[%swap3A_1371], %gather3A_1370 {strides = array<i32>} : memref<20480xi32, #tpu.memory_space<vmem>>, vector<16xi32>,
      %mul3A_1373 = arith.constant 16 : i32
      %mul3A_1374 = arith.muli %scan3A_207, %mul3A_1373 : i32
      %add3A_1375 = arith.constant 13696 : i32
      %add3A_1376 = arith.addi %add3A_1375, %mul3A_1374 : i32
      %add3A_1377 = arith.constant 181 : i32
      %add3A_1378 = vector.broadcast %add3A_1377 : i32 to vector<16xi32>
      %add3A_1379 = arith.addi %mul3A_214, %add3A_1378 : vector<16xi32>
      %gather3A_1380 = tpu.vector_load_idx %arg8[%add3A_1379] : memref<28800xi32, #tpu.memory_space<vmem>>[vector<16xi32>], vector<16xi32>,
      %swap3A_1381 = arith.index_cast %add3A_1376 : i32 to index
      %swap3A_1382 = tpu.vector_load %arg10[%swap3A_1381] {strides = array<i32>} : memref<20480xi32, #tpu.memory_space<vmem>>, vector<16xi32>,
      tpu.vector_store %arg10[%swap3A_1381], %gather3A_1380 {strides = array<i32>} : memref<20480xi32, #tpu.memory_space<vmem>>, vector<16xi32>,
      %mul3A_1383 = arith.constant 16 : i32
      %mul3A_1384 = arith.muli %scan3A_207, %mul3A_1383 : i32
      %add3A_1385 = arith.constant 14208 : i32
      %add3A_1386 = arith.addi %add3A_1385, %mul3A_1384 : i32
      %add3A_1387 = arith.constant 182 : i32
      %add3A_1388 = vector.broadcast %add3A_1387 : i32 to vector<16xi32>
      %add3A_1389 = arith.addi %mul3A_214, %add3A_1388 : vector<16xi32>
      %gather3A_1390 = tpu.vector_load_idx %arg8[%add3A_1389] : memref<28800xi32, #tpu.memory_space<vmem>>[vector<16xi32>], vector<16xi32>,
      %swap3A_1391 = arith.index_cast %add3A_1386 : i32 to index
      %swap3A_1392 = tpu.vector_load %arg10[%swap3A_1391] {strides = array<i32>} : memref<20480xi32, #tpu.memory_space<vmem>>, vector<16xi32>,
      tpu.vector_store %arg10[%swap3A_1391], %gather3A_1390 {strides = array<i32>} : memref<20480xi32, #tpu.memory_space<vmem>>, vector<16xi32>,
      %mul3A_1393 = arith.constant 16 : i32
      %mul3A_1394 = arith.muli %scan3A_207, %mul3A_1393 : i32
      %add3A_1395 = arith.constant 14720 : i32
      %add3A_1396 = arith.addi %add3A_1395, %mul3A_1394 : i32
      %add3A_1397 = arith.constant 183 : i32
      %add3A_1398 = vector.broadcast %add3A_1397 : i32 to vector<16xi32>
      %add3A_1399 = arith.addi %mul3A_214, %add3A_1398 : vector<16xi32>
      %gather3A_1400 = tpu.vector_load_idx %arg8[%add3A_1399] : memref<28800xi32, #tpu.memory_space<vmem>>[vector<16xi32>], vector<16xi32>,
      %swap3A_1401 = arith.index_cast %add3A_1396 : i32 to index
      %swap3A_1402 = tpu.vector_load %arg10[%swap3A_1401] {strides = array<i32>} : memref<20480xi32, #tpu.memory_space<vmem>>, vector<16xi32>,
      tpu.vector_store %arg10[%swap3A_1401], %gather3A_1400 {strides = array<i32>} : memref<20480xi32, #tpu.memory_space<vmem>>, vector<16xi32>,
      %mul3A_1403 = arith.constant 16 : i32
      %mul3A_1404 = arith.muli %scan3A_207, %mul3A_1403 : i32
      %add3A_1405 = arith.constant 15232 : i32
      %add3A_1406 = arith.addi %add3A_1405, %mul3A_1404 : i32
      %add3A_1407 = arith.constant 184 : i32
      %add3A_1408 = vector.broadcast %add3A_1407 : i32 to vector<16xi32>
      %add3A_1409 = arith.addi %mul3A_214, %add3A_1408 : vector<16xi32>
      %gather3A_1410 = tpu.vector_load_idx %arg8[%add3A_1409] : memref<28800xi32, #tpu.memory_space<vmem>>[vector<16xi32>], vector<16xi32>,
      %swap3A_1411 = arith.index_cast %add3A_1406 : i32 to index
      %swap3A_1412 = tpu.vector_load %arg10[%swap3A_1411] {strides = array<i32>} : memref<20480xi32, #tpu.memory_space<vmem>>, vector<16xi32>,
      tpu.vector_store %arg10[%swap3A_1411], %gather3A_1410 {strides = array<i32>} : memref<20480xi32, #tpu.memory_space<vmem>>, vector<16xi32>,
      %mul3A_1413 = arith.constant 16 : i32
      %mul3A_1414 = arith.muli %scan3A_207, %mul3A_1413 : i32
      %add3A_1415 = arith.constant 15360 : i32
      %add3A_1416 = arith.addi %add3A_1415, %mul3A_1414 : i32
      %add3A_1417 = arith.constant 185 : i32
      %add3A_1418 = vector.broadcast %add3A_1417 : i32 to vector<16xi32>
      %add3A_1419 = arith.addi %mul3A_214, %add3A_1418 : vector<16xi32>
      %gather3A_1420 = tpu.vector_load_idx %arg8[%add3A_1419] : memref<28800xi32, #tpu.memory_space<vmem>>[vector<16xi32>], vector<16xi32>,
      %swap3A_1421 = arith.index_cast %add3A_1416 : i32 to index
      %swap3A_1422 = tpu.vector_load %arg10[%swap3A_1421] {strides = array<i32>} : memref<20480xi32, #tpu.memory_space<vmem>>, vector<16xi32>,
      tpu.vector_store %arg10[%swap3A_1421], %gather3A_1420 {strides = array<i32>} : memref<20480xi32, #tpu.memory_space<vmem>>, vector<16xi32>,
      %mul3A_1423 = arith.constant 16 : i32
      %mul3A_1424 = arith.muli %scan3A_207, %mul3A_1423 : i32
      %add3A_1425 = arith.constant 15872 : i32
      %add3A_1426 = arith.addi %add3A_1425, %mul3A_1424 : i32
      %add3A_1427 = arith.constant 186 : i32
      %add3A_1428 = vector.broadcast %add3A_1427 : i32 to vector<16xi32>
      %add3A_1429 = arith.addi %mul3A_214, %add3A_1428 : vector<16xi32>
      %gather3A_1430 = tpu.vector_load_idx %arg8[%add3A_1429] : memref<28800xi32, #tpu.memory_space<vmem>>[vector<16xi32>], vector<16xi32>,
      %swap3A_1431 = arith.index_cast %add3A_1426 : i32 to index
      %swap3A_1432 = tpu.vector_load %arg10[%swap3A_1431] {strides = array<i32>} : memref<20480xi32, #tpu.memory_space<vmem>>, vector<16xi32>,
      tpu.vector_store %arg10[%swap3A_1431], %gather3A_1430 {strides = array<i32>} : memref<20480xi32, #tpu.memory_space<vmem>>, vector<16xi32>,
      %mul3A_1433 = arith.constant 16 : i32
      %mul3A_1434 = arith.muli %scan3A_207, %mul3A_1433 : i32
      %add3A_1435 = arith.constant 16384 : i32
      %add3A_1436 = arith.addi %add3A_1435, %mul3A_1434 : i32
      %add3A_1437 = arith.constant 187 : i32
      %add3A_1438 = vector.broadcast %add3A_1437 : i32 to vector<16xi32>
      %add3A_1439 = arith.addi %mul3A_214, %add3A_1438 : vector<16xi32>
      %gather3A_1440 = tpu.vector_load_idx %arg8[%add3A_1439] : memref<28800xi32, #tpu.memory_space<vmem>>[vector<16xi32>], vector<16xi32>,
      %swap3A_1441 = arith.index_cast %add3A_1436 : i32 to index
      %swap3A_1442 = tpu.vector_load %arg10[%swap3A_1441] {strides = array<i32>} : memref<20480xi32, #tpu.memory_space<vmem>>, vector<16xi32>,
      tpu.vector_store %arg10[%swap3A_1441], %gather3A_1440 {strides = array<i32>} : memref<20480xi32, #tpu.memory_space<vmem>>, vector<16xi32>,
      %mul3A_1443 = arith.constant 16 : i32
      %mul3A_1444 = arith.muli %scan3A_207, %mul3A_1443 : i32
      %add3A_1445 = arith.constant 16896 : i32
      %add3A_1446 = arith.addi %add3A_1445, %mul3A_1444 : i32
      %add3A_1447 = arith.constant 188 : i32
      %add3A_1448 = vector.broadcast %add3A_1447 : i32 to vector<16xi32>
      %add3A_1449 = arith.addi %mul3A_214, %add3A_1448 : vector<16xi32>
      %gather3A_1450 = tpu.vector_load_idx %arg8[%add3A_1449] : memref<28800xi32, #tpu.memory_space<vmem>>[vector<16xi32>], vector<16xi32>,
      %swap3A_1451 = arith.index_cast %add3A_1446 : i32 to index
      %swap3A_1452 = tpu.vector_load %arg10[%swap3A_1451] {strides = array<i32>} : memref<20480xi32, #tpu.memory_space<vmem>>, vector<16xi32>,
      tpu.vector_store %arg10[%swap3A_1451], %gather3A_1450 {strides = array<i32>} : memref<20480xi32, #tpu.memory_space<vmem>>, vector<16xi32>,
      %mul3A_1453 = arith.constant 16 : i32
      %mul3A_1454 = arith.muli %scan3A_207, %mul3A_1453 : i32
      %add3A_1455 = arith.constant 17408 : i32
      %add3A_1456 = arith.addi %add3A_1455, %mul3A_1454 : i32
      %add3A_1457 = arith.constant 189 : i32
      %add3A_1458 = vector.broadcast %add3A_1457 : i32 to vector<16xi32>
      %add3A_1459 = arith.addi %mul3A_214, %add3A_1458 : vector<16xi32>
      %gather3A_1460 = tpu.vector_load_idx %arg8[%add3A_1459] : memref<28800xi32, #tpu.memory_space<vmem>>[vector<16xi32>], vector<16xi32>,
      %swap3A_1461 = arith.index_cast %add3A_1456 : i32 to index
      %swap3A_1462 = tpu.vector_load %arg10[%swap3A_1461] {strides = array<i32>} : memref<20480xi32, #tpu.memory_space<vmem>>, vector<16xi32>,
      tpu.vector_store %arg10[%swap3A_1461], %gather3A_1460 {strides = array<i32>} : memref<20480xi32, #tpu.memory_space<vmem>>, vector<16xi32>,
      %mul3A_1463 = arith.constant 16 : i32
      %mul3A_1464 = arith.muli %scan3A_207, %mul3A_1463 : i32
      %add3A_1465 = arith.constant 15488 : i32
      %add3A_1466 = arith.addi %add3A_1465, %mul3A_1464 : i32
      %add3A_1467 = arith.constant 190 : i32
      %add3A_1468 = vector.broadcast %add3A_1467 : i32 to vector<16xi32>
      %add3A_1469 = arith.addi %mul3A_214, %add3A_1468 : vector<16xi32>
      %gather3A_1470 = tpu.vector_load_idx %arg8[%add3A_1469] : memref<28800xi32, #tpu.memory_space<vmem>>[vector<16xi32>], vector<16xi32>,
      %swap3A_1471 = arith.index_cast %add3A_1466 : i32 to index
      %swap3A_1472 = tpu.vector_load %arg10[%swap3A_1471] {strides = array<i32>} : memref<20480xi32, #tpu.memory_space<vmem>>, vector<16xi32>,
      tpu.vector_store %arg10[%swap3A_1471], %gather3A_1470 {strides = array<i32>} : memref<20480xi32, #tpu.memory_space<vmem>>, vector<16xi32>,
      %mul3A_1473 = arith.constant 16 : i32
      %mul3A_1474 = arith.muli %scan3A_207, %mul3A_1473 : i32
      %add3A_1475 = arith.constant 16000 : i32
      %add3A_1476 = arith.addi %add3A_1475, %mul3A_1474 : i32
      %add3A_1477 = arith.constant 191 : i32
      %add3A_1478 = vector.broadcast %add3A_1477 : i32 to vector<16xi32>
      %add3A_1479 = arith.addi %mul3A_214, %add3A_1478 : vector<16xi32>
      %gather3A_1480 = tpu.vector_load_idx %arg8[%add3A_1479] : memref<28800xi32, #tpu.memory_space<vmem>>[vector<16xi32>], vector<16xi32>,
      %swap3A_1481 = arith.index_cast %add3A_1476 : i32 to index
      %swap3A_1482 = tpu.vector_load %arg10[%swap3A_1481] {strides = array<i32>} : memref<20480xi32, #tpu.memory_space<vmem>>, vector<16xi32>,
      tpu.vector_store %arg10[%swap3A_1481], %gather3A_1480 {strides = array<i32>} : memref<20480xi32, #tpu.memory_space<vmem>>, vector<16xi32>,
      %mul3A_1483 = arith.constant 16 : i32
      %mul3A_1484 = arith.muli %scan3A_207, %mul3A_1483 : i32
      %add3A_1485 = arith.constant 16512 : i32
      %add3A_1486 = arith.addi %add3A_1485, %mul3A_1484 : i32
      %add3A_1487 = arith.constant 192 : i32
      %add3A_1488 = vector.broadcast %add3A_1487 : i32 to vector<16xi32>
      %add3A_1489 = arith.addi %mul3A_214, %add3A_1488 : vector<16xi32>
      %gather3A_1490 = tpu.vector_load_idx %arg8[%add3A_1489] : memref<28800xi32, #tpu.memory_space<vmem>>[vector<16xi32>], vector<16xi32>,
      %swap3A_1491 = arith.index_cast %add3A_1486 : i32 to index
      %swap3A_1492 = tpu.vector_load %arg10[%swap3A_1491] {strides = array<i32>} : memref<20480xi32, #tpu.memory_space<vmem>>, vector<16xi32>,
      tpu.vector_store %arg10[%swap3A_1491], %gather3A_1490 {strides = array<i32>} : memref<20480xi32, #tpu.memory_space<vmem>>, vector<16xi32>,
      %mul3A_1493 = arith.constant 16 : i32
      %mul3A_1494 = arith.muli %scan3A_207, %mul3A_1493 : i32
      %add3A_1495 = arith.constant 17024 : i32
      %add3A_1496 = arith.addi %add3A_1495, %mul3A_1494 : i32
      %add3A_1497 = arith.constant 193 : i32
      %add3A_1498 = vector.broadcast %add3A_1497 : i32 to vector<16xi32>
      %add3A_1499 = arith.addi %mul3A_214, %add3A_1498 : vector<16xi32>
      %gather3A_1500 = tpu.vector_load_idx %arg8[%add3A_1499] : memref<28800xi32, #tpu.memory_space<vmem>>[vector<16xi32>], vector<16xi32>,
      %swap3A_1501 = arith.index_cast %add3A_1496 : i32 to index
      %swap3A_1502 = tpu.vector_load %arg10[%swap3A_1501] {strides = array<i32>} : memref<20480xi32, #tpu.memory_space<vmem>>, vector<16xi32>,
      tpu.vector_store %arg10[%swap3A_1501], %gather3A_1500 {strides = array<i32>} : memref<20480xi32, #tpu.memory_space<vmem>>, vector<16xi32>,
      %mul3A_1503 = arith.constant 16 : i32
      %mul3A_1504 = arith.muli %scan3A_207, %mul3A_1503 : i32
      %add3A_1505 = arith.constant 17536 : i32
      %add3A_1506 = arith.addi %add3A_1505, %mul3A_1504 : i32
      %add3A_1507 = arith.constant 194 : i32
      %add3A_1508 = vector.broadcast %add3A_1507 : i32 to vector<16xi32>
      %add3A_1509 = arith.addi %mul3A_214, %add3A_1508 : vector<16xi32>
      %gather3A_1510 = tpu.vector_load_idx %arg8[%add3A_1509] : memref<28800xi32, #tpu.memory_space<vmem>>[vector<16xi32>], vector<16xi32>,
      %swap3A_1511 = arith.index_cast %add3A_1506 : i32 to index
      %swap3A_1512 = tpu.vector_load %arg10[%swap3A_1511] {strides = array<i32>} : memref<20480xi32, #tpu.memory_space<vmem>>, vector<16xi32>,
      tpu.vector_store %arg10[%swap3A_1511], %gather3A_1510 {strides = array<i32>} : memref<20480xi32, #tpu.memory_space<vmem>>, vector<16xi32>,
      %mul3A_1513 = arith.constant 16 : i32
      %mul3A_1514 = arith.muli %scan3A_207, %mul3A_1513 : i32
      %add3A_1515 = arith.constant 15616 : i32
      %add3A_1516 = arith.addi %add3A_1515, %mul3A_1514 : i32
      %add3A_1517 = arith.constant 195 : i32
      %add3A_1518 = vector.broadcast %add3A_1517 : i32 to vector<16xi32>
      %add3A_1519 = arith.addi %mul3A_214, %add3A_1518 : vector<16xi32>
      %gather3A_1520 = tpu.vector_load_idx %arg8[%add3A_1519] : memref<28800xi32, #tpu.memory_space<vmem>>[vector<16xi32>], vector<16xi32>,
      %swap3A_1521 = arith.index_cast %add3A_1516 : i32 to index
      %swap3A_1522 = tpu.vector_load %arg10[%swap3A_1521] {strides = array<i32>} : memref<20480xi32, #tpu.memory_space<vmem>>, vector<16xi32>,
      tpu.vector_store %arg10[%swap3A_1521], %gather3A_1520 {strides = array<i32>} : memref<20480xi32, #tpu.memory_space<vmem>>, vector<16xi32>,
      %mul3A_1523 = arith.constant 16 : i32
      %mul3A_1524 = arith.muli %scan3A_207, %mul3A_1523 : i32
      %add3A_1525 = arith.constant 16128 : i32
      %add3A_1526 = arith.addi %add3A_1525, %mul3A_1524 : i32
      %add3A_1527 = arith.constant 196 : i32
      %add3A_1528 = vector.broadcast %add3A_1527 : i32 to vector<16xi32>
      %add3A_1529 = arith.addi %mul3A_214, %add3A_1528 : vector<16xi32>
      %gather3A_1530 = tpu.vector_load_idx %arg8[%add3A_1529] : memref<28800xi32, #tpu.memory_space<vmem>>[vector<16xi32>], vector<16xi32>,
      %swap3A_1531 = arith.index_cast %add3A_1526 : i32 to index
      %swap3A_1532 = tpu.vector_load %arg10[%swap3A_1531] {strides = array<i32>} : memref<20480xi32, #tpu.memory_space<vmem>>, vector<16xi32>,
      tpu.vector_store %arg10[%swap3A_1531], %gather3A_1530 {strides = array<i32>} : memref<20480xi32, #tpu.memory_space<vmem>>, vector<16xi32>,
      %mul3A_1533 = arith.constant 16 : i32
      %mul3A_1534 = arith.muli %scan3A_207, %mul3A_1533 : i32
      %add3A_1535 = arith.constant 16640 : i32
      %add3A_1536 = arith.addi %add3A_1535, %mul3A_1534 : i32
      %add3A_1537 = arith.constant 197 : i32
      %add3A_1538 = vector.broadcast %add3A_1537 : i32 to vector<16xi32>
      %add3A_1539 = arith.addi %mul3A_214, %add3A_1538 : vector<16xi32>
      %gather3A_1540 = tpu.vector_load_idx %arg8[%add3A_1539] : memref<28800xi32, #tpu.memory_space<vmem>>[vector<16xi32>], vector<16xi32>,
      %swap3A_1541 = arith.index_cast %add3A_1536 : i32 to index
      %swap3A_1542 = tpu.vector_load %arg10[%swap3A_1541] {strides = array<i32>} : memref<20480xi32, #tpu.memory_space<vmem>>, vector<16xi32>,
      tpu.vector_store %arg10[%swap3A_1541], %gather3A_1540 {strides = array<i32>} : memref<20480xi32, #tpu.memory_space<vmem>>, vector<16xi32>,
      %mul3A_1543 = arith.constant 16 : i32
      %mul3A_1544 = arith.muli %scan3A_207, %mul3A_1543 : i32
      %add3A_1545 = arith.constant 17152 : i32
      %add3A_1546 = arith.addi %add3A_1545, %mul3A_1544 : i32
      %add3A_1547 = arith.constant 198 : i32
      %add3A_1548 = vector.broadcast %add3A_1547 : i32 to vector<16xi32>
      %add3A_1549 = arith.addi %mul3A_214, %add3A_1548 : vector<16xi32>
      %gather3A_1550 = tpu.vector_load_idx %arg8[%add3A_1549] : memref<28800xi32, #tpu.memory_space<vmem>>[vector<16xi32>], vector<16xi32>,
      %swap3A_1551 = arith.index_cast %add3A_1546 : i32 to index
      %swap3A_1552 = tpu.vector_load %arg10[%swap3A_1551] {strides = array<i32>} : memref<20480xi32, #tpu.memory_space<vmem>>, vector<16xi32>,
      tpu.vector_store %arg10[%swap3A_1551], %gather3A_1550 {strides = array<i32>} : memref<20480xi32, #tpu.memory_space<vmem>>, vector<16xi32>,
      %mul3A_1553 = arith.constant 16 : i32
      %mul3A_1554 = arith.muli %scan3A_207, %mul3A_1553 : i32
      %add3A_1555 = arith.constant 17664 : i32
      %add3A_1556 = arith.addi %add3A_1555, %mul3A_1554 : i32
      %add3A_1557 = arith.constant 199 : i32
      %add3A_1558 = vector.broadcast %add3A_1557 : i32 to vector<16xi32>
      %add3A_1559 = arith.addi %mul3A_214, %add3A_1558 : vector<16xi32>
      %gather3A_1560 = tpu.vector_load_idx %arg8[%add3A_1559] : memref<28800xi32, #tpu.memory_space<vmem>>[vector<16xi32>], vector<16xi32>,
      %swap3A_1561 = arith.index_cast %add3A_1556 : i32 to index
      %swap3A_1562 = tpu.vector_load %arg10[%swap3A_1561] {strides = array<i32>} : memref<20480xi32, #tpu.memory_space<vmem>>, vector<16xi32>,
      tpu.vector_store %arg10[%swap3A_1561], %gather3A_1560 {strides = array<i32>} : memref<20480xi32, #tpu.memory_space<vmem>>, vector<16xi32>,
      %mul3A_1563 = arith.constant 16 : i32
      %mul3A_1564 = arith.muli %scan3A_207, %mul3A_1563 : i32
      %add3A_1565 = arith.constant 15744 : i32
      %add3A_1566 = arith.addi %add3A_1565, %mul3A_1564 : i32
      %add3A_1567 = arith.constant 200 : i32
      %add3A_1568 = vector.broadcast %add3A_1567 : i32 to vector<16xi32>
      %add3A_1569 = arith.addi %mul3A_214, %add3A_1568 : vector<16xi32>
      %gather3A_1570 = tpu.vector_load_idx %arg8[%add3A_1569] : memref<28800xi32, #tpu.memory_space<vmem>>[vector<16xi32>], vector<16xi32>,
      %swap3A_1571 = arith.index_cast %add3A_1566 : i32 to index
      %swap3A_1572 = tpu.vector_load %arg10[%swap3A_1571] {strides = array<i32>} : memref<20480xi32, #tpu.memory_space<vmem>>, vector<16xi32>,
      tpu.vector_store %arg10[%swap3A_1571], %gather3A_1570 {strides = array<i32>} : memref<20480xi32, #tpu.memory_space<vmem>>, vector<16xi32>,
      %mul3A_1573 = arith.constant 16 : i32
      %mul3A_1574 = arith.muli %scan3A_207, %mul3A_1573 : i32
      %add3A_1575 = arith.constant 16256 : i32
      %add3A_1576 = arith.addi %add3A_1575, %mul3A_1574 : i32
      %add3A_1577 = arith.constant 201 : i32
      %add3A_1578 = vector.broadcast %add3A_1577 : i32 to vector<16xi32>
      %add3A_1579 = arith.addi %mul3A_214, %add3A_1578 : vector<16xi32>
      %gather3A_1580 = tpu.vector_load_idx %arg8[%add3A_1579] : memref<28800xi32, #tpu.memory_space<vmem>>[vector<16xi32>], vector<16xi32>,
      %swap3A_1581 = arith.index_cast %add3A_1576 : i32 to index
      %swap3A_1582 = tpu.vector_load %arg10[%swap3A_1581] {strides = array<i32>} : memref<20480xi32, #tpu.memory_space<vmem>>, vector<16xi32>,
      tpu.vector_store %arg10[%swap3A_1581], %gather3A_1580 {strides = array<i32>} : memref<20480xi32, #tpu.memory_space<vmem>>, vector<16xi32>,
      %mul3A_1583 = arith.constant 16 : i32
      %mul3A_1584 = arith.muli %scan3A_207, %mul3A_1583 : i32
      %add3A_1585 = arith.constant 16768 : i32
      %add3A_1586 = arith.addi %add3A_1585, %mul3A_1584 : i32
      %add3A_1587 = arith.constant 202 : i32
      %add3A_1588 = vector.broadcast %add3A_1587 : i32 to vector<16xi32>
      %add3A_1589 = arith.addi %mul3A_214, %add3A_1588 : vector<16xi32>
      %gather3A_1590 = tpu.vector_load_idx %arg8[%add3A_1589] : memref<28800xi32, #tpu.memory_space<vmem>>[vector<16xi32>], vector<16xi32>,
      %swap3A_1591 = arith.index_cast %add3A_1586 : i32 to index
      %swap3A_1592 = tpu.vector_load %arg10[%swap3A_1591] {strides = array<i32>} : memref<20480xi32, #tpu.memory_space<vmem>>, vector<16xi32>,
      tpu.vector_store %arg10[%swap3A_1591], %gather3A_1590 {strides = array<i32>} : memref<20480xi32, #tpu.memory_space<vmem>>, vector<16xi32>,
      %mul3A_1593 = arith.constant 16 : i32
      %mul3A_1594 = arith.muli %scan3A_207, %mul3A_1593 : i32
      %add3A_1595 = arith.constant 17280 : i32
      %add3A_1596 = arith.addi %add3A_1595, %mul3A_1594 : i32
      %add3A_1597 = arith.constant 203 : i32
      %add3A_1598 = vector.broadcast %add3A_1597 : i32 to vector<16xi32>
      %add3A_1599 = arith.addi %mul3A_214, %add3A_1598 : vector<16xi32>
      %gather3A_1600 = tpu.vector_load_idx %arg8[%add3A_1599] : memref<28800xi32, #tpu.memory_space<vmem>>[vector<16xi32>], vector<16xi32>,
      %swap3A_1601 = arith.index_cast %add3A_1596 : i32 to index
      %swap3A_1602 = tpu.vector_load %arg10[%swap3A_1601] {strides = array<i32>} : memref<20480xi32, #tpu.memory_space<vmem>>, vector<16xi32>,
      tpu.vector_store %arg10[%swap3A_1601], %gather3A_1600 {strides = array<i32>} : memref<20480xi32, #tpu.memory_space<vmem>>, vector<16xi32>,
      %mul3A_1603 = arith.constant 16 : i32
      %mul3A_1604 = arith.muli %scan3A_207, %mul3A_1603 : i32
      %add3A_1605 = arith.constant 17792 : i32
      %add3A_1606 = arith.addi %add3A_1605, %mul3A_1604 : i32
      %add3A_1607 = arith.constant 204 : i32
      %add3A_1608 = vector.broadcast %add3A_1607 : i32 to vector<16xi32>
      %add3A_1609 = arith.addi %mul3A_214, %add3A_1608 : vector<16xi32>
      %gather3A_1610 = tpu.vector_load_idx %arg8[%add3A_1609] : memref<28800xi32, #tpu.memory_space<vmem>>[vector<16xi32>], vector<16xi32>,
      %swap3A_1611 = arith.index_cast %add3A_1606 : i32 to index
      %swap3A_1612 = tpu.vector_load %arg10[%swap3A_1611] {strides = array<i32>} : memref<20480xi32, #tpu.memory_space<vmem>>, vector<16xi32>,
      tpu.vector_store %arg10[%swap3A_1611], %gather3A_1610 {strides = array<i32>} : memref<20480xi32, #tpu.memory_space<vmem>>, vector<16xi32>,
      %mul3A_1613 = arith.constant 16 : i32
      %mul3A_1614 = arith.muli %scan3A_207, %mul3A_1613 : i32
      %add3A_1615 = arith.constant 17920 : i32
      %add3A_1616 = arith.addi %add3A_1615, %mul3A_1614 : i32
      %add3A_1617 = arith.constant 205 : i32
      %add3A_1618 = vector.broadcast %add3A_1617 : i32 to vector<16xi32>
      %add3A_1619 = arith.addi %mul3A_214, %add3A_1618 : vector<16xi32>
      %gather3A_1620 = tpu.vector_load_idx %arg8[%add3A_1619] : memref<28800xi32, #tpu.memory_space<vmem>>[vector<16xi32>], vector<16xi32>,
      %swap3A_1621 = arith.index_cast %add3A_1616 : i32 to index
      %swap3A_1622 = tpu.vector_load %arg10[%swap3A_1621] {strides = array<i32>} : memref<20480xi32, #tpu.memory_space<vmem>>, vector<16xi32>,
      tpu.vector_store %arg10[%swap3A_1621], %gather3A_1620 {strides = array<i32>} : memref<20480xi32, #tpu.memory_space<vmem>>, vector<16xi32>,
      %mul3A_1623 = arith.constant 16 : i32
      %mul3A_1624 = arith.muli %scan3A_207, %mul3A_1623 : i32
      %add3A_1625 = arith.constant 18432 : i32
      %add3A_1626 = arith.addi %add3A_1625, %mul3A_1624 : i32
      %add3A_1627 = arith.constant 206 : i32
      %add3A_1628 = vector.broadcast %add3A_1627 : i32 to vector<16xi32>
      %add3A_1629 = arith.addi %mul3A_214, %add3A_1628 : vector<16xi32>
      %gather3A_1630 = tpu.vector_load_idx %arg8[%add3A_1629] : memref<28800xi32, #tpu.memory_space<vmem>>[vector<16xi32>], vector<16xi32>,
      %swap3A_1631 = arith.index_cast %add3A_1626 : i32 to index
      %swap3A_1632 = tpu.vector_load %arg10[%swap3A_1631] {strides = array<i32>} : memref<20480xi32, #tpu.memory_space<vmem>>, vector<16xi32>,
      tpu.vector_store %arg10[%swap3A_1631], %gather3A_1630 {strides = array<i32>} : memref<20480xi32, #tpu.memory_space<vmem>>, vector<16xi32>,
      %mul3A_1633 = arith.constant 16 : i32
      %mul3A_1634 = arith.muli %scan3A_207, %mul3A_1633 : i32
      %add3A_1635 = arith.constant 18944 : i32
      %add3A_1636 = arith.addi %add3A_1635, %mul3A_1634 : i32
      %add3A_1637 = arith.constant 207 : i32
      %add3A_1638 = vector.broadcast %add3A_1637 : i32 to vector<16xi32>
      %add3A_1639 = arith.addi %mul3A_214, %add3A_1638 : vector<16xi32>
      %gather3A_1640 = tpu.vector_load_idx %arg8[%add3A_1639] : memref<28800xi32, #tpu.memory_space<vmem>>[vector<16xi32>], vector<16xi32>,
      %swap3A_1641 = arith.index_cast %add3A_1636 : i32 to index
      %swap3A_1642 = tpu.vector_load %arg10[%swap3A_1641] {strides = array<i32>} : memref<20480xi32, #tpu.memory_space<vmem>>, vector<16xi32>,
      tpu.vector_store %arg10[%swap3A_1641], %gather3A_1640 {strides = array<i32>} : memref<20480xi32, #tpu.memory_space<vmem>>, vector<16xi32>,
      %mul3A_1643 = arith.constant 16 : i32
      %mul3A_1644 = arith.muli %scan3A_207, %mul3A_1643 : i32
      %add3A_1645 = arith.constant 19456 : i32
      %add3A_1646 = arith.addi %add3A_1645, %mul3A_1644 : i32
      %add3A_1647 = arith.constant 208 : i32
      %add3A_1648 = vector.broadcast %add3A_1647 : i32 to vector<16xi32>
      %add3A_1649 = arith.addi %mul3A_214, %add3A_1648 : vector<16xi32>
      %gather3A_1650 = tpu.vector_load_idx %arg8[%add3A_1649] : memref<28800xi32, #tpu.memory_space<vmem>>[vector<16xi32>], vector<16xi32>,
      %swap3A_1651 = arith.index_cast %add3A_1646 : i32 to index
      %swap3A_1652 = tpu.vector_load %arg10[%swap3A_1651] {strides = array<i32>} : memref<20480xi32, #tpu.memory_space<vmem>>, vector<16xi32>,
      tpu.vector_store %arg10[%swap3A_1651], %gather3A_1650 {strides = array<i32>} : memref<20480xi32, #tpu.memory_space<vmem>>, vector<16xi32>,
      %mul3A_1653 = arith.constant 16 : i32
      %mul3A_1654 = arith.muli %scan3A_207, %mul3A_1653 : i32
      %add3A_1655 = arith.constant 19968 : i32
      %add3A_1656 = arith.addi %add3A_1655, %mul3A_1654 : i32
      %add3A_1657 = arith.constant 209 : i32
      %add3A_1658 = vector.broadcast %add3A_1657 : i32 to vector<16xi32>
      %add3A_1659 = arith.addi %mul3A_214, %add3A_1658 : vector<16xi32>
      %gather3A_1660 = tpu.vector_load_idx %arg8[%add3A_1659] : memref<28800xi32, #tpu.memory_space<vmem>>[vector<16xi32>], vector<16xi32>,
      %swap3A_1661 = arith.index_cast %add3A_1656 : i32 to index
      %swap3A_1662 = tpu.vector_load %arg10[%swap3A_1661] {strides = array<i32>} : memref<20480xi32, #tpu.memory_space<vmem>>, vector<16xi32>,
      tpu.vector_store %arg10[%swap3A_1661], %gather3A_1660 {strides = array<i32>} : memref<20480xi32, #tpu.memory_space<vmem>>, vector<16xi32>,
      %mul3A_1663 = arith.constant 16 : i32
      %mul3A_1664 = arith.muli %scan3A_207, %mul3A_1663 : i32
      %add3A_1665 = arith.constant 18048 : i32
      %add3A_1666 = arith.addi %add3A_1665, %mul3A_1664 : i32
      %add3A_1667 = arith.constant 210 : i32
      %add3A_1668 = vector.broadcast %add3A_1667 : i32 to vector<16xi32>
      %add3A_1669 = arith.addi %mul3A_214, %add3A_1668 : vector<16xi32>
      %gather3A_1670 = tpu.vector_load_idx %arg8[%add3A_1669] : memref<28800xi32, #tpu.memory_space<vmem>>[vector<16xi32>], vector<16xi32>,
      %swap3A_1671 = arith.index_cast %add3A_1666 : i32 to index
      %swap3A_1672 = tpu.vector_load %arg10[%swap3A_1671] {strides = array<i32>} : memref<20480xi32, #tpu.memory_space<vmem>>, vector<16xi32>,
      tpu.vector_store %arg10[%swap3A_1671], %gather3A_1670 {strides = array<i32>} : memref<20480xi32, #tpu.memory_space<vmem>>, vector<16xi32>,
      %mul3A_1673 = arith.constant 16 : i32
      %mul3A_1674 = arith.muli %scan3A_207, %mul3A_1673 : i32
      %add3A_1675 = arith.constant 18560 : i32
      %add3A_1676 = arith.addi %add3A_1675, %mul3A_1674 : i32
      %add3A_1677 = arith.constant 211 : i32
      %add3A_1678 = vector.broadcast %add3A_1677 : i32 to vector<16xi32>
      %add3A_1679 = arith.addi %mul3A_214, %add3A_1678 : vector<16xi32>
      %gather3A_1680 = tpu.vector_load_idx %arg8[%add3A_1679] : memref<28800xi32, #tpu.memory_space<vmem>>[vector<16xi32>], vector<16xi32>,
      %swap3A_1681 = arith.index_cast %add3A_1676 : i32 to index
      %swap3A_1682 = tpu.vector_load %arg10[%swap3A_1681] {strides = array<i32>} : memref<20480xi32, #tpu.memory_space<vmem>>, vector<16xi32>,
      tpu.vector_store %arg10[%swap3A_1681], %gather3A_1680 {strides = array<i32>} : memref<20480xi32, #tpu.memory_space<vmem>>, vector<16xi32>,
      %mul3A_1683 = arith.constant 16 : i32
      %mul3A_1684 = arith.muli %scan3A_207, %mul3A_1683 : i32
      %add3A_1685 = arith.constant 19072 : i32
      %add3A_1686 = arith.addi %add3A_1685, %mul3A_1684 : i32
      %add3A_1687 = arith.constant 212 : i32
      %add3A_1688 = vector.broadcast %add3A_1687 : i32 to vector<16xi32>
      %add3A_1689 = arith.addi %mul3A_214, %add3A_1688 : vector<16xi32>
      %gather3A_1690 = tpu.vector_load_idx %arg8[%add3A_1689] : memref<28800xi32, #tpu.memory_space<vmem>>[vector<16xi32>], vector<16xi32>,
      %swap3A_1691 = arith.index_cast %add3A_1686 : i32 to index
      %swap3A_1692 = tpu.vector_load %arg10[%swap3A_1691] {strides = array<i32>} : memref<20480xi32, #tpu.memory_space<vmem>>, vector<16xi32>,
      tpu.vector_store %arg10[%swap3A_1691], %gather3A_1690 {strides = array<i32>} : memref<20480xi32, #tpu.memory_space<vmem>>, vector<16xi32>,
      %mul3A_1693 = arith.constant 16 : i32
      %mul3A_1694 = arith.muli %scan3A_207, %mul3A_1693 : i32
      %add3A_1695 = arith.constant 19584 : i32
      %add3A_1696 = arith.addi %add3A_1695, %mul3A_1694 : i32
      %add3A_1697 = arith.constant 213 : i32
      %add3A_1698 = vector.broadcast %add3A_1697 : i32 to vector<16xi32>
      %add3A_1699 = arith.addi %mul3A_214, %add3A_1698 : vector<16xi32>
      %gather3A_1700 = tpu.vector_load_idx %arg8[%add3A_1699] : memref<28800xi32, #tpu.memory_space<vmem>>[vector<16xi32>], vector<16xi32>,
      %swap3A_1701 = arith.index_cast %add3A_1696 : i32 to index
      %swap3A_1702 = tpu.vector_load %arg10[%swap3A_1701] {strides = array<i32>} : memref<20480xi32, #tpu.memory_space<vmem>>, vector<16xi32>,
      tpu.vector_store %arg10[%swap3A_1701], %gather3A_1700 {strides = array<i32>} : memref<20480xi32, #tpu.memory_space<vmem>>, vector<16xi32>,
      %mul3A_1703 = arith.constant 16 : i32
      %mul3A_1704 = arith.muli %scan3A_207, %mul3A_1703 : i32
      %add3A_1705 = arith.constant 20096 : i32
      %add3A_1706 = arith.addi %add3A_1705, %mul3A_1704 : i32
      %add3A_1707 = arith.constant 214 : i32
      %add3A_1708 = vector.broadcast %add3A_1707 : i32 to vector<16xi32>
      %add3A_1709 = arith.addi %mul3A_214, %add3A_1708 : vector<16xi32>
      %gather3A_1710 = tpu.vector_load_idx %arg8[%add3A_1709] : memref<28800xi32, #tpu.memory_space<vmem>>[vector<16xi32>], vector<16xi32>,
      %swap3A_1711 = arith.index_cast %add3A_1706 : i32 to index
      %swap3A_1712 = tpu.vector_load %arg10[%swap3A_1711] {strides = array<i32>} : memref<20480xi32, #tpu.memory_space<vmem>>, vector<16xi32>,
      tpu.vector_store %arg10[%swap3A_1711], %gather3A_1710 {strides = array<i32>} : memref<20480xi32, #tpu.memory_space<vmem>>, vector<16xi32>,
      %mul3A_1713 = arith.constant 16 : i32
      %mul3A_1714 = arith.muli %scan3A_207, %mul3A_1713 : i32
      %add3A_1715 = arith.constant 18176 : i32
      %add3A_1716 = arith.addi %add3A_1715, %mul3A_1714 : i32
      %add3A_1717 = arith.constant 215 : i32
      %add3A_1718 = vector.broadcast %add3A_1717 : i32 to vector<16xi32>
      %add3A_1719 = arith.addi %mul3A_214, %add3A_1718 : vector<16xi32>
      %gather3A_1720 = tpu.vector_load_idx %arg8[%add3A_1719] : memref<28800xi32, #tpu.memory_space<vmem>>[vector<16xi32>], vector<16xi32>,
      %swap3A_1721 = arith.index_cast %add3A_1716 : i32 to index
      %swap3A_1722 = tpu.vector_load %arg10[%swap3A_1721] {strides = array<i32>} : memref<20480xi32, #tpu.memory_space<vmem>>, vector<16xi32>,
      tpu.vector_store %arg10[%swap3A_1721], %gather3A_1720 {strides = array<i32>} : memref<20480xi32, #tpu.memory_space<vmem>>, vector<16xi32>,
      %mul3A_1723 = arith.constant 16 : i32
      %mul3A_1724 = arith.muli %scan3A_207, %mul3A_1723 : i32
      %add3A_1725 = arith.constant 18688 : i32
      %add3A_1726 = arith.addi %add3A_1725, %mul3A_1724 : i32
      %add3A_1727 = arith.constant 216 : i32
      %add3A_1728 = vector.broadcast %add3A_1727 : i32 to vector<16xi32>
      %add3A_1729 = arith.addi %mul3A_214, %add3A_1728 : vector<16xi32>
      %gather3A_1730 = tpu.vector_load_idx %arg8[%add3A_1729] : memref<28800xi32, #tpu.memory_space<vmem>>[vector<16xi32>], vector<16xi32>,
      %swap3A_1731 = arith.index_cast %add3A_1726 : i32 to index
      %swap3A_1732 = tpu.vector_load %arg10[%swap3A_1731] {strides = array<i32>} : memref<20480xi32, #tpu.memory_space<vmem>>, vector<16xi32>,
      tpu.vector_store %arg10[%swap3A_1731], %gather3A_1730 {strides = array<i32>} : memref<20480xi32, #tpu.memory_space<vmem>>, vector<16xi32>,
      %mul3A_1733 = arith.constant 16 : i32
      %mul3A_1734 = arith.muli %scan3A_207, %mul3A_1733 : i32
      %add3A_1735 = arith.constant 19200 : i32
      %add3A_1736 = arith.addi %add3A_1735, %mul3A_1734 : i32
      %add3A_1737 = arith.constant 217 : i32
      %add3A_1738 = vector.broadcast %add3A_1737 : i32 to vector<16xi32>
      %add3A_1739 = arith.addi %mul3A_214, %add3A_1738 : vector<16xi32>
      %gather3A_1740 = tpu.vector_load_idx %arg8[%add3A_1739] : memref<28800xi32, #tpu.memory_space<vmem>>[vector<16xi32>], vector<16xi32>,
      %swap3A_1741 = arith.index_cast %add3A_1736 : i32 to index
      %swap3A_1742 = tpu.vector_load %arg10[%swap3A_1741] {strides = array<i32>} : memref<20480xi32, #tpu.memory_space<vmem>>, vector<16xi32>,
      tpu.vector_store %arg10[%swap3A_1741], %gather3A_1740 {strides = array<i32>} : memref<20480xi32, #tpu.memory_space<vmem>>, vector<16xi32>,
      %mul3A_1743 = arith.constant 16 : i32
      %mul3A_1744 = arith.muli %scan3A_207, %mul3A_1743 : i32
      %add3A_1745 = arith.constant 19712 : i32
      %add3A_1746 = arith.addi %add3A_1745, %mul3A_1744 : i32
      %add3A_1747 = arith.constant 218 : i32
      %add3A_1748 = vector.broadcast %add3A_1747 : i32 to vector<16xi32>
      %add3A_1749 = arith.addi %mul3A_214, %add3A_1748 : vector<16xi32>
      %gather3A_1750 = tpu.vector_load_idx %arg8[%add3A_1749] : memref<28800xi32, #tpu.memory_space<vmem>>[vector<16xi32>], vector<16xi32>,
      %swap3A_1751 = arith.index_cast %add3A_1746 : i32 to index
      %swap3A_1752 = tpu.vector_load %arg10[%swap3A_1751] {strides = array<i32>} : memref<20480xi32, #tpu.memory_space<vmem>>, vector<16xi32>,
      tpu.vector_store %arg10[%swap3A_1751], %gather3A_1750 {strides = array<i32>} : memref<20480xi32, #tpu.memory_space<vmem>>, vector<16xi32>,
      %mul3A_1753 = arith.constant 16 : i32
      %mul3A_1754 = arith.muli %scan3A_207, %mul3A_1753 : i32
      %add3A_1755 = arith.constant 20224 : i32
      %add3A_1756 = arith.addi %add3A_1755, %mul3A_1754 : i32
      %add3A_1757 = arith.constant 219 : i32
      %add3A_1758 = vector.broadcast %add3A_1757 : i32 to vector<16xi32>
      %add3A_1759 = arith.addi %mul3A_214, %add3A_1758 : vector<16xi32>
      %gather3A_1760 = tpu.vector_load_idx %arg8[%add3A_1759] : memref<28800xi32, #tpu.memory_space<vmem>>[vector<16xi32>], vector<16xi32>,
      %swap3A_1761 = arith.index_cast %add3A_1756 : i32 to index
      %swap3A_1762 = tpu.vector_load %arg10[%swap3A_1761] {strides = array<i32>} : memref<20480xi32, #tpu.memory_space<vmem>>, vector<16xi32>,
      tpu.vector_store %arg10[%swap3A_1761], %gather3A_1760 {strides = array<i32>} : memref<20480xi32, #tpu.memory_space<vmem>>, vector<16xi32>,
      %mul3A_1763 = arith.constant 16 : i32
      %mul3A_1764 = arith.muli %scan3A_207, %mul3A_1763 : i32
      %add3A_1765 = arith.constant 18304 : i32
      %add3A_1766 = arith.addi %add3A_1765, %mul3A_1764 : i32
      %add3A_1767 = arith.constant 220 : i32
      %add3A_1768 = vector.broadcast %add3A_1767 : i32 to vector<16xi32>
      %add3A_1769 = arith.addi %mul3A_214, %add3A_1768 : vector<16xi32>
      %gather3A_1770 = tpu.vector_load_idx %arg8[%add3A_1769] : memref<28800xi32, #tpu.memory_space<vmem>>[vector<16xi32>], vector<16xi32>,
      %swap3A_1771 = arith.index_cast %add3A_1766 : i32 to index
      %swap3A_1772 = tpu.vector_load %arg10[%swap3A_1771] {strides = array<i32>} : memref<20480xi32, #tpu.memory_space<vmem>>, vector<16xi32>,
      tpu.vector_store %arg10[%swap3A_1771], %gather3A_1770 {strides = array<i32>} : memref<20480xi32, #tpu.memory_space<vmem>>, vector<16xi32>,
      %mul3A_1773 = arith.constant 16 : i32
      %mul3A_1774 = arith.muli %scan3A_207, %mul3A_1773 : i32
      %add3A_1775 = arith.constant 18816 : i32
      %add3A_1776 = arith.addi %add3A_1775, %mul3A_1774 : i32
      %add3A_1777 = arith.constant 221 : i32
      %add3A_1778 = vector.broadcast %add3A_1777 : i32 to vector<16xi32>
      %add3A_1779 = arith.addi %mul3A_214, %add3A_1778 : vector<16xi32>
      %gather3A_1780 = tpu.vector_load_idx %arg8[%add3A_1779] : memref<28800xi32, #tpu.memory_space<vmem>>[vector<16xi32>], vector<16xi32>,
      %swap3A_1781 = arith.index_cast %add3A_1776 : i32 to index
      %swap3A_1782 = tpu.vector_load %arg10[%swap3A_1781] {strides = array<i32>} : memref<20480xi32, #tpu.memory_space<vmem>>, vector<16xi32>,
      tpu.vector_store %arg10[%swap3A_1781], %gather3A_1780 {strides = array<i32>} : memref<20480xi32, #tpu.memory_space<vmem>>, vector<16xi32>,
      %mul3A_1783 = arith.constant 16 : i32
      %mul3A_1784 = arith.muli %scan3A_207, %mul3A_1783 : i32
      %add3A_1785 = arith.constant 19328 : i32
      %add3A_1786 = arith.addi %add3A_1785, %mul3A_1784 : i32
      %add3A_1787 = arith.constant 222 : i32
      %add3A_1788 = vector.broadcast %add3A_1787 : i32 to vector<16xi32>
      %add3A_1789 = arith.addi %mul3A_214, %add3A_1788 : vector<16xi32>
      %gather3A_1790 = tpu.vector_load_idx %arg8[%add3A_1789] : memref<28800xi32, #tpu.memory_space<vmem>>[vector<16xi32>], vector<16xi32>,
      %swap3A_1791 = arith.index_cast %add3A_1786 : i32 to index
      %swap3A_1792 = tpu.vector_load %arg10[%swap3A_1791] {strides = array<i32>} : memref<20480xi32, #tpu.memory_space<vmem>>, vector<16xi32>,
      tpu.vector_store %arg10[%swap3A_1791], %gather3A_1790 {strides = array<i32>} : memref<20480xi32, #tpu.memory_space<vmem>>, vector<16xi32>,
      %mul3A_1793 = arith.constant 16 : i32
      %mul3A_1794 = arith.muli %scan3A_207, %mul3A_1793 : i32
      %add3A_1795 = arith.constant 19840 : i32
      %add3A_1796 = arith.addi %add3A_1795, %mul3A_1794 : i32
      %add3A_1797 = arith.constant 223 : i32
      %add3A_1798 = vector.broadcast %add3A_1797 : i32 to vector<16xi32>
      %add3A_1799 = arith.addi %mul3A_214, %add3A_1798 : vector<16xi32>
      %gather3A_1800 = tpu.vector_load_idx %arg8[%add3A_1799] : memref<28800xi32, #tpu.memory_space<vmem>>[vector<16xi32>], vector<16xi32>,
      %swap3A_1801 = arith.index_cast %add3A_1796 : i32 to index
      %swap3A_1802 = tpu.vector_load %arg10[%swap3A_1801] {strides = array<i32>} : memref<20480xi32, #tpu.memory_space<vmem>>, vector<16xi32>,
      tpu.vector_store %arg10[%swap3A_1801], %gather3A_1800 {strides = array<i32>} : memref<20480xi32, #tpu.memory_space<vmem>>, vector<16xi32>,
      %mul3A_1803 = arith.constant 16 : i32
      %mul3A_1804 = arith.muli %scan3A_207, %mul3A_1803 : i32
      %add3A_1805 = arith.constant 20352 : i32
      %add3A_1806 = arith.addi %add3A_1805, %mul3A_1804 : i32
      %add3A_1807 = arith.constant 224 : i32
      %add3A_1808 = vector.broadcast %add3A_1807 : i32 to vector<16xi32>
      %add3A_1809 = arith.addi %mul3A_214, %add3A_1808 : vector<16xi32>
      %gather3A_1810 = tpu.vector_load_idx %arg8[%add3A_1809] : memref<28800xi32, #tpu.memory_space<vmem>>[vector<16xi32>], vector<16xi32>,
      %swap3A_1811 = arith.index_cast %add3A_1806 : i32 to index
      %swap3A_1812 = tpu.vector_load %arg10[%swap3A_1811] {strides = array<i32>} : memref<20480xi32, #tpu.memory_space<vmem>>, vector<16xi32>,
      tpu.vector_store %arg10[%swap3A_1811], %gather3A_1810 {strides = array<i32>} : memref<20480xi32, #tpu.memory_space<vmem>>, vector<16xi32>,
    }
    %scan3A_15 = arith.constant 8 : i32
    %mul3A_16 = arith.constant 640 : i32
    %mul3A_17 = arith.muli %add3A, %mul3A_16 : i32
    %mul3A_18 = arith.constant 30 : i32
    %mul3A_19 = arith.muli %mul3A_17, %mul3A_18 : i32
    %mul3A_20 = arith.constant 640 : i32
    %mul3A_21 = arith.muli %add3A, %mul3A_20 : i32
    %mul3A_22 = arith.constant 5 : i32
    %mul3A_23 = arith.muli %mul3A_21, %mul3A_22 : i32
    %scan3A_24 = arith.constant 0 : i32
    %scan3A_25 = arith.constant 0 : i32
    %scan3A_26 = arith.constant 5 : i32
    %scan3A_27 = arith.addi %scan3A_25, %scan3A_26 : i32
    %scan3A_28 = arith.constant 1 : i32
    scf.for %scan3A_207 = %scan3A_25 to %scan3A_27 step %scan3A_28  : i32 {
      %mul3A_208 = arith.constant 128 : i32
      %mul3A_209 = arith.muli %scan3A_207, %mul3A_208 : i32
      %dma_start3A_210 = arith.constant 0 : i32
      %dma_start3A_211 = arith.constant 0 : i32
      %dma_start3A_212 = tpu.memref_slice %arg11[%dma_start3A_210, %dma_start3A_211] : memref<256x48xi32, #tpu.memory_space<vmem>> -> memref<128x48xi32, #tpu.memory_space<vmem>>
      %dma_start3A_213 = tpu.memref_slice %arg9[%mul3A_209] : memref<656xi32, #tpu.memory_space<vmem>> -> memref<128xi32, #tpu.memory_space<vmem>>
      %dma_start3A_214 = arith.constant 0 : i32
      %dma_start3A_215 = arith.constant 0 : i32
      %dma_start3A_216 = tpu.memref_slice %arg3[%dma_start3A_214, %dma_start3A_215] : memref<100000x48xi32, #tpu.memory_space<hbm>> -> memref<100000x48xi32, #tpu.memory_space<hbm>>
      tpu.enqueue_indirect_dma source(%dma_start3A_216 : memref<100000x48xi32, #tpu.memory_space<hbm>>) target(%dma_start3A_212 : memref<128x48xi32, #tpu.memory_space<vmem>>) offsets(%dma_start3A_213 : memref<128xi32, #tpu.memory_space<vmem>>) semaphore(%arg19 : memref<!tpu.dma_semaphore, #tpu.memory_space<semaphore_mem>>)
      %dma_wait3A_217 = arith.constant 0 : i32
      %dma_wait3A_218 = arith.constant 0 : i32
      %dma_wait3A_219 = tpu.memref_slice %arg11[%dma_wait3A_217, %dma_wait3A_218] : memref<256x48xi32, #tpu.memory_space<vmem>> -> memref<128x48xi32, #tpu.memory_space<vmem>>
      %dma_wait3A_220 = tpu.memref_slice %arg9[%mul3A_209] : memref<656xi32, #tpu.memory_space<vmem>> -> memref<128xi32, #tpu.memory_space<vmem>>
      %dma_wait3A_221 = arith.constant 0 : i32
      %dma_wait3A_222 = arith.constant 0 : i32
      %dma_wait3A_223 = tpu.memref_slice %arg3[%dma_wait3A_221, %dma_wait3A_222] : memref<100000x48xi32, #tpu.memory_space<hbm>> -> memref<100000x48xi32, #tpu.memory_space<hbm>>
      tpu.wait_indirect_dma semaphore(%arg19 : memref<!tpu.dma_semaphore, #tpu.memory_space<semaphore_mem>>) src(%dma_wait3A_223 : memref<100000x48xi32, #tpu.memory_space<hbm>>) dst(%dma_wait3A_219 : memref<128x48xi32, #tpu.memory_space<vmem>>)
      %scan3A_224 = arith.constant 0 : i32
      %scan3A_225 = arith.constant 0 : i32
      %scan3A_226 = arith.constant 128 : i32
      %scan3A_227 = arith.addi %scan3A_225, %scan3A_226 : i32
      %scan3A_228 = arith.constant 1 : i32
      scf.for %scan3A_236 = %scan3A_225 to %scan3A_227 step %scan3A_228  : i32 {
        %get3A = arith.index_cast %scan3A_236 : i32 to index
        %get3A_237 = arith.constant 0 : index
        %get3A_238 = tpu.vector_load %arg11[%get3A, %get3A_237] {strides = array<i32>} : memref<256x48xi32, #tpu.memory_space<vmem>>, vector<16xi32>,
        %mul3A_239 = arith.constant 30 : i32
        %mul3A_240 = arith.muli %scan3A_236, %mul3A_239 : i32
        %swap3A = arith.index_cast %mul3A_240 : i32 to index
        %swap3A_241 = tpu.vector_load %arg17[%swap3A] {strides = array<i32>} : memref<3840xi32, #tpu.memory_space<vmem>>, vector<16xi32>,
        tpu.vector_store %arg17[%swap3A], %get3A_238 {strides = array<i32>} : memref<3840xi32, #tpu.memory_space<vmem>>, vector<16xi32>,
        %get3A_242 = arith.index_cast %scan3A_236 : i32 to index
        %get3A_243 = arith.constant 14 : index
        %get3A_244 = tpu.vector_load %arg11[%get3A_242, %get3A_243] {strides = array<i32>} : memref<256x48xi32, #tpu.memory_space<vmem>>, vector<16xi32>,
        %mul3A_245 = arith.constant 30 : i32
        %mul3A_246 = arith.muli %scan3A_236, %mul3A_245 : i32
        %add3A_247 = arith.constant 14 : i32
        %add3A_248 = arith.addi %mul3A_246, %add3A_247 : i32
        %swap3A_249 = arith.index_cast %add3A_248 : i32 to index
        %swap3A_250 = tpu.vector_load %arg17[%swap3A_249] {strides = array<i32>} : memref<3840xi32, #tpu.memory_space<vmem>>, vector<16xi32>,
        tpu.vector_store %arg17[%swap3A_249], %get3A_244 {strides = array<i32>} : memref<3840xi32, #tpu.memory_space<vmem>>, vector<16xi32>,
        %get3A_251 = arith.index_cast %scan3A_236 : i32 to index
        %get3A_252 = arith.constant 30 : index
        %get3A_253 = tpu.vector_load %arg11[%get3A_251, %get3A_252] {strides = array<i32>} : memref<256x48xi32, #tpu.memory_space<vmem>>, vector<16xi32>,
        %mul3A_254 = arith.constant 5 : i32
        %mul3A_255 = arith.muli %scan3A_236, %mul3A_254 : i32
        %swap3A_256 = arith.index_cast %mul3A_255 : i32 to index
        %swap3A_257 = tpu.vector_load %arg18[%swap3A_256] {strides = array<i32>} : memref<656xi32, #tpu.memory_space<vmem>>, vector<16xi32>,
        tpu.vector_store %arg18[%swap3A_256], %get3A_253 {strides = array<i32>} : memref<656xi32, #tpu.memory_space<vmem>>, vector<16xi32>,
      }
      %scan3A_229 = arith.constant 128 : i32
      %mul3A_230 = arith.constant 3840 : i32
      %mul3A_231 = arith.muli %scan3A_207, %mul3A_230 : i32
      %add3A_232 = arith.addi %mul3A_19, %mul3A_231 : i32
      "tpu.region"() ({
        %run_scoped3A = tpu.sem_alloc : memref<!tpu.dma_semaphore, #tpu.memory_space<semaphore_mem>>
        %dma_start3A_236 = tpu.memref_slice %arg4[%add3A_232] : memref<614400xi32, #tpu.memory_space<hbm>> -> memref<3840xi32, #tpu.memory_space<hbm>>
        %dma_start3A_237 = tpu.memref_slice %arg4[%add3A_232] : memref<614400xi32, #tpu.memory_space<hbm>> -> memref<3840xi32, #tpu.memory_space<hbm>>
        tpu.enqueue_dma source(%arg17 : memref<3840xi32, #tpu.memory_space<vmem>>) target(%dma_start3A_237 : memref<3840xi32, #tpu.memory_space<hbm>>) target_semaphore(%run_scoped3A : memref<!tpu.dma_semaphore, #tpu.memory_space<semaphore_mem>>)
        %dma_wait3A_238 = tpu.memref_slice %arg4[%add3A_232] : memref<614400xi32, #tpu.memory_space<hbm>> -> memref<3840xi32, #tpu.memory_space<hbm>>
        %dma_wait3A_239 = tpu.memref_slice %arg4[%add3A_232] : memref<614400xi32, #tpu.memory_space<hbm>> -> memref<3840xi32, #tpu.memory_space<hbm>>
        tpu.wait_dma2 semaphore(%run_scoped3A : memref<!tpu.dma_semaphore, #tpu.memory_space<semaphore_mem>>) src(%arg17 : memref<3840xi32, #tpu.memory_space<vmem>>) dst(%dma_wait3A_239 : memref<3840xi32, #tpu.memory_space<hbm>>)
        tpu.yield
      }) : () -> ()
      %mul3A_233 = arith.constant 640 : i32
      %mul3A_234 = arith.muli %scan3A_207, %mul3A_233 : i32
      %add3A_235 = arith.addi %mul3A_23, %mul3A_234 : i32
      "tpu.region"() ({
        %run_scoped3A = tpu.sem_alloc : memref<!tpu.dma_semaphore, #tpu.memory_space<semaphore_mem>>
        %dma_start3A_236 = arith.constant 0 : i32
        %dma_start3A_237 = tpu.memref_slice %arg18[%dma_start3A_236] : memref<656xi32, #tpu.memory_space<vmem>> -> memref<640xi32, #tpu.memory_space<vmem>>
        %dma_start3A_238 = tpu.memref_slice %arg5[%add3A_235] : memref<102400xi32, #tpu.memory_space<hbm>> -> memref<640xi32, #tpu.memory_space<hbm>>
        %dma_start3A_239 = tpu.memref_slice %arg5[%add3A_235] : memref<102400xi32, #tpu.memory_space<hbm>> -> memref<640xi32, #tpu.memory_space<hbm>>
        %dma_start3A_240 = arith.constant 0 : i32
        %dma_start3A_241 = tpu.memref_slice %arg18[%dma_start3A_240] : memref<656xi32, #tpu.memory_space<vmem>> -> memref<640xi32, #tpu.memory_space<vmem>>
        tpu.enqueue_dma source(%dma_start3A_241 : memref<640xi32, #tpu.memory_space<vmem>>) target(%dma_start3A_239 : memref<640xi32, #tpu.memory_space<hbm>>) target_semaphore(%run_scoped3A : memref<!tpu.dma_semaphore, #tpu.memory_space<semaphore_mem>>)
        %dma_wait3A_242 = arith.constant 0 : i32
        %dma_wait3A_243 = tpu.memref_slice %arg18[%dma_wait3A_242] : memref<656xi32, #tpu.memory_space<vmem>> -> memref<640xi32, #tpu.memory_space<vmem>>
        %dma_wait3A_244 = tpu.memref_slice %arg5[%add3A_235] : memref<102400xi32, #tpu.memory_space<hbm>> -> memref<640xi32, #tpu.memory_space<hbm>>
        %dma_wait3A_245 = tpu.memref_slice %arg5[%add3A_235] : memref<102400xi32, #tpu.memory_space<hbm>> -> memref<640xi32, #tpu.memory_space<hbm>>
        %dma_wait3A_246 = arith.constant 0 : i32
        %dma_wait3A_247 = tpu.memref_slice %arg18[%dma_wait3A_246] : memref<656xi32, #tpu.memory_space<vmem>> -> memref<640xi32, #tpu.memory_space<vmem>>
        tpu.wait_dma2 semaphore(%run_scoped3A : memref<!tpu.dma_semaphore, #tpu.memory_space<semaphore_mem>>) src(%dma_wait3A_247 : memref<640xi32, #tpu.memory_space<vmem>>) dst(%dma_wait3A_245 : memref<640xi32, #tpu.memory_space<hbm>>)
        tpu.yield
      }) : () -> ()
    }
    %scan3A_29 = arith.constant 5 : i32
    %min3A = arith.constant 0 : i32
    %min3A_30 = arith.constant 79 : i32
    %min3A_31 = arith.minsi %min3A, %min3A_30 : i32
    %mul3A_32 = arith.constant 256 : i32
    %mul3A_33 = arith.muli %min3A_31, %mul3A_32 : i32
    %dma_start3A = arith.constant 0 : i32
    %dma_start3A_34 = arith.constant 0 : i32
    %dma_start3A_35 = tpu.memref_slice %arg11[%dma_start3A, %dma_start3A_34] : memref<256x48xi32, #tpu.memory_space<vmem>> -> memref<128x48xi32, #tpu.memory_space<vmem>>
    %dma_start3A_36 = tpu.memref_slice %arg10[%mul3A_33] : memref<20480xi32, #tpu.memory_space<vmem>> -> memref<128xi32, #tpu.memory_space<vmem>>
    %dma_start3A_37 = arith.constant 0 : i32
    %dma_start3A_38 = arith.constant 0 : i32
    %dma_start3A_39 = tpu.memref_slice %arg3[%dma_start3A_37, %dma_start3A_38] : memref<100000x48xi32, #tpu.memory_space<hbm>> -> memref<100000x48xi32, #tpu.memory_space<hbm>>
    tpu.enqueue_indirect_dma source(%dma_start3A_39 : memref<100000x48xi32, #tpu.memory_space<hbm>>) target(%dma_start3A_35 : memref<128x48xi32, #tpu.memory_space<vmem>>) offsets(%dma_start3A_36 : memref<128xi32, #tpu.memory_space<vmem>>) semaphore(%arg19 : memref<!tpu.dma_semaphore, #tpu.memory_space<semaphore_mem>>)
    %add3A_40 = arith.constant 128 : i32
    %add3A_41 = arith.addi %mul3A_33, %add3A_40 : i32
    %dma_start3A_42 = arith.constant 128 : i32
    %dma_start3A_43 = arith.constant 0 : i32
    %dma_start3A_44 = tpu.memref_slice %arg11[%dma_start3A_42, %dma_start3A_43] : memref<256x48xi32, #tpu.memory_space<vmem>> -> memref<128x48xi32, #tpu.memory_space<vmem>>
    %dma_start3A_45 = tpu.memref_slice %arg10[%add3A_41] : memref<20480xi32, #tpu.memory_space<vmem>> -> memref<128xi32, #tpu.memory_space<vmem>>
    %dma_start3A_46 = arith.constant 0 : i32
    %dma_start3A_47 = arith.constant 0 : i32
    %dma_start3A_48 = tpu.memref_slice %arg3[%dma_start3A_46, %dma_start3A_47] : memref<100000x48xi32, #tpu.memory_space<hbm>> -> memref<100000x48xi32, #tpu.memory_space<hbm>>
    tpu.enqueue_indirect_dma source(%dma_start3A_48 : memref<100000x48xi32, #tpu.memory_space<hbm>>) target(%dma_start3A_44 : memref<128x48xi32, #tpu.memory_space<vmem>>) offsets(%dma_start3A_45 : memref<128xi32, #tpu.memory_space<vmem>>) semaphore(%arg19 : memref<!tpu.dma_semaphore, #tpu.memory_space<semaphore_mem>>)
    %dma_start3A_49 = arith.constant 0 : i32
    %dma_start3A_50 = arith.constant 0 : i32
    %dma_start3A_51 = arith.constant 0 : i32
    %dma_start3A_52 = tpu.memref_slice %arg13[%dma_start3A_50, %dma_start3A_51] : memref<30x257xi32, #tpu.memory_space<vmem>> -> memref<30x256xi32, #tpu.memory_space<vmem>>
    %dma_start3A_53 = arith.constant 0 : i32
    %dma_start3A_54 = arith.constant 0 : i32
    %dma_start3A_55 = tpu.memref_slice %arg6[%dma_start3A_53, %add3A, %dma_start3A_49, %dma_start3A_54] : memref<1200x32x2x256xi32, #tpu.memory_space<hbm>> -> memref<30x1x1x256xi32, #tpu.memory_space<hbm>>
    %dma_start3A_56 = tpu.memref_squeeze %dma_start3A_55 : memref<30x1x1x256xi32, #tpu.memory_space<hbm>> -> memref<30x256xi32, #tpu.memory_space<hbm>>
    %dma_start3A_57 = arith.constant 0 : i32
    %dma_start3A_58 = arith.constant 0 : i32
    %dma_start3A_59 = tpu.memref_slice %arg6[%dma_start3A_57, %add3A, %dma_start3A_49, %dma_start3A_58] : memref<1200x32x2x256xi32, #tpu.memory_space<hbm>> -> memref<30x1x1x256xi32, #tpu.memory_space<hbm>>
    %dma_start3A_60 = tpu.memref_squeeze %dma_start3A_59 : memref<30x1x1x256xi32, #tpu.memory_space<hbm>> -> memref<30x256xi32, #tpu.memory_space<hbm>>
    %dma_start3A_61 = arith.constant 0 : i32
    %dma_start3A_62 = arith.constant 0 : i32
    %dma_start3A_63 = tpu.memref_slice %arg13[%dma_start3A_61, %dma_start3A_62] : memref<30x257xi32, #tpu.memory_space<vmem>> -> memref<30x256xi32, #tpu.memory_space<vmem>>
    tpu.enqueue_dma source(%dma_start3A_63 : memref<30x256xi32, #tpu.memory_space<vmem>>) target(%dma_start3A_60 : memref<30x256xi32, #tpu.memory_space<hbm>>) target_semaphore(%arg21 : memref<!tpu.dma_semaphore, #tpu.memory_space<semaphore_mem>>)
    %dma_start3A_64 = arith.constant 0 : i32
    %dma_start3A_65 = arith.constant 0 : i32
    %dma_start3A_66 = arith.constant 0 : i32
    %dma_start3A_67 = tpu.memref_slice %arg15[%dma_start3A_65, %dma_start3A_66] : memref<5x257xi32, #tpu.memory_space<vmem>> -> memref<5x256xi32, #tpu.memory_space<vmem>>
    %dma_start3A_68 = arith.constant 0 : i32
    %dma_start3A_69 = arith.constant 0 : i32
    %dma_start3A_70 = tpu.memref_slice %arg7[%dma_start3A_68, %add3A, %dma_start3A_64, %dma_start3A_69] : memref<200x32x2x256xi32, #tpu.memory_space<hbm>> -> memref<5x1x1x256xi32, #tpu.memory_space<hbm>>
    %dma_start3A_71 = tpu.memref_squeeze %dma_start3A_70 : memref<5x1x1x256xi32, #tpu.memory_space<hbm>> -> memref<5x256xi32, #tpu.memory_space<hbm>>
    %dma_start3A_72 = arith.constant 0 : i32
    %dma_start3A_73 = arith.constant 0 : i32
    %dma_start3A_74 = tpu.memref_slice %arg7[%dma_start3A_72, %add3A, %dma_start3A_64, %dma_start3A_73] : memref<200x32x2x256xi32, #tpu.memory_space<hbm>> -> memref<5x1x1x256xi32, #tpu.memory_space<hbm>>
    %dma_start3A_75 = tpu.memref_squeeze %dma_start3A_74 : memref<5x1x1x256xi32, #tpu.memory_space<hbm>> -> memref<5x256xi32, #tpu.memory_space<hbm>>
    %dma_start3A_76 = arith.constant 0 : i32
    %dma_start3A_77 = arith.constant 0 : i32
    %dma_start3A_78 = tpu.memref_slice %arg15[%dma_start3A_76, %dma_start3A_77] : memref<5x257xi32, #tpu.memory_space<vmem>> -> memref<5x256xi32, #tpu.memory_space<vmem>>
    tpu.enqueue_dma source(%dma_start3A_78 : memref<5x256xi32, #tpu.memory_space<vmem>>) target(%dma_start3A_75 : memref<5x256xi32, #tpu.memory_space<hbm>>) target_semaphore(%arg21 : memref<!tpu.dma_semaphore, #tpu.memory_space<semaphore_mem>>)
    %min3A_79 = arith.constant 1 : i32
    %min3A_80 = arith.constant 79 : i32
    %min3A_81 = arith.minsi %min3A_79, %min3A_80 : i32
    %mul3A_82 = arith.constant 256 : i32
    %mul3A_83 = arith.muli %min3A_81, %mul3A_82 : i32
    %dma_start3A_84 = arith.constant 0 : i32
    %dma_start3A_85 = arith.constant 0 : i32
    %dma_start3A_86 = tpu.memref_slice %arg12[%dma_start3A_84, %dma_start3A_85] : memref<256x48xi32, #tpu.memory_space<vmem>> -> memref<128x48xi32, #tpu.memory_space<vmem>>
    %dma_start3A_87 = tpu.memref_slice %arg10[%mul3A_83] : memref<20480xi32, #tpu.memory_space<vmem>> -> memref<128xi32, #tpu.memory_space<vmem>>
    %dma_start3A_88 = arith.constant 0 : i32
    %dma_start3A_89 = arith.constant 0 : i32
    %dma_start3A_90 = tpu.memref_slice %arg3[%dma_start3A_88, %dma_start3A_89] : memref<100000x48xi32, #tpu.memory_space<hbm>> -> memref<100000x48xi32, #tpu.memory_space<hbm>>
    tpu.enqueue_indirect_dma source(%dma_start3A_90 : memref<100000x48xi32, #tpu.memory_space<hbm>>) target(%dma_start3A_86 : memref<128x48xi32, #tpu.memory_space<vmem>>) offsets(%dma_start3A_87 : memref<128xi32, #tpu.memory_space<vmem>>) semaphore(%arg20 : memref<!tpu.dma_semaphore, #tpu.memory_space<semaphore_mem>>)
    %add3A_91 = arith.constant 128 : i32
    %add3A_92 = arith.addi %mul3A_83, %add3A_91 : i32
    %dma_start3A_93 = arith.constant 128 : i32
    %dma_start3A_94 = arith.constant 0 : i32
    %dma_start3A_95 = tpu.memref_slice %arg12[%dma_start3A_93, %dma_start3A_94] : memref<256x48xi32, #tpu.memory_space<vmem>> -> memref<128x48xi32, #tpu.memory_space<vmem>>
    %dma_start3A_96 = tpu.memref_slice %arg10[%add3A_92] : memref<20480xi32, #tpu.memory_space<vmem>> -> memref<128xi32, #tpu.memory_space<vmem>>
    %dma_start3A_97 = arith.constant 0 : i32
    %dma_start3A_98 = arith.constant 0 : i32
    %dma_start3A_99 = tpu.memref_slice %arg3[%dma_start3A_97, %dma_start3A_98] : memref<100000x48xi32, #tpu.memory_space<hbm>> -> memref<100000x48xi32, #tpu.memory_space<hbm>>
    tpu.enqueue_indirect_dma source(%dma_start3A_99 : memref<100000x48xi32, #tpu.memory_space<hbm>>) target(%dma_start3A_95 : memref<128x48xi32, #tpu.memory_space<vmem>>) offsets(%dma_start3A_96 : memref<128xi32, #tpu.memory_space<vmem>>) semaphore(%arg20 : memref<!tpu.dma_semaphore, #tpu.memory_space<semaphore_mem>>)
    %dma_start3A_100 = arith.constant 1 : i32
    %dma_start3A_101 = arith.constant 0 : i32
    %dma_start3A_102 = arith.constant 0 : i32
    %dma_start3A_103 = tpu.memref_slice %arg14[%dma_start3A_101, %dma_start3A_102] : memref<30x257xi32, #tpu.memory_space<vmem>> -> memref<30x256xi32, #tpu.memory_space<vmem>>
    %dma_start3A_104 = arith.constant 0 : i32
    %dma_start3A_105 = arith.constant 0 : i32
    %dma_start3A_106 = tpu.memref_slice %arg6[%dma_start3A_104, %add3A, %dma_start3A_100, %dma_start3A_105] : memref<1200x32x2x256xi32, #tpu.memory_space<hbm>> -> memref<30x1x1x256xi32, #tpu.memory_space<hbm>>
    %dma_start3A_107 = tpu.memref_squeeze %dma_start3A_106 : memref<30x1x1x256xi32, #tpu.memory_space<hbm>> -> memref<30x256xi32, #tpu.memory_space<hbm>>
    %dma_start3A_108 = arith.constant 0 : i32
    %dma_start3A_109 = arith.constant 0 : i32
    %dma_start3A_110 = tpu.memref_slice %arg6[%dma_start3A_108, %add3A, %dma_start3A_100, %dma_start3A_109] : memref<1200x32x2x256xi32, #tpu.memory_space<hbm>> -> memref<30x1x1x256xi32, #tpu.memory_space<hbm>>
    %dma_start3A_111 = tpu.memref_squeeze %dma_start3A_110 : memref<30x1x1x256xi32, #tpu.memory_space<hbm>> -> memref<30x256xi32, #tpu.memory_space<hbm>>
    %dma_start3A_112 = arith.constant 0 : i32
    %dma_start3A_113 = arith.constant 0 : i32
    %dma_start3A_114 = tpu.memref_slice %arg14[%dma_start3A_112, %dma_start3A_113] : memref<30x257xi32, #tpu.memory_space<vmem>> -> memref<30x256xi32, #tpu.memory_space<vmem>>
    tpu.enqueue_dma source(%dma_start3A_114 : memref<30x256xi32, #tpu.memory_space<vmem>>) target(%dma_start3A_111 : memref<30x256xi32, #tpu.memory_space<hbm>>) target_semaphore(%arg22 : memref<!tpu.dma_semaphore, #tpu.memory_space<semaphore_mem>>)
    %dma_start3A_115 = arith.constant 1 : i32
    %dma_start3A_116 = arith.constant 0 : i32
    %dma_start3A_117 = arith.constant 0 : i32
    %dma_start3A_118 = tpu.memref_slice %arg16[%dma_start3A_116, %dma_start3A_117] : memref<5x257xi32, #tpu.memory_space<vmem>> -> memref<5x256xi32, #tpu.memory_space<vmem>>
    %dma_start3A_119 = arith.constant 0 : i32
    %dma_start3A_120 = arith.constant 0 : i32
    %dma_start3A_121 = tpu.memref_slice %arg7[%dma_start3A_119, %add3A, %dma_start3A_115, %dma_start3A_120] : memref<200x32x2x256xi32, #tpu.memory_space<hbm>> -> memref<5x1x1x256xi32, #tpu.memory_space<hbm>>
    %dma_start3A_122 = tpu.memref_squeeze %dma_start3A_121 : memref<5x1x1x256xi32, #tpu.memory_space<hbm>> -> memref<5x256xi32, #tpu.memory_space<hbm>>
    %dma_start3A_123 = arith.constant 0 : i32
    %dma_start3A_124 = arith.constant 0 : i32
    %dma_start3A_125 = tpu.memref_slice %arg7[%dma_start3A_123, %add3A, %dma_start3A_115, %dma_start3A_124] : memref<200x32x2x256xi32, #tpu.memory_space<hbm>> -> memref<5x1x1x256xi32, #tpu.memory_space<hbm>>
    %dma_start3A_126 = tpu.memref_squeeze %dma_start3A_125 : memref<5x1x1x256xi32, #tpu.memory_space<hbm>> -> memref<5x256xi32, #tpu.memory_space<hbm>>
    %dma_start3A_127 = arith.constant 0 : i32
    %dma_start3A_128 = arith.constant 0 : i32
    %dma_start3A_129 = tpu.memref_slice %arg16[%dma_start3A_127, %dma_start3A_128] : memref<5x257xi32, #tpu.memory_space<vmem>> -> memref<5x256xi32, #tpu.memory_space<vmem>>
    tpu.enqueue_dma source(%dma_start3A_129 : memref<5x256xi32, #tpu.memory_space<vmem>>) target(%dma_start3A_126 : memref<5x256xi32, #tpu.memory_space<hbm>>) target_semaphore(%arg22 : memref<!tpu.dma_semaphore, #tpu.memory_space<semaphore_mem>>)
    %scan3A_130 = arith.constant 0 : i32
    %scan3A_131 = arith.constant 0 : i32
    %scan3A_132 = arith.constant 40 : i32
    %scan3A_133 = arith.addi %scan3A_131, %scan3A_132 : i32
    %scan3A_134 = arith.constant 1 : i32
    scf.for %scan3A_207 = %scan3A_131 to %scan3A_133 step %scan3A_134  : i32 {
      %mul3A_208 = arith.constant 2 : i32
      %mul3A_209 = arith.muli %mul3A_208, %scan3A_207 : i32
      %add3A_210 = arith.constant 0 : i32
      %add3A_211 = arith.addi %mul3A_209, %add3A_210 : i32
      %dma_wait3A_212 = arith.constant 0 : i32
      %dma_wait3A_213 = arith.constant 0 : i32
      %dma_wait3A_214 = arith.constant 0 : i32
      %dma_wait3A_215 = tpu.memref_slice %arg13[%dma_wait3A_213, %dma_wait3A_214] : memref<30x257xi32, #tpu.memory_space<vmem>> -> memref<30x256xi32, #tpu.memory_space<vmem>>
      %dma_wait3A_216 = arith.constant 0 : i32
      %dma_wait3A_217 = arith.constant 0 : i32
      %dma_wait3A_218 = tpu.memref_slice %arg6[%dma_wait3A_216, %add3A, %dma_wait3A_212, %dma_wait3A_217] : memref<1200x32x2x256xi32, #tpu.memory_space<hbm>> -> memref<30x1x1x256xi32, #tpu.memory_space<hbm>>
      %dma_wait3A_219 = tpu.memref_squeeze %dma_wait3A_218 : memref<30x1x1x256xi32, #tpu.memory_space<hbm>> -> memref<30x256xi32, #tpu.memory_space<hbm>>
      %dma_wait3A_220 = arith.constant 0 : i32
      %dma_wait3A_221 = arith.constant 0 : i32
      %dma_wait3A_222 = tpu.memref_slice %arg6[%dma_wait3A_220, %add3A, %dma_wait3A_212, %dma_wait3A_221] : memref<1200x32x2x256xi32, #tpu.memory_space<hbm>> -> memref<30x1x1x256xi32, #tpu.memory_space<hbm>>
      %dma_wait3A_223 = tpu.memref_squeeze %dma_wait3A_222 : memref<30x1x1x256xi32, #tpu.memory_space<hbm>> -> memref<30x256xi32, #tpu.memory_space<hbm>>
      %dma_wait3A_224 = arith.constant 0 : i32
      %dma_wait3A_225 = arith.constant 0 : i32
      %dma_wait3A_226 = tpu.memref_slice %arg13[%dma_wait3A_224, %dma_wait3A_225] : memref<30x257xi32, #tpu.memory_space<vmem>> -> memref<30x256xi32, #tpu.memory_space<vmem>>
      tpu.wait_dma2 semaphore(%arg21 : memref<!tpu.dma_semaphore, #tpu.memory_space<semaphore_mem>>) src(%dma_wait3A_226 : memref<30x256xi32, #tpu.memory_space<vmem>>) dst(%dma_wait3A_223 : memref<30x256xi32, #tpu.memory_space<hbm>>)
      %dma_wait3A_227 = arith.constant 0 : i32
      %dma_wait3A_228 = arith.constant 0 : i32
      %dma_wait3A_229 = arith.constant 0 : i32
      %dma_wait3A_230 = tpu.memref_slice %arg15[%dma_wait3A_228, %dma_wait3A_229] : memref<5x257xi32, #tpu.memory_space<vmem>> -> memref<5x256xi32, #tpu.memory_space<vmem>>
      %dma_wait3A_231 = arith.constant 0 : i32
      %dma_wait3A_232 = arith.constant 0 : i32
      %dma_wait3A_233 = tpu.memref_slice %arg7[%dma_wait3A_231, %add3A, %dma_wait3A_227, %dma_wait3A_232] : memref<200x32x2x256xi32, #tpu.memory_space<hbm>> -> memref<5x1x1x256xi32, #tpu.memory_space<hbm>>
      %dma_wait3A_234 = tpu.memref_squeeze %dma_wait3A_233 : memref<5x1x1x256xi32, #tpu.memory_space<hbm>> -> memref<5x256xi32, #tpu.memory_space<hbm>>
      %dma_wait3A_235 = arith.constant 0 : i32
      %dma_wait3A_236 = arith.constant 0 : i32
      %dma_wait3A_237 = tpu.memref_slice %arg7[%dma_wait3A_235, %add3A, %dma_wait3A_227, %dma_wait3A_236] : memref<200x32x2x256xi32, #tpu.memory_space<hbm>> -> memref<5x1x1x256xi32, #tpu.memory_space<hbm>>
      %dma_wait3A_238 = tpu.memref_squeeze %dma_wait3A_237 : memref<5x1x1x256xi32, #tpu.memory_space<hbm>> -> memref<5x256xi32, #tpu.memory_space<hbm>>
      %dma_wait3A_239 = arith.constant 0 : i32
      %dma_wait3A_240 = arith.constant 0 : i32
      %dma_wait3A_241 = tpu.memref_slice %arg15[%dma_wait3A_239, %dma_wait3A_240] : memref<5x257xi32, #tpu.memory_space<vmem>> -> memref<5x256xi32, #tpu.memory_space<vmem>>
      tpu.wait_dma2 semaphore(%arg21 : memref<!tpu.dma_semaphore, #tpu.memory_space<semaphore_mem>>) src(%dma_wait3A_241 : memref<5x256xi32, #tpu.memory_space<vmem>>) dst(%dma_wait3A_238 : memref<5x256xi32, #tpu.memory_space<hbm>>)
      %dma_wait3A_242 = arith.constant 0 : i32
      %dma_wait3A_243 = arith.constant 0 : i32
      %dma_wait3A_244 = tpu.memref_slice %arg3[%dma_wait3A_242, %dma_wait3A_243] : memref<100000x48xi32, #tpu.memory_space<hbm>> -> memref<256x48xi32, #tpu.memory_space<hbm>>
      %dma_wait3A_245 = arith.constant 0 : i32
      %dma_wait3A_246 = arith.constant 0 : i32
      %dma_wait3A_247 = tpu.memref_slice %arg3[%dma_wait3A_245, %dma_wait3A_246] : memref<100000x48xi32, #tpu.memory_space<hbm>> -> memref<256x48xi32, #tpu.memory_space<hbm>>
      tpu.wait_dma2 semaphore(%arg19 : memref<!tpu.dma_semaphore, #tpu.memory_space<semaphore_mem>>) src(%dma_wait3A_247 : memref<256x48xi32, #tpu.memory_space<hbm>>) dst(%arg11 : memref<256x48xi32, #tpu.memory_space<vmem>>)
      %add3A_248 = arith.constant 14 : i32
      %add3A_249 = vector.broadcast %add3A_248 : i32 to vector<16xi32>
      %add3A_250 = arith.addi %add3A_249, %iota3A : vector<16xi32>
      %jit3A = arith.constant 0 : i32
      %jit3A_251 = arith.constant 4 : i32
      %max3A = vector.broadcast %jit3A : i32 to vector<16xi32>
      %max3A_252 = arith.maxsi %max3A, %iota3A : vector<16xi32>
      %min3A_253 = vector.broadcast %jit3A_251 : i32 to vector<16xi32>
      %min3A_254 = arith.minsi %min3A_253, %max3A_252 : vector<16xi32>
      %lt3A = arith.constant 5 : i32
      %lt3A_255 = vector.broadcast %lt3A : i32 to vector<16xi32>
      %lt3A_256 = arith.cmpi slt, %iota3A, %lt3A_255 : vector<16xi32>
      %scan3A_257 = arith.constant 0 : i32
      %scan3A_258 = arith.constant 0 : i32
      %scan3A_259 = arith.constant 128 : i32
      %scan3A_260 = arith.addi %scan3A_258, %scan3A_259 : i32
      %scan3A_261 = arith.constant 1 : i32
      scf.for %scan3A_425 = %scan3A_258 to %scan3A_260 step %scan3A_261  : i32 {
        %mul3A_426 = arith.constant 2 : i32
        %mul3A_427 = arith.muli %mul3A_426, %scan3A_425 : i32
        %mul3A_428 = arith.constant 2 : i32
        %mul3A_429 = arith.muli %mul3A_428, %scan3A_425 : i32
        %add3A_430 = arith.constant 1 : i32
        %add3A_431 = arith.addi %mul3A_429, %add3A_430 : i32
        %broadcast_in_dim3A = vector.broadcast %mul3A_427 : i32 to vector<16xi32>
        %get3A = arith.index_cast %mul3A_427 : i32 to index
        %get3A_432 = arith.constant 0 : index
        %get3A_433 = tpu.vector_load %arg11[%get3A, %get3A_432] {strides = array<i32>} : memref<256x48xi32, #tpu.memory_space<vmem>>, vector<16xi32>,
        tpu.vector_store_idx %arg13[%iota3A, %broadcast_in_dim3A], %get3A_433 : memref<30x257xi32, #tpu.memory_space<vmem>>[vector<16xi32>, vector<16xi32>], vector<16xi32>,
        %get3A_434 = arith.index_cast %mul3A_427 : i32 to index
        %get3A_435 = arith.constant 14 : index
        %get3A_436 = tpu.vector_load %arg11[%get3A_434, %get3A_435] {strides = array<i32>} : memref<256x48xi32, #tpu.memory_space<vmem>>, vector<16xi32>,
        tpu.vector_store_idx %arg13[%add3A_250, %broadcast_in_dim3A], %get3A_436 : memref<30x257xi32, #tpu.memory_space<vmem>>[vector<16xi32>, vector<16xi32>], vector<16xi32>,
        %get3A_437 = arith.index_cast %mul3A_427 : i32 to index
        %get3A_438 = arith.constant 30 : index
        %get3A_439 = tpu.vector_load %arg11[%get3A_437, %get3A_438] {strides = array<i32>} : memref<256x48xi32, #tpu.memory_space<vmem>>, vector<16xi32>,
        tpu.vector_store_idx %arg15[%min3A_254, %broadcast_in_dim3A], %get3A_439 masked %lt3A_256 : memref<5x257xi32, #tpu.memory_space<vmem>>[vector<16xi32>, vector<16xi32>], vector<16xi32>, vector<16xi1>
        %broadcast_in_dim3A_440 = vector.broadcast %add3A_431 : i32 to vector<16xi32>
        %get3A_441 = arith.index_cast %add3A_431 : i32 to index
        %get3A_442 = arith.constant 0 : index
        %get3A_443 = tpu.vector_load %arg11[%get3A_441, %get3A_442] {strides = array<i32>} : memref<256x48xi32, #tpu.memory_space<vmem>>, vector<16xi32>,
        tpu.vector_store_idx %arg13[%iota3A, %broadcast_in_dim3A_440], %get3A_443 : memref<30x257xi32, #tpu.memory_space<vmem>>[vector<16xi32>, vector<16xi32>], vector<16xi32>,
        %get3A_444 = arith.index_cast %add3A_431 : i32 to index
        %get3A_445 = arith.constant 14 : index
        %get3A_446 = tpu.vector_load %arg11[%get3A_444, %get3A_445] {strides = array<i32>} : memref<256x48xi32, #tpu.memory_space<vmem>>, vector<16xi32>,
        tpu.vector_store_idx %arg13[%add3A_250, %broadcast_in_dim3A_440], %get3A_446 : memref<30x257xi32, #tpu.memory_space<vmem>>[vector<16xi32>, vector<16xi32>], vector<16xi32>,
        %get3A_447 = arith.index_cast %add3A_431 : i32 to index
        %get3A_448 = arith.constant 30 : index
        %get3A_449 = tpu.vector_load %arg11[%get3A_447, %get3A_448] {strides = array<i32>} : memref<256x48xi32, #tpu.memory_space<vmem>>, vector<16xi32>,
        tpu.vector_store_idx %arg15[%min3A_254, %broadcast_in_dim3A_440], %get3A_449 masked %lt3A_256 : memref<5x257xi32, #tpu.memory_space<vmem>>[vector<16xi32>, vector<16xi32>], vector<16xi32>, vector<16xi1>
      }
      %scan3A_262 = arith.constant 128 : i32
      %add3A_263 = arith.constant 2 : i32
      %add3A_264 = arith.addi %add3A_211, %add3A_263 : i32
      %min3A_265 = arith.constant 79 : i32
      %min3A_266 = arith.minsi %add3A_264, %min3A_265 : i32
      %mul3A_267 = arith.constant 256 : i32
      %mul3A_268 = arith.muli %min3A_266, %mul3A_267 : i32
      %dma_start3A_269 = arith.constant 0 : i32
      %dma_start3A_270 = arith.constant 0 : i32
      %dma_start3A_271 = tpu.memref_slice %arg11[%dma_start3A_269, %dma_start3A_270] : memref<256x48xi32, #tpu.memory_space<vmem>> -> memref<128x48xi32, #tpu.memory_space<vmem>>
      %dma_start3A_272 = tpu.memref_slice %arg10[%mul3A_268] : memref<20480xi32, #tpu.memory_space<vmem>> -> memref<128xi32, #tpu.memory_space<vmem>>
      %dma_start3A_273 = arith.constant 0 : i32
      %dma_start3A_274 = arith.constant 0 : i32
      %dma_start3A_275 = tpu.memref_slice %arg3[%dma_start3A_273, %dma_start3A_274] : memref<100000x48xi32, #tpu.memory_space<hbm>> -> memref<100000x48xi32, #tpu.memory_space<hbm>>
      tpu.enqueue_indirect_dma source(%dma_start3A_275 : memref<100000x48xi32, #tpu.memory_space<hbm>>) target(%dma_start3A_271 : memref<128x48xi32, #tpu.memory_space<vmem>>) offsets(%dma_start3A_272 : memref<128xi32, #tpu.memory_space<vmem>>) semaphore(%arg19 : memref<!tpu.dma_semaphore, #tpu.memory_space<semaphore_mem>>)
      %add3A_276 = arith.constant 128 : i32
      %add3A_277 = arith.addi %mul3A_268, %add3A_276 : i32
      %dma_start3A_278 = arith.constant 128 : i32
      %dma_start3A_279 = arith.constant 0 : i32
      %dma_start3A_280 = tpu.memref_slice %arg11[%dma_start3A_278, %dma_start3A_279] : memref<256x48xi32, #tpu.memory_space<vmem>> -> memref<128x48xi32, #tpu.memory_space<vmem>>
      %dma_start3A_281 = tpu.memref_slice %arg10[%add3A_277] : memref<20480xi32, #tpu.memory_space<vmem>> -> memref<128xi32, #tpu.memory_space<vmem>>
      %dma_start3A_282 = arith.constant 0 : i32
      %dma_start3A_283 = arith.constant 0 : i32
      %dma_start3A_284 = tpu.memref_slice %arg3[%dma_start3A_282, %dma_start3A_283] : memref<100000x48xi32, #tpu.memory_space<hbm>> -> memref<100000x48xi32, #tpu.memory_space<hbm>>
      tpu.enqueue_indirect_dma source(%dma_start3A_284 : memref<100000x48xi32, #tpu.memory_space<hbm>>) target(%dma_start3A_280 : memref<128x48xi32, #tpu.memory_space<vmem>>) offsets(%dma_start3A_281 : memref<128xi32, #tpu.memory_space<vmem>>) semaphore(%arg19 : memref<!tpu.dma_semaphore, #tpu.memory_space<semaphore_mem>>)
      %mul3A_285 = arith.constant 30 : i32
      %mul3A_286 = arith.muli %scan3A_207, %mul3A_285 : i32
      %dma_start3A_287 = arith.constant 0 : i32
      %dma_start3A_288 = arith.constant 0 : i32
      %dma_start3A_289 = arith.constant 0 : i32
      %dma_start3A_290 = tpu.memref_slice %arg13[%dma_start3A_288, %dma_start3A_289] : memref<30x257xi32, #tpu.memory_space<vmem>> -> memref<30x256xi32, #tpu.memory_space<vmem>>
      %dma_start3A_291 = arith.constant 0 : i32
      %dma_start3A_292 = tpu.memref_slice %arg6[%mul3A_286, %add3A, %dma_start3A_287, %dma_start3A_291] : memref<1200x32x2x256xi32, #tpu.memory_space<hbm>> -> memref<30x1x1x256xi32, #tpu.memory_space<hbm>>
      %dma_start3A_293 = tpu.memref_squeeze %dma_start3A_292 : memref<30x1x1x256xi32, #tpu.memory_space<hbm>> -> memref<30x256xi32, #tpu.memory_space<hbm>>
      %dma_start3A_294 = arith.constant 0 : i32
      %dma_start3A_295 = tpu.memref_slice %arg6[%mul3A_286, %add3A, %dma_start3A_287, %dma_start3A_294] : memref<1200x32x2x256xi32, #tpu.memory_space<hbm>> -> memref<30x1x1x256xi32, #tpu.memory_space<hbm>>
      %dma_start3A_296 = tpu.memref_squeeze %dma_start3A_295 : memref<30x1x1x256xi32, #tpu.memory_space<hbm>> -> memref<30x256xi32, #tpu.memory_space<hbm>>
      %dma_start3A_297 = arith.constant 0 : i32
      %dma_start3A_298 = arith.constant 0 : i32
      %dma_start3A_299 = tpu.memref_slice %arg13[%dma_start3A_297, %dma_start3A_298] : memref<30x257xi32, #tpu.memory_space<vmem>> -> memref<30x256xi32, #tpu.memory_space<vmem>>
      tpu.enqueue_dma source(%dma_start3A_299 : memref<30x256xi32, #tpu.memory_space<vmem>>) target(%dma_start3A_296 : memref<30x256xi32, #tpu.memory_space<hbm>>) target_semaphore(%arg21 : memref<!tpu.dma_semaphore, #tpu.memory_space<semaphore_mem>>)
      %mul3A_300 = arith.constant 5 : i32
      %mul3A_301 = arith.muli %scan3A_207, %mul3A_300 : i32
      %dma_start3A_302 = arith.constant 0 : i32
      %dma_start3A_303 = arith.constant 0 : i32
      %dma_start3A_304 = arith.constant 0 : i32
      %dma_start3A_305 = tpu.memref_slice %arg15[%dma_start3A_303, %dma_start3A_304] : memref<5x257xi32, #tpu.memory_space<vmem>> -> memref<5x256xi32, #tpu.memory_space<vmem>>
      %dma_start3A_306 = arith.constant 0 : i32
      %dma_start3A_307 = tpu.memref_slice %arg7[%mul3A_301, %add3A, %dma_start3A_302, %dma_start3A_306] : memref<200x32x2x256xi32, #tpu.memory_space<hbm>> -> memref<5x1x1x256xi32, #tpu.memory_space<hbm>>
      %dma_start3A_308 = tpu.memref_squeeze %dma_start3A_307 : memref<5x1x1x256xi32, #tpu.memory_space<hbm>> -> memref<5x256xi32, #tpu.memory_space<hbm>>
      %dma_start3A_309 = arith.constant 0 : i32
      %dma_start3A_310 = tpu.memref_slice %arg7[%mul3A_301, %add3A, %dma_start3A_302, %dma_start3A_309] : memref<200x32x2x256xi32, #tpu.memory_space<hbm>> -> memref<5x1x1x256xi32, #tpu.memory_space<hbm>>
      %dma_start3A_311 = tpu.memref_squeeze %dma_start3A_310 : memref<5x1x1x256xi32, #tpu.memory_space<hbm>> -> memref<5x256xi32, #tpu.memory_space<hbm>>
      %dma_start3A_312 = arith.constant 0 : i32
      %dma_start3A_313 = arith.constant 0 : i32
      %dma_start3A_314 = tpu.memref_slice %arg15[%dma_start3A_312, %dma_start3A_313] : memref<5x257xi32, #tpu.memory_space<vmem>> -> memref<5x256xi32, #tpu.memory_space<vmem>>
      tpu.enqueue_dma source(%dma_start3A_314 : memref<5x256xi32, #tpu.memory_space<vmem>>) target(%dma_start3A_311 : memref<5x256xi32, #tpu.memory_space<hbm>>) target_semaphore(%arg21 : memref<!tpu.dma_semaphore, #tpu.memory_space<semaphore_mem>>)
      %mul3A_315 = arith.constant 2 : i32
      %mul3A_316 = arith.muli %mul3A_315, %scan3A_207 : i32
      %add3A_317 = arith.constant 1 : i32
      %add3A_318 = arith.addi %mul3A_316, %add3A_317 : i32
      %dma_wait3A_319 = arith.constant 0 : i32
      %dma_wait3A_320 = arith.constant 0 : i32
      %dma_wait3A_321 = arith.constant 0 : i32
      %dma_wait3A_322 = tpu.memref_slice %arg14[%dma_wait3A_320, %dma_wait3A_321] : memref<30x257xi32, #tpu.memory_space<vmem>> -> memref<30x256xi32, #tpu.memory_space<vmem>>
      %dma_wait3A_323 = arith.constant 0 : i32
      %dma_wait3A_324 = arith.constant 0 : i32
      %dma_wait3A_325 = tpu.memref_slice %arg6[%dma_wait3A_323, %add3A, %dma_wait3A_319, %dma_wait3A_324] : memref<1200x32x2x256xi32, #tpu.memory_space<hbm>> -> memref<30x1x1x256xi32, #tpu.memory_space<hbm>>
      %dma_wait3A_326 = tpu.memref_squeeze %dma_wait3A_325 : memref<30x1x1x256xi32, #tpu.memory_space<hbm>> -> memref<30x256xi32, #tpu.memory_space<hbm>>
      %dma_wait3A_327 = arith.constant 0 : i32
      %dma_wait3A_328 = arith.constant 0 : i32
      %dma_wait3A_329 = tpu.memref_slice %arg6[%dma_wait3A_327, %add3A, %dma_wait3A_319, %dma_wait3A_328] : memref<1200x32x2x256xi32, #tpu.memory_space<hbm>> -> memref<30x1x1x256xi32, #tpu.memory_space<hbm>>
      %dma_wait3A_330 = tpu.memref_squeeze %dma_wait3A_329 : memref<30x1x1x256xi32, #tpu.memory_space<hbm>> -> memref<30x256xi32, #tpu.memory_space<hbm>>
      %dma_wait3A_331 = arith.constant 0 : i32
      %dma_wait3A_332 = arith.constant 0 : i32
      %dma_wait3A_333 = tpu.memref_slice %arg14[%dma_wait3A_331, %dma_wait3A_332] : memref<30x257xi32, #tpu.memory_space<vmem>> -> memref<30x256xi32, #tpu.memory_space<vmem>>
      tpu.wait_dma2 semaphore(%arg22 : memref<!tpu.dma_semaphore, #tpu.memory_space<semaphore_mem>>) src(%dma_wait3A_333 : memref<30x256xi32, #tpu.memory_space<vmem>>) dst(%dma_wait3A_330 : memref<30x256xi32, #tpu.memory_space<hbm>>)
      %dma_wait3A_334 = arith.constant 0 : i32
      %dma_wait3A_335 = arith.constant 0 : i32
      %dma_wait3A_336 = arith.constant 0 : i32
      %dma_wait3A_337 = tpu.memref_slice %arg16[%dma_wait3A_335, %dma_wait3A_336] : memref<5x257xi32, #tpu.memory_space<vmem>> -> memref<5x256xi32, #tpu.memory_space<vmem>>
      %dma_wait3A_338 = arith.constant 0 : i32
      %dma_wait3A_339 = arith.constant 0 : i32
      %dma_wait3A_340 = tpu.memref_slice %arg7[%dma_wait3A_338, %add3A, %dma_wait3A_334, %dma_wait3A_339] : memref<200x32x2x256xi32, #tpu.memory_space<hbm>> -> memref<5x1x1x256xi32, #tpu.memory_space<hbm>>
      %dma_wait3A_341 = tpu.memref_squeeze %dma_wait3A_340 : memref<5x1x1x256xi32, #tpu.memory_space<hbm>> -> memref<5x256xi32, #tpu.memory_space<hbm>>
      %dma_wait3A_342 = arith.constant 0 : i32
      %dma_wait3A_343 = arith.constant 0 : i32
      %dma_wait3A_344 = tpu.memref_slice %arg7[%dma_wait3A_342, %add3A, %dma_wait3A_334, %dma_wait3A_343] : memref<200x32x2x256xi32, #tpu.memory_space<hbm>> -> memref<5x1x1x256xi32, #tpu.memory_space<hbm>>
      %dma_wait3A_345 = tpu.memref_squeeze %dma_wait3A_344 : memref<5x1x1x256xi32, #tpu.memory_space<hbm>> -> memref<5x256xi32, #tpu.memory_space<hbm>>
      %dma_wait3A_346 = arith.constant 0 : i32
      %dma_wait3A_347 = arith.constant 0 : i32
      %dma_wait3A_348 = tpu.memref_slice %arg16[%dma_wait3A_346, %dma_wait3A_347] : memref<5x257xi32, #tpu.memory_space<vmem>> -> memref<5x256xi32, #tpu.memory_space<vmem>>
      tpu.wait_dma2 semaphore(%arg22 : memref<!tpu.dma_semaphore, #tpu.memory_space<semaphore_mem>>) src(%dma_wait3A_348 : memref<5x256xi32, #tpu.memory_space<vmem>>) dst(%dma_wait3A_345 : memref<5x256xi32, #tpu.memory_space<hbm>>)
      %dma_wait3A_349 = arith.constant 0 : i32
      %dma_wait3A_350 = arith.constant 0 : i32
      %dma_wait3A_351 = tpu.memref_slice %arg3[%dma_wait3A_349, %dma_wait3A_350] : memref<100000x48xi32, #tpu.memory_space<hbm>> -> memref<256x48xi32, #tpu.memory_space<hbm>>
      %dma_wait3A_352 = arith.constant 0 : i32
      %dma_wait3A_353 = arith.constant 0 : i32
      %dma_wait3A_354 = tpu.memref_slice %arg3[%dma_wait3A_352, %dma_wait3A_353] : memref<100000x48xi32, #tpu.memory_space<hbm>> -> memref<256x48xi32, #tpu.memory_space<hbm>>
      tpu.wait_dma2 semaphore(%arg20 : memref<!tpu.dma_semaphore, #tpu.memory_space<semaphore_mem>>) src(%dma_wait3A_354 : memref<256x48xi32, #tpu.memory_space<hbm>>) dst(%arg12 : memref<256x48xi32, #tpu.memory_space<vmem>>)
      %add3A_355 = arith.constant 14 : i32
      %add3A_356 = vector.broadcast %add3A_355 : i32 to vector<16xi32>
      %add3A_357 = arith.addi %add3A_356, %iota3A : vector<16xi32>
      %jit3A_358 = arith.constant 0 : i32
      %jit3A_359 = arith.constant 4 : i32
      %max3A_360 = vector.broadcast %jit3A_358 : i32 to vector<16xi32>
      %max3A_361 = arith.maxsi %max3A_360, %iota3A : vector<16xi32>
      %min3A_362 = vector.broadcast %jit3A_359 : i32 to vector<16xi32>
      %min3A_363 = arith.minsi %min3A_362, %max3A_361 : vector<16xi32>
      %lt3A_364 = arith.constant 5 : i32
      %lt3A_365 = vector.broadcast %lt3A_364 : i32 to vector<16xi32>
      %lt3A_366 = arith.cmpi slt, %iota3A, %lt3A_365 : vector<16xi32>
      %scan3A_367 = arith.constant 0 : i32
      %scan3A_368 = arith.constant 0 : i32
      %scan3A_369 = arith.constant 128 : i32
      %scan3A_370 = arith.addi %scan3A_368, %scan3A_369 : i32
      %scan3A_371 = arith.constant 1 : i32
      scf.for %scan3A_425 = %scan3A_368 to %scan3A_370 step %scan3A_371  : i32 {
        %mul3A_426 = arith.constant 2 : i32
        %mul3A_427 = arith.muli %mul3A_426, %scan3A_425 : i32
        %mul3A_428 = arith.constant 2 : i32
        %mul3A_429 = arith.muli %mul3A_428, %scan3A_425 : i32
        %add3A_430 = arith.constant 1 : i32
        %add3A_431 = arith.addi %mul3A_429, %add3A_430 : i32
        %broadcast_in_dim3A = vector.broadcast %mul3A_427 : i32 to vector<16xi32>
        %get3A = arith.index_cast %mul3A_427 : i32 to index
        %get3A_432 = arith.constant 0 : index
        %get3A_433 = tpu.vector_load %arg12[%get3A, %get3A_432] {strides = array<i32>} : memref<256x48xi32, #tpu.memory_space<vmem>>, vector<16xi32>,
        tpu.vector_store_idx %arg14[%iota3A, %broadcast_in_dim3A], %get3A_433 : memref<30x257xi32, #tpu.memory_space<vmem>>[vector<16xi32>, vector<16xi32>], vector<16xi32>,
        %get3A_434 = arith.index_cast %mul3A_427 : i32 to index
        %get3A_435 = arith.constant 14 : index
        %get3A_436 = tpu.vector_load %arg12[%get3A_434, %get3A_435] {strides = array<i32>} : memref<256x48xi32, #tpu.memory_space<vmem>>, vector<16xi32>,
        tpu.vector_store_idx %arg14[%add3A_357, %broadcast_in_dim3A], %get3A_436 : memref<30x257xi32, #tpu.memory_space<vmem>>[vector<16xi32>, vector<16xi32>], vector<16xi32>,
        %get3A_437 = arith.index_cast %mul3A_427 : i32 to index
        %get3A_438 = arith.constant 30 : index
        %get3A_439 = tpu.vector_load %arg12[%get3A_437, %get3A_438] {strides = array<i32>} : memref<256x48xi32, #tpu.memory_space<vmem>>, vector<16xi32>,
        tpu.vector_store_idx %arg16[%min3A_363, %broadcast_in_dim3A], %get3A_439 masked %lt3A_366 : memref<5x257xi32, #tpu.memory_space<vmem>>[vector<16xi32>, vector<16xi32>], vector<16xi32>, vector<16xi1>
        %broadcast_in_dim3A_440 = vector.broadcast %add3A_431 : i32 to vector<16xi32>
        %get3A_441 = arith.index_cast %add3A_431 : i32 to index
        %get3A_442 = arith.constant 0 : index
        %get3A_443 = tpu.vector_load %arg12[%get3A_441, %get3A_442] {strides = array<i32>} : memref<256x48xi32, #tpu.memory_space<vmem>>, vector<16xi32>,
        tpu.vector_store_idx %arg14[%iota3A, %broadcast_in_dim3A_440], %get3A_443 : memref<30x257xi32, #tpu.memory_space<vmem>>[vector<16xi32>, vector<16xi32>], vector<16xi32>,
        %get3A_444 = arith.index_cast %add3A_431 : i32 to index
        %get3A_445 = arith.constant 14 : index
        %get3A_446 = tpu.vector_load %arg12[%get3A_444, %get3A_445] {strides = array<i32>} : memref<256x48xi32, #tpu.memory_space<vmem>>, vector<16xi32>,
        tpu.vector_store_idx %arg14[%add3A_357, %broadcast_in_dim3A_440], %get3A_446 : memref<30x257xi32, #tpu.memory_space<vmem>>[vector<16xi32>, vector<16xi32>], vector<16xi32>,
        %get3A_447 = arith.index_cast %add3A_431 : i32 to index
        %get3A_448 = arith.constant 30 : index
        %get3A_449 = tpu.vector_load %arg12[%get3A_447, %get3A_448] {strides = array<i32>} : memref<256x48xi32, #tpu.memory_space<vmem>>, vector<16xi32>,
        tpu.vector_store_idx %arg16[%min3A_363, %broadcast_in_dim3A_440], %get3A_449 masked %lt3A_366 : memref<5x257xi32, #tpu.memory_space<vmem>>[vector<16xi32>, vector<16xi32>], vector<16xi32>, vector<16xi1>
      }
      %scan3A_372 = arith.constant 128 : i32
      %add3A_373 = arith.constant 2 : i32
      %add3A_374 = arith.addi %add3A_318, %add3A_373 : i32
      %min3A_375 = arith.constant 79 : i32
      %min3A_376 = arith.minsi %add3A_374, %min3A_375 : i32
      %mul3A_377 = arith.constant 256 : i32
      %mul3A_378 = arith.muli %min3A_376, %mul3A_377 : i32
      %dma_start3A_379 = arith.constant 0 : i32
      %dma_start3A_380 = arith.constant 0 : i32
      %dma_start3A_381 = tpu.memref_slice %arg12[%dma_start3A_379, %dma_start3A_380] : memref<256x48xi32, #tpu.memory_space<vmem>> -> memref<128x48xi32, #tpu.memory_space<vmem>>
      %dma_start3A_382 = tpu.memref_slice %arg10[%mul3A_378] : memref<20480xi32, #tpu.memory_space<vmem>> -> memref<128xi32, #tpu.memory_space<vmem>>
      %dma_start3A_383 = arith.constant 0 : i32
      %dma_start3A_384 = arith.constant 0 : i32
      %dma_start3A_385 = tpu.memref_slice %arg3[%dma_start3A_383, %dma_start3A_384] : memref<100000x48xi32, #tpu.memory_space<hbm>> -> memref<100000x48xi32, #tpu.memory_space<hbm>>
      tpu.enqueue_indirect_dma source(%dma_start3A_385 : memref<100000x48xi32, #tpu.memory_space<hbm>>) target(%dma_start3A_381 : memref<128x48xi32, #tpu.memory_space<vmem>>) offsets(%dma_start3A_382 : memref<128xi32, #tpu.memory_space<vmem>>) semaphore(%arg20 : memref<!tpu.dma_semaphore, #tpu.memory_space<semaphore_mem>>)
      %add3A_386 = arith.constant 128 : i32
      %add3A_387 = arith.addi %mul3A_378, %add3A_386 : i32
      %dma_start3A_388 = arith.constant 128 : i32
      %dma_start3A_389 = arith.constant 0 : i32
      %dma_start3A_390 = tpu.memref_slice %arg12[%dma_start3A_388, %dma_start3A_389] : memref<256x48xi32, #tpu.memory_space<vmem>> -> memref<128x48xi32, #tpu.memory_space<vmem>>
      %dma_start3A_391 = tpu.memref_slice %arg10[%add3A_387] : memref<20480xi32, #tpu.memory_space<vmem>> -> memref<128xi32, #tpu.memory_space<vmem>>
      %dma_start3A_392 = arith.constant 0 : i32
      %dma_start3A_393 = arith.constant 0 : i32
      %dma_start3A_394 = tpu.memref_slice %arg3[%dma_start3A_392, %dma_start3A_393] : memref<100000x48xi32, #tpu.memory_space<hbm>> -> memref<100000x48xi32, #tpu.memory_space<hbm>>
      tpu.enqueue_indirect_dma source(%dma_start3A_394 : memref<100000x48xi32, #tpu.memory_space<hbm>>) target(%dma_start3A_390 : memref<128x48xi32, #tpu.memory_space<vmem>>) offsets(%dma_start3A_391 : memref<128xi32, #tpu.memory_space<vmem>>) semaphore(%arg20 : memref<!tpu.dma_semaphore, #tpu.memory_space<semaphore_mem>>)
      %mul3A_395 = arith.constant 30 : i32
      %mul3A_396 = arith.muli %scan3A_207, %mul3A_395 : i32
      %dma_start3A_397 = arith.constant 1 : i32
      %dma_start3A_398 = arith.constant 0 : i32
      %dma_start3A_399 = arith.constant 0 : i32
      %dma_start3A_400 = tpu.memref_slice %arg14[%dma_start3A_398, %dma_start3A_399] : memref<30x257xi32, #tpu.memory_space<vmem>> -> memref<30x256xi32, #tpu.memory_space<vmem>>
      %dma_start3A_401 = arith.constant 0 : i32
      %dma_start3A_402 = tpu.memref_slice %arg6[%mul3A_396, %add3A, %dma_start3A_397, %dma_start3A_401] : memref<1200x32x2x256xi32, #tpu.memory_space<hbm>> -> memref<30x1x1x256xi32, #tpu.memory_space<hbm>>
      %dma_start3A_403 = tpu.memref_squeeze %dma_start3A_402 : memref<30x1x1x256xi32, #tpu.memory_space<hbm>> -> memref<30x256xi32, #tpu.memory_space<hbm>>
      %dma_start3A_404 = arith.constant 0 : i32
      %dma_start3A_405 = tpu.memref_slice %arg6[%mul3A_396, %add3A, %dma_start3A_397, %dma_start3A_404] : memref<1200x32x2x256xi32, #tpu.memory_space<hbm>> -> memref<30x1x1x256xi32, #tpu.memory_space<hbm>>
      %dma_start3A_406 = tpu.memref_squeeze %dma_start3A_405 : memref<30x1x1x256xi32, #tpu.memory_space<hbm>> -> memref<30x256xi32, #tpu.memory_space<hbm>>
      %dma_start3A_407 = arith.constant 0 : i32
      %dma_start3A_408 = arith.constant 0 : i32
      %dma_start3A_409 = tpu.memref_slice %arg14[%dma_start3A_407, %dma_start3A_408] : memref<30x257xi32, #tpu.memory_space<vmem>> -> memref<30x256xi32, #tpu.memory_space<vmem>>
      tpu.enqueue_dma source(%dma_start3A_409 : memref<30x256xi32, #tpu.memory_space<vmem>>) target(%dma_start3A_406 : memref<30x256xi32, #tpu.memory_space<hbm>>) target_semaphore(%arg22 : memref<!tpu.dma_semaphore, #tpu.memory_space<semaphore_mem>>)
      %mul3A_410 = arith.constant 5 : i32
      %mul3A_411 = arith.muli %scan3A_207, %mul3A_410 : i32
      %dma_start3A_412 = arith.constant 1 : i32
      %dma_start3A_413 = arith.constant 0 : i32
      %dma_start3A_414 = arith.constant 0 : i32
      %dma_start3A_415 = tpu.memref_slice %arg16[%dma_start3A_413, %dma_start3A_414] : memref<5x257xi32, #tpu.memory_space<vmem>> -> memref<5x256xi32, #tpu.memory_space<vmem>>
      %dma_start3A_416 = arith.constant 0 : i32
      %dma_start3A_417 = tpu.memref_slice %arg7[%mul3A_411, %add3A, %dma_start3A_412, %dma_start3A_416] : memref<200x32x2x256xi32, #tpu.memory_space<hbm>> -> memref<5x1x1x256xi32, #tpu.memory_space<hbm>>
      %dma_start3A_418 = tpu.memref_squeeze %dma_start3A_417 : memref<5x1x1x256xi32, #tpu.memory_space<hbm>> -> memref<5x256xi32, #tpu.memory_space<hbm>>
      %dma_start3A_419 = arith.constant 0 : i32
      %dma_start3A_420 = tpu.memref_slice %arg7[%mul3A_411, %add3A, %dma_start3A_412, %dma_start3A_419] : memref<200x32x2x256xi32, #tpu.memory_space<hbm>> -> memref<5x1x1x256xi32, #tpu.memory_space<hbm>>
      %dma_start3A_421 = tpu.memref_squeeze %dma_start3A_420 : memref<5x1x1x256xi32, #tpu.memory_space<hbm>> -> memref<5x256xi32, #tpu.memory_space<hbm>>
      %dma_start3A_422 = arith.constant 0 : i32
      %dma_start3A_423 = arith.constant 0 : i32
      %dma_start3A_424 = tpu.memref_slice %arg16[%dma_start3A_422, %dma_start3A_423] : memref<5x257xi32, #tpu.memory_space<vmem>> -> memref<5x256xi32, #tpu.memory_space<vmem>>
      tpu.enqueue_dma source(%dma_start3A_424 : memref<5x256xi32, #tpu.memory_space<vmem>>) target(%dma_start3A_421 : memref<5x256xi32, #tpu.memory_space<hbm>>) target_semaphore(%arg22 : memref<!tpu.dma_semaphore, #tpu.memory_space<semaphore_mem>>)
    }
    %scan3A_135 = arith.constant 40 : i32
    %dma_wait3A = arith.constant 0 : i32
    %dma_wait3A_136 = arith.constant 0 : i32
    %dma_wait3A_137 = tpu.memref_slice %arg3[%dma_wait3A, %dma_wait3A_136] : memref<100000x48xi32, #tpu.memory_space<hbm>> -> memref<256x48xi32, #tpu.memory_space<hbm>>
    %dma_wait3A_138 = arith.constant 0 : i32
    %dma_wait3A_139 = arith.constant 0 : i32
    %dma_wait3A_140 = tpu.memref_slice %arg3[%dma_wait3A_138, %dma_wait3A_139] : memref<100000x48xi32, #tpu.memory_space<hbm>> -> memref<256x48xi32, #tpu.memory_space<hbm>>
    tpu.wait_dma2 semaphore(%arg19 : memref<!tpu.dma_semaphore, #tpu.memory_space<semaphore_mem>>) src(%dma_wait3A_140 : memref<256x48xi32, #tpu.memory_space<hbm>>) dst(%arg11 : memref<256x48xi32, #tpu.memory_space<vmem>>)
    %dma_wait3A_141 = arith.constant 0 : i32
    %dma_wait3A_142 = arith.constant 0 : i32
    %dma_wait3A_143 = arith.constant 0 : i32
    %dma_wait3A_144 = tpu.memref_slice %arg13[%dma_wait3A_142, %dma_wait3A_143] : memref<30x257xi32, #tpu.memory_space<vmem>> -> memref<30x256xi32, #tpu.memory_space<vmem>>
    %dma_wait3A_145 = arith.constant 0 : i32
    %dma_wait3A_146 = arith.constant 0 : i32
    %dma_wait3A_147 = tpu.memref_slice %arg6[%dma_wait3A_145, %add3A, %dma_wait3A_141, %dma_wait3A_146] : memref<1200x32x2x256xi32, #tpu.memory_space<hbm>> -> memref<30x1x1x256xi32, #tpu.memory_space<hbm>>
    %dma_wait3A_148 = tpu.memref_squeeze %dma_wait3A_147 : memref<30x1x1x256xi32, #tpu.memory_space<hbm>> -> memref<30x256xi32, #tpu.memory_space<hbm>>
    %dma_wait3A_149 = arith.constant 0 : i32
    %dma_wait3A_150 = arith.constant 0 : i32
    %dma_wait3A_151 = tpu.memref_slice %arg6[%dma_wait3A_149, %add3A, %dma_wait3A_141, %dma_wait3A_150] : memref<1200x32x2x256xi32, #tpu.memory_space<hbm>> -> memref<30x1x1x256xi32, #tpu.memory_space<hbm>>
    %dma_wait3A_152 = tpu.memref_squeeze %dma_wait3A_151 : memref<30x1x1x256xi32, #tpu.memory_space<hbm>> -> memref<30x256xi32, #tpu.memory_space<hbm>>
    %dma_wait3A_153 = arith.constant 0 : i32
    %dma_wait3A_154 = arith.constant 0 : i32
    %dma_wait3A_155 = tpu.memref_slice %arg13[%dma_wait3A_153, %dma_wait3A_154] : memref<30x257xi32, #tpu.memory_space<vmem>> -> memref<30x256xi32, #tpu.memory_space<vmem>>
    tpu.wait_dma2 semaphore(%arg21 : memref<!tpu.dma_semaphore, #tpu.memory_space<semaphore_mem>>) src(%dma_wait3A_155 : memref<30x256xi32, #tpu.memory_space<vmem>>) dst(%dma_wait3A_152 : memref<30x256xi32, #tpu.memory_space<hbm>>)
    %dma_wait3A_156 = arith.constant 0 : i32
    %dma_wait3A_157 = arith.constant 0 : i32
    %dma_wait3A_158 = arith.constant 0 : i32
    %dma_wait3A_159 = tpu.memref_slice %arg15[%dma_wait3A_157, %dma_wait3A_158] : memref<5x257xi32, #tpu.memory_space<vmem>> -> memref<5x256xi32, #tpu.memory_space<vmem>>
    %dma_wait3A_160 = arith.constant 0 : i32
    %dma_wait3A_161 = arith.constant 0 : i32
    %dma_wait3A_162 = tpu.memref_slice %arg7[%dma_wait3A_160, %add3A, %dma_wait3A_156, %dma_wait3A_161] : memref<200x32x2x256xi32, #tpu.memory_space<hbm>> -> memref<5x1x1x256xi32, #tpu.memory_space<hbm>>
    %dma_wait3A_163 = tpu.memref_squeeze %dma_wait3A_162 : memref<5x1x1x256xi32, #tpu.memory_space<hbm>> -> memref<5x256xi32, #tpu.memory_space<hbm>>
    %dma_wait3A_164 = arith.constant 0 : i32
    %dma_wait3A_165 = arith.constant 0 : i32
    %dma_wait3A_166 = tpu.memref_slice %arg7[%dma_wait3A_164, %add3A, %dma_wait3A_156, %dma_wait3A_165] : memref<200x32x2x256xi32, #tpu.memory_space<hbm>> -> memref<5x1x1x256xi32, #tpu.memory_space<hbm>>
    %dma_wait3A_167 = tpu.memref_squeeze %dma_wait3A_166 : memref<5x1x1x256xi32, #tpu.memory_space<hbm>> -> memref<5x256xi32, #tpu.memory_space<hbm>>
    %dma_wait3A_168 = arith.constant 0 : i32
    %dma_wait3A_169 = arith.constant 0 : i32
    %dma_wait3A_170 = tpu.memref_slice %arg15[%dma_wait3A_168, %dma_wait3A_169] : memref<5x257xi32, #tpu.memory_space<vmem>> -> memref<5x256xi32, #tpu.memory_space<vmem>>
    tpu.wait_dma2 semaphore(%arg21 : memref<!tpu.dma_semaphore, #tpu.memory_space<semaphore_mem>>) src(%dma_wait3A_170 : memref<5x256xi32, #tpu.memory_space<vmem>>) dst(%dma_wait3A_167 : memref<5x256xi32, #tpu.memory_space<hbm>>)
    %dma_wait3A_171 = arith.constant 0 : i32
    %dma_wait3A_172 = arith.constant 0 : i32
    %dma_wait3A_173 = tpu.memref_slice %arg3[%dma_wait3A_171, %dma_wait3A_172] : memref<100000x48xi32, #tpu.memory_space<hbm>> -> memref<256x48xi32, #tpu.memory_space<hbm>>
    %dma_wait3A_174 = arith.constant 0 : i32
    %dma_wait3A_175 = arith.constant 0 : i32
    %dma_wait3A_176 = tpu.memref_slice %arg3[%dma_wait3A_174, %dma_wait3A_175] : memref<100000x48xi32, #tpu.memory_space<hbm>> -> memref<256x48xi32, #tpu.memory_space<hbm>>
    tpu.wait_dma2 semaphore(%arg20 : memref<!tpu.dma_semaphore, #tpu.memory_space<semaphore_mem>>) src(%dma_wait3A_176 : memref<256x48xi32, #tpu.memory_space<hbm>>) dst(%arg12 : memref<256x48xi32, #tpu.memory_space<vmem>>)
    %dma_wait3A_177 = arith.constant 0 : i32
    %dma_wait3A_178 = arith.constant 0 : i32
    %dma_wait3A_179 = arith.constant 0 : i32
    %dma_wait3A_180 = tpu.memref_slice %arg14[%dma_wait3A_178, %dma_wait3A_179] : memref<30x257xi32, #tpu.memory_space<vmem>> -> memref<30x256xi32, #tpu.memory_space<vmem>>
    %dma_wait3A_181 = arith.constant 0 : i32
    %dma_wait3A_182 = arith.constant 0 : i32
    %dma_wait3A_183 = tpu.memref_slice %arg6[%dma_wait3A_181, %add3A, %dma_wait3A_177, %dma_wait3A_182] : memref<1200x32x2x256xi32, #tpu.memory_space<hbm>> -> memref<30x1x1x256xi32, #tpu.memory_space<hbm>>
    %dma_wait3A_184 = tpu.memref_squeeze %dma_wait3A_183 : memref<30x1x1x256xi32, #tpu.memory_space<hbm>> -> memref<30x256xi32, #tpu.memory_space<hbm>>
    %dma_wait3A_185 = arith.constant 0 : i32
    %dma_wait3A_186 = arith.constant 0 : i32
    %dma_wait3A_187 = tpu.memref_slice %arg6[%dma_wait3A_185, %add3A, %dma_wait3A_177, %dma_wait3A_186] : memref<1200x32x2x256xi32, #tpu.memory_space<hbm>> -> memref<30x1x1x256xi32, #tpu.memory_space<hbm>>
    %dma_wait3A_188 = tpu.memref_squeeze %dma_wait3A_187 : memref<30x1x1x256xi32, #tpu.memory_space<hbm>> -> memref<30x256xi32, #tpu.memory_space<hbm>>
    %dma_wait3A_189 = arith.constant 0 : i32
    %dma_wait3A_190 = arith.constant 0 : i32
    %dma_wait3A_191 = tpu.memref_slice %arg14[%dma_wait3A_189, %dma_wait3A_190] : memref<30x257xi32, #tpu.memory_space<vmem>> -> memref<30x256xi32, #tpu.memory_space<vmem>>
    tpu.wait_dma2 semaphore(%arg22 : memref<!tpu.dma_semaphore, #tpu.memory_space<semaphore_mem>>) src(%dma_wait3A_191 : memref<30x256xi32, #tpu.memory_space<vmem>>) dst(%dma_wait3A_188 : memref<30x256xi32, #tpu.memory_space<hbm>>)
    %dma_wait3A_192 = arith.constant 0 : i32
    %dma_wait3A_193 = arith.constant 0 : i32
    %dma_wait3A_194 = arith.constant 0 : i32
    %dma_wait3A_195 = tpu.memref_slice %arg16[%dma_wait3A_193, %dma_wait3A_194] : memref<5x257xi32, #tpu.memory_space<vmem>> -> memref<5x256xi32, #tpu.memory_space<vmem>>
    %dma_wait3A_196 = arith.constant 0 : i32
    %dma_wait3A_197 = arith.constant 0 : i32
    %dma_wait3A_198 = tpu.memref_slice %arg7[%dma_wait3A_196, %add3A, %dma_wait3A_192, %dma_wait3A_197] : memref<200x32x2x256xi32, #tpu.memory_space<hbm>> -> memref<5x1x1x256xi32, #tpu.memory_space<hbm>>
    %dma_wait3A_199 = tpu.memref_squeeze %dma_wait3A_198 : memref<5x1x1x256xi32, #tpu.memory_space<hbm>> -> memref<5x256xi32, #tpu.memory_space<hbm>>
    %dma_wait3A_200 = arith.constant 0 : i32
    %dma_wait3A_201 = arith.constant 0 : i32
    %dma_wait3A_202 = tpu.memref_slice %arg7[%dma_wait3A_200, %add3A, %dma_wait3A_192, %dma_wait3A_201] : memref<200x32x2x256xi32, #tpu.memory_space<hbm>> -> memref<5x1x1x256xi32, #tpu.memory_space<hbm>>
    %dma_wait3A_203 = tpu.memref_squeeze %dma_wait3A_202 : memref<5x1x1x256xi32, #tpu.memory_space<hbm>> -> memref<5x256xi32, #tpu.memory_space<hbm>>
    %dma_wait3A_204 = arith.constant 0 : i32
    %dma_wait3A_205 = arith.constant 0 : i32
    %dma_wait3A_206 = tpu.memref_slice %arg16[%dma_wait3A_204, %dma_wait3A_205] : memref<5x257xi32, #tpu.memory_space<vmem>> -> memref<5x256xi32, #tpu.memory_space<vmem>>
    tpu.wait_dma2 semaphore(%arg22 : memref<!tpu.dma_semaphore, #tpu.memory_space<semaphore_mem>>) src(%dma_wait3A_206 : memref<5x256xi32, #tpu.memory_space<vmem>>) dst(%dma_wait3A_203 : memref<5x256xi32, #tpu.memory_space<hbm>>)
    return
  }
}

</mosaic_0001>

<sc_bundles>
// kernel: kernel.4.cloned.1.call-start
scs
__scs_entry_jumppad:
0x0: {  	(pc) =	sbr.rel $0x88, $3  }
0x1: {  	(tag) =	ssettag $0x0;
	lr =	simm.s32 $0x1  }
0x2: {  	[smem:$0x3F9E] =	sst lr;
	_ =	strace $0xD0000000  }
0x3: {  	_ = 	snop  }
0x4: {  	_ = 	snop  }
0x5: {  	_ = 	snop  }
0x6: {  	_ = 	snop  }
0x7: {  	_ = 	snop  }
__scs_overlays_trampoline_lowered:
0x8: {  	[smem:$0x3FAD] =	sst s0  }
0x9: {  	[smem:$0x3FAE] =	sst s1  }
0xa: {  	[smem:$0x3FAF] =	sst s2  }
0xb: {  	[smem:$0x3FB0] =	sst s3  }
0xc: {  	[smem:$0x3FB1] =	sst s4  }
0xd: {  	[smem:$0x3FB2] =	sst s5  }
0xe: {  	[smem:$0x3FB3] =	sst s6  }
0xf: {  	[smem:$0x3FB4] =	sst s7  }
0x10: {  	[smem:$0x3FB5] =	sst s8  }
0x11: {  	[smem:$0x3FB6] =	sst s9;
	s0 =	simm.s32 @!p0 $0x0  }
0x12: {  	s1 =	sld [smem:$0x3F9C];
	s0 =	simm.s32 @p0 $0x1  }
0x13: {  	[smem:$0x3FB7] =	sst s0;
	s0 =	simm.s32 @!p1 $0x0  }
0x14: {  	s2 =	sld [smem:$0x3F9B];
	s0 =	simm.s32 @p1 $0x1  }
0x15: {  	[smem:$0x3FB8] =	sst s0;
	s0 =	simm.s32 @!p2 $0x0  }
0x16: {  	s3 =	sld [smem:$0x3FDB];
	s0 =	simm.s32 @p2 $0x1  }
0x17: {  	s4 =	simm.s32 $0x1BF5;
	[smem:$0x3FBA] =	sst s0  }
0x18: {  	s0 =	sld [smem:$0x3F9D];
	_ =	swait.ge [sflag:s4], $0x0  }
0x19: {  	s7 =	sld [smem:$0x3F9E]  }
0x1a: {  	s8 =	sadd.s32 $0xFFFFE003, lr  }
0x1b: {  	s9 =	sadd.s32 $0xFFFFFEF7, lr;
	s5 =	simm.s32 $0xFFFFFFFF;
	p2 =	slt.u32 s8, $0xFFFFF086  }
0x1c: {  	p1 =	slt.u32 s9, $0xF7A;
	s5 =	simm.s32 @!p2 $0x0  }
0x1d: {  	s5 =	simm.s32 @p1 $0x1;
	p0 =	seq.s32 s7, s2  }
0x1e: {  	s7 =	smul.u32 @!p0 $0xF7A, s2;
	p2 =	seq.s32 @!p0 s5, $0x0  }
0x1f: {  	s9 =	smul.u32 $0xF7A, s1;
	s8 =	simm.s32 @!p0 $0x1BF5;
	p2 =	por !p2, p0  }
0x20: {  	[sflag:s8] =	ssyncset.s32 @!p0 $0xFFFFF086;
	s6 =	sadd.s32 @!p0 s3, s7;
	s7 =	simm.s32 @!p0 $0x108  }
0x21: {  	s3 =	sadd.s32 s3, s9;
	s6 =	sadd.s32 @!p0 $0x88, s6;
	s7 =	simm.s32 @p2 $0x1082  }
0x22: {  	[simem:s7], [sflag:s8] =	dma.local @!p0 [hbm:s6], $0xF7A  }
0x23: {  	s9 =	sor.u32 $0xD0000000, s2;
	s6 =	simm.s32 $0x108;
	_ =	swait.ge @!p0 [sflag:s8], $0x0  }
0x24: {  	s3 =	sadd.s32 $0x88, s3;
	s6 =	simm.s32 @!p1 $0x1082;
	[sflag:s4] =	ssyncset.s32 $0xFFFFF086  }
0x25: {  	[simem:s6], [sflag:s4] =	dma.local [hbm:s3], $0xF7A  }
0x26: {  	[smem:$0x3F9E] =	sst s1;
	(tag) =	ssettag s2;
	_ =	strace s9  }
0x27: {  	s1 =	sld [smem:$0x3FAE]  }
0x28: {  	s2 =	sld [smem:$0x3FAF]  }
0x29: {  	s4 =	sld [smem:$0x3FB1]  }
0x2a: {  	p0 =	seq.s32 s5, $0x0;
	s5 =	sld [smem:$0x3FB2]  }
0x2b: {  	s6 =	sld [smem:$0x3FB3]  }
0x2c: {  	s7 =	sld [smem:$0x3FB4]  }
0x2d: {  	s3 =	simm.s32 $0x108;
	s8 =	sld [smem:$0x3FB5]  }
0x2e: {  	s3 =	simm.s32 @!p0 $0x1082;
	s9 =	sld [smem:$0x3FB6]  }
0x2f: {  	lr =	sadd.s32 s0, s3;
	s0 =	sld [smem:$0x3FAD]  }
0x30: {  	s3 =	sld [smem:$0x3FB0]  }
0x31: {  	[smem:$0x3FB9] =	sst s10  }
0x32: {  	s10 =	sld [smem:$0x3FB7];
	_ =	sdelay $0x3  }
0x33: {  	p0 =	seq.s32 s10, $0x1;
	s10 =	sld [smem:$0x3FB9];
	_ =	sdelay $0x3  }
0x34: {  	[smem:$0x3FB9] =	sst s10  }
0x35: {  	s10 =	sld [smem:$0x3FB8];
	_ =	sdelay $0x3  }
0x36: {  	p1 =	seq.s32 s10, $0x1;
	s10 =	sld [smem:$0x3FB9];
	_ =	sdelay $0x3  }
0x37: {  	[smem:$0x3FB9] =	sst s10  }
0x38: {  	s10 =	sld [smem:$0x3FBA]  }
0x39: {  	_ = 	snop;
	(pc) =	sbr.ind lr, $3  }
0x3a: {  	_ = 	snop  }
0x3b: {  	_ = 	snop  }
0x3c: {  	p2 =	seq.s32 s10, $0x1;
	s10 =	sld [smem:$0x3FB9]  }
0x3d: {  	_ =	shalt  }
0x3e: {  	_ =	shalt  }
0x3f: {  	_ =	shalt  }
0x40: {  	_ =	shalt  }
0x41: {  	_ =	shalt  }
0x42: {  	_ =	shalt  }
0x43: {  	_ =	shalt  }
0x44: {  	_ =	shalt  }
0x45: {  	_ =	shalt  }
0x46: {  	_ =	shalt  }
0x47: {  	_ =	shalt  }
0x48: {  	_ =	shalt  }
0x49: {  	_ =	shalt  }
0x4a: {  	_ =	shalt  }
0x4b: {  	_ =	shalt  }
0x4c: {  	_ =	shalt  }
0x4d: {  	_ =	shalt  }
0x4e: {  	_ =	shalt  }
0x4f: {  	_ =	shalt  }
0x50: {  	_ =	shalt  }
0x51: {  	_ =	shalt  }
0x52: {  	_ =	shalt  }
0x53: {  	_ =	shalt  }
0x54: {  	_ =	shalt  }
0x55: {  	_ =	shalt  }
0x56: {  	_ =	shalt  }
0x57: {  	_ =	shalt  }
0x58: {  	_ =	shalt  }
0x59: {  	_ =	shalt  }
0x5a: {  	_ =	shalt  }
0x5b: {  	_ =	shalt  }
0x5c: {  	_ =	shalt  }
0x5d: {  	_ =	shalt  }
0x5e: {  	_ =	shalt  }
0x5f: {  	_ =	shalt  }
0x60: {  	_ =	shalt  }
0x61: {  	_ =	shalt  }
0x62: {  	_ =	shalt  }
0x63: {  	_ =	shalt  }
0x64: {  	_ =	shalt  }
0x65: {  	_ =	shalt  }
0x66: {  	_ =	shalt  }
0x67: {  	_ =	shalt  }
0x68: {  	_ =	shalt  }
0x69: {  	_ =	shalt  }
0x6a: {  	_ =	shalt  }
0x6b: {  	_ =	shalt  }
0x6c: {  	_ =	shalt  }
0x6d: {  	_ =	shalt  }
0x6e: {  	_ =	shalt  }
0x6f: {  	_ =	shalt  }
0x70: {  	_ =	shalt  }
0x71: {  	_ =	shalt  }
0x72: {  	_ =	shalt  }
0x73: {  	_ =	shalt  }
0x74: {  	_ =	shalt  }
0x75: {  	_ =	shalt  }
0x76: {  	_ =	shalt  }
0x77: {  	_ =	shalt  }
0x78: {  	_ =	shalt  }
0x79: {  	_ =	shalt  }
0x7a: {  	_ =	shalt  }
0x7b: {  	_ =	shalt  }
0x7c: {  	_ =	shalt  }
0x7d: {  	_ =	shalt  }
0x7e: {  	_ =	shalt  }
0x7f: {  	_ =	shalt  }
0x80: {  	_ =	shalt  }
0x81: {  	_ =	shalt  }
0x82: {  	_ =	shalt  }
0x83: {  	_ =	shalt  }
0x84: {  	_ =	shalt  }
0x85: {  	_ =	shalt  }
0x86: {  	_ =	shalt  }
0x87: {  	_ =	shalt  }
.Lfunc_end0:
.L_simem_size_0:
called_computation_lowered:
.L_overlay_start_0:
0x88: {  	s2 =	sld [smem:$0x3FD9]  }
0x89: {  	s3 =	sld [smem:$0x3FFE];
	_ =	sdelay $0x1  }
0x8a: {  	s1 =	srdreg.scid  }
0x8b: {  	s0 =	sand.u32 $0x1, s1  }
0x8c: {  	s14 =	sshll.u32 s0, $0xA;
	s2 =	sadd.s32 s3, s2  }
0x8d: {  	s2 =	sadd.s32 s2, s14  }
0x8e: {  	[smem:$0x3FC5] =	sst s2  }
0x8f: {  	_ = 	snop  }
0x90: {  	s2 =	sld [smem:$0x3FD0];
	_ =	sdelay $0x2  }
0x91: {  	s15 =	simm.s32 $0xA;
	s4 =	simm.s32 $0x10  }
0x92: {  	[smem:s4], [sflag:s15] =	dma.local [hbm:s2], $0x1  }
0x93: {  	_ =	swait.eq [sflag:s15], $0x1  }
0x94: {  	[sflag:s15] =	ssyncset.done $0x0  }
0x95: {  	s16 =	sld [smem:$0x10];
	[sflag:s15] =	ssyncadd.s32 $0xFFFFFFFF  }
0x96: {  	s17 =	sld [smem:$0x13];
	(tm) =	ssettm $0x1  }
0x97: {  	s18 =	sld [smem:$0x3FFB];
	_ =	sdelay $0x3  }
0x98: {  	_ =	strace s18  }
0x99: {  	s4 =	sld [smem:$0x3FFC];
	_ =	sdelay $0x3  }
0x9a: {  	_ =	strace s4  }
0x9b: {  	s4 =	sld [smem:$0x3FFD];
	_ =	sdelay $0x3  }
0x9c: {  	_ =	strace s4  }
0x9d: {  	_ =	strace $0x8FFFFFFF  }
0x9e: {  	s19 =	sld [smem:$0x3FDB];
	_ =	sdelay $0x1  }
0x9f: {  	s5 =	simm.s32 $_scs_section_size  }
0xa0: {  	s6 =	simm.s32 $_size__tile_overlayer_lowered;
	s7 =	simm.s32 $_tile_overlayer_lowered  }
0xa1: {  	s22 =	simm.s32 $0x1BFF;
	s21 =	sshll.u32 s7, $0x1;
	s4 =	sadd.s32 s5, s19  }
0xa2: {  	s8 =	simm.s32 $0x0;
	s20 =	sshll.u32 s6, $0x1;
	s6 =	sadd.s32 s21, s4  }
0xa3: {  	[timem:s8], [sflag:s22] =	dma.local [hbm:s6], s20  }
0xa4: {  	_ =	swait.ge [sflag:s22], s20  }
0xa5: {  	s5 =	ssub.s32 $0x0, s20;
	[sflag:s22] =	ssyncset.done $0x0  }
0xa6: {  	[sflag:s22] =	ssyncadd.s32 s5;
	_ =	sdelay $0x1  }
0xa7: {  	s23 =	simm.s32 $0x1B8B  }
0xa8: {  	_ =	swait.ge [sflag:s23], $0x1  }
0xa9: {  	[sflag:s23] =	ssyncset.done $0x0  }
0xaa: {  	s25 =	simm.s32 $0x1B8E;
	s24 =	sld [smem:$0x3FFE];
	[sflag:s23] =	ssyncadd.s32 $0xFFFFFFFF  }
0xab: {  	s26 =	simm.s32 $execute0_lowered;
	[smem:$0x3FD2] =	sst s25  }
0xac: {  	s6 =	sshll.u32 s26, $0x1;
	_ =	strace $0x80000046;
	[dreg:$0x1] =	wrdreg $0xFFFFFFFF  }
0xad: {  	s28 =	simm.s32 $_size_execute0_lowered;
	s4 =	sadd.s32 s4, s6;
	[dreg:$0x0] =	wrdreg $0x0  }
0xae: {  	s6 =	sshll.u32 s28, $0x1;
	[dreg:$0x2] =	wrdreg s4  }
0xaf: {  	[dreg:$0x3] =	wrdreg s6  }
0xb0: {  	[dreg:$0x4] =	wrdreg $0xC0  }
0xb1: {  	_ =	task [dreg:s8], $0x5FFFF  }
0xb2: {  	[dreg:$0x1] =	wrdreg $0xFFFFFFFF  }
0xb3: {  	[dreg:$0x0] =	wrdreg $0x60  }
0xb4: {  	[dreg:$0x2] =	wrdreg s17  }
0xb5: {  	[dreg:$0x3] =	wrdreg s16  }
0xb6: {  	[dreg:$0x4] =	wrdreg s24  }
0xb7: {  	[dreg:$0x5] =	wrdreg $0x9  }
0xb8: {  	_ =	task.clear_ibuf [dreg:s8], $0x6FFFF;
	_ =	strace $0x90000046  }
0xb9: {  	s29 =	simm.s32 $0x9;
	_ =	strace $0x80000048  }
0xba: {  	_ =	swait.ge [sflag:s29], $0x1  }
0xbb: {  	[sflag:s29] =	ssyncadd.s32 $0xFFFFFFFF  }
0xbc: {  	_ =	strace $0x90000048  }
0xbd: {  	_ =	sfence  }
0xbe: {  	s30 =	sld [smem:$0x0];
	_ =	sdelay $0x2  }
0xbf: {  	s31 =	sshll.u32 s1, $0xD;
	s1 =	sshrl.u32 s1, $0x2  }
0xc0: {  	s3 =	sand.u32 $0x4000, s31;
	s1 =	sadd.s32 s1, s30  }
0xc1: {  	s0 =	sor.u32 s3, s0;
	s1 =	sshll.u32 s1, $0x11  }
0xc2: {  	s0 =	sor.u32 s1, s0  }
0xc3: {  	s0 =	sadd.s32 $0x8F2B, s0  }
0xc4: {  	[sflag:s0] =	ssyncadd.remote.s32 $0x1  }
0xc5: {  	_ =	sfence.sel $0xFFFF  }
0xc6: {  	[dreg:$0x0] =	wrdreg $0xFFFFFFFF;
	(pc) =	sbr.abs _section_cstart, $3  }
0xc7: {  	[dreg:$0x1] =	wrdreg $0xFFFFFFFF  }
0xc8: {  	_ =	task.clear_ibuf [dreg:s8], $0x2FFFF;
	_ =	strace $0x9FFFFFFF  }
0xc9: {  	(tm) =	ssettm $0x7FFFFFFF  }
tec
execute0_lowered:
.L_overlay_start_1:
0x0: {  	(tag) =	ssettag $0x1  }
0x1: {  	s0 =	rddreg [dreg:$0x0]  }
0x2: {  	v0 =	vimm.s32 $0x13121110;
	s1 =	rddreg [dreg:$0x1]  }
0x3: {  	v1 =	vimm.s32 $0x17161514;
	s5 =	rddreg [dreg:$0x2];
	v0 =	vunpack.c.0.s8.s32 v0  }
0x4: {  	s4 =	srdreg.scid;
	vm1 =	vcmask $0xF00;
	v2 =	vimm.s32 $0x1B1A1918;
	s2 =	rddreg [dreg:$0x3];
	v1 =	vunpack.c.0.s8.s32 v1  }
0x5: {  	s3 =	simm.s32 $0x0;
	vm0 =	vcmask $0x1F10;
	s10 =	simm.s32 $0x1;
	s11 =	simm.s32 $0x2EE0;
	v2 =	vunpack.c.0.s8.s32 v2;
	v0 =	vnsel vm1, $0x1D, v0  }
0x6: {  	s12 =	simm.s32 $0x36B0;
	s13 =	simm.s32 $0x0;
	s4 =	sand.u32 $0x1, s4;
	v0 =	vsel vm0, v1, v0;
	vm0 =	vcmask $0x2F20;
	v1 =	vimm.s32 $0x4040302  }
0x7: {  	[smem:$0x7FF] =	sst s3;
	s6 =	sadd.s32 $0x1200, s5;
	s7 =	ssub.s32 $0x2, s4;
	v0 =	vsel vm0, v2, v0;
	vm0 =	vcmask $0x3330;
	v2 =	vimm.s32 $0x1  }
0x8: {  	s5 =	stileid.u32;
	_ =	strace $0x80000047;
	s8 =	sshrl.u32 s7, $0x1;
	v4 =	vunpack.c.0.s8.s32 v1;
	v1 =	vlaneseq.u32;
	v0 =	vsel vm0, $0x1C, v0  }
0x9: {  	p0 =	slt.u32 s5, $0xD;
	s9 =	ssub.s32 s7, s8;
	s8 =	simm.s32 $0x8;
	vm0 =	vcmask $0x3B00;
	v3 =	vor.u32 $0x10, v1;
	v5 =	vor.u32 $0x20, v1  }
0xa: {  	s7 =	sshll.u32 s5, $0x1;
	s8 =	simm.s32 @!p0 $0x7;
	s9 =	smax.u32 s9, $0x1;
	v2 =	vsel vm0, $0x0, v2;
	vm0 =	vmmov $0x3fff;
	v4 =	vnsel vm1, $0x4, v4  }
.LBB2_1:
0xb: {  	s14 =	simm.s32 $0x0  }
.LBB2_2:
0xc: {  	s15 =	sshll.u32 s14, $0x5  }
0xd: {  	s15 =	sor.u32 s15, s7  }
0xe: {  	s15 =	sor.u32 s4, s15  }
0xf: {  	s16 =	smul.u32 $0x2EE0, s15;
	_ =	sdelay $0x1  }
0x10: {  	s16 =	sshrl.u32 s16, $0x3  }
0x11: {  	s31 =	smul.u32 $0x7D0, s15;
	s17 =	sadd.s32 s0, s16;
	s16 =	simm.s32 $0x0  }
0x12: {  	[tilespmem:s16], [sflag:$0x1] =	stream.linear.gather [hbm4b:s17+s16], $0x2EE0, $0x38;
	[tilespmem:$0x81B0] =	vst v63  }
0x13: {  	_ =	swait.ge [sflag:s10], $0x2EE0  }
0x14: {  	s17 =	sshrl.u32 s31, $0x3;
	[sflag:s10] =	ssyncset.done $0x0  }
0x15: {  	v6 =	vadd.s32 s16, v1;
	v7 =	vmov s16;
	s17 =	sadd.s32 s1, s17;
	[sflag:s10] =	ssyncadd.s32 $0xFFFFD120  }
0x16: {  	v7 =	vmul.u32 $0x30, v7;
	[tilespmem:s11], [sflag:$0x1] =	stream.linear.gather [hbm4b:s17+s16], $0x7D0, $0x38;
	[tilespmem:$0x81B0] =	vst v63  }
0x17: {  	_ =	swait.ge [sflag:s10], $0x7D0  }
0x18: {  	v7 =	vbroadcast v7, $0x0;
	[sflag:s10] =	ssyncset.done $0x0  }
0x19: {  	[sflag:s10] =	ssyncadd.s32 $0xFFFFF830  }
0x1a: {  	v8 =	vor.u32 v1, v7;
	v6 =	vld.idx.msk [tilespmem:v6+s3+$0x0], $0xffff  }
0x1b: {  	v9 =	vadd.s32 s16, v0  }
0x1c: {  	v10 =	vadd.s32 s16, v2;
	_ =	sdelay $0x2  }
0x1d: {  	[tilespmem:v8+s12+$0x0] =	vst.idx.msk $0xffff, v6  }
0x1e: {  	v6 =	vld.idx.msk [tilespmem:v9+s3+$0x0], $0xffff  }
0x1f: {  	v8 =	vld.idx.msk [tilespmem:v10+s11+$0x0], $0xffff  }
0x20: {  	v9 =	vadd.s32 v3, v7  }
0x21: {  	v10 =	vadd.s32 s16, v4;
	_ =	sdelay $0x2  }
0x22: {  	v6 =	vsel vm0, v6, v8  }
0x23: {  	[tilespmem:v9+s12+$0x0] =	vst.idx.msk $0xffff, v6  }
0x24: {  	s17 =	simm.s32 $0x1E;
	v7 =	vadd.s32 v5, v7;
	v6 =	vld.idx.msk [tilespmem:v10+s11+$0x0], $0xffff  }
0x25: {  	s18 =	simm.s32 $0x1;
	v8 =	vadd.s32 s17, v1  }
0x26: {  	v9 =	vmov s18;
	s18 =	simm.s32 $0x2  }
.LBB2_3:
0x27: {  	p0 =	sne.s32 s18, $0x18F;
	v9 =	vmul.u32 $0x30, v9;
	_ =	sdelay $0x1  }
0x28: {  	v9 =	vbroadcast v9, $0x0;
	[tilespmem:v7+s12+$0x0] =	vst.idx.msk $0x7, v6  }
0x29: {  	v6 =	vld.idx.msk [tilespmem:v8+s3+$0x0], $0xffff  }
0x2a: {  	v7 =	vor.u32 v1, v9  }
0x2b: {  	s16 =	sadd.s32 $0x5, s16;
	v8 =	vadd.s32 s17, v0  }
0x2c: {  	v10 =	vadd.s32 s16, v2;
	_ =	sdelay $0x2  }
0x2d: {  	[tilespmem:v7+s12+$0x0] =	vst.idx.msk $0xffff, v6  }
0x2e: {  	v6 =	vld.idx.msk [tilespmem:v8+s3+$0x0], $0xffff  }
0x2f: {  	v7 =	vld.idx.msk [tilespmem:v10+s11+$0x0], $0xffff;
	_ =	sdelay $0x1  }
0x30: {  	v8 =	vadd.s32 v3, v9  }
0x31: {  	v10 =	vadd.s32 s16, v4;
	_ =	sdelay $0x2  }
0x32: {  	v6 =	vsel vm0, v6, v7  }
.Ltmp0:
0x33: {  	[tilespmem:v8+s12+$0x0] =	vst.idx.msk $0xffff, v6;
	(pc) =	sbr.rel @p0 .LBB2_3-.Ltmp0, $4  }
0x34: {  	v6 =	vld.idx.msk [tilespmem:v10+s11+$0x0], $0xffff  }
0x35: {  	s17 =	sadd.s32 $0x1E, s17;
	v7 =	vadd.s32 v5, v9  }
0x36: {  	v8 =	vadd.s32 s17, v1  }
0x37: {  	v9 =	vmov s18;
	s18 =	sadd.s32 $0x1, s18  }
0x38: {  	_ = 	snop  }
0x39: {  	v9 =	vmul.u32 $0x30, v9;
	_ =	sdelay $0x1  }
0x3a: {  	v9 =	vbroadcast v9, $0x0  }
0x3b: {  	[tilespmem:v7+s12+$0x0] =	vst.idx.msk $0x7, v6  }
0x3c: {  	v6 =	vld.idx.msk [tilespmem:v8+s3+$0x0], $0xffff;
	v7 =	vor.u32 v1, v9  }
0x3d: {  	v61 =	vadd.s32 s17, v0;
	s16 =	sadd.s32 $0x5, s16  }
0x3e: {  	v10 =	vadd.s32 s16, v2;
	_ =	sdelay $0x2  }
0x3f: {  	[tilespmem:v7+s12+$0x0] =	vst.idx.msk $0xffff, v6  }
0x40: {  	v6 =	vld.idx.msk [tilespmem:v61+s3+$0x0], $0xffff  }
0x41: {  	v7 =	vld.idx.msk [tilespmem:v10+s11+$0x0], $0xffff  }
0x42: {  	v62 =	vadd.s32 v3, v9  }
0x43: {  	v63 =	vadd.s32 s16, v4;
	_ =	sdelay $0x2  }
0x44: {  	v6 =	vsel vm0, v6, v7  }
0x45: {  	[tilespmem:v62+s12+$0x0] =	vst.idx.msk $0xffff, v6  }
0x46: {  	v7 =	vadd.s32 v5, v9;
	v6 =	vld.idx.msk [tilespmem:v63+s11+$0x0], $0xffff;
	_ =	sdelay $0x1  }
0x47: {  	s15 =	smul.u32 $0x4B00, s15  }
0x48: {  	s14 =	sadd.s32 $0x1, s14  }
0x49: {  	p0 =	sne.s32 s14, s8;
	s15 =	sshrl.u32 s15, $0x3  }
.Ltmp1:
0x4a: {  	s15 =	sadd.s32 s6, s15;
	[tilespmem:v7+s12+$0x0] =	vst.idx.msk $0x7, v6;
	(pc) =	sbr.rel @p0 .LBB2_2-.Ltmp1, $4  }
0x4b: {  	[hbm4b:s15+s3] =	stream.linear.scatter [tilespmem:s12], [sflag:$0x1], $0x4B00, $0x38;
	[tilespmem:$0x81B0] =	vst v63  }
0x4c: {  	_ =	swait.ge [sflag:s10], $0x4B00  }
0x4d: {  	[sflag:s10] =	ssyncset.done $0x0  }
0x4e: {  	[sflag:s10] =	ssyncadd.s32 $0xFFFFB500  }
0x4f: {  	s13 =	sadd.s32 $0x1, s13  }
0x50: {  	p0 =	sne.s32 s13, s9  }
.Ltmp2:
0x51: {  	_ = 	snop;
	(pc) =	sbr.rel @p0 .LBB2_1-.Ltmp2, $1  }
0x52: {  	_ =	sdelay $0x3  }
0x53: {  	_ =	sfence.sel $0x180000  }
0x54: {  	[bflag:$0x0] =	sbarrier.arrive $0xFFFF  }
0x55: {  	p0 =	sne.s32 s5, $0x0;
	_ =	strace $0x90000047  }
0x56: {  	s0 =	sadd.s32 @!p0 $0x100000, s2;
	[bflag:$0x2] =	sbarrier.arrive $0xFFFF  }
0x57: {  	[sflag:s0] =	ssyncadd.tile.s32 @!p0 $0x1;
	_ =	shalt  }
.Lfunc_end2:
_tile_overlayer_lowered:
.L_overlay_start_2:
0x58: {  	(tag) =	ssettag $0x2  }
0x59: {  	s0 =	rddreg [dreg:$0x0];
	s2 =	stileid.u32  }
0x5a: {  	s1 =	rddreg [dreg:$0x1];
	p0 =	sne.s32 s2, $0x0  }
0x5b: {  	s3 =	rddreg [dreg:$0x2];
	[bflag:$0x3] =	sbarrier.arrive $0xFFFF;
	s2 =	simm.s32 @!p0 $0x1C01  }
0x5c: {  	[timem:s3], [sflag:s2] =	dma.local @!p0 [hbm:s0], s1  }
0x5d: {  	s0 =	simm.s32 @!p0 $0x1  }
0x5e: {  	_ =	swait.ge @!p0 [sflag:s0], s1  }
0x5f: {  	s1 =	ssub.s32 @!p0 $0x0, s1;
	[sflag:s0] =	ssyncset.done @!p0 $0x0  }
0x60: {  	[sflag:s0] =	ssyncadd.s32 @!p0 s1  }
0x61: {  	[bflag:$0x3] =	sbarrier.arrive $0xFFFF  }
0x62: {  	_ =	shalt  }

// kernel: kernel.7.cloned.1.call-start
scs
__scs_entry_jumppad:
0x0: {  	(pc) =	sbr.rel $0x88, $3  }
0x1: {  	(tag) =	ssettag $0x0;
	lr =	simm.s32 $0x1  }
0x2: {  	[smem:$0x3F9E] =	sst lr;
	_ =	strace $0xD0000000  }
0x3: {  	_ = 	snop  }
0x4: {  	_ = 	snop  }
0x5: {  	_ = 	snop  }
0x6: {  	_ = 	snop  }
0x7: {  	_ = 	snop  }
__scs_overlays_trampoline_lowered:
0x8: {  	[smem:$0x3FAD] =	sst s0  }
0x9: {  	[smem:$0x3FAE] =	sst s1  }
0xa: {  	[smem:$0x3FAF] =	sst s2  }
0xb: {  	[smem:$0x3FB0] =	sst s3  }
0xc: {  	[smem:$0x3FB1] =	sst s4  }
0xd: {  	[smem:$0x3FB2] =	sst s5  }
0xe: {  	[smem:$0x3FB3] =	sst s6  }
0xf: {  	[smem:$0x3FB4] =	sst s7  }
0x10: {  	[smem:$0x3FB5] =	sst s8  }
0x11: {  	[smem:$0x3FB6] =	sst s9;
	s0 =	simm.s32 @!p0 $0x0  }
0x12: {  	s1 =	sld [smem:$0x3F9C];
	s0 =	simm.s32 @p0 $0x1  }
0x13: {  	[smem:$0x3FB7] =	sst s0;
	s0 =	simm.s32 @!p1 $0x0  }
0x14: {  	s2 =	sld [smem:$0x3F9B];
	s0 =	simm.s32 @p1 $0x1  }
0x15: {  	[smem:$0x3FB8] =	sst s0;
	s0 =	simm.s32 @!p2 $0x0  }
0x16: {  	s3 =	sld [smem:$0x3FDB];
	s0 =	simm.s32 @p2 $0x1  }
0x17: {  	s4 =	simm.s32 $0x1BF5;
	[smem:$0x3FBA] =	sst s0  }
0x18: {  	s0 =	sld [smem:$0x3F9D];
	_ =	swait.ge [sflag:s4], $0x0  }
0x19: {  	s7 =	sld [smem:$0x3F9E]  }
0x1a: {  	s8 =	sadd.s32 $0xFFFFE003, lr  }
0x1b: {  	s9 =	sadd.s32 $0xFFFFFEF7, lr;
	s5 =	simm.s32 $0xFFFFFFFF;
	p2 =	slt.u32 s8, $0xFFFFF086  }
0x1c: {  	p1 =	slt.u32 s9, $0xF7A;
	s5 =	simm.s32 @!p2 $0x0  }
0x1d: {  	s5 =	simm.s32 @p1 $0x1;
	p0 =	seq.s32 s7, s2  }
0x1e: {  	s7 =	smul.u32 @!p0 $0xF7A, s2;
	p2 =	seq.s32 @!p0 s5, $0x0  }
0x1f: {  	s9 =	smul.u32 $0xF7A, s1;
	s8 =	simm.s32 @!p0 $0x1BF5;
	p2 =	por !p2, p0  }
0x20: {  	[sflag:s8] =	ssyncset.s32 @!p0 $0xFFFFF086;
	s6 =	sadd.s32 @!p0 s3, s7;
	s7 =	simm.s32 @!p0 $0x108  }
0x21: {  	s3 =	sadd.s32 s3, s9;
	s6 =	sadd.s32 @!p0 $0x88, s6;
	s7 =	simm.s32 @p2 $0x1082  }
0x22: {  	[simem:s7], [sflag:s8] =	dma.local @!p0 [hbm:s6], $0xF7A  }
0x23: {  	s9 =	sor.u32 $0xD0000000, s2;
	s6 =	simm.s32 $0x108;
	_ =	swait.ge @!p0 [sflag:s8], $0x0  }
0x24: {  	s3 =	sadd.s32 $0x88, s3;
	s6 =	simm.s32 @!p1 $0x1082;
	[sflag:s4] =	ssyncset.s32 $0xFFFFF086  }
0x25: {  	[simem:s6], [sflag:s4] =	dma.local [hbm:s3], $0xF7A  }
0x26: {  	[smem:$0x3F9E] =	sst s1;
	(tag) =	ssettag s2;
	_ =	strace s9  }
0x27: {  	s1 =	sld [smem:$0x3FAE]  }
0x28: {  	s2 =	sld [smem:$0x3FAF]  }
0x29: {  	s4 =	sld [smem:$0x3FB1]  }
0x2a: {  	p0 =	seq.s32 s5, $0x0;
	s5 =	sld [smem:$0x3FB2]  }
0x2b: {  	s6 =	sld [smem:$0x3FB3]  }
0x2c: {  	s7 =	sld [smem:$0x3FB4]  }
0x2d: {  	s3 =	simm.s32 $0x108;
	s8 =	sld [smem:$0x3FB5]  }
0x2e: {  	s3 =	simm.s32 @!p0 $0x1082;
	s9 =	sld [smem:$0x3FB6]  }
0x2f: {  	lr =	sadd.s32 s0, s3;
	s0 =	sld [smem:$0x3FAD]  }
0x30: {  	s3 =	sld [smem:$0x3FB0]  }
0x31: {  	[smem:$0x3FB9] =	sst s10  }
0x32: {  	s10 =	sld [smem:$0x3FB7];
	_ =	sdelay $0x3  }
0x33: {  	p0 =	seq.s32 s10, $0x1;
	s10 =	sld [smem:$0x3FB9];
	_ =	sdelay $0x3  }
0x34: {  	[smem:$0x3FB9] =	sst s10  }
0x35: {  	s10 =	sld [smem:$0x3FB8];
	_ =	sdelay $0x3  }
0x36: {  	p1 =	seq.s32 s10, $0x1;
	s10 =	sld [smem:$0x3FB9];
	_ =	sdelay $0x3  }
0x37: {  	[smem:$0x3FB9] =	sst s10  }
0x38: {  	s10 =	sld [smem:$0x3FBA]  }
0x39: {  	_ = 	snop;
	(pc) =	sbr.ind lr, $3  }
0x3a: {  	_ = 	snop  }
0x3b: {  	_ = 	snop  }
0x3c: {  	p2 =	seq.s32 s10, $0x1;
	s10 =	sld [smem:$0x3FB9]  }
0x3d: {  	_ =	shalt  }
0x3e: {  	_ =	shalt  }
0x3f: {  	_ =	shalt  }
0x40: {  	_ =	shalt  }
0x41: {  	_ =	shalt  }
0x42: {  	_ =	shalt  }
0x43: {  	_ =	shalt  }
0x44: {  	_ =	shalt  }
0x45: {  	_ =	shalt  }
0x46: {  	_ =	shalt  }
0x47: {  	_ =	shalt  }
0x48: {  	_ =	shalt  }
0x49: {  	_ =	shalt  }
0x4a: {  	_ =	shalt  }
0x4b: {  	_ =	shalt  }
0x4c: {  	_ =	shalt  }
0x4d: {  	_ =	shalt  }
0x4e: {  	_ =	shalt  }
0x4f: {  	_ =	shalt  }
0x50: {  	_ =	shalt  }
0x51: {  	_ =	shalt  }
0x52: {  	_ =	shalt  }
0x53: {  	_ =	shalt  }
0x54: {  	_ =	shalt  }
0x55: {  	_ =	shalt  }
0x56: {  	_ =	shalt  }
0x57: {  	_ =	shalt  }
0x58: {  	_ =	shalt  }
0x59: {  	_ =	shalt  }
0x5a: {  	_ =	shalt  }
0x5b: {  	_ =	shalt  }
0x5c: {  	_ =	shalt  }
0x5d: {  	_ =	shalt  }
0x5e: {  	_ =	shalt  }
0x5f: {  	_ =	shalt  }
0x60: {  	_ =	shalt  }
0x61: {  	_ =	shalt  }
0x62: {  	_ =	shalt  }
0x63: {  	_ =	shalt  }
0x64: {  	_ =	shalt  }
0x65: {  	_ =	shalt  }
0x66: {  	_ =	shalt  }
0x67: {  	_ =	shalt  }
0x68: {  	_ =	shalt  }
0x69: {  	_ =	shalt  }
0x6a: {  	_ =	shalt  }
0x6b: {  	_ =	shalt  }
0x6c: {  	_ =	shalt  }
0x6d: {  	_ =	shalt  }
0x6e: {  	_ =	shalt  }
0x6f: {  	_ =	shalt  }
0x70: {  	_ =	shalt  }
0x71: {  	_ =	shalt  }
0x72: {  	_ =	shalt  }
0x73: {  	_ =	shalt  }
0x74: {  	_ =	shalt  }
0x75: {  	_ =	shalt  }
0x76: {  	_ =	shalt  }
0x77: {  	_ =	shalt  }
0x78: {  	_ =	shalt  }
0x79: {  	_ =	shalt  }
0x7a: {  	_ =	shalt  }
0x7b: {  	_ =	shalt  }
0x7c: {  	_ =	shalt  }
0x7d: {  	_ =	shalt  }
0x7e: {  	_ =	shalt  }
0x7f: {  	_ =	shalt  }
0x80: {  	_ =	shalt  }
0x81: {  	_ =	shalt  }
0x82: {  	_ =	shalt  }
0x83: {  	_ =	shalt  }
0x84: {  	_ =	shalt  }
0x85: {  	_ =	shalt  }
0x86: {  	_ =	shalt  }
0x87: {  	_ =	shalt  }
.Lfunc_end0:
.L_simem_size_0:
called_computation.1_lowered:
.L_overlay_start_0:
0x88: {  	s2 =	sld [smem:$0x3FD9]  }
0x89: {  	s3 =	sld [smem:$0x3FFE];
	_ =	sdelay $0x1  }
0x8a: {  	s1 =	srdreg.scid  }
0x8b: {  	s0 =	sand.u32 $0x1, s1  }
0x8c: {  	s14 =	sshll.u32 s0, $0xA;
	s2 =	sadd.s32 s3, s2  }
0x8d: {  	s2 =	sadd.s32 s2, s14  }
0x8e: {  	[smem:$0x3FC5] =	sst s2  }
0x8f: {  	_ = 	snop  }
0x90: {  	s2 =	sld [smem:$0x3FD0];
	_ =	sdelay $0x2  }
0x91: {  	s15 =	simm.s32 $0xA;
	s4 =	simm.s32 $0x10  }
0x92: {  	[smem:s4], [sflag:s15] =	dma.local [hbm:s2], $0x1  }
0x93: {  	_ =	swait.eq [sflag:s15], $0x1  }
0x94: {  	s16 =	sld [smem:$0x10]  }
0x95: {  	s17 =	sld [smem:$0x11];
	[sflag:s15] =	ssyncset.done $0x0  }
0x96: {  	s5 =	sld [smem:$0x12];
	[sflag:s15] =	ssyncadd.s32 $0xFFFFFFFF  }
0x97: {  	s18 =	sld [smem:$0x13];
	(tm) =	ssettm $0x1  }
0x98: {  	s6 =	sld [smem:$0x3FFB];
	_ =	sdelay $0x3  }
0x99: {  	_ =	strace s6  }
0x9a: {  	s6 =	sld [smem:$0x3FFC];
	_ =	sdelay $0x3  }
0x9b: {  	_ =	strace s6  }
0x9c: {  	s6 =	sld [smem:$0x3FFD];
	_ =	sdelay $0x3  }
0x9d: {  	_ =	strace s6  }
0x9e: {  	_ =	strace $0x8FFFFFFF  }
0x9f: {  	s19 =	sld [smem:$0x3FDB];
	_ =	sdelay $0x1  }
0xa0: {  	s7 =	simm.s32 $_scs_section_size  }
0xa1: {  	s8 =	simm.s32 $_size__tile_overlayer_lowered;
	s9 =	simm.s32 $_tile_overlayer_lowered  }
0xa2: {  	s22 =	simm.s32 $0x1BFF;
	s21 =	sshll.u32 s9, $0x1;
	s6 =	sadd.s32 s7, s19  }
0xa3: {  	s10 =	simm.s32 $0x0;
	s20 =	sshll.u32 s8, $0x1;
	s8 =	sadd.s32 s21, s6  }
0xa4: {  	[timem:s10], [sflag:s22] =	dma.local [hbm:s8], s20  }
0xa5: {  	_ =	swait.ge [sflag:s22], s20  }
0xa6: {  	s7 =	ssub.s32 $0x0, s20;
	[sflag:s22] =	ssyncset.done $0x0  }
0xa7: {  	[sflag:s22] =	ssyncadd.s32 s7;
	_ =	sdelay $0x1  }
0xa8: {  	s23 =	simm.s32 $0x1B8B  }
0xa9: {  	_ =	swait.ge [sflag:s23], $0x1  }
0xaa: {  	[sflag:s23] =	ssyncset.done $0x0  }
0xab: {  	s25 =	simm.s32 $0x1B8E;
	s24 =	sld [smem:$0x3FFE];
	[sflag:s23] =	ssyncadd.s32 $0xFFFFFFFF  }
0xac: {  	s26 =	simm.s32 $execute0_lowered;
	[smem:$0x3FD2] =	sst s25  }
0xad: {  	s8 =	sshll.u32 s26, $0x1;
	_ =	strace $0x80000049;
	[dreg:$0x1] =	wrdreg $0xFFFFFFFF  }
0xae: {  	s28 =	simm.s32 $_size_execute0_lowered;
	s6 =	sadd.s32 s6, s8;
	[dreg:$0x0] =	wrdreg $0x0  }
0xaf: {  	s8 =	sshll.u32 s28, $0x1;
	[dreg:$0x2] =	wrdreg s6  }
0xb0: {  	[dreg:$0x3] =	wrdreg s8  }
0xb1: {  	[dreg:$0x4] =	wrdreg $0xC0  }
0xb2: {  	_ =	task [dreg:s10], $0x5FFFF  }
0xb3: {  	[dreg:$0x1] =	wrdreg $0xFFFFFFFF  }
0xb4: {  	[dreg:$0x0] =	wrdreg $0x60  }
0xb5: {  	[dreg:$0x2] =	wrdreg s24  }
0xb6: {  	[dreg:$0x3] =	wrdreg s16  }
0xb7: {  	[dreg:$0x4] =	wrdreg s17  }
0xb8: {  	[dreg:$0x5] =	wrdreg s5  }
0xb9: {  	[dreg:$0x6] =	wrdreg s18  }
0xba: {  	[dreg:$0x7] =	wrdreg $0x9  }
0xbb: {  	_ =	task.clear_ibuf [dreg:s10], $0x8FFFF;
	_ =	strace $0x90000049  }
0xbc: {  	s29 =	simm.s32 $0x9;
	_ =	strace $0x8000004B  }
0xbd: {  	_ =	swait.ge [sflag:s29], $0x1  }
0xbe: {  	[sflag:s29] =	ssyncadd.s32 $0xFFFFFFFF  }
0xbf: {  	_ =	strace $0x9000004B  }
0xc0: {  	_ =	sfence  }
0xc1: {  	s30 =	sld [smem:$0x0];
	_ =	sdelay $0x2  }
0xc2: {  	s31 =	sshll.u32 s1, $0xD;
	s1 =	sshrl.u32 s1, $0x2  }
0xc3: {  	s3 =	sand.u32 $0x4000, s31;
	s1 =	sadd.s32 s1, s30  }
0xc4: {  	s0 =	sor.u32 s3, s0;
	s1 =	sshll.u32 s1, $0x11  }
0xc5: {  	s0 =	sor.u32 s1, s0  }
0xc6: {  	s0 =	sadd.s32 $0x8F2B, s0  }
0xc7: {  	[sflag:s0] =	ssyncadd.remote.s32 $0x1  }
0xc8: {  	_ =	sfence.sel $0xFFFF  }
0xc9: {  	[dreg:$0x0] =	wrdreg $0xFFFFFFFF;
	(pc) =	sbr.abs _section_cstart, $3  }
0xca: {  	[dreg:$0x1] =	wrdreg $0xFFFFFFFF  }
0xcb: {  	_ =	task.clear_ibuf [dreg:s10], $0x2FFFF;
	_ =	strace $0x9FFFFFFF  }
0xcc: {  	(tm) =	ssettm $0x7FFFFFFF  }
0xcd: {  	_ =	shalt  }
tec
execute0_lowered:
.L_overlay_start_1:
0x0: {  	(tag) =	ssettag $0x1  }
0x1: {  	v6 =	vlaneseq.u32;
	s0 =	rddreg [dreg:$0x0]  }
0x2: {  	s5 =	rddreg [dreg:$0x3];
	s6 =	simm.s32 $0x0;
	v8 =	vmul.u32 $0xE1, v6  }
0x3: {  	[smem:$0x7FF] =	sst s6  }
0x4: {  	s8 =	rddreg [dreg:$0x4];
	_ =	strace $0x8000004A;
	v10 =	vadd.s32 $0x41, v8;
	[tilespmem:$0x1FD40] =	vst v8  }
0x5: {  	v19 =	vadd.s32 $0x42, v8;
	[tilespmem:$0x1FD50] =	vst v10  }
0x6: {  	v16 =	vadd.s32 $0x43, v8;
	[tilespmem:$0x1FD60] =	vst v19  }
0x7: {  	v38 =	vadd.s32 $0x46, v8;
	[tilespmem:$0x1FD70] =	vst v16  }
0x8: {  	v20 =	vadd.s32 $0x4A, v8;
	[tilespmem:$0x1FD80] =	vst v38  }
0x9: {  	v22 =	vadd.s32 $0x44, v8;
	[tilespmem:$0x1FDA0] =	vst v20  }
0xa: {  	v21 =	vadd.s32 $0x47, v8;
	[tilespmem:$0x1FDB0] =	vst v22  }
0xb: {  	v31 =	vadd.s32 $0x4B, v8;
	[tilespmem:$0x1FDC0] =	vst v21  }
0xc: {  	v32 =	vadd.s32 $0x4C, v8;
	[tilespmem:$0x1FDD0] =	vst v31  }
0xd: {  	v25 =	vadd.s32 $0x4D, v8;
	[tilespmem:$0x1FDE0] =	vst v32  }
0xe: {  	v33 =	vadd.s32 $0x4E, v8;
	[tilespmem:$0x1FDF0] =	vst v25  }
0xf: {  	v39 =	vadd.s32 $0x4F, v8;
	[tilespmem:$0x1FE00] =	vst v33  }
0x10: {  	v42 =	vadd.s32 $0x50, v8;
	[tilespmem:$0x1FE10] =	vst v39  }
0x11: {  	v54 =	vadd.s32 $0x51, v8;
	[tilespmem:$0x1FE20] =	vst v42  }
0x12: {  	v55 =	vadd.s32 $0x52, v8;
	[tilespmem:$0x1FE30] =	vst v54  }
0x13: {  	v46 =	vadd.s32 $0x53, v8;
	[tilespmem:$0x1FE40] =	vst v55  }
0x14: {  	v62 =	vadd.s32 $0x54, v8;
	[tilespmem:$0x1FE50] =	vst v46  }
0x15: {  	v59 =	vadd.s32 $0x55, v8;
	[tilespmem:$0x1FE60] =	vst v62  }
0x16: {  	v60 =	vadd.s32 $0x57, v8;
	[tilespmem:$0x1FE70] =	vst v59  }
0x17: {  	v52 =	vadd.s32 $0x58, v8;
	[tilespmem:$0x1FE80] =	vst v60  }
0x18: {  	v50 =	vadd.s32 $0x59, v8;
	[tilespmem:$0x1FE90] =	vst v52  }
0x19: {  	v49 =	vadd.s32 $0x5B, v8;
	[tilespmem:$0x1FEA0] =	vst v50  }
0x1a: {  	v47 =	vadd.s32 $0x5C, v8;
	[tilespmem:$0x1FEB0] =	vst v49  }
0x1b: {  	v45 =	vadd.s32 $0x5D, v8;
	[tilespmem:$0x1FEC0] =	vst v47  }
0x1c: {  	v43 =	vadd.s32 $0x5E, v8;
	[tilespmem:$0x1FED0] =	vst v45  }
0x1d: {  	v41 =	vadd.s32 $0x5F, v8;
	[tilespmem:$0x1FEE0] =	vst v43  }
0x1e: {  	v40 =	vadd.s32 $0x62, v8;
	[tilespmem:$0x1FEF0] =	vst v41  }
0x1f: {  	v17 =	vand.u32 $0x7, v6;
	v6 =	vadd.s32 $0x49, v8;
	[tilespmem:$0x1FF00] =	vst v40  }
0x20: {  	v58 =	vadd.s32 $0x72, v8;
	[tilespmem:$0x1FF30] =	vst v6  }
0x21: {  	v51 =	vadd.s32 $0x74, v8;
	[tilespmem:$0x1FF40] =	vst v58  }
0x22: {  	v61 =	vadd.s32 $0x73, v8;
	[tilespmem:$0x1FF50] =	vst v51  }
0x23: {  	v0 =	vimm.s32 $0x7654321;
	v28 =	vadd.s32 $0x71, v8;
	[tilespmem:$0x1FF60] =	vst v61  }
0x24: {  	v2 =	vimm.s32 $0x21076543;
	v0 =	vunpack.c.l.s4.s8 v0;
	v29 =	vadd.s32 $0x70, v8;
	[tilespmem:$0x1FF70] =	vst v28  }
0x25: {  	v2 =	vunpack.c.l.s4.s8 v2;
	v26 =	vadd.s32 $0x75, v8;
	[tilespmem:$0x1FF80] =	vst v29  }
0x26: {  	v3 =	vunpack.c.0.s8.s32 v0;
	v0 =	vimm.s32 $0x32107654;
	v24 =	vadd.s32 $0x6A, v8;
	[tilespmem:$0x1FF90] =	vst v26  }
0x27: {  	s1 =	srdreg.scid;
	v27 =	vadd.s32 $0x68, v8;
	v0 =	vunpack.c.l.s4.s8 v0;
	[tilespmem:$0x1FFA0] =	vst v24  }
0x28: {  	s2 =	stileid.u32;
	s19 =	simm.s32 $0x5;
	s20 =	simm.s32 $0x80;
	v7 =	vunpack.c.0.s8.s32 v2;
	v2 =	vimm.s32 $0x54321076;
	v30 =	vadd.s32 $0x67, v8;
	[tilespmem:$0x1FFB0] =	vst v27  }
0x29: {  	s21 =	simm.s32 $0xC310;
	s22 =	simm.s32 $0x1;
	s29 =	simm.s32 $0x160F0;
	v12 =	vadd.s32 $0x6F, v8;
	[tilespmem:$0x1FFC0] =	vst v30;
	v9 =	vunpack.c.0.s8.s32 v0;
	v0 =	vunpack.c.l.s4.s8 v2  }
0x2a: {  	s18 =	simm.s32 $0x16720;
	s12 =	simm.s32 $0x16828;
	s14 =	simm.s32 $0x16930;
	v34 =	vadd.s32 $0x65, v8;
	[tilespmem:$0x1FFD0] =	vst v12  }
0x2b: {  	v1 =	vimm.s32 $0x10765432;
	s13 =	simm.s32 $0x16A38;
	s1 =	sand.u32 $0x1, s1;
	s2 =	sshll.u32 s2, $0x1;
	[tilespmem:$0x1FFE0] =	vst v34;
	v13 =	vunpack.c.0.s8.s32 v0;
	v0 =	vadd.s32 $0x56, v8  }
0x2c: {  	v4 =	vimm.s32 $0x65432107;
	s15 =	simm.s32 $0x3;
	s7 =	sadd.s32 $0x1200, s0;
	s2 =	sor.u32 s1, s2;
	[tilespmem:$0x1FCD0] =	vst v0;
	v0 =	vadd.s32 $0x5A, v8  }
0x2d: {  	vm0 =	vcmask $0x300;
	v1 =	vunpack.c.l.s4.s8 v1;
	s16 =	sadd.s32 $0x20, s5;
	s1 =	ssub.s32 $0x2, s1;
	s3 =	smul.u32 $0xE10, s2;
	[tilespmem:$0x1FCE0] =	vst v0;
	v0 =	vadd.s32 $0x61, v8  }
0x2e: {  	vm13 =	vcmask $0x704;
	vm14 =	vcmask $0xB08;
	s17 =	sadd.s32 $0x20, s8;
	s4 =	sshrl.u32 s1, $0x1;
	s9 =	smul.u32 $0x4B00, s2;
	[tilespmem:$0x1FCF0] =	vst v0;
	v0 =	vadd.s32 $0x63, v8  }
0x2f: {  	vm15 =	vcmask $0xF0C;
	v5 =	vunpack.c.0.s8.s32 v1;
	s25 =	sshll.u32 s2, $0x6;
	s10 =	smul.u32 $0xC80, s2;
	s11 =	sshll.u32 s2, $0x9;
	[tilespmem:$0x1FD00] =	vst v0;
	v0 =	vadd.s32 $0x66, v8  }
0x30: {  	v1 =	vimm.s32 $0x43210765;
	v44 =	vadd.s32 $0x60, v8;
	s2 =	simm.s32 $0x2;
	s23 =	ssub.s32 s1, s4;
	s28 =	sadd.s32 s5, s25;
	[tilespmem:$0x1FD10] =	vst v0;
	v0 =	vadd.s32 $0x6B, v8  }
0x31: {  	v48 =	vadd.s32 $0x64, v8;
	v53 =	vadd.s32 $0x69, v8;
	s26 =	sor.u32 $0x20, s25;
	s1 =	sadd.s32 s8, s25;
	[dreg:$0x7] =	wrdreg s28;
	[tilespmem:$0x1FD20] =	vst v0;
	v0 =	vadd.s32 $0x6E, v8  }
0x32: {  	v56 =	vadd.s32 $0x6C, v8;
	s4 =	simm.s32 $0x0;
	[dreg:$0x8] =	wrdreg s1;
	s30 =	sadd.s32 s5, s26;
	v2 =	vunpack.c.l.s4.s8 v4;
	[tilespmem:$0x1FD30] =	vst v0;
	v0 =	vimm.s32 $0x420  }
0x33: {  	v1 =	vunpack.c.l.s4.s8 v1;
	[tilespmem:$0x1FFF0] =	vst v44;
	s3 =	sadd.s32 s3, s0;
	s31 =	sadd.s32 s8, s26;
	v4 =	vadd.s32 $0x45, v8;
	[dreg:$0x9] =	wrdreg s30;
	v0 =	vsel vm0, $0x0, v0  }
0x34: {  	s0 =	smax.u32 s23, $0x1;
	s8 =	simm.s32 $0x16618;
	[dreg:$0xa] =	wrdreg s31;
	[tilespmem:$0x1FF20] =	vst v4;
	v15 =	vunpack.c.0.s8.s32 v2;
	v2 =	vadd.s32 $0x48, v8;
	v0 =	vsel vm13, $0x108, v0  }
0x35: {  	v57 =	vadd.s32 $0x6D, v8;
	s1 =	simm.s32 $0x4;
	s24 =	sadd.s32 $0x93A00, s3;
	[dreg:$0xb] =	wrdreg s0;
	[tilespmem:$0x1FD90] =	vst v2;
	v8 =	vadd.s32 $0x76, v8;
	v0 =	vsel vm14, $0x210, v0  }
0x36: {  	s5 =	simm.s32 $0x14200;
	v11 =	vunpack.c.0.s8.s32 v1;
	s0 =	simm.s32 $0x12310;
	[dreg:$0x6] =	wrdreg s24;
	[tilespmem:$0x1FF10] =	vst v8;
	v63 =	vsel vm15, $0x318, v0  }
.LBB2_1:
0x37: {  	[dreg:$0xc] =	wrdreg s4  }
0x38: {  	s3 =	rddreg [dreg:$0x6]  }
0x39: {  	[tilespmem:s6], [sflag:$0x5] =	stream.linear.gather [hbm4b:s3+s6], $0x7080, $0x38;
	[tilespmem:$0x17CD0] =	vst v63  }
0x3a: {  	_ =	swait.ge [sflag:s19], $0x7080  }
0x3b: {  	[sflag:s19] =	ssyncset.done $0x0  }
0x3c: {  	[sflag:s19] =	ssyncadd.s32 $0xFFFF8F80  }
0x3d: {  	v0 =	vld [tilespmem:s6+$0x0];
	_ =	sdelay $0x2  }
0x3e: {  	v35 =	vmov v29;
	v29 =	vmov v27;
	v36 =	vmov v60;
	s24 =	simm.s32 $0x0;
	s4 =	simm.s32 $0x0;
	s3 =	simm.s32 $0x14  }
.LBB2_2:
0x3f: {  	p0 =	sne.s32 s3, $0x9EC  }
0x40: {  	[tilespmem:s24+$0x7080] =	vst v0;
	s4 =	sadd.s32 $0xE1, s4;
	s23 =	smov.u32 s3;
	s3 =	sadd.s32 $0x14, s3  }
.Ltmp0:
0x41: {  	v0 =	vld [tilespmem:s4+$0x0];
	(pc) =	sbr.rel @p0 .LBB2_2-.Ltmp0, $2  }
0x42: {  	_ =	sdelay $0x2  }
0x43: {  	s24 =	sshra.s32 s23, $0x2;
	s23 =	simm.s32 $0x0  }
0x44: {  	v1 =	vmov s23  }
0x45: {  	v1 =	vmul.u32 $0xE1, v1;
	_ =	sdelay $0x1  }
0x46: {  	v60 =	vbroadcast v1, $0x0;
	_ =	sdelay $0x1  }
0x47: {  	v1 =	vadd.s32 v10, v60  }
0x48: {  	v1 =	vand.u32 $0xFFFFFFF8, v1  }
0x49: {  	v1 =	vor.u32 v3, v1;
	_ =	sdelay $0x3  }
0x4a: {  	[tilespmem:s24+$0x7080] =	vst v0;
	v0 =	vadd.s32 v19, v60  }
0x4b: {  	v0 =	vand.u32 $0xFFFFFFF8, v0;
	v1 =	vld.idx.msk [tilespmem:v1+s23+$0x0], $0xffff  }
0x4c: {  	v0 =	vor.u32 v5, v0;
	_ =	sdelay $0x2  }
0x4d: {  	s24 =	simm.s32 $0x0  }
0x4e: {  	[tilespmem:s24+$0x7310] =	vst v1;
	v1 =	vadd.s32 v16, v60  }
0x4f: {  	v0 =	vld.idx.msk [tilespmem:v0+s23+$0x0], $0xffff;
	v1 =	vand.u32 $0xFFFFFFF8, v1  }
0x50: {  	v1 =	vor.u32 v7, v1;
	_ =	sdelay $0x3  }
0x51: {  	[tilespmem:s24+$0x7510] =	vst v0;
	v0 =	vadd.s32 v22, v60  }
0x52: {  	v1 =	vld.idx.msk [tilespmem:v1+s23+$0x0], $0xffff;
	v0 =	vand.u32 $0xFFFFFFF8, v0  }
0x53: {  	v0 =	vor.u32 v9, v0;
	_ =	sdelay $0x3  }
0x54: {  	[tilespmem:s24+$0x7710] =	vst v1;
	v1 =	vadd.s32 v4, v60  }
0x55: {  	v0 =	vld.idx.msk [tilespmem:v0+s23+$0x0], $0xffff;
	v1 =	vand.u32 $0xFFFFFFF8, v1  }
0x56: {  	v1 =	vor.u32 v11, v1;
	_ =	sdelay $0x3  }
0x57: {  	[tilespmem:s24+$0x7910] =	vst v0;
	v0 =	vadd.s32 v38, v60  }
0x58: {  	v1 =	vld.idx.msk [tilespmem:v1+s23+$0x0], $0xffff;
	v0 =	vand.u32 $0xFFFFFFF8, v0  }
0x59: {  	v0 =	vor.u32 v13, v0;
	_ =	sdelay $0x3  }
0x5a: {  	[tilespmem:s24+$0x7B10] =	vst v1;
	v1 =	vadd.s32 v21, v60  }
0x5b: {  	v0 =	vld.idx.msk [tilespmem:v0+s23+$0x0], $0xffff;
	v1 =	vand.u32 $0xFFFFFFF8, v1  }
0x5c: {  	v1 =	vor.u32 v15, v1;
	_ =	sdelay $0x3  }
0x5d: {  	[tilespmem:s24+$0x7390] =	vst v0;
	v0 =	vadd.s32 v2, v60  }
0x5e: {  	v1 =	vld.idx.msk [tilespmem:v1+s23+$0x0], $0xffff;
	v0 =	vand.u32 $0xFFFFFFF8, v0  }
0x5f: {  	v0 =	vor.u32 v17, v0;
	_ =	sdelay $0x3  }
0x60: {  	[tilespmem:s24+$0x7590] =	vst v1;
	v1 =	vadd.s32 v6, v60  }
0x61: {  	v0 =	vld.idx.msk [tilespmem:v0+s23+$0x0], $0xffff;
	v1 =	vand.u32 $0xFFFFFFF8, v1  }
0x62: {  	v1 =	vor.u32 v3, v1;
	_ =	sdelay $0x3  }
0x63: {  	[tilespmem:s24+$0x7790] =	vst v0;
	v0 =	vadd.s32 v20, v60  }
0x64: {  	v1 =	vld.idx.msk [tilespmem:v1+s23+$0x0], $0xffff;
	v0 =	vand.u32 $0xFFFFFFF8, v0  }
0x65: {  	v0 =	vor.u32 v5, v0;
	_ =	sdelay $0x3  }
0x66: {  	[tilespmem:s24+$0x7990] =	vst v1;
	v1 =	vadd.s32 v31, v60  }
0x67: {  	v0 =	vld.idx.msk [tilespmem:v0+s23+$0x0], $0xffff;
	v1 =	vand.u32 $0xFFFFFFF8, v1  }
0x68: {  	v1 =	vor.u32 v7, v1;
	_ =	sdelay $0x3  }
0x69: {  	[tilespmem:s24+$0x7B90] =	vst v0;
	v0 =	vadd.s32 v32, v60  }
0x6a: {  	v1 =	vld.idx.msk [tilespmem:v1+s23+$0x0], $0xffff;
	v0 =	vand.u32 $0xFFFFFFF8, v0  }
0x6b: {  	v0 =	vor.u32 v9, v0;
	_ =	sdelay $0x3  }
0x6c: {  	[tilespmem:s24+$0x7410] =	vst v1;
	v1 =	vadd.s32 v25, v60  }
0x6d: {  	v0 =	vld.idx.msk [tilespmem:v0+s23+$0x0], $0xffff;
	v1 =	vand.u32 $0xFFFFFFF8, v1  }
0x6e: {  	v1 =	vor.u32 v11, v1;
	_ =	sdelay $0x3  }
0x6f: {  	[tilespmem:s24+$0x7610] =	vst v0;
	v0 =	vadd.s32 v33, v60  }
0x70: {  	v1 =	vld.idx.msk [tilespmem:v1+s23+$0x0], $0xffff;
	v0 =	vand.u32 $0xFFFFFFF8, v0  }
0x71: {  	v0 =	vor.u32 v13, v0;
	_ =	sdelay $0x3  }
0x72: {  	[tilespmem:s24+$0x7810] =	vst v1;
	v1 =	vadd.s32 v39, v60  }
0x73: {  	v0 =	vld.idx.msk [tilespmem:v0+s23+$0x0], $0xffff;
	v1 =	vand.u32 $0xFFFFFFF8, v1  }
0x74: {  	v1 =	vor.u32 v15, v1;
	_ =	sdelay $0x3  }
0x75: {  	[tilespmem:s24+$0x7A10] =	vst v0;
	v0 =	vadd.s32 v42, v60  }
0x76: {  	v1 =	vld.idx.msk [tilespmem:v1+s23+$0x0], $0xffff;
	v0 =	vand.u32 $0xFFFFFFF8, v0  }
0x77: {  	v0 =	vor.u32 v17, v0;
	_ =	sdelay $0x3  }
0x78: {  	[tilespmem:s24+$0x7C10] =	vst v1;
	v1 =	vadd.s32 v54, v60  }
0x79: {  	v0 =	vld.idx.msk [tilespmem:v0+s23+$0x0], $0xffff;
	v1 =	vand.u32 $0xFFFFFFF8, v1  }
0x7a: {  	v1 =	vor.u32 v3, v1;
	_ =	sdelay $0x3  }
0x7b: {  	[tilespmem:s24+$0x7490] =	vst v0;
	v0 =	vadd.s32 v55, v60  }
0x7c: {  	v1 =	vld.idx.msk [tilespmem:v1+s23+$0x0], $0xffff;
	v0 =	vand.u32 $0xFFFFFFF8, v0  }
0x7d: {  	v0 =	vor.u32 v5, v0;
	_ =	sdelay $0x3  }
0x7e: {  	[tilespmem:s24+$0x7690] =	vst v1;
	v1 =	vadd.s32 v46, v60  }
0x7f: {  	v0 =	vld.idx.msk [tilespmem:v0+s23+$0x0], $0xffff;
	v1 =	vand.u32 $0xFFFFFFF8, v1  }
0x80: {  	v1 =	vor.u32 v7, v1;
	_ =	sdelay $0x3  }
0x81: {  	[tilespmem:s24+$0x7890] =	vst v0;
	v0 =	vadd.s32 v62, v60  }
0x82: {  	v1 =	vld.idx.msk [tilespmem:v1+s23+$0x0], $0xffff;
	v0 =	vand.u32 $0xFFFFFFF8, v0  }
0x83: {  	v0 =	vor.u32 v9, v0;
	_ =	sdelay $0x3  }
0x84: {  	[tilespmem:s24+$0x7A90] =	vst v1  }
0x85: {  	v0 =	vld.idx.msk [tilespmem:v0+s23+$0x0], $0xffff;
	_ =	sdelay $0x3  }
0x86: {  	v1 =	vadd.s32 v59, v60  }
0x87: {  	v1 =	vand.u32 $0xFFFFFFF8, v1;
	[tilespmem:s24+$0x7C90] =	vst v0;
	v0 =	vld [tilespmem:$0x1FCD0]  }
0x88: {  	v1 =	vor.u32 v11, v1;
	_ =	sdelay $0x3  }
0x89: {  	v0 =	vadd.s32 v0, v60  }
0x8a: {  	v1 =	vld.idx.msk [tilespmem:v1+s23+$0x0], $0xffff;
	v0 =	vand.u32 $0xFFFFFFF8, v0  }
0x8b: {  	v0 =	vor.u32 v13, v0;
	_ =	sdelay $0x3  }
0x8c: {  	[tilespmem:s24+$0x7D10] =	vst v1;
	v1 =	vadd.s32 v36, v60  }
0x8d: {  	v1 =	vand.u32 $0xFFFFFFF8, v1;
	v0 =	vld.idx.msk [tilespmem:v0+s23+$0x0], $0xffff  }
0x8e: {  	v1 =	vor.u32 v15, v1;
	_ =	sdelay $0x3  }
0x8f: {  	[tilespmem:s24+$0x7F10] =	vst v0;
	v0 =	vadd.s32 v52, v60  }
0x90: {  	v1 =	vld.idx.msk [tilespmem:v1+s23+$0x0], $0xffff;
	v0 =	vand.u32 $0xFFFFFFF8, v0  }
0x91: {  	v0 =	vor.u32 v17, v0;
	_ =	sdelay $0x3  }
0x92: {  	v27 =	vmov v54;
	v54 =	vld [tilespmem:$0x1FCE0];
	[tilespmem:s24+$0x8110] =	vst v1;
	v1 =	vadd.s32 v50, v60  }
0x93: {  	v0 =	vld.idx.msk [tilespmem:v0+s23+$0x0], $0xffff;
	v1 =	vand.u32 $0xFFFFFFF8, v1  }
0x94: {  	v1 =	vor.u32 v3, v1;
	_ =	sdelay $0x3  }
0x95: {  	[tilespmem:s24+$0x8310] =	vst v0;
	v0 =	vadd.s32 v54, v60  }
0x96: {  	v1 =	vld.idx.msk [tilespmem:v1+s23+$0x0], $0xffff;
	v0 =	vand.u32 $0xFFFFFFF8, v0  }
0x97: {  	v0 =	vor.u32 v5, v0;
	_ =	sdelay $0x3  }
0x98: {  	[tilespmem:s24+$0x8510] =	vst v1;
	v1 =	vadd.s32 v49, v60  }
0x99: {  	v0 =	vld.idx.msk [tilespmem:v0+s23+$0x0], $0xffff;
	v1 =	vand.u32 $0xFFFFFFF8, v1  }
0x9a: {  	v1 =	vor.u32 v7, v1;
	_ =	sdelay $0x3  }
0x9b: {  	[tilespmem:s24+$0x7D90] =	vst v0;
	v0 =	vadd.s32 v47, v60  }
0x9c: {  	v1 =	vld.idx.msk [tilespmem:v1+s23+$0x0], $0xffff;
	v0 =	vand.u32 $0xFFFFFFF8, v0  }
0x9d: {  	v0 =	vor.u32 v9, v0;
	_ =	sdelay $0x3  }
0x9e: {  	[tilespmem:s24+$0x7F90] =	vst v1;
	v1 =	vadd.s32 v45, v60  }
0x9f: {  	v0 =	vld.idx.msk [tilespmem:v0+s23+$0x0], $0xffff;
	v1 =	vand.u32 $0xFFFFFFF8, v1  }
0xa0: {  	v1 =	vor.u32 v11, v1;
	_ =	sdelay $0x3  }
0xa1: {  	[tilespmem:s24+$0x8190] =	vst v0;
	v0 =	vadd.s32 v43, v60  }
0xa2: {  	v1 =	vld.idx.msk [tilespmem:v1+s23+$0x0], $0xffff;
	v0 =	vand.u32 $0xFFFFFFF8, v0  }
0xa3: {  	v0 =	vor.u32 v13, v0;
	_ =	sdelay $0x3  }
0xa4: {  	[tilespmem:s24+$0x8390] =	vst v1;
	v1 =	vadd.s32 v41, v60  }
0xa5: {  	v0 =	vld.idx.msk [tilespmem:v0+s23+$0x0], $0xffff;
	v1 =	vand.u32 $0xFFFFFFF8, v1  }
0xa6: {  	v1 =	vor.u32 v15, v1;
	_ =	sdelay $0x3  }
0xa7: {  	[tilespmem:s24+$0x8590] =	vst v0  }
0xa8: {  	v1 =	vld.idx.msk [tilespmem:v1+s23+$0x0], $0xffff;
	_ =	sdelay $0x3  }
0xa9: {  	v0 =	vadd.s32 v44, v60  }
0xaa: {  	v0 =	vand.u32 $0xFFFFFFF8, v0;
	[tilespmem:s24+$0x7E10] =	vst v1;
	v1 =	vld [tilespmem:$0x1FCF0]  }
0xab: {  	v0 =	vor.u32 v17, v0;
	_ =	sdelay $0x3  }
0xac: {  	v1 =	vadd.s32 v1, v60  }
0xad: {  	v0 =	vld.idx.msk [tilespmem:v0+s23+$0x0], $0xffff;
	v1 =	vand.u32 $0xFFFFFFF8, v1  }
0xae: {  	v1 =	vor.u32 v3, v1;
	_ =	sdelay $0x3  }
0xaf: {  	v46 =	vld [tilespmem:$0x1FD00];
	[tilespmem:s24+$0x8010] =	vst v0;
	v0 =	vadd.s32 v40, v60  }
0xb0: {  	v0 =	vand.u32 $0xFFFFFFF8, v0;
	v1 =	vld.idx.msk [tilespmem:v1+s23+$0x0], $0xffff  }
0xb1: {  	v0 =	vor.u32 v5, v0;
	_ =	sdelay $0x3  }
0xb2: {  	[tilespmem:s24+$0x8210] =	vst v1;
	v1 =	vadd.s32 v46, v60  }
0xb3: {  	v0 =	vld.idx.msk [tilespmem:v0+s23+$0x0], $0xffff;
	v1 =	vand.u32 $0xFFFFFFF8, v1  }
0xb4: {  	v1 =	vor.u32 v7, v1;
	_ =	sdelay $0x3  }
0xb5: {  	[tilespmem:s24+$0x8410] =	vst v0;
	v0 =	vadd.s32 v48, v60  }
0xb6: {  	v1 =	vld.idx.msk [tilespmem:v1+s23+$0x0], $0xffff;
	v0 =	vand.u32 $0xFFFFFFF8, v0  }
0xb7: {  	v0 =	vor.u32 v9, v0;
	_ =	sdelay $0x3  }
0xb8: {  	[tilespmem:s24+$0x8610] =	vst v1  }
0xb9: {  	v0 =	vld.idx.msk [tilespmem:v0+s23+$0x0], $0xffff;
	_ =	sdelay $0x3  }
0xba: {  	v1 =	vadd.s32 v34, v60  }
0xbb: {  	v1 =	vand.u32 $0xFFFFFFF8, v1;
	[tilespmem:s24+$0x7E90] =	vst v0;
	v0 =	vld [tilespmem:$0x1FD10]  }
0xbc: {  	v1 =	vor.u32 v11, v1;
	_ =	sdelay $0x3  }
0xbd: {  	v0 =	vadd.s32 v0, v60  }
0xbe: {  	v1 =	vld.idx.msk [tilespmem:v1+s23+$0x0], $0xffff;
	v0 =	vand.u32 $0xFFFFFFF8, v0  }
0xbf: {  	v0 =	vor.u32 v13, v0;
	_ =	sdelay $0x3  }
0xc0: {  	[tilespmem:s24+$0x8090] =	vst v1;
	v1 =	vadd.s32 v30, v60  }
0xc1: {  	v1 =	vand.u32 $0xFFFFFFF8, v1;
	v0 =	vld.idx.msk [tilespmem:v0+s23+$0x0], $0xffff  }
0xc2: {  	v1 =	vor.u32 v15, v1;
	_ =	sdelay $0x3  }
0xc3: {  	[tilespmem:s24+$0x8290] =	vst v0;
	v0 =	vadd.s32 v29, v60  }
0xc4: {  	v1 =	vld.idx.msk [tilespmem:v1+s23+$0x0], $0xffff;
	v0 =	vand.u32 $0xFFFFFFF8, v0  }
0xc5: {  	v0 =	vor.u32 v17, v0;
	_ =	sdelay $0x3  }
0xc6: {  	[tilespmem:s24+$0x8490] =	vst v1;
	v1 =	vadd.s32 v53, v60  }
0xc7: {  	v0 =	vld.idx.msk [tilespmem:v0+s23+$0x0], $0xffff;
	v1 =	vand.u32 $0xFFFFFFF8, v1  }
0xc8: {  	v1 =	vor.u32 v3, v1;
	_ =	sdelay $0x3  }
0xc9: {  	[tilespmem:s24+$0x8690] =	vst v0  }
0xca: {  	v1 =	vld.idx.msk [tilespmem:v1+s23+$0x0], $0xffff;
	_ =	sdelay $0x3  }
0xcb: {  	v0 =	vadd.s32 v24, v60  }
0xcc: {  	v0 =	vand.u32 $0xFFFFFFF8, v0;
	[tilespmem:s24+$0x8710] =	vst v1;
	v1 =	vld [tilespmem:$0x1FD20]  }
0xcd: {  	v0 =	vor.u32 v5, v0;
	_ =	sdelay $0x3  }
0xce: {  	v1 =	vadd.s32 v1, v60  }
0xcf: {  	v0 =	vld.idx.msk [tilespmem:v0+s23+$0x0], $0xffff;
	v1 =	vand.u32 $0xFFFFFFF8, v1  }
0xd0: {  	v1 =	vor.u32 v7, v1;
	_ =	sdelay $0x3  }
0xd1: {  	[tilespmem:s24+$0x8910] =	vst v0;
	v0 =	vadd.s32 v56, v60  }
0xd2: {  	v0 =	vand.u32 $0xFFFFFFF8, v0;
	v1 =	vld.idx.msk [tilespmem:v1+s23+$0x0], $0xffff  }
0xd3: {  	v0 =	vor.u32 v9, v0;
	_ =	sdelay $0x3  }
0xd4: {  	v18 =	vld [tilespmem:$0x1FD30];
	[tilespmem:s24+$0x8B10] =	vst v1;
	v1 =	vadd.s32 v57, v60  }
0xd5: {  	v0 =	vld.idx.msk [tilespmem:v0+s23+$0x0], $0xffff;
	v1 =	vand.u32 $0xFFFFFFF8, v1  }
0xd6: {  	v1 =	vor.u32 v11, v1;
	_ =	sdelay $0x3  }
0xd7: {  	[tilespmem:s24+$0x8D10] =	vst v0;
	v0 =	vadd.s32 v18, v60  }
0xd8: {  	v1 =	vld.idx.msk [tilespmem:v1+s23+$0x0], $0xffff;
	v0 =	vand.u32 $0xFFFFFFF8, v0  }
0xd9: {  	v0 =	vor.u32 v13, v0;
	_ =	sdelay $0x3  }
0xda: {  	[tilespmem:s24+$0x8F10] =	vst v1;
	v1 =	vadd.s32 v12, v60  }
0xdb: {  	v0 =	vld.idx.msk [tilespmem:v0+s23+$0x0], $0xffff;
	v1 =	vand.u32 $0xFFFFFFF8, v1  }
0xdc: {  	v1 =	vor.u32 v15, v1;
	_ =	sdelay $0x3  }
0xdd: {  	[tilespmem:s24+$0x8790] =	vst v0;
	v0 =	vadd.s32 v35, v60  }
0xde: {  	v1 =	vld.idx.msk [tilespmem:v1+s23+$0x0], $0xffff;
	v0 =	vand.u32 $0xFFFFFFF8, v0  }
0xdf: {  	v0 =	vor.u32 v17, v0;
	_ =	sdelay $0x3  }
0xe0: {  	[tilespmem:s24+$0x8990] =	vst v1;
	v1 =	vadd.s32 v28, v60  }
0xe1: {  	v0 =	vld.idx.msk [tilespmem:v0+s23+$0x0], $0xffff;
	v1 =	vand.u32 $0xFFFFFFF8, v1  }
0xe2: {  	v1 =	vor.u32 v3, v1;
	_ =	sdelay $0x3  }
0xe3: {  	[tilespmem:s24+$0x8B90] =	vst v0;
	v0 =	vadd.s32 v58, v60  }
0xe4: {  	v1 =	vld.idx.msk [tilespmem:v1+s23+$0x0], $0xffff;
	v0 =	vand.u32 $0xFFFFFFF8, v0  }
0xe5: {  	v0 =	vor.u32 v5, v0;
	_ =	sdelay $0x3  }
0xe6: {  	[tilespmem:s24+$0x8D90] =	vst v1;
	v1 =	vadd.s32 v61, v60  }
0xe7: {  	v0 =	vld.idx.msk [tilespmem:v0+s23+$0x0], $0xffff;
	v1 =	vand.u32 $0xFFFFFFF8, v1  }
0xe8: {  	v1 =	vor.u32 v7, v1;
	_ =	sdelay $0x3  }
0xe9: {  	[tilespmem:s24+$0x8F90] =	vst v0;
	v0 =	vadd.s32 v51, v60  }
0xea: {  	v1 =	vld.idx.msk [tilespmem:v1+s23+$0x0], $0xffff;
	v0 =	vand.u32 $0xFFFFFFF8, v0  }
0xeb: {  	v0 =	vor.u32 v9, v0;
	_ =	sdelay $0x3  }
0xec: {  	[tilespmem:s24+$0x8810] =	vst v1;
	v1 =	vadd.s32 v26, v60  }
0xed: {  	v0 =	vld.idx.msk [tilespmem:v0+s23+$0x0], $0xffff;
	v1 =	vand.u32 $0xFFFFFFF8, v1  }
0xee: {  	v1 =	vor.u32 v11, v1;
	_ =	sdelay $0x3  }
0xef: {  	v61 =	vld [tilespmem:$0x1FD40];
	[tilespmem:s24+$0x8A10] =	vst v0;
	v0 =	vadd.s32 v8, v60  }
0xf0: {  	v1 =	vld.idx.msk [tilespmem:v1+s23+$0x0], $0xffff;
	v0 =	vand.u32 $0xFFFFFFF8, v0  }
0xf1: {  	v0 =	vor.u32 v13, v0;
	_ =	sdelay $0x2  }
0xf2: {  	v24 =	vadd.s32 $0x77, v61  }
0xf3: {  	[tilespmem:s24+$0x8C10] =	vst v1;
	v1 =	vadd.s32 v24, v60  }
0xf4: {  	v0 =	vld.idx.msk [tilespmem:v0+s23+$0x0], $0xffff;
	v1 =	vand.u32 $0xFFFFFFF8, v1  }
0xf5: {  	v1 =	vor.u32 v15, v1;
	_ =	sdelay $0x2  }
0xf6: {  	[tilespmem:$0x1F750] =	vst v24;
	v24 =	vadd.s32 $0x78, v61  }
0xf7: {  	[tilespmem:s24+$0x8E10] =	vst v0;
	v0 =	vadd.s32 v24, v60  }
0xf8: {  	v1 =	vld.idx.msk [tilespmem:v1+s23+$0x0], $0xffff;
	v0 =	vand.u32 $0xFFFFFFF8, v0  }
0xf9: {  	v0 =	vor.u32 v17, v0;
	_ =	sdelay $0x2  }
0xfa: {  	[tilespmem:$0x1F760] =	vst v24;
	v24 =	vadd.s32 $0x79, v61  }
0xfb: {  	[tilespmem:s24+$0x9010] =	vst v1;
	v1 =	vadd.s32 v24, v60  }
0xfc: {  	v0 =	vld.idx.msk [tilespmem:v0+s23+$0x0], $0xffff;
	v1 =	vand.u32 $0xFFFFFFF8, v1  }
0xfd: {  	v1 =	vor.u32 v3, v1;
	_ =	sdelay $0x2  }
0xfe: {  	[tilespmem:$0x1F770] =	vst v24;
	v24 =	vadd.s32 $0x7A, v61  }
0xff: {  	[tilespmem:s24+$0x8890] =	vst v0;
	v0 =	vadd.s32 v24, v60  }
0x100: {  	v1 =	vld.idx.msk [tilespmem:v1+s23+$0x0], $0xffff;
	v0 =	vand.u32 $0xFFFFFFF8, v0  }
0x101: {  	v0 =	vor.u32 v5, v0;
	_ =	sdelay $0x2  }
0x102: {  	[tilespmem:$0x1F780] =	vst v24;
	v24 =	vadd.s32 $0x7B, v61  }
0x103: {  	[tilespmem:s24+$0x8A90] =	vst v1;
	v1 =	vadd.s32 v24, v60  }
0x104: {  	v0 =	vld.idx.msk [tilespmem:v0+s23+$0x0], $0xffff;
	v1 =	vand.u32 $0xFFFFFFF8, v1  }
0x105: {  	v1 =	vor.u32 v7, v1;
	_ =	sdelay $0x2  }
0x106: {  	[tilespmem:$0x1F790] =	vst v24;
	v24 =	vadd.s32 $0x7C, v61  }
0x107: {  	[tilespmem:s24+$0x8C90] =	vst v0;
	v0 =	vadd.s32 v24, v60  }
0x108: {  	v1 =	vld.idx.msk [tilespmem:v1+s23+$0x0], $0xffff;
	v0 =	vand.u32 $0xFFFFFFF8, v0  }
0x109: {  	v0 =	vor.u32 v9, v0;
	_ =	sdelay $0x2  }
0x10a: {  	[tilespmem:$0x1F7A0] =	vst v24;
	v24 =	vadd.s32 $0x7D, v61  }
0x10b: {  	[tilespmem:s24+$0x8E90] =	vst v1;
	v1 =	vadd.s32 v24, v60  }
0x10c: {  	v0 =	vld.idx.msk [tilespmem:v0+s23+$0x0], $0xffff;
	v1 =	vand.u32 $0xFFFFFFF8, v1  }
0x10d: {  	v1 =	vor.u32 v11, v1;
	_ =	sdelay $0x2  }
0x10e: {  	[tilespmem:$0x1F7B0] =	vst v24;
	v24 =	vadd.s32 $0x7E, v61  }
0x10f: {  	[tilespmem:s24+$0x9090] =	vst v0;
	v0 =	vadd.s32 v24, v60  }
0x110: {  	v1 =	vld.idx.msk [tilespmem:v1+s23+$0x0], $0xffff;
	v0 =	vand.u32 $0xFFFFFFF8, v0  }
0x111: {  	v0 =	vor.u32 v13, v0;
	_ =	sdelay $0x2  }
0x112: {  	[tilespmem:$0x1F7C0] =	vst v24;
	v24 =	vadd.s32 $0x7F, v61  }
0x113: {  	[tilespmem:s24+$0x9110] =	vst v1;
	v1 =	vadd.s32 v24, v60  }
0x114: {  	v0 =	vld.idx.msk [tilespmem:v0+s23+$0x0], $0xffff;
	v1 =	vand.u32 $0xFFFFFFF8, v1  }
0x115: {  	v1 =	vor.u32 v15, v1;
	_ =	sdelay $0x2  }
0x116: {  	[tilespmem:$0x1F7D0] =	vst v24;
	v24 =	vadd.s32 $0x80, v61  }
0x117: {  	[tilespmem:s24+$0x9310] =	vst v0;
	v0 =	vadd.s32 v24, v60  }
0x118: {  	v1 =	vld.idx.msk [tilespmem:v1+s23+$0x0], $0xffff;
	v0 =	vand.u32 $0xFFFFFFF8, v0  }
0x119: {  	v0 =	vor.u32 v17, v0;
	_ =	sdelay $0x2  }
0x11a: {  	[tilespmem:$0x1F7E0] =	vst v24;
	v24 =	vadd.s32 $0x81, v61  }
0x11b: {  	[tilespmem:s24+$0x9510] =	vst v1;
	v1 =	vadd.s32 v24, v60  }
0x11c: {  	v0 =	vld.idx.msk [tilespmem:v0+s23+$0x0], $0xffff;
	v1 =	vand.u32 $0xFFFFFFF8, v1  }
0x11d: {  	v1 =	vor.u32 v3, v1;
	_ =	sdelay $0x2  }
0x11e: {  	[tilespmem:$0x1F7F0] =	vst v24;
	v24 =	vadd.s32 $0x82, v61  }
0x11f: {  	[tilespmem:s24+$0x9710] =	vst v0;
	v0 =	vadd.s32 v24, v60  }
0x120: {  	v1 =	vld.idx.msk [tilespmem:v1+s23+$0x0], $0xffff;
	v0 =	vand.u32 $0xFFFFFFF8, v0  }
0x121: {  	v0 =	vor.u32 v5, v0;
	_ =	sdelay $0x2  }
0x122: {  	[tilespmem:$0x1F800] =	vst v24;
	v24 =	vadd.s32 $0x83, v61  }
0x123: {  	[tilespmem:s24+$0x9910] =	vst v1;
	v1 =	vadd.s32 v24, v60  }
0x124: {  	v0 =	vld.idx.msk [tilespmem:v0+s23+$0x0], $0xffff;
	v1 =	vand.u32 $0xFFFFFFF8, v1  }
0x125: {  	v1 =	vor.u32 v7, v1;
	_ =	sdelay $0x2  }
0x126: {  	[tilespmem:$0x1F810] =	vst v24;
	v24 =	vadd.s32 $0x84, v61  }
0x127: {  	[tilespmem:s24+$0x9190] =	vst v0;
	v0 =	vadd.s32 v24, v60  }
0x128: {  	v1 =	vld.idx.msk [tilespmem:v1+s23+$0x0], $0xffff;
	v0 =	vand.u32 $0xFFFFFFF8, v0  }
0x129: {  	v0 =	vor.u32 v9, v0;
	_ =	sdelay $0x2  }
0x12a: {  	[tilespmem:$0x1F820] =	vst v24;
	v24 =	vadd.s32 $0x85, v61  }
0x12b: {  	[tilespmem:s24+$0x9390] =	vst v1;
	v1 =	vadd.s32 v24, v60  }
0x12c: {  	v0 =	vld.idx.msk [tilespmem:v0+s23+$0x0], $0xffff;
	v1 =	vand.u32 $0xFFFFFFF8, v1  }
0x12d: {  	v1 =	vor.u32 v11, v1;
	_ =	sdelay $0x2  }
0x12e: {  	[tilespmem:$0x1F830] =	vst v24;
	v24 =	vadd.s32 $0x86, v61  }
0x12f: {  	[tilespmem:s24+$0x9590] =	vst v0;
	v0 =	vadd.s32 v24, v60  }
0x130: {  	v1 =	vld.idx.msk [tilespmem:v1+s23+$0x0], $0xffff;
	v0 =	vand.u32 $0xFFFFFFF8, v0  }
0x131: {  	v0 =	vor.u32 v13, v0;
	_ =	sdelay $0x2  }
0x132: {  	[tilespmem:$0x1F840] =	vst v24;
	v24 =	vadd.s32 $0x87, v61  }
0x133: {  	[tilespmem:s24+$0x9790] =	vst v1;
	v1 =	vadd.s32 v24, v60  }
0x134: {  	v0 =	vld.idx.msk [tilespmem:v0+s23+$0x0], $0xffff;
	v1 =	vand.u32 $0xFFFFFFF8, v1  }
0x135: {  	v1 =	vor.u32 v15, v1;
	_ =	sdelay $0x2  }
0x136: {  	[tilespmem:$0x1F850] =	vst v24;
	v24 =	vadd.s32 $0x88, v61  }
0x137: {  	[tilespmem:s24+$0x9990] =	vst v0;
	v0 =	vadd.s32 v24, v60  }
0x138: {  	v1 =	vld.idx.msk [tilespmem:v1+s23+$0x0], $0xffff;
	v0 =	vand.u32 $0xFFFFFFF8, v0  }
0x139: {  	v0 =	vor.u32 v17, v0;
	_ =	sdelay $0x2  }
0x13a: {  	[tilespmem:$0x1F860] =	vst v24;
	v24 =	vadd.s32 $0x89, v61  }
0x13b: {  	[tilespmem:s24+$0x9210] =	vst v1;
	v1 =	vadd.s32 v24, v60  }
0x13c: {  	v0 =	vld.idx.msk [tilespmem:v0+s23+$0x0], $0xffff;
	v1 =	vand.u32 $0xFFFFFFF8, v1  }
0x13d: {  	v1 =	vor.u32 v3, v1;
	_ =	sdelay $0x2  }
0x13e: {  	[tilespmem:$0x1F870] =	vst v24;
	v24 =	vadd.s32 $0x8A, v61  }
0x13f: {  	[tilespmem:s24+$0x9410] =	vst v0;
	v0 =	vadd.s32 v24, v60  }
0x140: {  	v1 =	vld.idx.msk [tilespmem:v1+s23+$0x0], $0xffff;
	v0 =	vand.u32 $0xFFFFFFF8, v0  }
0x141: {  	v0 =	vor.u32 v5, v0;
	_ =	sdelay $0x2  }
0x142: {  	[tilespmem:$0x1F880] =	vst v24;
	v24 =	vadd.s32 $0x8B, v61  }
0x143: {  	[tilespmem:s24+$0x9610] =	vst v1;
	v1 =	vadd.s32 v24, v60  }
0x144: {  	v0 =	vld.idx.msk [tilespmem:v0+s23+$0x0], $0xffff;
	v1 =	vand.u32 $0xFFFFFFF8, v1  }
0x145: {  	v1 =	vor.u32 v7, v1;
	_ =	sdelay $0x2  }
0x146: {  	[tilespmem:$0x1F890] =	vst v24;
	v24 =	vadd.s32 $0x8C, v61  }
0x147: {  	[tilespmem:s24+$0x9810] =	vst v0;
	v0 =	vadd.s32 v24, v60  }
0x148: {  	v1 =	vld.idx.msk [tilespmem:v1+s23+$0x0], $0xffff;
	v0 =	vand.u32 $0xFFFFFFF8, v0  }
0x149: {  	v0 =	vor.u32 v9, v0;
	_ =	sdelay $0x2  }
0x14a: {  	[tilespmem:$0x1F8A0] =	vst v24;
	v24 =	vadd.s32 $0x8D, v61  }
0x14b: {  	[tilespmem:s24+$0x9A10] =	vst v1;
	v1 =	vadd.s32 v24, v60  }
0x14c: {  	v0 =	vld.idx.msk [tilespmem:v0+s23+$0x0], $0xffff;
	v1 =	vand.u32 $0xFFFFFFF8, v1  }
0x14d: {  	v1 =	vor.u32 v11, v1;
	_ =	sdelay $0x2  }
0x14e: {  	[tilespmem:$0x1F8B0] =	vst v24;
	v24 =	vadd.s32 $0x8E, v61  }
0x14f: {  	[tilespmem:s24+$0x9290] =	vst v0;
	v0 =	vadd.s32 v24, v60  }
0x150: {  	v1 =	vld.idx.msk [tilespmem:v1+s23+$0x0], $0xffff;
	v0 =	vand.u32 $0xFFFFFFF8, v0  }
0x151: {  	v0 =	vor.u32 v13, v0;
	_ =	sdelay $0x2  }
0x152: {  	[tilespmem:$0x1F8C0] =	vst v24;
	v24 =	vadd.s32 $0x8F, v61  }
0x153: {  	[tilespmem:s24+$0x9490] =	vst v1;
	v1 =	vadd.s32 v24, v60  }
0x154: {  	v0 =	vld.idx.msk [tilespmem:v0+s23+$0x0], $0xffff;
	v1 =	vand.u32 $0xFFFFFFF8, v1  }
0x155: {  	v1 =	vor.u32 v15, v1;
	_ =	sdelay $0x2  }
0x156: {  	[tilespmem:$0x1F8D0] =	vst v24;
	v24 =	vadd.s32 $0x90, v61  }
0x157: {  	[tilespmem:s24+$0x9690] =	vst v0;
	v0 =	vadd.s32 v24, v60  }
0x158: {  	v1 =	vld.idx.msk [tilespmem:v1+s23+$0x0], $0xffff;
	v0 =	vand.u32 $0xFFFFFFF8, v0  }
0x159: {  	v0 =	vor.u32 v17, v0;
	_ =	sdelay $0x2  }
0x15a: {  	[tilespmem:$0x1F8E0] =	vst v24;
	v24 =	vadd.s32 $0x91, v61  }
0x15b: {  	[tilespmem:s24+$0x9890] =	vst v1;
	v1 =	vadd.s32 v24, v60  }
0x15c: {  	v0 =	vld.idx.msk [tilespmem:v0+s23+$0x0], $0xffff;
	v1 =	vand.u32 $0xFFFFFFF8, v1  }
0x15d: {  	v1 =	vor.u32 v3, v1;
	_ =	sdelay $0x2  }
0x15e: {  	[tilespmem:$0x1F8F0] =	vst v24;
	v24 =	vadd.s32 $0x92, v61  }
0x15f: {  	[tilespmem:s24+$0x9A90] =	vst v0;
	v0 =	vadd.s32 v24, v60  }
0x160: {  	v1 =	vld.idx.msk [tilespmem:v1+s23+$0x0], $0xffff;
	v0 =	vand.u32 $0xFFFFFFF8, v0  }
0x161: {  	v0 =	vor.u32 v5, v0;
	_ =	sdelay $0x2  }
0x162: {  	[tilespmem:$0x1F900] =	vst v24;
	v24 =	vadd.s32 $0x93, v61  }
0x163: {  	[tilespmem:s24+$0x9B10] =	vst v1;
	v1 =	vadd.s32 v24, v60  }
0x164: {  	v0 =	vld.idx.msk [tilespmem:v0+s23+$0x0], $0xffff;
	v1 =	vand.u32 $0xFFFFFFF8, v1  }
0x165: {  	v1 =	vor.u32 v7, v1;
	_ =	sdelay $0x2  }
0x166: {  	[tilespmem:$0x1F910] =	vst v24;
	v24 =	vadd.s32 $0x94, v61  }
0x167: {  	[tilespmem:s24+$0x9D10] =	vst v0;
	v0 =	vadd.s32 v24, v60  }
0x168: {  	v1 =	vld.idx.msk [tilespmem:v1+s23+$0x0], $0xffff;
	v0 =	vand.u32 $0xFFFFFFF8, v0  }
0x169: {  	v0 =	vor.u32 v9, v0;
	_ =	sdelay $0x2  }
0x16a: {  	[tilespmem:$0x1F920] =	vst v24;
	v24 =	vadd.s32 $0x95, v61  }
0x16b: {  	[tilespmem:s24+$0x9F10] =	vst v1;
	v1 =	vadd.s32 v24, v60  }
0x16c: {  	v0 =	vld.idx.msk [tilespmem:v0+s23+$0x0], $0xffff;
	v1 =	vand.u32 $0xFFFFFFF8, v1  }
0x16d: {  	v1 =	vor.u32 v11, v1;
	_ =	sdelay $0x2  }
0x16e: {  	[tilespmem:$0x1F930] =	vst v24;
	v24 =	vadd.s32 $0x96, v61  }
0x16f: {  	[tilespmem:s24+$0xA110] =	vst v0;
	v0 =	vadd.s32 v24, v60  }
0x170: {  	v1 =	vld.idx.msk [tilespmem:v1+s23+$0x0], $0xffff;
	v0 =	vand.u32 $0xFFFFFFF8, v0  }
0x171: {  	v0 =	vor.u32 v13, v0;
	_ =	sdelay $0x2  }
0x172: {  	[tilespmem:$0x1F940] =	vst v24;
	v24 =	vadd.s32 $0x97, v61  }
0x173: {  	[tilespmem:s24+$0xA310] =	vst v1;
	v1 =	vadd.s32 v24, v60  }
0x174: {  	v0 =	vld.idx.msk [tilespmem:v0+s23+$0x0], $0xffff;
	v1 =	vand.u32 $0xFFFFFFF8, v1  }
0x175: {  	v1 =	vor.u32 v15, v1;
	_ =	sdelay $0x2  }
0x176: {  	[tilespmem:$0x1F950] =	vst v24;
	v24 =	vadd.s32 $0x98, v61  }
0x177: {  	[tilespmem:s24+$0x9B90] =	vst v0;
	v0 =	vadd.s32 v24, v60  }
0x178: {  	v1 =	vld.idx.msk [tilespmem:v1+s23+$0x0], $0xffff;
	v0 =	vand.u32 $0xFFFFFFF8, v0  }
0x179: {  	v0 =	vor.u32 v17, v0;
	_ =	sdelay $0x2  }
0x17a: {  	[tilespmem:$0x1F960] =	vst v24;
	v24 =	vadd.s32 $0x99, v61  }
0x17b: {  	[tilespmem:s24+$0x9D90] =	vst v1;
	v1 =	vadd.s32 v24, v60  }
0x17c: {  	v0 =	vld.idx.msk [tilespmem:v0+s23+$0x0], $0xffff;
	v1 =	vand.u32 $0xFFFFFFF8, v1  }
0x17d: {  	v1 =	vor.u32 v3, v1;
	_ =	sdelay $0x2  }
0x17e: {  	[tilespmem:$0x1F970] =	vst v24;
	v24 =	vadd.s32 $0x9A, v61  }
0x17f: {  	[tilespmem:s24+$0x9F90] =	vst v0;
	v0 =	vadd.s32 v24, v60  }
0x180: {  	v1 =	vld.idx.msk [tilespmem:v1+s23+$0x0], $0xffff;
	v0 =	vand.u32 $0xFFFFFFF8, v0  }
0x181: {  	v0 =	vor.u32 v5, v0;
	_ =	sdelay $0x2  }
0x182: {  	[tilespmem:$0x1F980] =	vst v24;
	v24 =	vadd.s32 $0x9B, v61  }
0x183: {  	[tilespmem:s24+$0xA190] =	vst v1;
	v1 =	vadd.s32 v24, v60  }
0x184: {  	v0 =	vld.idx.msk [tilespmem:v0+s23+$0x0], $0xffff;
	v1 =	vand.u32 $0xFFFFFFF8, v1  }
0x185: {  	v1 =	vor.u32 v7, v1;
	_ =	sdelay $0x2  }
0x186: {  	[tilespmem:$0x1F990] =	vst v24;
	v24 =	vadd.s32 $0x9C, v61  }
0x187: {  	[tilespmem:s24+$0xA390] =	vst v0;
	v0 =	vadd.s32 v24, v60  }
0x188: {  	v1 =	vld.idx.msk [tilespmem:v1+s23+$0x0], $0xffff;
	v0 =	vand.u32 $0xFFFFFFF8, v0  }
0x189: {  	v0 =	vor.u32 v9, v0;
	_ =	sdelay $0x2  }
0x18a: {  	[tilespmem:$0x1F9A0] =	vst v24;
	v24 =	vadd.s32 $0x9D, v61  }
0x18b: {  	[tilespmem:s24+$0x9C10] =	vst v1;
	v1 =	vadd.s32 v24, v60  }
0x18c: {  	v0 =	vld.idx.msk [tilespmem:v0+s23+$0x0], $0xffff;
	v1 =	vand.u32 $0xFFFFFFF8, v1  }
0x18d: {  	v1 =	vor.u32 v11, v1;
	_ =	sdelay $0x2  }
0x18e: {  	[tilespmem:$0x1F9B0] =	vst v24;
	v24 =	vadd.s32 $0x9E, v61  }
0x18f: {  	[tilespmem:s24+$0x9E10] =	vst v0;
	v0 =	vadd.s32 v24, v60  }
0x190: {  	v1 =	vld.idx.msk [tilespmem:v1+s23+$0x0], $0xffff;
	v0 =	vand.u32 $0xFFFFFFF8, v0  }
0x191: {  	v0 =	vor.u32 v13, v0;
	_ =	sdelay $0x2  }
0x192: {  	[tilespmem:$0x1F9C0] =	vst v24;
	v24 =	vadd.s32 $0x9F, v61  }
0x193: {  	[tilespmem:s24+$0xA010] =	vst v1;
	v1 =	vadd.s32 v24, v60  }
0x194: {  	v0 =	vld.idx.msk [tilespmem:v0+s23+$0x0], $0xffff;
	v1 =	vand.u32 $0xFFFFFFF8, v1  }
0x195: {  	v1 =	vor.u32 v15, v1;
	_ =	sdelay $0x2  }
0x196: {  	[tilespmem:$0x1F9D0] =	vst v24;
	v24 =	vadd.s32 $0xA0, v61  }
0x197: {  	[tilespmem:s24+$0xA210] =	vst v0;
	v0 =	vadd.s32 v24, v60  }
0x198: {  	v1 =	vld.idx.msk [tilespmem:v1+s23+$0x0], $0xffff;
	v0 =	vand.u32 $0xFFFFFFF8, v0  }
0x199: {  	v0 =	vor.u32 v17, v0;
	_ =	sdelay $0x2  }
0x19a: {  	[tilespmem:$0x1F9E0] =	vst v24;
	v24 =	vadd.s32 $0xA1, v61  }
0x19b: {  	[tilespmem:s24+$0xA410] =	vst v1;
	v1 =	vadd.s32 v24, v60  }
0x19c: {  	v0 =	vld.idx.msk [tilespmem:v0+s23+$0x0], $0xffff;
	v1 =	vand.u32 $0xFFFFFFF8, v1  }
0x19d: {  	v1 =	vor.u32 v3, v1;
	_ =	sdelay $0x2  }
0x19e: {  	[tilespmem:$0x1F9F0] =	vst v24;
	v24 =	vadd.s32 $0xA2, v61  }
0x19f: {  	[tilespmem:s24+$0x9C90] =	vst v0;
	v0 =	vadd.s32 v24, v60  }
0x1a0: {  	v1 =	vld.idx.msk [tilespmem:v1+s23+$0x0], $0xffff;
	v0 =	vand.u32 $0xFFFFFFF8, v0  }
0x1a1: {  	v0 =	vor.u32 v5, v0;
	_ =	sdelay $0x2  }
0x1a2: {  	[tilespmem:$0x1FA00] =	vst v24;
	v24 =	vadd.s32 $0xA3, v61  }
0x1a3: {  	[tilespmem:s24+$0x9E90] =	vst v1;
	v1 =	vadd.s32 v24, v60  }
0x1a4: {  	v0 =	vld.idx.msk [tilespmem:v0+s23+$0x0], $0xffff;
	v1 =	vand.u32 $0xFFFFFFF8, v1  }
0x1a5: {  	v1 =	vor.u32 v7, v1;
	_ =	sdelay $0x2  }
0x1a6: {  	[tilespmem:$0x1FA10] =	vst v24;
	v24 =	vadd.s32 $0xA4, v61  }
0x1a7: {  	[tilespmem:s24+$0xA090] =	vst v0;
	v0 =	vadd.s32 v24, v60  }
0x1a8: {  	v1 =	vld.idx.msk [tilespmem:v1+s23+$0x0], $0xffff;
	v0 =	vand.u32 $0xFFFFFFF8, v0  }
0x1a9: {  	v0 =	vor.u32 v9, v0;
	_ =	sdelay $0x2  }
0x1aa: {  	[tilespmem:$0x1FA20] =	vst v24;
	v24 =	vadd.s32 $0xA5, v61  }
0x1ab: {  	[tilespmem:s24+$0xA290] =	vst v1;
	v1 =	vadd.s32 v24, v60  }
0x1ac: {  	v0 =	vld.idx.msk [tilespmem:v0+s23+$0x0], $0xffff;
	v1 =	vand.u32 $0xFFFFFFF8, v1  }
0x1ad: {  	v1 =	vor.u32 v11, v1;
	_ =	sdelay $0x2  }
0x1ae: {  	[tilespmem:$0x1FA30] =	vst v24;
	v24 =	vadd.s32 $0xA6, v61  }
0x1af: {  	[tilespmem:s24+$0xA490] =	vst v0;
	v0 =	vadd.s32 v24, v60  }
0x1b0: {  	v1 =	vld.idx.msk [tilespmem:v1+s23+$0x0], $0xffff;
	v0 =	vand.u32 $0xFFFFFFF8, v0  }
0x1b1: {  	v0 =	vor.u32 v13, v0;
	_ =	sdelay $0x2  }
0x1b2: {  	[tilespmem:$0x1FA40] =	vst v24;
	v24 =	vadd.s32 $0xA7, v61  }
0x1b3: {  	[tilespmem:s24+$0xA510] =	vst v1;
	v1 =	vadd.s32 v24, v60  }
0x1b4: {  	v0 =	vld.idx.msk [tilespmem:v0+s23+$0x0], $0xffff;
	v1 =	vand.u32 $0xFFFFFFF8, v1  }
0x1b5: {  	v1 =	vor.u32 v15, v1;
	_ =	sdelay $0x2  }
0x1b6: {  	[tilespmem:$0x1FA50] =	vst v24;
	v24 =	vadd.s32 $0xA8, v61  }
0x1b7: {  	[tilespmem:s24+$0xA710] =	vst v0;
	v0 =	vadd.s32 v24, v60  }
0x1b8: {  	v1 =	vld.idx.msk [tilespmem:v1+s23+$0x0], $0xffff;
	v0 =	vand.u32 $0xFFFFFFF8, v0  }
0x1b9: {  	v0 =	vor.u32 v17, v0;
	_ =	sdelay $0x2  }
0x1ba: {  	[tilespmem:$0x1FA60] =	vst v24;
	v24 =	vadd.s32 $0xA9, v61  }
0x1bb: {  	[tilespmem:s24+$0xA910] =	vst v1;
	v1 =	vadd.s32 v24, v60  }
0x1bc: {  	v0 =	vld.idx.msk [tilespmem:v0+s23+$0x0], $0xffff;
	v1 =	vand.u32 $0xFFFFFFF8, v1  }
0x1bd: {  	v1 =	vor.u32 v3, v1;
	_ =	sdelay $0x2  }
0x1be: {  	[tilespmem:$0x1FA70] =	vst v24;
	v24 =	vadd.s32 $0xAA, v61  }
0x1bf: {  	[tilespmem:s24+$0xAB10] =	vst v0;
	v0 =	vadd.s32 v24, v60  }
0x1c0: {  	v1 =	vld.idx.msk [tilespmem:v1+s23+$0x0], $0xffff;
	v0 =	vand.u32 $0xFFFFFFF8, v0  }
0x1c1: {  	v0 =	vor.u32 v5, v0;
	_ =	sdelay $0x2  }
0x1c2: {  	[tilespmem:$0x1FA80] =	vst v24;
	v24 =	vadd.s32 $0xAB, v61  }
0x1c3: {  	[tilespmem:s24+$0xAD10] =	vst v1;
	v1 =	vadd.s32 v24, v60  }
0x1c4: {  	v0 =	vld.idx.msk [tilespmem:v0+s23+$0x0], $0xffff;
	v1 =	vand.u32 $0xFFFFFFF8, v1  }
0x1c5: {  	v1 =	vor.u32 v7, v1;
	_ =	sdelay $0x2  }
0x1c6: {  	[tilespmem:$0x1FA90] =	vst v24;
	v24 =	vadd.s32 $0xAC, v61  }
0x1c7: {  	[tilespmem:s24+$0xA590] =	vst v0;
	v0 =	vadd.s32 v24, v60  }
0x1c8: {  	v1 =	vld.idx.msk [tilespmem:v1+s23+$0x0], $0xffff;
	v0 =	vand.u32 $0xFFFFFFF8, v0  }
0x1c9: {  	v2 =	vor.u32 v9, v0;
	_ =	sdelay $0x2  }
0x1ca: {  	v0 =	vadd.s32 $0xAD, v61  }
0x1cb: {  	[tilespmem:s24+$0xA790] =	vst v1;
	v1 =	vadd.s32 v0, v60  }
0x1cc: {  	v2 =	vld.idx.msk [tilespmem:v2+s23+$0x0], $0xffff;
	v1 =	vand.u32 $0xFFFFFFF8, v1  }
0x1cd: {  	v4 =	vor.u32 v11, v1;
	_ =	sdelay $0x2  }
0x1ce: {  	[tilespmem:$0x1FAB0] =	vst v0;
	v0 =	vadd.s32 $0xAE, v61  }
0x1cf: {  	[tilespmem:s24+$0xA990] =	vst v2;
	v2 =	vadd.s32 v0, v60  }
0x1d0: {  	v4 =	vld.idx.msk [tilespmem:v4+s23+$0x0], $0xffff;
	v2 =	vand.u32 $0xFFFFFFF8, v2  }
0x1d1: {  	v6 =	vor.u32 v13, v2;
	_ =	sdelay $0x2  }
0x1d2: {  	[tilespmem:$0x1FAC0] =	vst v0;
	v0 =	vadd.s32 $0xAF, v61  }
0x1d3: {  	[tilespmem:s24+$0xAB90] =	vst v4;
	v4 =	vadd.s32 v0, v60  }
0x1d4: {  	v6 =	vld.idx.msk [tilespmem:v6+s23+$0x0], $0xffff;
	v4 =	vand.u32 $0xFFFFFFF8, v4  }
0x1d5: {  	v8 =	vor.u32 v15, v4;
	_ =	sdelay $0x2  }
0x1d6: {  	[tilespmem:$0x1FAD0] =	vst v0;
	v0 =	vadd.s32 $0xB0, v61  }
0x1d7: {  	[tilespmem:s24+$0xAD90] =	vst v6;
	v6 =	vadd.s32 v0, v60  }
0x1d8: {  	v8 =	vld.idx.msk [tilespmem:v8+s23+$0x0], $0xffff;
	v6 =	vand.u32 $0xFFFFFFF8, v6  }
0x1d9: {  	[tilespmem:$0x1FAE0] =	vst v0;
	v0 =	vmov v10;
	v10 =	vor.u32 v17, v6;
	_ =	sdelay $0x2  }
0x1da: {  	v1 =	vadd.s32 $0xB1, v61  }
0x1db: {  	[tilespmem:s24+$0xA610] =	vst v8;
	v8 =	vadd.s32 v1, v60  }
0x1dc: {  	v10 =	vld.idx.msk [tilespmem:v10+s23+$0x0], $0xffff;
	v8 =	vand.u32 $0xFFFFFFF8, v8  }
0x1dd: {  	v12 =	vor.u32 v3, v8;
	_ =	sdelay $0x2  }
0x1de: {  	v2 =	vadd.s32 $0xB2, v61  }
0x1df: {  	[tilespmem:s24+$0xA810] =	vst v10;
	v10 =	vadd.s32 v2, v60  }
0x1e0: {  	v12 =	vld.idx.msk [tilespmem:v12+s23+$0x0], $0xffff;
	v10 =	vand.u32 $0xFFFFFFF8, v10  }
0x1e1: {  	v14 =	vor.u32 v5, v10;
	_ =	sdelay $0x2  }
0x1e2: {  	v4 =	vadd.s32 $0xB3, v61  }
0x1e3: {  	[tilespmem:s24+$0xAA10] =	vst v12;
	v12 =	vadd.s32 v4, v60  }
0x1e4: {  	v14 =	vld.idx.msk [tilespmem:v14+s23+$0x0], $0xffff;
	v12 =	vand.u32 $0xFFFFFFF8, v12  }
0x1e5: {  	[tilespmem:$0x1FB00] =	vst v2;
	v2 =	vmov v16;
	v16 =	vor.u32 v7, v12;
	_ =	sdelay $0x2  }
0x1e6: {  	v6 =	vadd.s32 $0xB4, v61  }
0x1e7: {  	[tilespmem:s24+$0xAC10] =	vst v14;
	v14 =	vadd.s32 v6, v60  }
0x1e8: {  	v16 =	vld.idx.msk [tilespmem:v16+s23+$0x0], $0xffff;
	v14 =	vand.u32 $0xFFFFFFF8, v14  }
0x1e9: {  	v18 =	vor.u32 v9, v14;
	_ =	sdelay $0x2  }
0x1ea: {  	v8 =	vadd.s32 $0xB5, v61  }
0x1eb: {  	[tilespmem:s24+$0xAE10] =	vst v16;
	v16 =	vadd.s32 v8, v60  }
0x1ec: {  	v18 =	vld.idx.msk [tilespmem:v18+s23+$0x0], $0xffff;
	v16 =	vand.u32 $0xFFFFFFF8, v16  }
0x1ed: {  	[tilespmem:$0x1FAF0] =	vst v1;
	v1 =	vmov v19;
	v19 =	vor.u32 v11, v16;
	_ =	sdelay $0x2  }
0x1ee: {  	v10 =	vadd.s32 $0xB6, v61  }
0x1ef: {  	[tilespmem:s24+$0xA690] =	vst v18;
	v18 =	vadd.s32 v10, v60  }
0x1f0: {  	v19 =	vld.idx.msk [tilespmem:v19+s23+$0x0], $0xffff;
	v18 =	vand.u32 $0xFFFFFFF8, v18  }
0x1f1: {  	[tilespmem:$0x1FB40] =	vst v10;
	v10 =	vmov v20;
	v20 =	vor.u32 v13, v18;
	_ =	sdelay $0x2  }
0x1f2: {  	v12 =	vadd.s32 $0xB7, v61  }
0x1f3: {  	[tilespmem:s24+$0xA890] =	vst v19;
	v19 =	vadd.s32 v12, v60  }
0x1f4: {  	v20 =	vld.idx.msk [tilespmem:v20+s23+$0x0], $0xffff;
	v19 =	vand.u32 $0xFFFFFFF8, v19  }
0x1f5: {  	[tilespmem:$0x1FB30] =	vst v8;
	v8 =	vmov v21;
	v21 =	vor.u32 v15, v19;
	_ =	sdelay $0x2  }
0x1f6: {  	v14 =	vadd.s32 $0xB8, v61  }
0x1f7: {  	[tilespmem:s24+$0xAA90] =	vst v20;
	v20 =	vadd.s32 v14, v60  }
0x1f8: {  	v21 =	vld.idx.msk [tilespmem:v21+s23+$0x0], $0xffff;
	v20 =	vand.u32 $0xFFFFFFF8, v20  }
0x1f9: {  	v22 =	vor.u32 v17, v20;
	_ =	sdelay $0x2  }
0x1fa: {  	v16 =	vadd.s32 $0xB9, v61  }
0x1fb: {  	[tilespmem:s24+$0xAC90] =	vst v21;
	v21 =	vadd.s32 v16, v60  }
0x1fc: {  	v22 =	vld.idx.msk [tilespmem:v22+s23+$0x0], $0xffff;
	v21 =	vand.u32 $0xFFFFFFF8, v21  }
0x1fd: {  	v23 =	vor.u32 v3, v21;
	_ =	sdelay $0x2  }
0x1fe: {  	v18 =	vadd.s32 $0xBA, v61  }
0x1ff: {  	[tilespmem:s24+$0xAE90] =	vst v22;
	v22 =	vadd.s32 v18, v60  }
0x200: {  	v23 =	vld.idx.msk [tilespmem:v23+s23+$0x0], $0xffff;
	v22 =	vand.u32 $0xFFFFFFF8, v22  }
0x201: {  	[tilespmem:$0x1FAA0] =	vst v24;
	v24 =	vor.u32 v5, v22;
	_ =	sdelay $0x2  }
0x202: {  	v19 =	vadd.s32 $0xBB, v61  }
0x203: {  	[tilespmem:s24+$0xAF10] =	vst v23;
	v23 =	vadd.s32 v19, v60  }
0x204: {  	v24 =	vld.idx.msk [tilespmem:v24+s23+$0x0], $0xffff;
	v23 =	vand.u32 $0xFFFFFFF8, v23  }
0x205: {  	[tilespmem:$0x1FB70] =	vst v16;
	v16 =	vmov v25;
	v25 =	vor.u32 v7, v23;
	_ =	sdelay $0x2  }
0x206: {  	v20 =	vadd.s32 $0xBC, v61  }
0x207: {  	[tilespmem:s24+$0xB110] =	vst v24;
	v24 =	vadd.s32 v20, v60  }
0x208: {  	v25 =	vld.idx.msk [tilespmem:v25+s23+$0x0], $0xffff;
	v24 =	vand.u32 $0xFFFFFFF8, v24  }
0x209: {  	v26 =	vor.u32 v9, v24;
	_ =	sdelay $0x2  }
0x20a: {  	v21 =	vadd.s32 $0xBD, v61  }
0x20b: {  	[tilespmem:s24+$0xB310] =	vst v25;
	v25 =	vadd.s32 v21, v60  }
0x20c: {  	v26 =	vld.idx.msk [tilespmem:v26+s23+$0x0], $0xffff;
	v25 =	vand.u32 $0xFFFFFFF8, v25  }
0x20d: {  	[tilespmem:$0x1FBB0] =	vst v21;
	v21 =	vmov v27;
	v27 =	vor.u32 v11, v25;
	_ =	sdelay $0x2  }
0x20e: {  	v22 =	vadd.s32 $0xBE, v61  }
0x20f: {  	[tilespmem:s24+$0xB510] =	vst v26;
	v26 =	vadd.s32 v22, v60  }
0x210: {  	v27 =	vld.idx.msk [tilespmem:v27+s23+$0x0], $0xffff;
	v26 =	vand.u32 $0xFFFFFFF8, v26  }
0x211: {  	v28 =	vor.u32 v13, v26;
	_ =	sdelay $0x2  }
0x212: {  	v23 =	vadd.s32 $0xBF, v61  }
0x213: {  	[tilespmem:s24+$0xB710] =	vst v27;
	v27 =	vadd.s32 v23, v60  }
0x214: {  	v28 =	vld.idx.msk [tilespmem:v28+s23+$0x0], $0xffff;
	v27 =	vand.u32 $0xFFFFFFF8, v27  }
0x215: {  	v29 =	vor.u32 v15, v27;
	_ =	sdelay $0x2  }
0x216: {  	v24 =	vadd.s32 $0xC0, v61  }
0x217: {  	[tilespmem:s24+$0xAF90] =	vst v28;
	v28 =	vadd.s32 v24, v60  }
0x218: {  	v29 =	vld.idx.msk [tilespmem:v29+s23+$0x0], $0xffff;
	v28 =	vand.u32 $0xFFFFFFF8, v28  }
0x219: {  	v30 =	vor.u32 v17, v28;
	_ =	sdelay $0x2  }
0x21a: {  	v25 =	vadd.s32 $0xC1, v61  }
0x21b: {  	[tilespmem:s24+$0xB190] =	vst v29;
	v29 =	vadd.s32 v25, v60  }
0x21c: {  	v30 =	vld.idx.msk [tilespmem:v30+s23+$0x0], $0xffff;
	v29 =	vand.u32 $0xFFFFFFF8, v29  }
0x21d: {  	[tilespmem:$0x1FB50] =	vst v12;
	v12 =	vmov v31;
	v31 =	vor.u32 v3, v29;
	_ =	sdelay $0x2  }
0x21e: {  	v26 =	vadd.s32 $0xC2, v61  }
0x21f: {  	[tilespmem:s24+$0xB390] =	vst v30;
	v30 =	vadd.s32 v26, v60  }
0x220: {  	v31 =	vld.idx.msk [tilespmem:v31+s23+$0x0], $0xffff;
	v30 =	vand.u32 $0xFFFFFFF8, v30  }
0x221: {  	v40 =	vor.u32 v5, v30;
	_ =	sdelay $0x2  }
0x222: {  	v27 =	vadd.s32 $0xC3, v61  }
0x223: {  	[tilespmem:s24+$0xB590] =	vst v31;
	v31 =	vadd.s32 v27, v60  }
0x224: {  	[tilespmem:$0x1FB60] =	vst v14;
	v14 =	vmov v32;
	v32 =	vld.idx.msk [tilespmem:v40+s23+$0x0], $0xffff;
	v31 =	vand.u32 $0xFFFFFFF8, v31  }
0x225: {  	[tilespmem:$0x1FBA0] =	vst v20;
	v20 =	vmov v42;
	v42 =	vor.u32 v7, v31;
	_ =	sdelay $0x2  }
0x226: {  	v28 =	vadd.s32 $0xC4, v61  }
0x227: {  	v46 =	vadd.s32 v28, v60;
	[tilespmem:s24+$0xB790] =	vst v32  }
0x228: {  	[tilespmem:$0x1FB80] =	vst v18;
	v18 =	vmov v33;
	v32 =	vand.u32 $0xFFFFFFF8, v46;
	v33 =	vld.idx.msk [tilespmem:v42+s23+$0x0], $0xffff  }
0x229: {  	v51 =	vor.u32 v9, v32;
	_ =	sdelay $0x2  }
0x22a: {  	[tilespmem:$0x1FC20] =	vst v28;
	v29 =	vadd.s32 $0xC5, v61  }
0x22b: {  	v28 =	vmov v52;
	v52 =	vadd.s32 v29, v60;
	[tilespmem:s24+$0xB010] =	vst v33  }
0x22c: {  	v33 =	vand.u32 $0xFFFFFFF8, v52;
	v34 =	vld.idx.msk [tilespmem:v51+s23+$0x0], $0xffff  }
0x22d: {  	[tilespmem:$0x1FBC0] =	vst v22;
	v22 =	vmov v55;
	v55 =	vor.u32 v11, v33;
	_ =	sdelay $0x2  }
0x22e: {  	v30 =	vadd.s32 $0xC6, v61  }
0x22f: {  	v58 =	vadd.s32 v30, v60;
	[tilespmem:s24+$0xB210] =	vst v34  }
0x230: {  	v34 =	vand.u32 $0xFFFFFFF8, v58;
	v35 =	vld.idx.msk [tilespmem:v55+s23+$0x0], $0xffff  }
0x231: {  	[tilespmem:$0x1FBF0] =	vst v25;
	v25 =	vmov v59;
	v59 =	vor.u32 v13, v34;
	_ =	sdelay $0x2  }
0x232: {  	[tilespmem:$0x1FBE0] =	vst v24;
	v31 =	vadd.s32 $0xC7, v61  }
0x233: {  	v24 =	vmov v62;
	v62 =	vadd.s32 v31, v60;
	[tilespmem:s24+$0xB410] =	vst v35  }
0x234: {  	v35 =	vand.u32 $0xFFFFFFF8, v62;
	v36 =	vld.idx.msk [tilespmem:v59+s23+$0x0], $0xffff  }
0x235: {  	v37 =	vor.u32 v15, v35;
	_ =	sdelay $0x2  }
0x236: {  	v40 =	vadd.s32 $0xC8, v61  }
0x237: {  	v42 =	vadd.s32 v40, v60;
	[tilespmem:s24+$0xB610] =	vst v36  }
0x238: {  	v36 =	vand.u32 $0xFFFFFFF8, v42;
	v37 =	vld.idx.msk [tilespmem:v37+s23+$0x0], $0xffff  }
0x239: {  	v46 =	vor.u32 v17, v36;
	_ =	sdelay $0x2  }
0x23a: {  	[tilespmem:$0x1FC50] =	vst v31;
	v32 =	vmov v47;
	v47 =	vadd.s32 $0xC9, v61  }
0x23b: {  	v31 =	vmov v49;
	v49 =	vadd.s32 v47, v60;
	[tilespmem:s24+$0xB810] =	vst v37  }
0x23c: {  	[tilespmem:$0x1FB20] =	vst v6;
	v6 =	vmov v38;
	v37 =	vand.u32 $0xFFFFFFF8, v49;
	v38 =	vld.idx.msk [tilespmem:v46+s23+$0x0], $0xffff  }
0x23d: {  	[tilespmem:$0x1FC30] =	vst v29;
	v29 =	vmov v50;
	v50 =	vor.u32 v3, v37;
	_ =	sdelay $0x2  }
0x23e: {  	v51 =	vadd.s32 $0xCA, v61  }
0x23f: {  	v52 =	vadd.s32 v51, v60;
	[tilespmem:s24+$0xB090] =	vst v38  }
0x240: {  	v38 =	vand.u32 $0xFFFFFFF8, v52;
	v39 =	vld.idx.msk [tilespmem:v50+s23+$0x0], $0xffff  }
0x241: {  	[tilespmem:$0x1FC40] =	vst v30;
	v30 =	vmov v54;
	v54 =	vor.u32 v5, v38;
	_ =	sdelay $0x2  }
0x242: {  	v55 =	vadd.s32 $0xCB, v61  }
0x243: {  	v58 =	vadd.s32 v55, v60;
	[tilespmem:s24+$0xB290] =	vst v39  }
0x244: {  	[tilespmem:$0x1FC60] =	vst v40;
	v39 =	vand.u32 $0xFFFFFFF8, v58;
	v40 =	vld.idx.msk [tilespmem:v54+s23+$0x0], $0xffff  }
0x245: {  	v59 =	vor.u32 v7, v39;
	_ =	sdelay $0x2  }
0x246: {  	v62 =	vadd.s32 $0xCC, v61  }
0x247: {  	v38 =	vadd.s32 v62, v60;
	[tilespmem:s24+$0xB490] =	vst v40  }
0x248: {  	v35 =	vmov v41;
	v40 =	vand.u32 $0xFFFFFFF8, v38;
	v41 =	vld.idx.msk [tilespmem:v59+s23+$0x0], $0xffff  }
0x249: {  	v33 =	vmov v45;
	v45 =	vor.u32 v9, v40;
	_ =	sdelay $0x2  }
0x24a: {  	[tilespmem:$0x1FC70] =	vst v47;
	v46 =	vadd.s32 $0xCD, v61  }
0x24b: {  	v47 =	vadd.s32 v46, v60;
	[tilespmem:s24+$0xB690] =	vst v41  }
0x24c: {  	v41 =	vand.u32 $0xFFFFFFF8, v47;
	v42 =	vld.idx.msk [tilespmem:v45+s23+$0x0], $0xffff  }
0x24d: {  	v49 =	vor.u32 v11, v41;
	_ =	sdelay $0x2  }
0x24e: {  	v41 =	vadd.s32 $0xCE, v61  }
0x24f: {  	v50 =	vadd.s32 v41, v60;
	[tilespmem:s24+$0xB890] =	vst v42  }
0x250: {  	v34 =	vmov v43;
	v42 =	vand.u32 $0xFFFFFFF8, v50;
	v43 =	vld.idx.msk [tilespmem:v49+s23+$0x0], $0xffff  }
0x251: {  	[tilespmem:$0x1FC80] =	vst v51;
	v51 =	vor.u32 v13, v42;
	_ =	sdelay $0x2  }
0x252: {  	v42 =	vadd.s32 $0xCF, v61  }
0x253: {  	v52 =	vadd.s32 v42, v60;
	[tilespmem:s24+$0xB910] =	vst v43  }
0x254: {  	v36 =	vmov v44;
	v43 =	vand.u32 $0xFFFFFFF8, v52;
	v44 =	vld.idx.msk [tilespmem:v51+s23+$0x0], $0xffff  }
0x255: {  	v54 =	vor.u32 v15, v43;
	_ =	sdelay $0x2  }
0x256: {  	[tilespmem:$0x1FC90] =	vst v55;
	v43 =	vadd.s32 $0xD0, v61  }
0x257: {  	v55 =	vadd.s32 v43, v60;
	[tilespmem:s24+$0xBB10] =	vst v44  }
0x258: {  	v44 =	vand.u32 $0xFFFFFFF8, v55;
	v45 =	vld.idx.msk [tilespmem:v54+s23+$0x0], $0xffff  }
0x259: {  	v58 =	vor.u32 v17, v44;
	_ =	sdelay $0x2  }
0x25a: {  	v44 =	vadd.s32 $0xD1, v61  }
0x25b: {  	v59 =	vadd.s32 v44, v60;
	[tilespmem:s24+$0xBD10] =	vst v45  }
0x25c: {  	[tilespmem:$0x1FCB0] =	vst v46;
	v45 =	vand.u32 $0xFFFFFFF8, v59;
	v46 =	vld.idx.msk [tilespmem:v58+s23+$0x0], $0xffff  }
0x25d: {  	[tilespmem:$0x1FCA0] =	vst v62;
	v62 =	vor.u32 v3, v45;
	_ =	sdelay $0x2  }
0x25e: {  	v45 =	vadd.s32 $0xD2, v61  }
0x25f: {  	v38 =	vadd.s32 v45, v60;
	[tilespmem:s24+$0xBF10] =	vst v46  }
0x260: {  	v46 =	vand.u32 $0xFFFFFFF8, v38;
	v47 =	vld.idx.msk [tilespmem:v62+s23+$0x0], $0xffff  }
0x261: {  	v39 =	vor.u32 v5, v46;
	_ =	sdelay $0x2  }
0x262: {  	v46 =	vadd.s32 $0xD3, v61  }
0x263: {  	v40 =	vadd.s32 v46, v60;
	[tilespmem:s24+$0xC110] =	vst v47  }
0x264: {  	v37 =	vmov v48;
	v47 =	vand.u32 $0xFFFFFFF8, v40;
	v48 =	vld.idx.msk [tilespmem:v39+s23+$0x0], $0xffff  }
0x265: {  	v52 =	vor.u32 v7, v47;
	_ =	sdelay $0x2  }
0x266: {  	v47 =	vadd.s32 $0xD4, v61  }
0x267: {  	v54 =	vadd.s32 v47, v60;
	[tilespmem:s24+$0xB990] =	vst v48  }
0x268: {  	v48 =	vand.u32 $0xFFFFFFF8, v54;
	v49 =	vld.idx.msk [tilespmem:v52+s23+$0x0], $0xffff  }
0x269: {  	v55 =	vor.u32 v9, v48;
	_ =	sdelay $0x2  }
0x26a: {  	v48 =	vadd.s32 $0xD5, v61  }
0x26b: {  	v58 =	vadd.s32 v48, v60;
	[tilespmem:s24+$0xBB90] =	vst v49  }
0x26c: {  	v49 =	vand.u32 $0xFFFFFFF8, v58;
	v50 =	vld.idx.msk [tilespmem:v55+s23+$0x0], $0xffff  }
0x26d: {  	v59 =	vor.u32 v11, v49;
	_ =	sdelay $0x2  }
0x26e: {  	v49 =	vadd.s32 $0xD6, v61  }
0x26f: {  	v62 =	vadd.s32 v49, v60;
	[tilespmem:s24+$0xBD90] =	vst v50  }
0x270: {  	v50 =	vand.u32 $0xFFFFFFF8, v62;
	v51 =	vld.idx.msk [tilespmem:v59+s23+$0x0], $0xffff  }
0x271: {  	v39 =	vor.u32 v13, v50;
	_ =	sdelay $0x2  }
0x272: {  	v50 =	vadd.s32 $0xD7, v61  }
0x273: {  	v40 =	vadd.s32 v50, v60;
	[tilespmem:s24+$0xBF90] =	vst v51  }
0x274: {  	v51 =	vand.u32 $0xFFFFFFF8, v40;
	v52 =	vld.idx.msk [tilespmem:v39+s23+$0x0], $0xffff  }
0x275: {  	v58 =	vor.u32 v15, v51;
	_ =	sdelay $0x2  }
0x276: {  	v51 =	vadd.s32 $0xD8, v61  }
0x277: {  	v59 =	vadd.s32 v51, v60;
	[tilespmem:s24+$0xC190] =	vst v52  }
0x278: {  	v38 =	vmov v53;
	v52 =	vand.u32 $0xFFFFFFF8, v59;
	v53 =	vld.idx.msk [tilespmem:v58+s23+$0x0], $0xffff  }
0x279: {  	v62 =	vor.u32 v17, v52;
	_ =	sdelay $0x2  }
0x27a: {  	v52 =	vadd.s32 $0xD9, v61  }
0x27b: {  	v40 =	vadd.s32 v52, v60;
	[tilespmem:s24+$0xBA10] =	vst v53  }
0x27c: {  	v53 =	vand.u32 $0xFFFFFFF8, v40;
	v54 =	vld.idx.msk [tilespmem:v62+s23+$0x0], $0xffff  }
0x27d: {  	v58 =	vor.u32 v3, v53;
	_ =	sdelay $0x2  }
0x27e: {  	v53 =	vadd.s32 $0xDA, v61  }
0x27f: {  	v59 =	vadd.s32 v53, v60;
	[tilespmem:s24+$0xBC10] =	vst v54  }
0x280: {  	v54 =	vand.u32 $0xFFFFFFF8, v59;
	v55 =	vld.idx.msk [tilespmem:v58+s23+$0x0], $0xffff  }
0x281: {  	v39 =	vmov v56;
	v56 =	vor.u32 v5, v54;
	_ =	sdelay $0x2  }
0x282: {  	v54 =	vadd.s32 $0xDB, v61  }
0x283: {  	v62 =	vadd.s32 v54, v60;
	[tilespmem:s24+$0xBE10] =	vst v55  }
0x284: {  	v55 =	vand.u32 $0xFFFFFFF8, v62;
	v56 =	vld.idx.msk [tilespmem:v56+s23+$0x0], $0xffff  }
0x285: {  	v40 =	vmov v57;
	v57 =	vor.u32 v7, v55;
	_ =	sdelay $0x2  }
0x286: {  	v55 =	vadd.s32 $0xDC, v61  }
0x287: {  	v62 =	vadd.s32 v55, v60;
	[tilespmem:s24+$0xC010] =	vst v56  }
0x288: {  	v56 =	vand.u32 $0xFFFFFFF8, v62;
	v57 =	vld.idx.msk [tilespmem:v57+s23+$0x0], $0xffff  }
0x289: {  	v58 =	vor.u32 v9, v56;
	_ =	sdelay $0x2  }
0x28a: {  	v56 =	vadd.s32 $0xDD, v61  }
0x28b: {  	v62 =	vadd.s32 v56, v60;
	[tilespmem:s24+$0xC210] =	vst v57  }
0x28c: {  	v57 =	vand.u32 $0xFFFFFFF8, v62;
	v58 =	vld.idx.msk [tilespmem:v58+s23+$0x0], $0xffff  }
0x28d: {  	v59 =	vor.u32 v11, v57;
	_ =	sdelay $0x3  }
0x28e: {  	[tilespmem:s24+$0xBA90] =	vst v58  }
0x28f: {  	v59 =	vld.idx.msk [tilespmem:v59+s23+$0x0], $0xffff  }
0x290: {  	v57 =	vadd.s32 $0xDE, v61  }
0x291: {  	v62 =	vadd.s32 v57, v60  }
0x292: {  	v58 =	vand.u32 $0xFFFFFFF8, v62  }
0x293: {  	v62 =	vor.u32 v13, v58;
	v58 =	vadd.s32 $0xDF, v61  }
0x294: {  	[tilespmem:s24+$0xBC90] =	vst v59;
	v59 =	vadd.s32 v58, v60  }
0x295: {  	v59 =	vand.u32 $0xFFFFFFF8, v59  }
0x296: {  	v59 =	vor.u32 v15, v59  }
0x297: {  	[tilespmem:$0x1FCC0] =	vst v59  }
0x298: {  	v59 =	vadd.s32 $0xE0, v61;
	v61 =	vld [tilespmem:$0x1FCC0];
	_ =	sdelay $0x1  }
0x299: {  	[tilespmem:$0x1FB10] =	vst v4;
	v62 =	vld.idx.msk [tilespmem:v62+s23+$0x0], $0xffff  }
0x29a: {  	v4 =	vld [tilespmem:$0x1FDB0];
	[tilespmem:$0x1FB90] =	vst v19  }
0x29b: {  	v19 =	vld [tilespmem:$0x1FE10];
	[tilespmem:$0x1FBD0] =	vst v23  }
0x29c: {  	[tilespmem:$0x1FC00] =	vst v26;
	v23 =	vld [tilespmem:$0x1FE50]  }
0x29d: {  	[tilespmem:$0x1FC10] =	vst v27;
	v26 =	vld [tilespmem:$0x1FCD0];
	v60 =	vadd.s32 v59, v60  }
0x29e: {  	s30 =	simm.s32 $0x10;
	v27 =	vld [tilespmem:$0x1FE80];
	v60 =	vand.u32 $0xFFFFFFF8, v60;
	[tilespmem:s24+$0xBE90] =	vst v62  }
0x29f: {  	s28 =	simm.s32 $0x40;
	s31 =	simm.s32 $0x80;
	v62 =	vor.u32 v17, v60;
	v60 =	vmov s30;
	v61 =	vld.idx.msk [tilespmem:v61+s23+$0x0], $0xffff  }
.LBB2_4:
0x2a0: {  	v60 =	vmul.u32 $0xE1, v60;
	_ =	sdelay $0x1  }
0x2a1: {  	v60 =	vbroadcast v60, $0x0;
	_ =	sdelay $0x1  }
0x2a2: {  	[tilespmem:s24+$0xC090] =	vst v61;
	v61 =	vadd.s32 v0, v60  }
0x2a3: {  	v62 =	vld.idx.msk [tilespmem:v62+s23+$0x0], $0xffff;
	v61 =	vand.u32 $0xFFFFFFF8, v61  }
0x2a4: {  	v61 =	vor.u32 v3, v61;
	_ =	sdelay $0x3  }
0x2a5: {  	[tilespmem:s24+$0xC290] =	vst v62;
	v62 =	vadd.s32 v1, v60  }
0x2a6: {  	v62 =	vand.u32 $0xFFFFFFF8, v62;
	v61 =	vld.idx.msk [tilespmem:v61+s23+$0x0], $0xffff  }
0x2a7: {  	v62 =	vor.u32 v5, v62;
	_ =	sdelay $0x2  }
0x2a8: {  	s24 =	sshra.s32 s28, $0x2  }
0x2a9: {  	[tilespmem:s24+$0x7310] =	vst v61  }
0x2aa: {  	v61 =	vld.idx.msk [tilespmem:v62+s23+$0x0], $0xffff;
	v62 =	vadd.s32 v2, v60  }
0x2ab: {  	v62 =	vand.u32 $0xFFFFFFF8, v62  }
0x2ac: {  	v62 =	vor.u32 v7, v62;
	_ =	sdelay $0x3  }
0x2ad: {  	[tilespmem:s24+$0x7510] =	vst v61  }
0x2ae: {  	v61 =	vld.idx.msk [tilespmem:v62+s23+$0x0], $0xffff;
	v62 =	vadd.s32 v4, v60  }
0x2af: {  	v62 =	vand.u32 $0xFFFFFFF8, v62  }
0x2b0: {  	v62 =	vor.u32 v9, v62;
	_ =	sdelay $0x3  }
0x2b1: {  	[tilespmem:s24+$0x7710] =	vst v61  }
0x2b2: {  	v61 =	vld.idx.msk [tilespmem:v62+s23+$0x0], $0xffff  }
0x2b3: {  	v62 =	vld [tilespmem:$0x1FF20];
	_ =	sdelay $0x4  }
0x2b4: {  	v62 =	vadd.s32 v62, v60  }
0x2b5: {  	v62 =	vand.u32 $0xFFFFFFF8, v62  }
0x2b6: {  	v62 =	vor.u32 v11, v62;
	_ =	sdelay $0x3  }
0x2b7: {  	[tilespmem:s24+$0x7910] =	vst v61  }
0x2b8: {  	v61 =	vld.idx.msk [tilespmem:v62+s23+$0x0], $0xffff;
	v62 =	vadd.s32 v6, v60  }
0x2b9: {  	v62 =	vand.u32 $0xFFFFFFF8, v62  }
0x2ba: {  	v62 =	vor.u32 v13, v62;
	_ =	sdelay $0x3  }
0x2bb: {  	[tilespmem:s24+$0x7B10] =	vst v61  }
0x2bc: {  	v61 =	vld.idx.msk [tilespmem:v62+s23+$0x0], $0xffff;
	v62 =	vadd.s32 v8, v60  }
0x2bd: {  	v62 =	vand.u32 $0xFFFFFFF8, v62  }
0x2be: {  	v62 =	vor.u32 v15, v62;
	_ =	sdelay $0x3  }
0x2bf: {  	[tilespmem:s24+$0x7390] =	vst v61  }
0x2c0: {  	v61 =	vld.idx.msk [tilespmem:v62+s23+$0x0], $0xffff  }
0x2c1: {  	v62 =	vld [tilespmem:$0x1FD90];
	_ =	sdelay $0x4  }
0x2c2: {  	v62 =	vadd.s32 v62, v60  }
0x2c3: {  	v62 =	vand.u32 $0xFFFFFFF8, v62  }
0x2c4: {  	v62 =	vor.u32 v17, v62;
	_ =	sdelay $0x3  }
0x2c5: {  	[tilespmem:s24+$0x7590] =	vst v61  }
0x2c6: {  	v61 =	vld.idx.msk [tilespmem:v62+s23+$0x0], $0xffff  }
0x2c7: {  	v62 =	vld [tilespmem:$0x1FF30];
	_ =	sdelay $0x4  }
0x2c8: {  	v62 =	vadd.s32 v62, v60  }
0x2c9: {  	v62 =	vand.u32 $0xFFFFFFF8, v62  }
0x2ca: {  	v62 =	vor.u32 v3, v62;
	_ =	sdelay $0x3  }
0x2cb: {  	[tilespmem:s24+$0x7790] =	vst v61  }
0x2cc: {  	v61 =	vld.idx.msk [tilespmem:v62+s23+$0x0], $0xffff;
	v62 =	vadd.s32 v10, v60  }
0x2cd: {  	v62 =	vand.u32 $0xFFFFFFF8, v62  }
0x2ce: {  	v62 =	vor.u32 v5, v62;
	_ =	sdelay $0x3  }
0x2cf: {  	[tilespmem:s24+$0x7990] =	vst v61  }
0x2d0: {  	v61 =	vld.idx.msk [tilespmem:v62+s23+$0x0], $0xffff;
	v62 =	vadd.s32 v12, v60  }
0x2d1: {  	v62 =	vand.u32 $0xFFFFFFF8, v62  }
0x2d2: {  	v62 =	vor.u32 v7, v62;
	_ =	sdelay $0x3  }
0x2d3: {  	[tilespmem:s24+$0x7B90] =	vst v61  }
0x2d4: {  	v61 =	vld.idx.msk [tilespmem:v62+s23+$0x0], $0xffff;
	v62 =	vadd.s32 v14, v60  }
0x2d5: {  	v62 =	vand.u32 $0xFFFFFFF8, v62  }
0x2d6: {  	v62 =	vor.u32 v9, v62;
	_ =	sdelay $0x3  }
0x2d7: {  	[tilespmem:s24+$0x7410] =	vst v61  }
0x2d8: {  	v61 =	vld.idx.msk [tilespmem:v62+s23+$0x0], $0xffff;
	v62 =	vadd.s32 v16, v60  }
0x2d9: {  	v62 =	vand.u32 $0xFFFFFFF8, v62  }
0x2da: {  	v62 =	vor.u32 v11, v62;
	_ =	sdelay $0x3  }
0x2db: {  	[tilespmem:s24+$0x7610] =	vst v61  }
0x2dc: {  	v61 =	vld.idx.msk [tilespmem:v62+s23+$0x0], $0xffff;
	v62 =	vadd.s32 v18, v60  }
0x2dd: {  	v62 =	vand.u32 $0xFFFFFFF8, v62  }
0x2de: {  	v62 =	vor.u32 v13, v62;
	_ =	sdelay $0x3  }
0x2df: {  	[tilespmem:s24+$0x7810] =	vst v61  }
0x2e0: {  	v61 =	vld.idx.msk [tilespmem:v62+s23+$0x0], $0xffff;
	v62 =	vadd.s32 v19, v60  }
0x2e1: {  	v62 =	vand.u32 $0xFFFFFFF8, v62  }
0x2e2: {  	v62 =	vor.u32 v15, v62;
	_ =	sdelay $0x3  }
0x2e3: {  	[tilespmem:s24+$0x7A10] =	vst v61  }
0x2e4: {  	v61 =	vld.idx.msk [tilespmem:v62+s23+$0x0], $0xffff;
	v62 =	vadd.s32 v20, v60  }
0x2e5: {  	v62 =	vand.u32 $0xFFFFFFF8, v62  }
0x2e6: {  	v62 =	vor.u32 v17, v62;
	_ =	sdelay $0x3  }
0x2e7: {  	[tilespmem:s24+$0x7C10] =	vst v61  }
0x2e8: {  	v61 =	vld.idx.msk [tilespmem:v62+s23+$0x0], $0xffff;
	v62 =	vadd.s32 v21, v60  }
0x2e9: {  	v62 =	vand.u32 $0xFFFFFFF8, v62  }
0x2ea: {  	v62 =	vor.u32 v3, v62;
	_ =	sdelay $0x3  }
0x2eb: {  	[tilespmem:s24+$0x7490] =	vst v61  }
0x2ec: {  	v61 =	vld.idx.msk [tilespmem:v62+s23+$0x0], $0xffff;
	v62 =	vadd.s32 v22, v60  }
0x2ed: {  	v62 =	vand.u32 $0xFFFFFFF8, v62  }
0x2ee: {  	v62 =	vor.u32 v5, v62;
	_ =	sdelay $0x3  }
0x2ef: {  	[tilespmem:s24+$0x7690] =	vst v61  }
0x2f0: {  	v61 =	vld.idx.msk [tilespmem:v62+s23+$0x0], $0xffff;
	v62 =	vadd.s32 v23, v60  }
0x2f1: {  	v62 =	vand.u32 $0xFFFFFFF8, v62  }
0x2f2: {  	v62 =	vor.u32 v7, v62;
	_ =	sdelay $0x3  }
0x2f3: {  	[tilespmem:s24+$0x7890] =	vst v61  }
0x2f4: {  	v61 =	vld.idx.msk [tilespmem:v62+s23+$0x0], $0xffff;
	v62 =	vadd.s32 v24, v60  }
0x2f5: {  	v62 =	vand.u32 $0xFFFFFFF8, v62  }
0x2f6: {  	v62 =	vor.u32 v9, v62;
	_ =	sdelay $0x3  }
0x2f7: {  	[tilespmem:s24+$0x7A90] =	vst v61  }
0x2f8: {  	v61 =	vld.idx.msk [tilespmem:v62+s23+$0x0], $0xffff;
	v62 =	vadd.s32 v25, v60  }
0x2f9: {  	v62 =	vand.u32 $0xFFFFFFF8, v62  }
0x2fa: {  	v62 =	vor.u32 v11, v62;
	_ =	sdelay $0x3  }
0x2fb: {  	[tilespmem:s24+$0x7C90] =	vst v61  }
0x2fc: {  	v61 =	vld.idx.msk [tilespmem:v62+s23+$0x0], $0xffff;
	v62 =	vadd.s32 v26, v60  }
0x2fd: {  	v62 =	vand.u32 $0xFFFFFFF8, v62  }
0x2fe: {  	v62 =	vor.u32 v13, v62;
	_ =	sdelay $0x3  }
0x2ff: {  	[tilespmem:s24+$0x7D10] =	vst v61  }
0x300: {  	v61 =	vld.idx.msk [tilespmem:v62+s23+$0x0], $0xffff;
	v62 =	vadd.s32 v27, v60  }
0x301: {  	v62 =	vand.u32 $0xFFFFFFF8, v62  }
0x302: {  	v62 =	vor.u32 v15, v62;
	_ =	sdelay $0x3  }
0x303: {  	[tilespmem:s24+$0x7F10] =	vst v61  }
0x304: {  	v61 =	vld.idx.msk [tilespmem:v62+s23+$0x0], $0xffff;
	v62 =	vadd.s32 v28, v60  }
0x305: {  	v62 =	vand.u32 $0xFFFFFFF8, v62  }
0x306: {  	v62 =	vor.u32 v17, v62;
	_ =	sdelay $0x3  }
0x307: {  	[tilespmem:s24+$0x8110] =	vst v61  }
0x308: {  	v61 =	vld.idx.msk [tilespmem:v62+s23+$0x0], $0xffff;
	v62 =	vadd.s32 v29, v60  }
0x309: {  	v62 =	vand.u32 $0xFFFFFFF8, v62  }
0x30a: {  	v62 =	vor.u32 v3, v62;
	_ =	sdelay $0x3  }
0x30b: {  	[tilespmem:s24+$0x8310] =	vst v61  }
0x30c: {  	v61 =	vld.idx.msk [tilespmem:v62+s23+$0x0], $0xffff;
	v62 =	vadd.s32 v30, v60  }
0x30d: {  	v62 =	vand.u32 $0xFFFFFFF8, v62  }
0x30e: {  	v62 =	vor.u32 v5, v62;
	_ =	sdelay $0x3  }
0x30f: {  	[tilespmem:s24+$0x8510] =	vst v61  }
0x310: {  	v61 =	vld.idx.msk [tilespmem:v62+s23+$0x0], $0xffff;
	v62 =	vadd.s32 v31, v60  }
0x311: {  	v62 =	vand.u32 $0xFFFFFFF8, v62  }
0x312: {  	v62 =	vor.u32 v7, v62;
	_ =	sdelay $0x3  }
0x313: {  	[tilespmem:s24+$0x7D90] =	vst v61  }
0x314: {  	v61 =	vld.idx.msk [tilespmem:v62+s23+$0x0], $0xffff;
	v62 =	vadd.s32 v32, v60  }
0x315: {  	v62 =	vand.u32 $0xFFFFFFF8, v62  }
0x316: {  	v62 =	vor.u32 v9, v62;
	_ =	sdelay $0x3  }
0x317: {  	[tilespmem:s24+$0x7F90] =	vst v61  }
0x318: {  	v61 =	vld.idx.msk [tilespmem:v62+s23+$0x0], $0xffff;
	v62 =	vadd.s32 v33, v60  }
0x319: {  	v62 =	vand.u32 $0xFFFFFFF8, v62  }
0x31a: {  	v62 =	vor.u32 v11, v62;
	_ =	sdelay $0x3  }
0x31b: {  	[tilespmem:s24+$0x8190] =	vst v61  }
0x31c: {  	v61 =	vld.idx.msk [tilespmem:v62+s23+$0x0], $0xffff;
	v62 =	vadd.s32 v34, v60  }
0x31d: {  	v62 =	vand.u32 $0xFFFFFFF8, v62  }
0x31e: {  	v62 =	vor.u32 v13, v62;
	_ =	sdelay $0x3  }
0x31f: {  	[tilespmem:s24+$0x8390] =	vst v61  }
0x320: {  	v61 =	vld.idx.msk [tilespmem:v62+s23+$0x0], $0xffff;
	v62 =	vadd.s32 v35, v60  }
0x321: {  	v62 =	vand.u32 $0xFFFFFFF8, v62  }
0x322: {  	v62 =	vor.u32 v15, v62;
	_ =	sdelay $0x3  }
0x323: {  	[tilespmem:s24+$0x8590] =	vst v61  }
0x324: {  	v61 =	vld.idx.msk [tilespmem:v62+s23+$0x0], $0xffff;
	v62 =	vadd.s32 v36, v60  }
0x325: {  	v62 =	vand.u32 $0xFFFFFFF8, v62  }
0x326: {  	v62 =	vor.u32 v17, v62;
	_ =	sdelay $0x3  }
0x327: {  	[tilespmem:s24+$0x7E10] =	vst v61  }
0x328: {  	v61 =	vld.idx.msk [tilespmem:v62+s23+$0x0], $0xffff  }
0x329: {  	v62 =	vld [tilespmem:$0x1FCF0];
	_ =	sdelay $0x4  }
0x32a: {  	v62 =	vadd.s32 v62, v60  }
0x32b: {  	v62 =	vand.u32 $0xFFFFFFF8, v62  }
0x32c: {  	v62 =	vor.u32 v3, v62;
	_ =	sdelay $0x3  }
0x32d: {  	[tilespmem:s24+$0x8010] =	vst v61  }
0x32e: {  	v61 =	vld.idx.msk [tilespmem:v62+s23+$0x0], $0xffff  }
0x32f: {  	v62 =	vld [tilespmem:$0x1FF00];
	_ =	sdelay $0x4  }
0x330: {  	v62 =	vadd.s32 v62, v60  }
0x331: {  	v62 =	vand.u32 $0xFFFFFFF8, v62  }
0x332: {  	v62 =	vor.u32 v5, v62;
	_ =	sdelay $0x3  }
0x333: {  	[tilespmem:s24+$0x8210] =	vst v61  }
0x334: {  	v61 =	vld.idx.msk [tilespmem:v62+s23+$0x0], $0xffff  }
0x335: {  	v62 =	vld [tilespmem:$0x1FD00];
	_ =	sdelay $0x4  }
0x336: {  	v62 =	vadd.s32 v62, v60  }
0x337: {  	v62 =	vand.u32 $0xFFFFFFF8, v62  }
0x338: {  	v62 =	vor.u32 v7, v62;
	_ =	sdelay $0x3  }
0x339: {  	[tilespmem:s24+$0x8410] =	vst v61  }
0x33a: {  	v61 =	vld.idx.msk [tilespmem:v62+s23+$0x0], $0xffff;
	v62 =	vadd.s32 v37, v60  }
0x33b: {  	v62 =	vand.u32 $0xFFFFFFF8, v62  }
0x33c: {  	v62 =	vor.u32 v9, v62;
	_ =	sdelay $0x3  }
0x33d: {  	[tilespmem:s24+$0x8610] =	vst v61  }
0x33e: {  	v61 =	vld.idx.msk [tilespmem:v62+s23+$0x0], $0xffff  }
0x33f: {  	v62 =	vld [tilespmem:$0x1FFE0];
	_ =	sdelay $0x4  }
0x340: {  	v62 =	vadd.s32 v62, v60  }
0x341: {  	v62 =	vand.u32 $0xFFFFFFF8, v62  }
0x342: {  	v62 =	vor.u32 v11, v62;
	_ =	sdelay $0x3  }
0x343: {  	[tilespmem:s24+$0x7E90] =	vst v61  }
0x344: {  	v61 =	vld.idx.msk [tilespmem:v62+s23+$0x0], $0xffff  }
0x345: {  	v62 =	vld [tilespmem:$0x1FD10];
	_ =	sdelay $0x4  }
0x346: {  	v62 =	vadd.s32 v62, v60  }
0x347: {  	v62 =	vand.u32 $0xFFFFFFF8, v62  }
0x348: {  	v62 =	vor.u32 v13, v62;
	_ =	sdelay $0x3  }
0x349: {  	[tilespmem:s24+$0x8090] =	vst v61  }
0x34a: {  	v61 =	vld.idx.msk [tilespmem:v62+s23+$0x0], $0xffff  }
0x34b: {  	v62 =	vld [tilespmem:$0x1FFC0];
	_ =	sdelay $0x4  }
0x34c: {  	v62 =	vadd.s32 v62, v60  }
0x34d: {  	v62 =	vand.u32 $0xFFFFFFF8, v62  }
0x34e: {  	v62 =	vor.u32 v15, v62;
	_ =	sdelay $0x3  }
0x34f: {  	[tilespmem:s24+$0x8290] =	vst v61  }
0x350: {  	v61 =	vld.idx.msk [tilespmem:v62+s23+$0x0], $0xffff  }
0x351: {  	v62 =	vld [tilespmem:$0x1FFB0];
	_ =	sdelay $0x4  }
0x352: {  	v62 =	vadd.s32 v62, v60  }
0x353: {  	v62 =	vand.u32 $0xFFFFFFF8, v62  }
0x354: {  	v62 =	vor.u32 v17, v62;
	_ =	sdelay $0x3  }
0x355: {  	[tilespmem:s24+$0x8490] =	vst v61  }
0x356: {  	v61 =	vld.idx.msk [tilespmem:v62+s23+$0x0], $0xffff;
	v62 =	vadd.s32 v38, v60  }
0x357: {  	v62 =	vand.u32 $0xFFFFFFF8, v62  }
0x358: {  	v62 =	vor.u32 v3, v62;
	_ =	sdelay $0x3  }
0x359: {  	[tilespmem:s24+$0x8690] =	vst v61  }
0x35a: {  	v61 =	vld.idx.msk [tilespmem:v62+s23+$0x0], $0xffff  }
0x35b: {  	v62 =	vld [tilespmem:$0x1FFA0];
	_ =	sdelay $0x4  }
0x35c: {  	v62 =	vadd.s32 v62, v60  }
0x35d: {  	v62 =	vand.u32 $0xFFFFFFF8, v62  }
0x35e: {  	v62 =	vor.u32 v5, v62;
	_ =	sdelay $0x3  }
0x35f: {  	[tilespmem:s24+$0x8710] =	vst v61  }
0x360: {  	v61 =	vld.idx.msk [tilespmem:v62+s23+$0x0], $0xffff  }
0x361: {  	v62 =	vld [tilespmem:$0x1FD20];
	_ =	sdelay $0x4  }
0x362: {  	v62 =	vadd.s32 v62, v60  }
0x363: {  	v62 =	vand.u32 $0xFFFFFFF8, v62  }
0x364: {  	v62 =	vor.u32 v7, v62;
	_ =	sdelay $0x3  }
0x365: {  	[tilespmem:s24+$0x8910] =	vst v61  }
0x366: {  	v61 =	vld.idx.msk [tilespmem:v62+s23+$0x0], $0xffff;
	v62 =	vadd.s32 v39, v60  }
0x367: {  	v62 =	vand.u32 $0xFFFFFFF8, v62  }
0x368: {  	v62 =	vor.u32 v9, v62;
	_ =	sdelay $0x3  }
0x369: {  	[tilespmem:s24+$0x8B10] =	vst v61  }
0x36a: {  	v61 =	vld.idx.msk [tilespmem:v62+s23+$0x0], $0xffff;
	v62 =	vadd.s32 v40, v60  }
0x36b: {  	v62 =	vand.u32 $0xFFFFFFF8, v62  }
0x36c: {  	v62 =	vor.u32 v11, v62;
	_ =	sdelay $0x3  }
0x36d: {  	[tilespmem:s24+$0x8D10] =	vst v61  }
0x36e: {  	v61 =	vld.idx.msk [tilespmem:v62+s23+$0x0], $0xffff  }
0x36f: {  	v62 =	vld [tilespmem:$0x1FD30];
	_ =	sdelay $0x4  }
0x370: {  	v62 =	vadd.s32 v62, v60  }
0x371: {  	v62 =	vand.u32 $0xFFFFFFF8, v62  }
0x372: {  	v62 =	vor.u32 v13, v62;
	_ =	sdelay $0x3  }
0x373: {  	[tilespmem:s24+$0x8F10] =	vst v61  }
0x374: {  	v61 =	vld.idx.msk [tilespmem:v62+s23+$0x0], $0xffff  }
0x375: {  	v62 =	vld [tilespmem:$0x1FFD0];
	_ =	sdelay $0x4  }
0x376: {  	v62 =	vadd.s32 v62, v60  }
0x377: {  	v62 =	vand.u32 $0xFFFFFFF8, v62  }
0x378: {  	v62 =	vor.u32 v15, v62;
	_ =	sdelay $0x3  }
0x379: {  	[tilespmem:s24+$0x8790] =	vst v61  }
0x37a: {  	v61 =	vld.idx.msk [tilespmem:v62+s23+$0x0], $0xffff  }
0x37b: {  	v62 =	vld [tilespmem:$0x1FF80];
	_ =	sdelay $0x4  }
0x37c: {  	v62 =	vadd.s32 v62, v60  }
0x37d: {  	v62 =	vand.u32 $0xFFFFFFF8, v62  }
0x37e: {  	v62 =	vor.u32 v17, v62;
	_ =	sdelay $0x3  }
0x37f: {  	[tilespmem:s24+$0x8990] =	vst v61  }
0x380: {  	v61 =	vld.idx.msk [tilespmem:v62+s23+$0x0], $0xffff  }
0x381: {  	v62 =	vld [tilespmem:$0x1FF70];
	_ =	sdelay $0x4  }
0x382: {  	v62 =	vadd.s32 v62, v60  }
0x383: {  	v62 =	vand.u32 $0xFFFFFFF8, v62  }
0x384: {  	v62 =	vor.u32 v3, v62;
	_ =	sdelay $0x3  }
0x385: {  	[tilespmem:s24+$0x8B90] =	vst v61  }
0x386: {  	v61 =	vld.idx.msk [tilespmem:v62+s23+$0x0], $0xffff  }
0x387: {  	v62 =	vld [tilespmem:$0x1FF40];
	_ =	sdelay $0x4  }
0x388: {  	v62 =	vadd.s32 v62, v60  }
0x389: {  	v62 =	vand.u32 $0xFFFFFFF8, v62  }
0x38a: {  	v62 =	vor.u32 v5, v62;
	_ =	sdelay $0x3  }
0x38b: {  	[tilespmem:s24+$0x8D90] =	vst v61  }
0x38c: {  	v61 =	vld.idx.msk [tilespmem:v62+s23+$0x0], $0xffff  }
0x38d: {  	v62 =	vld [tilespmem:$0x1FF60];
	_ =	sdelay $0x4  }
0x38e: {  	v62 =	vadd.s32 v62, v60  }
0x38f: {  	v62 =	vand.u32 $0xFFFFFFF8, v62  }
0x390: {  	v62 =	vor.u32 v7, v62;
	_ =	sdelay $0x3  }
0x391: {  	[tilespmem:s24+$0x8F90] =	vst v61  }
0x392: {  	v61 =	vld.idx.msk [tilespmem:v62+s23+$0x0], $0xffff  }
0x393: {  	v62 =	vld [tilespmem:$0x1FF50];
	_ =	sdelay $0x4  }
0x394: {  	v62 =	vadd.s32 v62, v60  }
0x395: {  	v62 =	vand.u32 $0xFFFFFFF8, v62  }
0x396: {  	v62 =	vor.u32 v9, v62;
	_ =	sdelay $0x3  }
0x397: {  	[tilespmem:s24+$0x8810] =	vst v61  }
0x398: {  	v61 =	vld.idx.msk [tilespmem:v62+s23+$0x0], $0xffff  }
0x399: {  	v62 =	vld [tilespmem:$0x1FF90];
	_ =	sdelay $0x4  }
0x39a: {  	v62 =	vadd.s32 v62, v60  }
0x39b: {  	v62 =	vand.u32 $0xFFFFFFF8, v62  }
0x39c: {  	v62 =	vor.u32 v11, v62;
	_ =	sdelay $0x3  }
0x39d: {  	[tilespmem:s24+$0x8A10] =	vst v61  }
0x39e: {  	v61 =	vld.idx.msk [tilespmem:v62+s23+$0x0], $0xffff  }
0x39f: {  	v62 =	vld [tilespmem:$0x1FF10];
	_ =	sdelay $0x4  }
0x3a0: {  	v62 =	vadd.s32 v62, v60  }
0x3a1: {  	v62 =	vand.u32 $0xFFFFFFF8, v62  }
0x3a2: {  	v62 =	vor.u32 v13, v62;
	_ =	sdelay $0x3  }
0x3a3: {  	[tilespmem:s24+$0x8C10] =	vst v61  }
0x3a4: {  	v61 =	vld.idx.msk [tilespmem:v62+s23+$0x0], $0xffff  }
0x3a5: {  	v62 =	vld [tilespmem:$0x1F750];
	_ =	sdelay $0x4  }
0x3a6: {  	v62 =	vadd.s32 v62, v60  }
0x3a7: {  	v62 =	vand.u32 $0xFFFFFFF8, v62  }
0x3a8: {  	v62 =	vor.u32 v15, v62;
	_ =	sdelay $0x3  }
0x3a9: {  	[tilespmem:s24+$0x8E10] =	vst v61  }
0x3aa: {  	v61 =	vld.idx.msk [tilespmem:v62+s23+$0x0], $0xffff  }
0x3ab: {  	v62 =	vld [tilespmem:$0x1F760];
	_ =	sdelay $0x4  }
0x3ac: {  	v62 =	vadd.s32 v62, v60  }
0x3ad: {  	v62 =	vand.u32 $0xFFFFFFF8, v62  }
0x3ae: {  	v62 =	vor.u32 v17, v62;
	_ =	sdelay $0x3  }
0x3af: {  	[tilespmem:s24+$0x9010] =	vst v61  }
0x3b0: {  	v61 =	vld.idx.msk [tilespmem:v62+s23+$0x0], $0xffff  }
0x3b1: {  	v62 =	vld [tilespmem:$0x1F770];
	_ =	sdelay $0x4  }
0x3b2: {  	v62 =	vadd.s32 v62, v60  }
0x3b3: {  	v62 =	vand.u32 $0xFFFFFFF8, v62  }
0x3b4: {  	v62 =	vor.u32 v3, v62;
	_ =	sdelay $0x3  }
0x3b5: {  	[tilespmem:s24+$0x8890] =	vst v61  }
0x3b6: {  	v61 =	vld.idx.msk [tilespmem:v62+s23+$0x0], $0xffff  }
0x3b7: {  	v62 =	vld [tilespmem:$0x1F780];
	_ =	sdelay $0x4  }
0x3b8: {  	v62 =	vadd.s32 v62, v60  }
0x3b9: {  	v62 =	vand.u32 $0xFFFFFFF8, v62  }
0x3ba: {  	v62 =	vor.u32 v5, v62;
	_ =	sdelay $0x3  }
0x3bb: {  	[tilespmem:s24+$0x8A90] =	vst v61  }
0x3bc: {  	v61 =	vld.idx.msk [tilespmem:v62+s23+$0x0], $0xffff  }
0x3bd: {  	v62 =	vld [tilespmem:$0x1F790];
	_ =	sdelay $0x4  }
0x3be: {  	v62 =	vadd.s32 v62, v60  }
0x3bf: {  	v62 =	vand.u32 $0xFFFFFFF8, v62  }
0x3c0: {  	v62 =	vor.u32 v7, v62;
	_ =	sdelay $0x3  }
0x3c1: {  	[tilespmem:s24+$0x8C90] =	vst v61  }
0x3c2: {  	v61 =	vld.idx.msk [tilespmem:v62+s23+$0x0], $0xffff  }
0x3c3: {  	v62 =	vld [tilespmem:$0x1F7A0];
	_ =	sdelay $0x4  }
0x3c4: {  	v62 =	vadd.s32 v62, v60  }
0x3c5: {  	v62 =	vand.u32 $0xFFFFFFF8, v62  }
0x3c6: {  	v62 =	vor.u32 v9, v62;
	_ =	sdelay $0x3  }
0x3c7: {  	[tilespmem:s24+$0x8E90] =	vst v61  }
0x3c8: {  	v61 =	vld.idx.msk [tilespmem:v62+s23+$0x0], $0xffff  }
0x3c9: {  	v62 =	vld [tilespmem:$0x1F7B0];
	_ =	sdelay $0x4  }
0x3ca: {  	v62 =	vadd.s32 v62, v60  }
0x3cb: {  	v62 =	vand.u32 $0xFFFFFFF8, v62  }
0x3cc: {  	v62 =	vor.u32 v11, v62;
	_ =	sdelay $0x3  }
0x3cd: {  	[tilespmem:s24+$0x9090] =	vst v61  }
0x3ce: {  	v61 =	vld.idx.msk [tilespmem:v62+s23+$0x0], $0xffff  }
0x3cf: {  	v62 =	vld [tilespmem:$0x1F7C0];
	_ =	sdelay $0x4  }
0x3d0: {  	v62 =	vadd.s32 v62, v60  }
0x3d1: {  	v62 =	vand.u32 $0xFFFFFFF8, v62  }
0x3d2: {  	v62 =	vor.u32 v13, v62;
	_ =	sdelay $0x3  }
0x3d3: {  	[tilespmem:s24+$0x9110] =	vst v61  }
0x3d4: {  	v61 =	vld.idx.msk [tilespmem:v62+s23+$0x0], $0xffff  }
0x3d5: {  	v62 =	vld [tilespmem:$0x1F7D0];
	_ =	sdelay $0x4  }
0x3d6: {  	v62 =	vadd.s32 v62, v60  }
0x3d7: {  	v62 =	vand.u32 $0xFFFFFFF8, v62  }
0x3d8: {  	v62 =	vor.u32 v15, v62;
	_ =	sdelay $0x3  }
0x3d9: {  	[tilespmem:s24+$0x9310] =	vst v61  }
0x3da: {  	v61 =	vld.idx.msk [tilespmem:v62+s23+$0x0], $0xffff  }
0x3db: {  	v62 =	vld [tilespmem:$0x1F7E0];
	_ =	sdelay $0x4  }
0x3dc: {  	v62 =	vadd.s32 v62, v60  }
0x3dd: {  	v62 =	vand.u32 $0xFFFFFFF8, v62  }
0x3de: {  	v62 =	vor.u32 v17, v62;
	_ =	sdelay $0x3  }
0x3df: {  	[tilespmem:s24+$0x9510] =	vst v61  }
0x3e0: {  	v61 =	vld.idx.msk [tilespmem:v62+s23+$0x0], $0xffff  }
0x3e1: {  	v62 =	vld [tilespmem:$0x1F7F0];
	_ =	sdelay $0x4  }
0x3e2: {  	v62 =	vadd.s32 v62, v60  }
0x3e3: {  	v62 =	vand.u32 $0xFFFFFFF8, v62  }
0x3e4: {  	v62 =	vor.u32 v3, v62;
	_ =	sdelay $0x3  }
0x3e5: {  	[tilespmem:s24+$0x9710] =	vst v61  }
0x3e6: {  	v61 =	vld.idx.msk [tilespmem:v62+s23+$0x0], $0xffff  }
0x3e7: {  	v62 =	vld [tilespmem:$0x1F800];
	_ =	sdelay $0x4  }
0x3e8: {  	v62 =	vadd.s32 v62, v60  }
0x3e9: {  	v62 =	vand.u32 $0xFFFFFFF8, v62  }
0x3ea: {  	v62 =	vor.u32 v5, v62;
	_ =	sdelay $0x3  }
0x3eb: {  	[tilespmem:s24+$0x9910] =	vst v61  }
0x3ec: {  	v61 =	vld.idx.msk [tilespmem:v62+s23+$0x0], $0xffff  }
0x3ed: {  	v62 =	vld [tilespmem:$0x1F810];
	_ =	sdelay $0x4  }
0x3ee: {  	v62 =	vadd.s32 v62, v60  }
0x3ef: {  	v62 =	vand.u32 $0xFFFFFFF8, v62  }
0x3f0: {  	v62 =	vor.u32 v7, v62;
	_ =	sdelay $0x3  }
0x3f1: {  	[tilespmem:s24+$0x9190] =	vst v61  }
0x3f2: {  	v61 =	vld.idx.msk [tilespmem:v62+s23+$0x0], $0xffff  }
0x3f3: {  	v62 =	vld [tilespmem:$0x1F820];
	_ =	sdelay $0x4  }
0x3f4: {  	v62 =	vadd.s32 v62, v60  }
0x3f5: {  	v62 =	vand.u32 $0xFFFFFFF8, v62  }
0x3f6: {  	v62 =	vor.u32 v9, v62;
	_ =	sdelay $0x3  }
0x3f7: {  	[tilespmem:s24+$0x9390] =	vst v61  }
0x3f8: {  	v61 =	vld.idx.msk [tilespmem:v62+s23+$0x0], $0xffff  }
0x3f9: {  	v62 =	vld [tilespmem:$0x1F830];
	_ =	sdelay $0x4  }
0x3fa: {  	v62 =	vadd.s32 v62, v60  }
0x3fb: {  	v62 =	vand.u32 $0xFFFFFFF8, v62  }
0x3fc: {  	v62 =	vor.u32 v11, v62;
	_ =	sdelay $0x3  }
0x3fd: {  	[tilespmem:s24+$0x9590] =	vst v61  }
0x3fe: {  	v61 =	vld.idx.msk [tilespmem:v62+s23+$0x0], $0xffff  }
0x3ff: {  	v62 =	vld [tilespmem:$0x1F840];
	_ =	sdelay $0x4  }
0x400: {  	v62 =	vadd.s32 v62, v60  }
0x401: {  	v62 =	vand.u32 $0xFFFFFFF8, v62  }
0x402: {  	v62 =	vor.u32 v13, v62;
	_ =	sdelay $0x3  }
0x403: {  	[tilespmem:s24+$0x9790] =	vst v61  }
0x404: {  	v61 =	vld.idx.msk [tilespmem:v62+s23+$0x0], $0xffff  }
0x405: {  	v62 =	vld [tilespmem:$0x1F850];
	_ =	sdelay $0x4  }
0x406: {  	v62 =	vadd.s32 v62, v60  }
0x407: {  	v62 =	vand.u32 $0xFFFFFFF8, v62  }
0x408: {  	v62 =	vor.u32 v15, v62;
	_ =	sdelay $0x3  }
0x409: {  	[tilespmem:s24+$0x9990] =	vst v61  }
0x40a: {  	v61 =	vld.idx.msk [tilespmem:v62+s23+$0x0], $0xffff  }
0x40b: {  	v62 =	vld [tilespmem:$0x1F860];
	_ =	sdelay $0x4  }
0x40c: {  	v62 =	vadd.s32 v62, v60  }
0x40d: {  	v62 =	vand.u32 $0xFFFFFFF8, v62  }
0x40e: {  	v62 =	vor.u32 v17, v62;
	_ =	sdelay $0x3  }
0x40f: {  	[tilespmem:s24+$0x9210] =	vst v61  }
0x410: {  	v61 =	vld.idx.msk [tilespmem:v62+s23+$0x0], $0xffff  }
0x411: {  	v62 =	vld [tilespmem:$0x1F870];
	_ =	sdelay $0x4  }
0x412: {  	v62 =	vadd.s32 v62, v60  }
0x413: {  	v62 =	vand.u32 $0xFFFFFFF8, v62  }
0x414: {  	v62 =	vor.u32 v3, v62;
	_ =	sdelay $0x3  }
0x415: {  	[tilespmem:s24+$0x9410] =	vst v61  }
0x416: {  	v61 =	vld.idx.msk [tilespmem:v62+s23+$0x0], $0xffff  }
0x417: {  	v62 =	vld [tilespmem:$0x1F880];
	_ =	sdelay $0x4  }
0x418: {  	v62 =	vadd.s32 v62, v60  }
0x419: {  	v62 =	vand.u32 $0xFFFFFFF8, v62  }
0x41a: {  	v62 =	vor.u32 v5, v62;
	_ =	sdelay $0x3  }
0x41b: {  	[tilespmem:s24+$0x9610] =	vst v61  }
0x41c: {  	v61 =	vld.idx.msk [tilespmem:v62+s23+$0x0], $0xffff  }
0x41d: {  	v62 =	vld [tilespmem:$0x1F890];
	_ =	sdelay $0x4  }
0x41e: {  	v62 =	vadd.s32 v62, v60  }
0x41f: {  	v62 =	vand.u32 $0xFFFFFFF8, v62  }
0x420: {  	v62 =	vor.u32 v7, v62;
	_ =	sdelay $0x3  }
0x421: {  	[tilespmem:s24+$0x9810] =	vst v61  }
0x422: {  	v61 =	vld.idx.msk [tilespmem:v62+s23+$0x0], $0xffff  }
0x423: {  	v62 =	vld [tilespmem:$0x1F8A0];
	_ =	sdelay $0x4  }
0x424: {  	v62 =	vadd.s32 v62, v60  }
0x425: {  	v62 =	vand.u32 $0xFFFFFFF8, v62  }
0x426: {  	v62 =	vor.u32 v9, v62;
	_ =	sdelay $0x3  }
0x427: {  	[tilespmem:s24+$0x9A10] =	vst v61  }
0x428: {  	v61 =	vld.idx.msk [tilespmem:v62+s23+$0x0], $0xffff  }
0x429: {  	v62 =	vld [tilespmem:$0x1F8B0];
	_ =	sdelay $0x4  }
0x42a: {  	v62 =	vadd.s32 v62, v60  }
0x42b: {  	v62 =	vand.u32 $0xFFFFFFF8, v62  }
0x42c: {  	v62 =	vor.u32 v11, v62;
	_ =	sdelay $0x3  }
0x42d: {  	[tilespmem:s24+$0x9290] =	vst v61  }
0x42e: {  	v61 =	vld.idx.msk [tilespmem:v62+s23+$0x0], $0xffff  }
0x42f: {  	v62 =	vld [tilespmem:$0x1F8C0];
	_ =	sdelay $0x4  }
0x430: {  	v62 =	vadd.s32 v62, v60  }
0x431: {  	v62 =	vand.u32 $0xFFFFFFF8, v62  }
0x432: {  	v62 =	vor.u32 v13, v62;
	_ =	sdelay $0x3  }
0x433: {  	[tilespmem:s24+$0x9490] =	vst v61  }
0x434: {  	v61 =	vld.idx.msk [tilespmem:v62+s23+$0x0], $0xffff  }
0x435: {  	v62 =	vld [tilespmem:$0x1F8D0];
	_ =	sdelay $0x4  }
0x436: {  	v62 =	vadd.s32 v62, v60  }
0x437: {  	v62 =	vand.u32 $0xFFFFFFF8, v62  }
0x438: {  	v62 =	vor.u32 v15, v62;
	_ =	sdelay $0x3  }
0x439: {  	[tilespmem:s24+$0x9690] =	vst v61  }
0x43a: {  	v61 =	vld.idx.msk [tilespmem:v62+s23+$0x0], $0xffff  }
0x43b: {  	v62 =	vld [tilespmem:$0x1F8E0];
	_ =	sdelay $0x4  }
0x43c: {  	v62 =	vadd.s32 v62, v60  }
0x43d: {  	v62 =	vand.u32 $0xFFFFFFF8, v62  }
0x43e: {  	v62 =	vor.u32 v17, v62;
	_ =	sdelay $0x3  }
0x43f: {  	[tilespmem:s24+$0x9890] =	vst v61  }
0x440: {  	v61 =	vld.idx.msk [tilespmem:v62+s23+$0x0], $0xffff  }
0x441: {  	v62 =	vld [tilespmem:$0x1F8F0];
	_ =	sdelay $0x4  }
0x442: {  	v62 =	vadd.s32 v62, v60  }
0x443: {  	v62 =	vand.u32 $0xFFFFFFF8, v62  }
0x444: {  	v62 =	vor.u32 v3, v62;
	_ =	sdelay $0x3  }
0x445: {  	[tilespmem:s24+$0x9A90] =	vst v61  }
0x446: {  	v61 =	vld.idx.msk [tilespmem:v62+s23+$0x0], $0xffff  }
0x447: {  	v62 =	vld [tilespmem:$0x1F900];
	_ =	sdelay $0x4  }
0x448: {  	v62 =	vadd.s32 v62, v60  }
0x449: {  	v62 =	vand.u32 $0xFFFFFFF8, v62  }
0x44a: {  	v62 =	vor.u32 v5, v62;
	_ =	sdelay $0x3  }
0x44b: {  	[tilespmem:s24+$0x9B10] =	vst v61  }
0x44c: {  	v61 =	vld.idx.msk [tilespmem:v62+s23+$0x0], $0xffff  }
0x44d: {  	v62 =	vld [tilespmem:$0x1F910];
	_ =	sdelay $0x4  }
0x44e: {  	v62 =	vadd.s32 v62, v60  }
0x44f: {  	v62 =	vand.u32 $0xFFFFFFF8, v62  }
0x450: {  	v62 =	vor.u32 v7, v62;
	_ =	sdelay $0x3  }
0x451: {  	[tilespmem:s24+$0x9D10] =	vst v61  }
0x452: {  	v61 =	vld.idx.msk [tilespmem:v62+s23+$0x0], $0xffff  }
0x453: {  	v62 =	vld [tilespmem:$0x1F920];
	_ =	sdelay $0x4  }
0x454: {  	v62 =	vadd.s32 v62, v60  }
0x455: {  	v62 =	vand.u32 $0xFFFFFFF8, v62  }
0x456: {  	v62 =	vor.u32 v9, v62;
	_ =	sdelay $0x3  }
0x457: {  	[tilespmem:s24+$0x9F10] =	vst v61  }
0x458: {  	v61 =	vld.idx.msk [tilespmem:v62+s23+$0x0], $0xffff  }
0x459: {  	v62 =	vld [tilespmem:$0x1F930];
	_ =	sdelay $0x4  }
0x45a: {  	v62 =	vadd.s32 v62, v60  }
0x45b: {  	v62 =	vand.u32 $0xFFFFFFF8, v62  }
0x45c: {  	v62 =	vor.u32 v11, v62;
	_ =	sdelay $0x3  }
0x45d: {  	[tilespmem:s24+$0xA110] =	vst v61  }
0x45e: {  	v61 =	vld.idx.msk [tilespmem:v62+s23+$0x0], $0xffff  }
0x45f: {  	v62 =	vld [tilespmem:$0x1F940];
	_ =	sdelay $0x4  }
0x460: {  	v62 =	vadd.s32 v62, v60  }
0x461: {  	v62 =	vand.u32 $0xFFFFFFF8, v62  }
0x462: {  	v62 =	vor.u32 v13, v62;
	_ =	sdelay $0x3  }
0x463: {  	[tilespmem:s24+$0xA310] =	vst v61  }
0x464: {  	v61 =	vld.idx.msk [tilespmem:v62+s23+$0x0], $0xffff  }
0x465: {  	v62 =	vld [tilespmem:$0x1F950];
	_ =	sdelay $0x4  }
0x466: {  	v62 =	vadd.s32 v62, v60  }
0x467: {  	v62 =	vand.u32 $0xFFFFFFF8, v62  }
0x468: {  	v62 =	vor.u32 v15, v62;
	_ =	sdelay $0x3  }
0x469: {  	[tilespmem:s24+$0x9B90] =	vst v61  }
0x46a: {  	v61 =	vld.idx.msk [tilespmem:v62+s23+$0x0], $0xffff  }
0x46b: {  	v62 =	vld [tilespmem:$0x1F960];
	_ =	sdelay $0x4  }
0x46c: {  	v62 =	vadd.s32 v62, v60  }
0x46d: {  	v62 =	vand.u32 $0xFFFFFFF8, v62  }
0x46e: {  	v62 =	vor.u32 v17, v62;
	_ =	sdelay $0x3  }
0x46f: {  	[tilespmem:s24+$0x9D90] =	vst v61  }
0x470: {  	v61 =	vld.idx.msk [tilespmem:v62+s23+$0x0], $0xffff  }
0x471: {  	v62 =	vld [tilespmem:$0x1F970];
	_ =	sdelay $0x4  }
0x472: {  	v62 =	vadd.s32 v62, v60  }
0x473: {  	v62 =	vand.u32 $0xFFFFFFF8, v62  }
0x474: {  	v62 =	vor.u32 v3, v62;
	_ =	sdelay $0x3  }
0x475: {  	[tilespmem:s24+$0x9F90] =	vst v61  }
0x476: {  	v61 =	vld.idx.msk [tilespmem:v62+s23+$0x0], $0xffff  }
0x477: {  	v62 =	vld [tilespmem:$0x1F980];
	_ =	sdelay $0x4  }
0x478: {  	v62 =	vadd.s32 v62, v60  }
0x479: {  	v62 =	vand.u32 $0xFFFFFFF8, v62  }
0x47a: {  	v62 =	vor.u32 v5, v62;
	_ =	sdelay $0x3  }
0x47b: {  	[tilespmem:s24+$0xA190] =	vst v61  }
0x47c: {  	v61 =	vld.idx.msk [tilespmem:v62+s23+$0x0], $0xffff  }
0x47d: {  	v62 =	vld [tilespmem:$0x1F990];
	_ =	sdelay $0x4  }
0x47e: {  	v62 =	vadd.s32 v62, v60  }
0x47f: {  	v62 =	vand.u32 $0xFFFFFFF8, v62  }
0x480: {  	v62 =	vor.u32 v7, v62;
	_ =	sdelay $0x3  }
0x481: {  	[tilespmem:s24+$0xA390] =	vst v61  }
0x482: {  	v61 =	vld.idx.msk [tilespmem:v62+s23+$0x0], $0xffff  }
0x483: {  	v62 =	vld [tilespmem:$0x1F9A0];
	_ =	sdelay $0x4  }
0x484: {  	v62 =	vadd.s32 v62, v60  }
0x485: {  	v62 =	vand.u32 $0xFFFFFFF8, v62  }
0x486: {  	v62 =	vor.u32 v9, v62;
	_ =	sdelay $0x3  }
0x487: {  	[tilespmem:s24+$0x9C10] =	vst v61  }
0x488: {  	v61 =	vld.idx.msk [tilespmem:v62+s23+$0x0], $0xffff  }
0x489: {  	v62 =	vld [tilespmem:$0x1F9B0];
	_ =	sdelay $0x4  }
0x48a: {  	v62 =	vadd.s32 v62, v60  }
0x48b: {  	v62 =	vand.u32 $0xFFFFFFF8, v62  }
0x48c: {  	v62 =	vor.u32 v11, v62;
	_ =	sdelay $0x3  }
0x48d: {  	[tilespmem:s24+$0x9E10] =	vst v61  }
0x48e: {  	v61 =	vld.idx.msk [tilespmem:v62+s23+$0x0], $0xffff  }
0x48f: {  	v62 =	vld [tilespmem:$0x1F9C0];
	_ =	sdelay $0x4  }
0x490: {  	v62 =	vadd.s32 v62, v60  }
0x491: {  	v62 =	vand.u32 $0xFFFFFFF8, v62  }
0x492: {  	v62 =	vor.u32 v13, v62;
	_ =	sdelay $0x3  }
0x493: {  	[tilespmem:s24+$0xA010] =	vst v61  }
0x494: {  	v61 =	vld.idx.msk [tilespmem:v62+s23+$0x0], $0xffff  }
0x495: {  	v62 =	vld [tilespmem:$0x1F9D0];
	_ =	sdelay $0x4  }
0x496: {  	v62 =	vadd.s32 v62, v60  }
0x497: {  	v62 =	vand.u32 $0xFFFFFFF8, v62  }
0x498: {  	v62 =	vor.u32 v15, v62;
	_ =	sdelay $0x3  }
0x499: {  	[tilespmem:s24+$0xA210] =	vst v61  }
0x49a: {  	v61 =	vld.idx.msk [tilespmem:v62+s23+$0x0], $0xffff  }
0x49b: {  	v62 =	vld [tilespmem:$0x1F9E0];
	_ =	sdelay $0x4  }
0x49c: {  	v62 =	vadd.s32 v62, v60  }
0x49d: {  	v62 =	vand.u32 $0xFFFFFFF8, v62  }
0x49e: {  	v62 =	vor.u32 v17, v62;
	_ =	sdelay $0x3  }
0x49f: {  	[tilespmem:s24+$0xA410] =	vst v61  }
0x4a0: {  	v61 =	vld.idx.msk [tilespmem:v62+s23+$0x0], $0xffff  }
0x4a1: {  	v62 =	vld [tilespmem:$0x1F9F0];
	_ =	sdelay $0x4  }
0x4a2: {  	v62 =	vadd.s32 v62, v60  }
0x4a3: {  	v62 =	vand.u32 $0xFFFFFFF8, v62  }
0x4a4: {  	v62 =	vor.u32 v3, v62;
	_ =	sdelay $0x3  }
0x4a5: {  	[tilespmem:s24+$0x9C90] =	vst v61  }
0x4a6: {  	v61 =	vld.idx.msk [tilespmem:v62+s23+$0x0], $0xffff  }
0x4a7: {  	v62 =	vld [tilespmem:$0x1FA00];
	_ =	sdelay $0x4  }
0x4a8: {  	v62 =	vadd.s32 v62, v60  }
0x4a9: {  	v62 =	vand.u32 $0xFFFFFFF8, v62  }
0x4aa: {  	v62 =	vor.u32 v5, v62;
	_ =	sdelay $0x3  }
0x4ab: {  	[tilespmem:s24+$0x9E90] =	vst v61  }
0x4ac: {  	v61 =	vld.idx.msk [tilespmem:v62+s23+$0x0], $0xffff  }
0x4ad: {  	v62 =	vld [tilespmem:$0x1FA10];
	_ =	sdelay $0x4  }
0x4ae: {  	v62 =	vadd.s32 v62, v60  }
0x4af: {  	v62 =	vand.u32 $0xFFFFFFF8, v62  }
0x4b0: {  	v62 =	vor.u32 v7, v62;
	_ =	sdelay $0x3  }
0x4b1: {  	[tilespmem:s24+$0xA090] =	vst v61  }
0x4b2: {  	v61 =	vld.idx.msk [tilespmem:v62+s23+$0x0], $0xffff  }
0x4b3: {  	v62 =	vld [tilespmem:$0x1FA20];
	_ =	sdelay $0x4  }
0x4b4: {  	v62 =	vadd.s32 v62, v60  }
0x4b5: {  	v62 =	vand.u32 $0xFFFFFFF8, v62  }
0x4b6: {  	v62 =	vor.u32 v9, v62;
	_ =	sdelay $0x3  }
0x4b7: {  	[tilespmem:s24+$0xA290] =	vst v61  }
0x4b8: {  	v61 =	vld.idx.msk [tilespmem:v62+s23+$0x0], $0xffff  }
0x4b9: {  	v62 =	vld [tilespmem:$0x1FA30];
	_ =	sdelay $0x4  }
0x4ba: {  	v62 =	vadd.s32 v62, v60  }
0x4bb: {  	v62 =	vand.u32 $0xFFFFFFF8, v62  }
0x4bc: {  	v62 =	vor.u32 v11, v62;
	_ =	sdelay $0x3  }
0x4bd: {  	[tilespmem:s24+$0xA490] =	vst v61  }
0x4be: {  	v61 =	vld.idx.msk [tilespmem:v62+s23+$0x0], $0xffff  }
0x4bf: {  	v62 =	vld [tilespmem:$0x1FA40];
	_ =	sdelay $0x4  }
0x4c0: {  	v62 =	vadd.s32 v62, v60  }
0x4c1: {  	v62 =	vand.u32 $0xFFFFFFF8, v62  }
0x4c2: {  	v62 =	vor.u32 v13, v62;
	_ =	sdelay $0x3  }
0x4c3: {  	[tilespmem:s24+$0xA510] =	vst v61  }
0x4c4: {  	v61 =	vld.idx.msk [tilespmem:v62+s23+$0x0], $0xffff  }
0x4c5: {  	v62 =	vld [tilespmem:$0x1FA50];
	_ =	sdelay $0x4  }
0x4c6: {  	v62 =	vadd.s32 v62, v60  }
0x4c7: {  	v62 =	vand.u32 $0xFFFFFFF8, v62  }
0x4c8: {  	v62 =	vor.u32 v15, v62;
	_ =	sdelay $0x3  }
0x4c9: {  	[tilespmem:s24+$0xA710] =	vst v61  }
0x4ca: {  	v61 =	vld.idx.msk [tilespmem:v62+s23+$0x0], $0xffff  }
0x4cb: {  	v62 =	vld [tilespmem:$0x1FA60];
	_ =	sdelay $0x4  }
0x4cc: {  	v62 =	vadd.s32 v62, v60  }
0x4cd: {  	v62 =	vand.u32 $0xFFFFFFF8, v62  }
0x4ce: {  	v62 =	vor.u32 v17, v62;
	_ =	sdelay $0x3  }
0x4cf: {  	[tilespmem:s24+$0xA910] =	vst v61  }
0x4d0: {  	v61 =	vld.idx.msk [tilespmem:v62+s23+$0x0], $0xffff  }
0x4d1: {  	v62 =	vld [tilespmem:$0x1FA70];
	_ =	sdelay $0x4  }
0x4d2: {  	v62 =	vadd.s32 v62, v60  }
0x4d3: {  	v62 =	vand.u32 $0xFFFFFFF8, v62  }
0x4d4: {  	v62 =	vor.u32 v3, v62;
	_ =	sdelay $0x3  }
0x4d5: {  	[tilespmem:s24+$0xAB10] =	vst v61  }
0x4d6: {  	v61 =	vld.idx.msk [tilespmem:v62+s23+$0x0], $0xffff  }
0x4d7: {  	v62 =	vld [tilespmem:$0x1FA80];
	_ =	sdelay $0x4  }
0x4d8: {  	v62 =	vadd.s32 v62, v60  }
0x4d9: {  	v62 =	vand.u32 $0xFFFFFFF8, v62  }
0x4da: {  	v62 =	vor.u32 v5, v62;
	_ =	sdelay $0x3  }
0x4db: {  	[tilespmem:s24+$0xAD10] =	vst v61  }
0x4dc: {  	v61 =	vld.idx.msk [tilespmem:v62+s23+$0x0], $0xffff  }
0x4dd: {  	v62 =	vld [tilespmem:$0x1FA90];
	_ =	sdelay $0x4  }
0x4de: {  	v62 =	vadd.s32 v62, v60  }
0x4df: {  	v62 =	vand.u32 $0xFFFFFFF8, v62  }
0x4e0: {  	v62 =	vor.u32 v7, v62;
	_ =	sdelay $0x3  }
0x4e1: {  	[tilespmem:s24+$0xA590] =	vst v61  }
0x4e2: {  	v61 =	vld.idx.msk [tilespmem:v62+s23+$0x0], $0xffff  }
0x4e3: {  	v62 =	vld [tilespmem:$0x1FAA0];
	_ =	sdelay $0x4  }
0x4e4: {  	v62 =	vadd.s32 v62, v60  }
0x4e5: {  	v62 =	vand.u32 $0xFFFFFFF8, v62  }
0x4e6: {  	v62 =	vor.u32 v9, v62;
	_ =	sdelay $0x3  }
0x4e7: {  	[tilespmem:s24+$0xA790] =	vst v61  }
0x4e8: {  	v61 =	vld.idx.msk [tilespmem:v62+s23+$0x0], $0xffff  }
0x4e9: {  	v62 =	vld [tilespmem:$0x1FAB0];
	_ =	sdelay $0x4  }
0x4ea: {  	v62 =	vadd.s32 v62, v60  }
0x4eb: {  	v62 =	vand.u32 $0xFFFFFFF8, v62  }
0x4ec: {  	v62 =	vor.u32 v11, v62;
	_ =	sdelay $0x3  }
0x4ed: {  	[tilespmem:s24+$0xA990] =	vst v61  }
0x4ee: {  	v61 =	vld.idx.msk [tilespmem:v62+s23+$0x0], $0xffff  }
0x4ef: {  	v62 =	vld [tilespmem:$0x1FAC0];
	_ =	sdelay $0x4  }
0x4f0: {  	v62 =	vadd.s32 v62, v60  }
0x4f1: {  	v62 =	vand.u32 $0xFFFFFFF8, v62  }
0x4f2: {  	v62 =	vor.u32 v13, v62;
	_ =	sdelay $0x3  }
0x4f3: {  	[tilespmem:s24+$0xAB90] =	vst v61  }
0x4f4: {  	v61 =	vld.idx.msk [tilespmem:v62+s23+$0x0], $0xffff  }
0x4f5: {  	v62 =	vld [tilespmem:$0x1FAD0];
	_ =	sdelay $0x4  }
0x4f6: {  	v62 =	vadd.s32 v62, v60  }
0x4f7: {  	v62 =	vand.u32 $0xFFFFFFF8, v62  }
0x4f8: {  	v62 =	vor.u32 v15, v62;
	_ =	sdelay $0x3  }
0x4f9: {  	[tilespmem:s24+$0xAD90] =	vst v61  }
0x4fa: {  	v61 =	vld.idx.msk [tilespmem:v62+s23+$0x0], $0xffff  }
0x4fb: {  	v62 =	vld [tilespmem:$0x1FAE0];
	_ =	sdelay $0x4  }
0x4fc: {  	v62 =	vadd.s32 v62, v60  }
0x4fd: {  	v62 =	vand.u32 $0xFFFFFFF8, v62  }
0x4fe: {  	v62 =	vor.u32 v17, v62;
	_ =	sdelay $0x3  }
0x4ff: {  	[tilespmem:s24+$0xA610] =	vst v61  }
0x500: {  	v61 =	vld.idx.msk [tilespmem:v62+s23+$0x0], $0xffff  }
0x501: {  	v62 =	vld [tilespmem:$0x1FAF0];
	_ =	sdelay $0x4  }
0x502: {  	v62 =	vadd.s32 v62, v60  }
0x503: {  	v62 =	vand.u32 $0xFFFFFFF8, v62  }
0x504: {  	v62 =	vor.u32 v3, v62;
	_ =	sdelay $0x3  }
0x505: {  	[tilespmem:s24+$0xA810] =	vst v61  }
0x506: {  	v61 =	vld.idx.msk [tilespmem:v62+s23+$0x0], $0xffff  }
0x507: {  	v62 =	vld [tilespmem:$0x1FB00];
	_ =	sdelay $0x4  }
0x508: {  	v62 =	vadd.s32 v62, v60  }
0x509: {  	v62 =	vand.u32 $0xFFFFFFF8, v62  }
0x50a: {  	v62 =	vor.u32 v5, v62;
	_ =	sdelay $0x3  }
0x50b: {  	[tilespmem:s24+$0xAA10] =	vst v61  }
0x50c: {  	v61 =	vld.idx.msk [tilespmem:v62+s23+$0x0], $0xffff  }
0x50d: {  	v62 =	vld [tilespmem:$0x1FB10];
	_ =	sdelay $0x4  }
0x50e: {  	v62 =	vadd.s32 v62, v60  }
0x50f: {  	v62 =	vand.u32 $0xFFFFFFF8, v62  }
0x510: {  	v62 =	vor.u32 v7, v62;
	_ =	sdelay $0x3  }
0x511: {  	[tilespmem:s24+$0xAC10] =	vst v61  }
0x512: {  	v61 =	vld.idx.msk [tilespmem:v62+s23+$0x0], $0xffff  }
0x513: {  	v62 =	vld [tilespmem:$0x1FB20];
	_ =	sdelay $0x4  }
0x514: {  	v62 =	vadd.s32 v62, v60  }
0x515: {  	v62 =	vand.u32 $0xFFFFFFF8, v62  }
0x516: {  	v62 =	vor.u32 v9, v62;
	_ =	sdelay $0x3  }
0x517: {  	[tilespmem:s24+$0xAE10] =	vst v61  }
0x518: {  	v61 =	vld.idx.msk [tilespmem:v62+s23+$0x0], $0xffff  }
0x519: {  	v62 =	vld [tilespmem:$0x1FB30];
	_ =	sdelay $0x4  }
0x51a: {  	v62 =	vadd.s32 v62, v60  }
0x51b: {  	v62 =	vand.u32 $0xFFFFFFF8, v62  }
0x51c: {  	v62 =	vor.u32 v11, v62;
	_ =	sdelay $0x3  }
0x51d: {  	[tilespmem:s24+$0xA690] =	vst v61  }
0x51e: {  	v61 =	vld.idx.msk [tilespmem:v62+s23+$0x0], $0xffff  }
0x51f: {  	v62 =	vld [tilespmem:$0x1FB40];
	_ =	sdelay $0x4  }
0x520: {  	v62 =	vadd.s32 v62, v60  }
0x521: {  	v62 =	vand.u32 $0xFFFFFFF8, v62  }
0x522: {  	v62 =	vor.u32 v13, v62;
	_ =	sdelay $0x3  }
0x523: {  	[tilespmem:s24+$0xA890] =	vst v61  }
0x524: {  	v61 =	vld.idx.msk [tilespmem:v62+s23+$0x0], $0xffff  }
0x525: {  	v62 =	vld [tilespmem:$0x1FB50];
	_ =	sdelay $0x4  }
0x526: {  	v62 =	vadd.s32 v62, v60  }
0x527: {  	v62 =	vand.u32 $0xFFFFFFF8, v62  }
0x528: {  	v62 =	vor.u32 v15, v62;
	_ =	sdelay $0x3  }
0x529: {  	[tilespmem:s24+$0xAA90] =	vst v61  }
0x52a: {  	v61 =	vld.idx.msk [tilespmem:v62+s23+$0x0], $0xffff  }
0x52b: {  	v62 =	vld [tilespmem:$0x1FB60];
	_ =	sdelay $0x4  }
0x52c: {  	v62 =	vadd.s32 v62, v60  }
0x52d: {  	v62 =	vand.u32 $0xFFFFFFF8, v62  }
0x52e: {  	v62 =	vor.u32 v17, v62;
	_ =	sdelay $0x3  }
0x52f: {  	[tilespmem:s24+$0xAC90] =	vst v61  }
0x530: {  	v61 =	vld.idx.msk [tilespmem:v62+s23+$0x0], $0xffff  }
0x531: {  	v62 =	vld [tilespmem:$0x1FB70];
	_ =	sdelay $0x4  }
0x532: {  	v62 =	vadd.s32 v62, v60  }
0x533: {  	v62 =	vand.u32 $0xFFFFFFF8, v62  }
0x534: {  	v62 =	vor.u32 v3, v62;
	_ =	sdelay $0x3  }
0x535: {  	[tilespmem:s24+$0xAE90] =	vst v61  }
0x536: {  	v61 =	vld.idx.msk [tilespmem:v62+s23+$0x0], $0xffff  }
0x537: {  	v62 =	vld [tilespmem:$0x1FB80];
	_ =	sdelay $0x4  }
0x538: {  	v62 =	vadd.s32 v62, v60  }
0x539: {  	v62 =	vand.u32 $0xFFFFFFF8, v62  }
0x53a: {  	v62 =	vor.u32 v5, v62;
	_ =	sdelay $0x3  }
0x53b: {  	[tilespmem:s24+$0xAF10] =	vst v61  }
0x53c: {  	v61 =	vld.idx.msk [tilespmem:v62+s23+$0x0], $0xffff  }
0x53d: {  	v62 =	vld [tilespmem:$0x1FB90];
	_ =	sdelay $0x4  }
0x53e: {  	v62 =	vadd.s32 v62, v60  }
0x53f: {  	v62 =	vand.u32 $0xFFFFFFF8, v62  }
0x540: {  	v62 =	vor.u32 v7, v62;
	_ =	sdelay $0x3  }
0x541: {  	[tilespmem:s24+$0xB110] =	vst v61  }
0x542: {  	v61 =	vld.idx.msk [tilespmem:v62+s23+$0x0], $0xffff  }
0x543: {  	v62 =	vld [tilespmem:$0x1FBA0];
	_ =	sdelay $0x4  }
0x544: {  	v62 =	vadd.s32 v62, v60  }
0x545: {  	v62 =	vand.u32 $0xFFFFFFF8, v62  }
0x546: {  	v62 =	vor.u32 v9, v62;
	_ =	sdelay $0x3  }
0x547: {  	[tilespmem:s24+$0xB310] =	vst v61  }
0x548: {  	v61 =	vld.idx.msk [tilespmem:v62+s23+$0x0], $0xffff  }
0x549: {  	v62 =	vld [tilespmem:$0x1FBB0];
	_ =	sdelay $0x4  }
0x54a: {  	v62 =	vadd.s32 v62, v60  }
0x54b: {  	v62 =	vand.u32 $0xFFFFFFF8, v62  }
0x54c: {  	v62 =	vor.u32 v11, v62;
	_ =	sdelay $0x3  }
0x54d: {  	[tilespmem:s24+$0xB510] =	vst v61  }
0x54e: {  	v61 =	vld.idx.msk [tilespmem:v62+s23+$0x0], $0xffff  }
0x54f: {  	v62 =	vld [tilespmem:$0x1FBC0];
	_ =	sdelay $0x4  }
0x550: {  	v62 =	vadd.s32 v62, v60  }
0x551: {  	v62 =	vand.u32 $0xFFFFFFF8, v62  }
0x552: {  	v62 =	vor.u32 v13, v62;
	_ =	sdelay $0x3  }
0x553: {  	[tilespmem:s24+$0xB710] =	vst v61  }
0x554: {  	v61 =	vld.idx.msk [tilespmem:v62+s23+$0x0], $0xffff  }
0x555: {  	v62 =	vld [tilespmem:$0x1FBD0];
	_ =	sdelay $0x4  }
0x556: {  	v62 =	vadd.s32 v62, v60  }
0x557: {  	v62 =	vand.u32 $0xFFFFFFF8, v62  }
0x558: {  	v62 =	vor.u32 v15, v62;
	_ =	sdelay $0x3  }
0x559: {  	[tilespmem:s24+$0xAF90] =	vst v61  }
0x55a: {  	v61 =	vld.idx.msk [tilespmem:v62+s23+$0x0], $0xffff  }
0x55b: {  	v62 =	vld [tilespmem:$0x1FBE0];
	_ =	sdelay $0x4  }
0x55c: {  	v62 =	vadd.s32 v62, v60  }
0x55d: {  	v62 =	vand.u32 $0xFFFFFFF8, v62  }
0x55e: {  	v62 =	vor.u32 v17, v62;
	_ =	sdelay $0x3  }
0x55f: {  	[tilespmem:s24+$0xB190] =	vst v61  }
0x560: {  	v61 =	vld.idx.msk [tilespmem:v62+s23+$0x0], $0xffff  }
0x561: {  	v62 =	vld [tilespmem:$0x1FBF0];
	_ =	sdelay $0x4  }
0x562: {  	v62 =	vadd.s32 v62, v60  }
0x563: {  	v62 =	vand.u32 $0xFFFFFFF8, v62  }
0x564: {  	v62 =	vor.u32 v3, v62;
	_ =	sdelay $0x3  }
0x565: {  	[tilespmem:s24+$0xB390] =	vst v61  }
0x566: {  	v61 =	vld.idx.msk [tilespmem:v62+s23+$0x0], $0xffff  }
0x567: {  	v62 =	vld [tilespmem:$0x1FC00];
	_ =	sdelay $0x4  }
0x568: {  	v62 =	vadd.s32 v62, v60  }
0x569: {  	v62 =	vand.u32 $0xFFFFFFF8, v62  }
0x56a: {  	v62 =	vor.u32 v5, v62;
	_ =	sdelay $0x3  }
0x56b: {  	[tilespmem:s24+$0xB590] =	vst v61  }
0x56c: {  	v61 =	vld.idx.msk [tilespmem:v62+s23+$0x0], $0xffff  }
0x56d: {  	v62 =	vld [tilespmem:$0x1FC10];
	_ =	sdelay $0x4  }
0x56e: {  	v62 =	vadd.s32 v62, v60  }
0x56f: {  	v62 =	vand.u32 $0xFFFFFFF8, v62  }
0x570: {  	v62 =	vor.u32 v7, v62;
	_ =	sdelay $0x3  }
0x571: {  	[tilespmem:s24+$0xB790] =	vst v61  }
0x572: {  	v61 =	vld.idx.msk [tilespmem:v62+s23+$0x0], $0xffff  }
0x573: {  	v62 =	vld [tilespmem:$0x1FC20];
	_ =	sdelay $0x4  }
0x574: {  	v62 =	vadd.s32 v62, v60  }
0x575: {  	v62 =	vand.u32 $0xFFFFFFF8, v62  }
0x576: {  	v62 =	vor.u32 v9, v62;
	_ =	sdelay $0x3  }
0x577: {  	[tilespmem:s24+$0xB010] =	vst v61  }
0x578: {  	v61 =	vld.idx.msk [tilespmem:v62+s23+$0x0], $0xffff  }
0x579: {  	v62 =	vld [tilespmem:$0x1FC30];
	_ =	sdelay $0x4  }
0x57a: {  	v62 =	vadd.s32 v62, v60  }
0x57b: {  	v62 =	vand.u32 $0xFFFFFFF8, v62  }
0x57c: {  	v62 =	vor.u32 v11, v62;
	_ =	sdelay $0x3  }
0x57d: {  	[tilespmem:s24+$0xB210] =	vst v61  }
0x57e: {  	v61 =	vld.idx.msk [tilespmem:v62+s23+$0x0], $0xffff  }
0x57f: {  	v62 =	vld [tilespmem:$0x1FC40];
	_ =	sdelay $0x4  }
0x580: {  	v62 =	vadd.s32 v62, v60  }
0x581: {  	v62 =	vand.u32 $0xFFFFFFF8, v62  }
0x582: {  	v62 =	vor.u32 v13, v62;
	_ =	sdelay $0x3  }
0x583: {  	[tilespmem:s24+$0xB410] =	vst v61  }
0x584: {  	v61 =	vld.idx.msk [tilespmem:v62+s23+$0x0], $0xffff  }
0x585: {  	v62 =	vld [tilespmem:$0x1FC50];
	_ =	sdelay $0x4  }
0x586: {  	v62 =	vadd.s32 v62, v60  }
0x587: {  	v62 =	vand.u32 $0xFFFFFFF8, v62  }
0x588: {  	v62 =	vor.u32 v15, v62;
	_ =	sdelay $0x3  }
0x589: {  	[tilespmem:s24+$0xB610] =	vst v61  }
0x58a: {  	v61 =	vld.idx.msk [tilespmem:v62+s23+$0x0], $0xffff  }
0x58b: {  	v62 =	vld [tilespmem:$0x1FC60];
	_ =	sdelay $0x4  }
0x58c: {  	v62 =	vadd.s32 v62, v60  }
0x58d: {  	v62 =	vand.u32 $0xFFFFFFF8, v62  }
0x58e: {  	v62 =	vor.u32 v17, v62;
	_ =	sdelay $0x3  }
0x58f: {  	[tilespmem:s24+$0xB810] =	vst v61  }
0x590: {  	v61 =	vld.idx.msk [tilespmem:v62+s23+$0x0], $0xffff  }
0x591: {  	v62 =	vld [tilespmem:$0x1FC70];
	_ =	sdelay $0x4  }
0x592: {  	v62 =	vadd.s32 v62, v60  }
0x593: {  	v62 =	vand.u32 $0xFFFFFFF8, v62  }
0x594: {  	v62 =	vor.u32 v3, v62;
	_ =	sdelay $0x3  }
0x595: {  	[tilespmem:s24+$0xB090] =	vst v61  }
0x596: {  	v61 =	vld.idx.msk [tilespmem:v62+s23+$0x0], $0xffff  }
0x597: {  	v62 =	vld [tilespmem:$0x1FC80];
	_ =	sdelay $0x4  }
0x598: {  	v62 =	vadd.s32 v62, v60  }
0x599: {  	v62 =	vand.u32 $0xFFFFFFF8, v62  }
0x59a: {  	v62 =	vor.u32 v5, v62;
	_ =	sdelay $0x3  }
0x59b: {  	[tilespmem:s24+$0xB290] =	vst v61  }
0x59c: {  	v61 =	vld.idx.msk [tilespmem:v62+s23+$0x0], $0xffff  }
0x59d: {  	v62 =	vld [tilespmem:$0x1FC90];
	_ =	sdelay $0x4  }
0x59e: {  	v62 =	vadd.s32 v62, v60  }
0x59f: {  	v62 =	vand.u32 $0xFFFFFFF8, v62  }
0x5a0: {  	v62 =	vor.u32 v7, v62;
	_ =	sdelay $0x3  }
0x5a1: {  	[tilespmem:s24+$0xB490] =	vst v61  }
0x5a2: {  	v61 =	vld.idx.msk [tilespmem:v62+s23+$0x0], $0xffff  }
0x5a3: {  	v62 =	vld [tilespmem:$0x1FCA0];
	_ =	sdelay $0x4  }
0x5a4: {  	v62 =	vadd.s32 v62, v60  }
0x5a5: {  	v62 =	vand.u32 $0xFFFFFFF8, v62  }
0x5a6: {  	v62 =	vor.u32 v9, v62;
	_ =	sdelay $0x3  }
0x5a7: {  	[tilespmem:s24+$0xB690] =	vst v61  }
0x5a8: {  	v61 =	vld.idx.msk [tilespmem:v62+s23+$0x0], $0xffff  }
0x5a9: {  	v62 =	vld [tilespmem:$0x1FCB0];
	_ =	sdelay $0x4  }
0x5aa: {  	v62 =	vadd.s32 v62, v60  }
0x5ab: {  	v62 =	vand.u32 $0xFFFFFFF8, v62  }
0x5ac: {  	v62 =	vor.u32 v11, v62;
	_ =	sdelay $0x3  }
0x5ad: {  	[tilespmem:s24+$0xB890] =	vst v61  }
0x5ae: {  	v61 =	vld.idx.msk [tilespmem:v62+s23+$0x0], $0xffff;
	v62 =	vadd.s32 v41, v60  }
0x5af: {  	v62 =	vand.u32 $0xFFFFFFF8, v62  }
0x5b0: {  	v62 =	vor.u32 v13, v62;
	_ =	sdelay $0x3  }
0x5b1: {  	[tilespmem:s24+$0xB910] =	vst v61  }
0x5b2: {  	v61 =	vld.idx.msk [tilespmem:v62+s23+$0x0], $0xffff;
	v62 =	vadd.s32 v42, v60  }
0x5b3: {  	v62 =	vand.u32 $0xFFFFFFF8, v62  }
0x5b4: {  	v62 =	vor.u32 v15, v62;
	_ =	sdelay $0x3  }
0x5b5: {  	[tilespmem:s24+$0xBB10] =	vst v61  }
0x5b6: {  	v61 =	vld.idx.msk [tilespmem:v62+s23+$0x0], $0xffff;
	v62 =	vadd.s32 v43, v60  }
0x5b7: {  	v62 =	vand.u32 $0xFFFFFFF8, v62  }
0x5b8: {  	v62 =	vor.u32 v17, v62;
	_ =	sdelay $0x3  }
0x5b9: {  	[tilespmem:s24+$0xBD10] =	vst v61  }
0x5ba: {  	v61 =	vld.idx.msk [tilespmem:v62+s23+$0x0], $0xffff;
	v62 =	vadd.s32 v44, v60  }
0x5bb: {  	v62 =	vand.u32 $0xFFFFFFF8, v62  }
0x5bc: {  	v62 =	vor.u32 v3, v62;
	_ =	sdelay $0x3  }
0x5bd: {  	[tilespmem:s24+$0xBF10] =	vst v61  }
0x5be: {  	v61 =	vld.idx.msk [tilespmem:v62+s23+$0x0], $0xffff;
	v62 =	vadd.s32 v45, v60  }
0x5bf: {  	v62 =	vand.u32 $0xFFFFFFF8, v62  }
0x5c0: {  	v62 =	vor.u32 v5, v62;
	_ =	sdelay $0x3  }
0x5c1: {  	[tilespmem:s24+$0xC110] =	vst v61  }
0x5c2: {  	v61 =	vld.idx.msk [tilespmem:v62+s23+$0x0], $0xffff;
	v62 =	vadd.s32 v46, v60  }
0x5c3: {  	v62 =	vand.u32 $0xFFFFFFF8, v62  }
0x5c4: {  	v62 =	vor.u32 v7, v62;
	_ =	sdelay $0x3  }
0x5c5: {  	[tilespmem:s24+$0xB990] =	vst v61  }
0x5c6: {  	v61 =	vld.idx.msk [tilespmem:v62+s23+$0x0], $0xffff;
	v62 =	vadd.s32 v47, v60  }
0x5c7: {  	v62 =	vand.u32 $0xFFFFFFF8, v62  }
0x5c8: {  	v62 =	vor.u32 v9, v62;
	_ =	sdelay $0x3  }
0x5c9: {  	[tilespmem:s24+$0xBB90] =	vst v61  }
0x5ca: {  	v61 =	vld.idx.msk [tilespmem:v62+s23+$0x0], $0xffff;
	v62 =	vadd.s32 v48, v60  }
0x5cb: {  	v62 =	vand.u32 $0xFFFFFFF8, v62  }
0x5cc: {  	v62 =	vor.u32 v11, v62;
	_ =	sdelay $0x3  }
0x5cd: {  	[tilespmem:s24+$0xBD90] =	vst v61  }
0x5ce: {  	v61 =	vld.idx.msk [tilespmem:v62+s23+$0x0], $0xffff;
	v62 =	vadd.s32 v49, v60  }
0x5cf: {  	v62 =	vand.u32 $0xFFFFFFF8, v62  }
0x5d0: {  	v62 =	vor.u32 v13, v62;
	_ =	sdelay $0x3  }
0x5d1: {  	[tilespmem:s24+$0xBF90] =	vst v61  }
0x5d2: {  	v61 =	vld.idx.msk [tilespmem:v62+s23+$0x0], $0xffff;
	v62 =	vadd.s32 v50, v60  }
0x5d3: {  	v62 =	vand.u32 $0xFFFFFFF8, v62  }
0x5d4: {  	v62 =	vor.u32 v15, v62;
	_ =	sdelay $0x3  }
0x5d5: {  	[tilespmem:s24+$0xC190] =	vst v61  }
0x5d6: {  	v61 =	vld.idx.msk [tilespmem:v62+s23+$0x0], $0xffff;
	v62 =	vadd.s32 v51, v60  }
0x5d7: {  	v62 =	vand.u32 $0xFFFFFFF8, v62  }
0x5d8: {  	v62 =	vor.u32 v17, v62;
	_ =	sdelay $0x3  }
0x5d9: {  	[tilespmem:s24+$0xBA10] =	vst v61  }
0x5da: {  	v61 =	vld.idx.msk [tilespmem:v62+s23+$0x0], $0xffff;
	v62 =	vadd.s32 v52, v60  }
0x5db: {  	v62 =	vand.u32 $0xFFFFFFF8, v62  }
0x5dc: {  	v62 =	vor.u32 v3, v62;
	_ =	sdelay $0x3  }
0x5dd: {  	[tilespmem:s24+$0xBC10] =	vst v61  }
0x5de: {  	v61 =	vld.idx.msk [tilespmem:v62+s23+$0x0], $0xffff;
	v62 =	vadd.s32 v53, v60  }
0x5df: {  	v62 =	vand.u32 $0xFFFFFFF8, v62  }
0x5e0: {  	v62 =	vor.u32 v5, v62;
	_ =	sdelay $0x3  }
0x5e1: {  	[tilespmem:s24+$0xBE10] =	vst v61  }
0x5e2: {  	v61 =	vld.idx.msk [tilespmem:v62+s23+$0x0], $0xffff;
	v62 =	vadd.s32 v54, v60  }
0x5e3: {  	v62 =	vand.u32 $0xFFFFFFF8, v62  }
0x5e4: {  	v62 =	vor.u32 v7, v62;
	_ =	sdelay $0x3  }
0x5e5: {  	[tilespmem:s24+$0xC010] =	vst v61  }
0x5e6: {  	v61 =	vld.idx.msk [tilespmem:v62+s23+$0x0], $0xffff;
	v62 =	vadd.s32 v55, v60  }
0x5e7: {  	v62 =	vand.u32 $0xFFFFFFF8, v62  }
0x5e8: {  	v62 =	vor.u32 v9, v62;
	_ =	sdelay $0x3  }
0x5e9: {  	[tilespmem:s24+$0xC210] =	vst v61  }
0x5ea: {  	v61 =	vld.idx.msk [tilespmem:v62+s23+$0x0], $0xffff;
	v62 =	vadd.s32 v56, v60  }
0x5eb: {  	v62 =	vand.u32 $0xFFFFFFF8, v62  }
0x5ec: {  	v62 =	vor.u32 v11, v62;
	_ =	sdelay $0x3  }
0x5ed: {  	[tilespmem:s24+$0xBA90] =	vst v61  }
0x5ee: {  	v61 =	vld.idx.msk [tilespmem:v62+s23+$0x0], $0xffff;
	v62 =	vadd.s32 v57, v60  }
0x5ef: {  	v62 =	vand.u32 $0xFFFFFFF8, v62  }
0x5f0: {  	v62 =	vor.u32 v13, v62;
	_ =	sdelay $0x3  }
0x5f1: {  	[tilespmem:s24+$0xBC90] =	vst v61  }
0x5f2: {  	v61 =	vld.idx.msk [tilespmem:v62+s23+$0x0], $0xffff;
	v62 =	vadd.s32 v58, v60  }
0x5f3: {  	v62 =	vand.u32 $0xFFFFFFF8, v62  }
0x5f4: {  	v62 =	vor.u32 v15, v62  }
0x5f5: {  	p0 =	sne.s32 s31, $0x1C0  }
.Ltmp1:
0x5f6: {  	_ = 	snop;
	(pc) =	sbr.rel @p0 .LBB2_4-.Ltmp1, $4  }
0x5f7: {  	_ = 	snop  }
0x5f8: {  	v60 =	vadd.s32 v59, v60;
	[tilespmem:s24+$0xBE90] =	vst v61  }
0x5f9: {  	s30 =	sadd.s32 $0x10, s30;
	v61 =	vld.idx.msk [tilespmem:v62+s23+$0x0], $0xffff;
	v62 =	vand.u32 $0xFFFFFFF8, v60  }
0x5fa: {  	s28 =	smov.u32 s31;
	s31 =	sadd.s32 $0x40, s31;
	v60 =	vmov s30;
	v62 =	vor.u32 v17, v62  }
0x5fb: {  	v60 =	vmul.u32 $0xE1, v60;
	_ =	sdelay $0x1  }
0x5fc: {  	v60 =	vbroadcast v60, $0x0;
	_ =	sdelay $0x1  }
0x5fd: {  	[tilespmem:s24+$0xC090] =	vst v61;
	v61 =	vadd.s32 v0, v60  }
0x5fe: {  	v62 =	vld.idx.msk [tilespmem:v62+s23+$0x0], $0xffff;
	v61 =	vand.u32 $0xFFFFFFF8, v61  }
0x5ff: {  	v61 =	vor.u32 v3, v61;
	_ =	sdelay $0x3  }
0x600: {  	[tilespmem:s24+$0xC290] =	vst v62;
	v62 =	vadd.s32 v1, v60  }
0x601: {  	v62 =	vand.u32 $0xFFFFFFF8, v62;
	v61 =	vld.idx.msk [tilespmem:v61+s23+$0x0], $0xffff  }
0x602: {  	v62 =	vor.u32 v5, v62;
	_ =	sdelay $0x2  }
0x603: {  	s31 =	sshra.s32 s28, $0x2  }
0x604: {  	[tilespmem:s31+$0x7310] =	vst v61;
	v61 =	vadd.s32 v2, v60  }
0x605: {  	v62 =	vld.idx.msk [tilespmem:v62+s23+$0x0], $0xffff;
	v61 =	vand.u32 $0xFFFFFFF8, v61  }
0x606: {  	v61 =	vor.u32 v7, v61;
	_ =	sdelay $0x3  }
0x607: {  	v2 =	vld [tilespmem:$0x1FF20];
	[tilespmem:s31+$0x7510] =	vst v62;
	v62 =	vadd.s32 v4, v60  }
0x608: {  	v61 =	vld.idx.msk [tilespmem:v61+s23+$0x0], $0xffff;
	v62 =	vand.u32 $0xFFFFFFF8, v62  }
0x609: {  	v62 =	vor.u32 v9, v62;
	_ =	sdelay $0x3  }
0x60a: {  	[tilespmem:s31+$0x7710] =	vst v61;
	v61 =	vadd.s32 v2, v60  }
0x60b: {  	v62 =	vld.idx.msk [tilespmem:v62+s23+$0x0], $0xffff;
	v61 =	vand.u32 $0xFFFFFFF8, v61  }
0x60c: {  	v61 =	vor.u32 v11, v61;
	_ =	sdelay $0x3  }
0x60d: {  	[tilespmem:s31+$0x7910] =	vst v62;
	v62 =	vadd.s32 v6, v60  }
0x60e: {  	v61 =	vld.idx.msk [tilespmem:v61+s23+$0x0], $0xffff;
	v62 =	vand.u32 $0xFFFFFFF8, v62  }
0x60f: {  	v62 =	vor.u32 v13, v62;
	_ =	sdelay $0x3  }
0x610: {  	v0 =	vld [tilespmem:$0x1FD90];
	[tilespmem:s31+$0x7B10] =	vst v61;
	v61 =	vadd.s32 v8, v60  }
0x611: {  	v62 =	vld.idx.msk [tilespmem:v62+s23+$0x0], $0xffff;
	v61 =	vand.u32 $0xFFFFFFF8, v61  }
0x612: {  	v61 =	vor.u32 v15, v61;
	_ =	sdelay $0x3  }
0x613: {  	v8 =	vld [tilespmem:$0x1FF30];
	[tilespmem:s31+$0x7390] =	vst v62;
	v62 =	vadd.s32 v0, v60  }
0x614: {  	v61 =	vld.idx.msk [tilespmem:v61+s23+$0x0], $0xffff;
	v62 =	vand.u32 $0xFFFFFFF8, v62  }
0x615: {  	v62 =	vor.u32 v17, v62;
	_ =	sdelay $0x3  }
0x616: {  	[tilespmem:s31+$0x7590] =	vst v61;
	v61 =	vadd.s32 v8, v60  }
0x617: {  	v62 =	vld.idx.msk [tilespmem:v62+s23+$0x0], $0xffff;
	v61 =	vand.u32 $0xFFFFFFF8, v61  }
0x618: {  	v61 =	vor.u32 v3, v61;
	_ =	sdelay $0x3  }
0x619: {  	[tilespmem:s31+$0x7790] =	vst v62;
	v62 =	vadd.s32 v10, v60  }
0x61a: {  	v61 =	vld.idx.msk [tilespmem:v61+s23+$0x0], $0xffff;
	v62 =	vand.u32 $0xFFFFFFF8, v62  }
0x61b: {  	v62 =	vor.u32 v5, v62;
	_ =	sdelay $0x3  }
0x61c: {  	[tilespmem:s31+$0x7990] =	vst v61;
	v61 =	vadd.s32 v12, v60  }
0x61d: {  	v62 =	vld.idx.msk [tilespmem:v62+s23+$0x0], $0xffff;
	v61 =	vand.u32 $0xFFFFFFF8, v61  }
0x61e: {  	v61 =	vor.u32 v7, v61;
	_ =	sdelay $0x3  }
0x61f: {  	[tilespmem:s31+$0x7B90] =	vst v62;
	v62 =	vadd.s32 v14, v60  }
0x620: {  	v61 =	vld.idx.msk [tilespmem:v61+s23+$0x0], $0xffff;
	v62 =	vand.u32 $0xFFFFFFF8, v62  }
0x621: {  	v62 =	vor.u32 v9, v62;
	_ =	sdelay $0x3  }
0x622: {  	[tilespmem:s31+$0x7410] =	vst v61;
	v61 =	vadd.s32 v16, v60  }
0x623: {  	v62 =	vld.idx.msk [tilespmem:v62+s23+$0x0], $0xffff;
	v61 =	vand.u32 $0xFFFFFFF8, v61  }
0x624: {  	v61 =	vor.u32 v11, v61;
	_ =	sdelay $0x3  }
0x625: {  	[tilespmem:s31+$0x7610] =	vst v62;
	v62 =	vadd.s32 v18, v60  }
0x626: {  	v61 =	vld.idx.msk [tilespmem:v61+s23+$0x0], $0xffff;
	v62 =	vand.u32 $0xFFFFFFF8, v62  }
0x627: {  	v62 =	vor.u32 v13, v62;
	_ =	sdelay $0x3  }
0x628: {  	[tilespmem:s31+$0x7810] =	vst v61;
	v61 =	vadd.s32 v19, v60  }
0x629: {  	v62 =	vld.idx.msk [tilespmem:v62+s23+$0x0], $0xffff;
	v61 =	vand.u32 $0xFFFFFFF8, v61  }
0x62a: {  	v61 =	vor.u32 v15, v61;
	_ =	sdelay $0x3  }
0x62b: {  	[tilespmem:s31+$0x7A10] =	vst v62;
	v62 =	vadd.s32 v20, v60  }
0x62c: {  	v61 =	vld.idx.msk [tilespmem:v61+s23+$0x0], $0xffff;
	v62 =	vand.u32 $0xFFFFFFF8, v62  }
0x62d: {  	v62 =	vor.u32 v17, v62;
	_ =	sdelay $0x3  }
0x62e: {  	[tilespmem:s31+$0x7C10] =	vst v61;
	v61 =	vadd.s32 v21, v60  }
0x62f: {  	v62 =	vld.idx.msk [tilespmem:v62+s23+$0x0], $0xffff;
	v61 =	vand.u32 $0xFFFFFFF8, v61  }
0x630: {  	v61 =	vor.u32 v3, v61;
	_ =	sdelay $0x3  }
0x631: {  	[tilespmem:s31+$0x7490] =	vst v62;
	v62 =	vadd.s32 v22, v60  }
0x632: {  	v61 =	vld.idx.msk [tilespmem:v61+s23+$0x0], $0xffff;
	v62 =	vand.u32 $0xFFFFFFF8, v62  }
0x633: {  	v62 =	vor.u32 v5, v62;
	_ =	sdelay $0x3  }
0x634: {  	[tilespmem:s31+$0x7690] =	vst v61;
	v61 =	vadd.s32 v23, v60  }
0x635: {  	v62 =	vld.idx.msk [tilespmem:v62+s23+$0x0], $0xffff;
	v61 =	vand.u32 $0xFFFFFFF8, v61  }
0x636: {  	v61 =	vor.u32 v7, v61;
	_ =	sdelay $0x3  }
0x637: {  	[tilespmem:s31+$0x7890] =	vst v62;
	v62 =	vadd.s32 v24, v60  }
0x638: {  	v61 =	vld.idx.msk [tilespmem:v61+s23+$0x0], $0xffff;
	v62 =	vand.u32 $0xFFFFFFF8, v62  }
0x639: {  	v62 =	vor.u32 v9, v62;
	_ =	sdelay $0x3  }
0x63a: {  	[tilespmem:s31+$0x7A90] =	vst v61;
	v61 =	vadd.s32 v25, v60  }
0x63b: {  	v62 =	vld.idx.msk [tilespmem:v62+s23+$0x0], $0xffff;
	v61 =	vand.u32 $0xFFFFFFF8, v61  }
0x63c: {  	v61 =	vor.u32 v11, v61;
	_ =	sdelay $0x3  }
0x63d: {  	[tilespmem:s31+$0x7C90] =	vst v62;
	v62 =	vadd.s32 v26, v60  }
0x63e: {  	v61 =	vld.idx.msk [tilespmem:v61+s23+$0x0], $0xffff;
	v62 =	vand.u32 $0xFFFFFFF8, v62  }
0x63f: {  	v62 =	vor.u32 v13, v62;
	_ =	sdelay $0x3  }
0x640: {  	[tilespmem:s31+$0x7D10] =	vst v61;
	v61 =	vadd.s32 v27, v60  }
0x641: {  	v62 =	vld.idx.msk [tilespmem:v62+s23+$0x0], $0xffff;
	v61 =	vand.u32 $0xFFFFFFF8, v61  }
0x642: {  	v61 =	vor.u32 v15, v61;
	_ =	sdelay $0x3  }
0x643: {  	[tilespmem:s31+$0x7F10] =	vst v62;
	v62 =	vadd.s32 v28, v60  }
0x644: {  	v61 =	vld.idx.msk [tilespmem:v61+s23+$0x0], $0xffff;
	v62 =	vand.u32 $0xFFFFFFF8, v62  }
0x645: {  	v62 =	vor.u32 v17, v62;
	_ =	sdelay $0x3  }
0x646: {  	[tilespmem:s31+$0x8110] =	vst v61;
	v61 =	vadd.s32 v29, v60  }
0x647: {  	v62 =	vld.idx.msk [tilespmem:v62+s23+$0x0], $0xffff;
	v61 =	vand.u32 $0xFFFFFFF8, v61  }
0x648: {  	v61 =	vor.u32 v3, v61;
	_ =	sdelay $0x3  }
0x649: {  	[tilespmem:s31+$0x8310] =	vst v62;
	v62 =	vadd.s32 v30, v60  }
0x64a: {  	v61 =	vld.idx.msk [tilespmem:v61+s23+$0x0], $0xffff;
	v62 =	vand.u32 $0xFFFFFFF8, v62  }
0x64b: {  	v62 =	vor.u32 v5, v62;
	_ =	sdelay $0x3  }
0x64c: {  	[tilespmem:s31+$0x8510] =	vst v61;
	v61 =	vadd.s32 v31, v60  }
0x64d: {  	v62 =	vld.idx.msk [tilespmem:v62+s23+$0x0], $0xffff;
	v61 =	vand.u32 $0xFFFFFFF8, v61  }
0x64e: {  	v61 =	vor.u32 v7, v61;
	_ =	sdelay $0x3  }
0x64f: {  	v32 =	vadd.s32 v32, v60;
	[tilespmem:s31+$0x7D90] =	vst v62  }
0x650: {  	v62 =	vand.u32 $0xFFFFFFF8, v32;
	v61 =	vld.idx.msk [tilespmem:v61+s23+$0x0], $0xffff  }
0x651: {  	v62 =	vor.u32 v9, v62;
	_ =	sdelay $0x3  }
0x652: {  	v33 =	vadd.s32 v33, v60;
	[tilespmem:s31+$0x7F90] =	vst v61  }
0x653: {  	v61 =	vand.u32 $0xFFFFFFF8, v33;
	v62 =	vld.idx.msk [tilespmem:v62+s23+$0x0], $0xffff  }
0x654: {  	v61 =	vor.u32 v11, v61;
	_ =	sdelay $0x3  }
0x655: {  	v34 =	vadd.s32 v34, v60;
	[tilespmem:s31+$0x8190] =	vst v62  }
0x656: {  	v62 =	vand.u32 $0xFFFFFFF8, v34;
	v61 =	vld.idx.msk [tilespmem:v61+s23+$0x0], $0xffff  }
0x657: {  	v62 =	vor.u32 v13, v62;
	_ =	sdelay $0x3  }
0x658: {  	v32 =	vadd.s32 v35, v60;
	[tilespmem:s31+$0x8390] =	vst v61  }
0x659: {  	v61 =	vand.u32 $0xFFFFFFF8, v32;
	v62 =	vld.idx.msk [tilespmem:v62+s23+$0x0], $0xffff  }
0x65a: {  	v61 =	vor.u32 v15, v61;
	_ =	sdelay $0x3  }
0x65b: {  	v0 =	vld [tilespmem:$0x1FCF0];
	v33 =	vadd.s32 v36, v60;
	[tilespmem:s31+$0x8590] =	vst v62  }
0x65c: {  	v62 =	vand.u32 $0xFFFFFFF8, v33;
	v61 =	vld.idx.msk [tilespmem:v61+s23+$0x0], $0xffff  }
0x65d: {  	v62 =	vor.u32 v17, v62;
	_ =	sdelay $0x3  }
0x65e: {  	v34 =	vadd.s32 v0, v60;
	v0 =	vld [tilespmem:$0x1FF00];
	[tilespmem:s31+$0x7E10] =	vst v61  }
0x65f: {  	v61 =	vand.u32 $0xFFFFFFF8, v34;
	v62 =	vld.idx.msk [tilespmem:v62+s23+$0x0], $0xffff  }
0x660: {  	v61 =	vor.u32 v3, v61;
	_ =	sdelay $0x3  }
0x661: {  	v35 =	vadd.s32 v0, v60;
	v0 =	vld [tilespmem:$0x1FD00];
	[tilespmem:s31+$0x8010] =	vst v62  }
0x662: {  	v62 =	vand.u32 $0xFFFFFFF8, v35;
	v61 =	vld.idx.msk [tilespmem:v61+s23+$0x0], $0xffff  }
0x663: {  	v62 =	vor.u32 v5, v62;
	_ =	sdelay $0x3  }
0x664: {  	v36 =	vadd.s32 v0, v60;
	[tilespmem:s31+$0x8210] =	vst v61  }
0x665: {  	v61 =	vand.u32 $0xFFFFFFF8, v36;
	v62 =	vld.idx.msk [tilespmem:v62+s23+$0x0], $0xffff  }
0x666: {  	v61 =	vor.u32 v7, v61;
	_ =	sdelay $0x3  }
0x667: {  	v32 =	vadd.s32 v37, v60;
	v0 =	vld [tilespmem:$0x1FFE0];
	[tilespmem:s31+$0x8410] =	vst v62  }
0x668: {  	v62 =	vand.u32 $0xFFFFFFF8, v32;
	v61 =	vld.idx.msk [tilespmem:v61+s23+$0x0], $0xffff  }
0x669: {  	v62 =	vor.u32 v9, v62;
	_ =	sdelay $0x3  }
0x66a: {  	v33 =	vadd.s32 v0, v60;
	v0 =	vld [tilespmem:$0x1FD10];
	[tilespmem:s31+$0x8610] =	vst v61  }
0x66b: {  	v61 =	vand.u32 $0xFFFFFFF8, v33;
	v62 =	vld.idx.msk [tilespmem:v62+s23+$0x0], $0xffff  }
0x66c: {  	v61 =	vor.u32 v11, v61;
	_ =	sdelay $0x3  }
0x66d: {  	v35 =	vadd.s32 v0, v60;
	v0 =	vld [tilespmem:$0x1FFC0];
	[tilespmem:s31+$0x7E90] =	vst v62  }
0x66e: {  	v62 =	vand.u32 $0xFFFFFFF8, v35;
	v61 =	vld.idx.msk [tilespmem:v61+s23+$0x0], $0xffff  }
0x66f: {  	v62 =	vor.u32 v13, v62;
	_ =	sdelay $0x3  }
0x670: {  	v14 =	vmov v0;
	v36 =	vadd.s32 v0, v60;
	v0 =	vld [tilespmem:$0x1FFB0];
	[tilespmem:s31+$0x8090] =	vst v61  }
0x671: {  	v61 =	vand.u32 $0xFFFFFFF8, v36;
	v62 =	vld.idx.msk [tilespmem:v62+s23+$0x0], $0xffff  }
0x672: {  	v61 =	vor.u32 v15, v61;
	_ =	sdelay $0x3  }
0x673: {  	v34 =	vmov v37;
	v37 =	vadd.s32 v0, v60;
	[tilespmem:s31+$0x8290] =	vst v62  }
0x674: {  	v62 =	vand.u32 $0xFFFFFFF8, v37;
	v61 =	vld.idx.msk [tilespmem:v61+s23+$0x0], $0xffff  }
0x675: {  	v62 =	vor.u32 v17, v62;
	_ =	sdelay $0x3  }
0x676: {  	v30 =	vmov v38;
	v38 =	vadd.s32 v38, v60;
	v23 =	vmov v0;
	v0 =	vld [tilespmem:$0x1FFA0];
	[tilespmem:s31+$0x8490] =	vst v61  }
0x677: {  	v61 =	vand.u32 $0xFFFFFFF8, v38;
	v62 =	vld.idx.msk [tilespmem:v62+s23+$0x0], $0xffff  }
0x678: {  	v61 =	vor.u32 v3, v61;
	_ =	sdelay $0x3  }
0x679: {  	v24 =	vmov v0;
	v32 =	vadd.s32 v0, v60;
	v0 =	vld [tilespmem:$0x1FD20];
	[tilespmem:s31+$0x8690] =	vst v62  }
0x67a: {  	v62 =	vand.u32 $0xFFFFFFF8, v32;
	v61 =	vld.idx.msk [tilespmem:v61+s23+$0x0], $0xffff  }
0x67b: {  	v62 =	vor.u32 v5, v62;
	_ =	sdelay $0x3  }
0x67c: {  	v33 =	vadd.s32 v0, v60;
	[tilespmem:s31+$0x8710] =	vst v61  }
0x67d: {  	v61 =	vand.u32 $0xFFFFFFF8, v33;
	v62 =	vld.idx.msk [tilespmem:v62+s23+$0x0], $0xffff  }
0x67e: {  	v61 =	vor.u32 v7, v61;
	_ =	sdelay $0x3  }
0x67f: {  	v35 =	vadd.s32 v39, v60;
	[tilespmem:s31+$0x8910] =	vst v62  }
0x680: {  	v62 =	vand.u32 $0xFFFFFFF8, v35;
	v61 =	vld.idx.msk [tilespmem:v61+s23+$0x0], $0xffff  }
0x681: {  	v62 =	vor.u32 v9, v62;
	_ =	sdelay $0x3  }
0x682: {  	v0 =	vld [tilespmem:$0x1FD30];
	v36 =	vadd.s32 v40, v60;
	[tilespmem:s31+$0x8B10] =	vst v61  }
0x683: {  	v61 =	vand.u32 $0xFFFFFFF8, v36;
	v62 =	vld.idx.msk [tilespmem:v62+s23+$0x0], $0xffff  }
0x684: {  	v61 =	vor.u32 v11, v61;
	_ =	sdelay $0x3  }
0x685: {  	v37 =	vadd.s32 v0, v60;
	v0 =	vld [tilespmem:$0x1FFD0];
	[tilespmem:s31+$0x8D10] =	vst v62  }
0x686: {  	v62 =	vand.u32 $0xFFFFFFF8, v37;
	v61 =	vld.idx.msk [tilespmem:v61+s23+$0x0], $0xffff  }
0x687: {  	v62 =	vor.u32 v13, v62;
	_ =	sdelay $0x3  }
0x688: {  	v12 =	vmov v0;
	v38 =	vadd.s32 v0, v60;
	v0 =	vld [tilespmem:$0x1FF80];
	[tilespmem:s31+$0x8F10] =	vst v61  }
0x689: {  	v61 =	vand.u32 $0xFFFFFFF8, v38;
	v62 =	vld.idx.msk [tilespmem:v62+s23+$0x0], $0xffff  }
0x68a: {  	v61 =	vor.u32 v15, v61;
	_ =	sdelay $0x3  }
0x68b: {  	v4 =	vmovc v39;
	v39 =	vmov v40;
	v29 =	vmov v0;
	v40 =	vadd.s32 v0, v60;
	v0 =	vld [tilespmem:$0x1FF70];
	[tilespmem:s31+$0x8790] =	vst v62  }
0x68c: {  	v62 =	vand.u32 $0xFFFFFFF8, v40;
	v61 =	vld.idx.msk [tilespmem:v61+s23+$0x0], $0xffff  }
0x68d: {  	v62 =	vor.u32 v17, v62;
	_ =	sdelay $0x3  }
0x68e: {  	v28 =	vmov v0;
	v32 =	vadd.s32 v0, v60;
	v0 =	vld [tilespmem:$0x1FF40];
	[tilespmem:s31+$0x8990] =	vst v61  }
0x68f: {  	v61 =	vand.u32 $0xFFFFFFF8, v32;
	v62 =	vld.idx.msk [tilespmem:v62+s23+$0x0], $0xffff  }
0x690: {  	v61 =	vor.u32 v3, v61;
	_ =	sdelay $0x3  }
0x691: {  	v27 =	vmov v0;
	v33 =	vadd.s32 v0, v60;
	v0 =	vld [tilespmem:$0x1FF60];
	[tilespmem:s31+$0x8B90] =	vst v62  }
0x692: {  	v62 =	vand.u32 $0xFFFFFFF8, v33;
	v61 =	vld.idx.msk [tilespmem:v61+s23+$0x0], $0xffff  }
0x693: {  	v62 =	vor.u32 v5, v62;
	_ =	sdelay $0x3  }
0x694: {  	v35 =	vadd.s32 v0, v60;
	v36 =	vmov v0;
	v0 =	vld [tilespmem:$0x1FF50];
	[tilespmem:s31+$0x8D90] =	vst v61  }
0x695: {  	v61 =	vand.u32 $0xFFFFFFF8, v35;
	v62 =	vld.idx.msk [tilespmem:v62+s23+$0x0], $0xffff  }
0x696: {  	v61 =	vor.u32 v7, v61;
	_ =	sdelay $0x3  }
0x697: {  	v16 =	vmov v0;
	v37 =	vadd.s32 v0, v60;
	v0 =	vld [tilespmem:$0x1FF90];
	[tilespmem:s31+$0x8F90] =	vst v62  }
0x698: {  	v62 =	vand.u32 $0xFFFFFFF8, v37;
	v61 =	vld.idx.msk [tilespmem:v61+s23+$0x0], $0xffff  }
0x699: {  	v62 =	vor.u32 v9, v62;
	_ =	sdelay $0x3  }
0x69a: {  	v26 =	vmov v0;
	v38 =	vadd.s32 v0, v60;
	v0 =	vld [tilespmem:$0x1FF10];
	[tilespmem:s31+$0x8810] =	vst v61  }
0x69b: {  	v61 =	vand.u32 $0xFFFFFFF8, v38;
	v62 =	vld.idx.msk [tilespmem:v62+s23+$0x0], $0xffff  }
0x69c: {  	v61 =	vor.u32 v11, v61;
	_ =	sdelay $0x3  }
0x69d: {  	v40 =	vadd.s32 v0, v60;
	v0 =	vld [tilespmem:$0x1F750];
	[tilespmem:s31+$0x8A10] =	vst v62  }
0x69e: {  	v62 =	vand.u32 $0xFFFFFFF8, v40;
	v61 =	vld.idx.msk [tilespmem:v61+s23+$0x0], $0xffff  }
0x69f: {  	v62 =	vor.u32 v13, v62;
	_ =	sdelay $0x3  }
0x6a0: {  	v32 =	vadd.s32 v0, v60;
	v0 =	vld [tilespmem:$0x1F760];
	[tilespmem:s31+$0x8C10] =	vst v61  }
0x6a1: {  	v61 =	vand.u32 $0xFFFFFFF8, v32;
	v62 =	vld.idx.msk [tilespmem:v62+s23+$0x0], $0xffff  }
0x6a2: {  	v61 =	vor.u32 v15, v61;
	_ =	sdelay $0x3  }
0x6a3: {  	v33 =	vadd.s32 v0, v60;
	v0 =	vld [tilespmem:$0x1F770];
	[tilespmem:s31+$0x8E10] =	vst v62  }
0x6a4: {  	v62 =	vand.u32 $0xFFFFFFF8, v33;
	v61 =	vld.idx.msk [tilespmem:v61+s23+$0x0], $0xffff  }
0x6a5: {  	v62 =	vor.u32 v17, v62;
	_ =	sdelay $0x3  }
0x6a6: {  	v35 =	vadd.s32 v0, v60;
	v0 =	vld [tilespmem:$0x1F780];
	[tilespmem:s31+$0x9010] =	vst v61  }
0x6a7: {  	v61 =	vand.u32 $0xFFFFFFF8, v35;
	v62 =	vld.idx.msk [tilespmem:v62+s23+$0x0], $0xffff  }
0x6a8: {  	v61 =	vor.u32 v3, v61;
	_ =	sdelay $0x3  }
0x6a9: {  	v37 =	vadd.s32 v0, v60;
	v0 =	vld [tilespmem:$0x1F790];
	[tilespmem:s31+$0x8890] =	vst v62  }
0x6aa: {  	v62 =	vand.u32 $0xFFFFFFF8, v37;
	v61 =	vld.idx.msk [tilespmem:v61+s23+$0x0], $0xffff  }
0x6ab: {  	v62 =	vor.u32 v5, v62;
	_ =	sdelay $0x3  }
0x6ac: {  	v38 =	vadd.s32 v0, v60;
	v0 =	vld [tilespmem:$0x1F7A0];
	[tilespmem:s31+$0x8A90] =	vst v61  }
0x6ad: {  	v61 =	vand.u32 $0xFFFFFFF8, v38;
	v62 =	vld.idx.msk [tilespmem:v62+s23+$0x0], $0xffff  }
0x6ae: {  	v61 =	vor.u32 v7, v61;
	_ =	sdelay $0x3  }
0x6af: {  	v40 =	vadd.s32 v0, v60;
	v0 =	vld [tilespmem:$0x1F7B0];
	[tilespmem:s31+$0x8C90] =	vst v62  }
0x6b0: {  	v62 =	vand.u32 $0xFFFFFFF8, v40;
	v61 =	vld.idx.msk [tilespmem:v61+s23+$0x0], $0xffff  }
0x6b1: {  	v62 =	vor.u32 v9, v62;
	_ =	sdelay $0x3  }
0x6b2: {  	v32 =	vadd.s32 v0, v60;
	v0 =	vld [tilespmem:$0x1F7C0];
	[tilespmem:s31+$0x8E90] =	vst v61  }
0x6b3: {  	v61 =	vand.u32 $0xFFFFFFF8, v32;
	v62 =	vld.idx.msk [tilespmem:v62+s23+$0x0], $0xffff  }
0x6b4: {  	v61 =	vor.u32 v11, v61;
	_ =	sdelay $0x3  }
0x6b5: {  	v33 =	vadd.s32 v0, v60;
	v0 =	vld [tilespmem:$0x1F7D0];
	[tilespmem:s31+$0x9090] =	vst v62  }
0x6b6: {  	v62 =	vand.u32 $0xFFFFFFF8, v33;
	v61 =	vld.idx.msk [tilespmem:v61+s23+$0x0], $0xffff  }
0x6b7: {  	v62 =	vor.u32 v13, v62;
	_ =	sdelay $0x3  }
0x6b8: {  	v35 =	vadd.s32 v0, v60;
	v0 =	vld [tilespmem:$0x1F7E0];
	[tilespmem:s31+$0x9110] =	vst v61  }
0x6b9: {  	v61 =	vand.u32 $0xFFFFFFF8, v35;
	v62 =	vld.idx.msk [tilespmem:v62+s23+$0x0], $0xffff  }
0x6ba: {  	v61 =	vor.u32 v15, v61;
	_ =	sdelay $0x3  }
0x6bb: {  	v37 =	vadd.s32 v0, v60;
	v0 =	vld [tilespmem:$0x1F7F0];
	[tilespmem:s31+$0x9310] =	vst v62  }
0x6bc: {  	v62 =	vand.u32 $0xFFFFFFF8, v37;
	v61 =	vld.idx.msk [tilespmem:v61+s23+$0x0], $0xffff  }
0x6bd: {  	v62 =	vor.u32 v17, v62;
	_ =	sdelay $0x3  }
0x6be: {  	v38 =	vadd.s32 v0, v60;
	v0 =	vld [tilespmem:$0x1F800];
	[tilespmem:s31+$0x9510] =	vst v61  }
0x6bf: {  	v61 =	vand.u32 $0xFFFFFFF8, v38;
	v62 =	vld.idx.msk [tilespmem:v62+s23+$0x0], $0xffff  }
0x6c0: {  	v61 =	vor.u32 v3, v61;
	_ =	sdelay $0x3  }
0x6c1: {  	v40 =	vadd.s32 v0, v60;
	v0 =	vld [tilespmem:$0x1F810];
	[tilespmem:s31+$0x9710] =	vst v62  }
0x6c2: {  	v62 =	vand.u32 $0xFFFFFFF8, v40;
	v61 =	vld.idx.msk [tilespmem:v61+s23+$0x0], $0xffff  }
0x6c3: {  	v62 =	vor.u32 v5, v62;
	_ =	sdelay $0x3  }
0x6c4: {  	v32 =	vadd.s32 v0, v60;
	v0 =	vld [tilespmem:$0x1F820];
	[tilespmem:s31+$0x9910] =	vst v61  }
0x6c5: {  	v61 =	vand.u32 $0xFFFFFFF8, v32;
	v62 =	vld.idx.msk [tilespmem:v62+s23+$0x0], $0xffff  }
0x6c6: {  	v61 =	vor.u32 v7, v61;
	_ =	sdelay $0x3  }
0x6c7: {  	v33 =	vadd.s32 v0, v60;
	v0 =	vld [tilespmem:$0x1F830];
	[tilespmem:s31+$0x9190] =	vst v62  }
0x6c8: {  	v62 =	vand.u32 $0xFFFFFFF8, v33;
	v61 =	vld.idx.msk [tilespmem:v61+s23+$0x0], $0xffff  }
0x6c9: {  	v62 =	vor.u32 v9, v62;
	_ =	sdelay $0x3  }
0x6ca: {  	v35 =	vadd.s32 v0, v60;
	v0 =	vld [tilespmem:$0x1F840];
	[tilespmem:s31+$0x9390] =	vst v61  }
0x6cb: {  	v61 =	vand.u32 $0xFFFFFFF8, v35;
	v62 =	vld.idx.msk [tilespmem:v62+s23+$0x0], $0xffff  }
0x6cc: {  	v61 =	vor.u32 v11, v61;
	_ =	sdelay $0x3  }
0x6cd: {  	v37 =	vadd.s32 v0, v60;
	v0 =	vld [tilespmem:$0x1F850];
	[tilespmem:s31+$0x9590] =	vst v62  }
0x6ce: {  	v62 =	vand.u32 $0xFFFFFFF8, v37;
	v61 =	vld.idx.msk [tilespmem:v61+s23+$0x0], $0xffff  }
0x6cf: {  	v62 =	vor.u32 v13, v62;
	_ =	sdelay $0x3  }
0x6d0: {  	v38 =	vadd.s32 v0, v60;
	v0 =	vld [tilespmem:$0x1F860];
	[tilespmem:s31+$0x9790] =	vst v61  }
0x6d1: {  	v61 =	vand.u32 $0xFFFFFFF8, v38;
	v62 =	vld.idx.msk [tilespmem:v62+s23+$0x0], $0xffff  }
0x6d2: {  	v61 =	vor.u32 v15, v61;
	_ =	sdelay $0x3  }
0x6d3: {  	v40 =	vadd.s32 v0, v60;
	v0 =	vld [tilespmem:$0x1F870];
	[tilespmem:s31+$0x9990] =	vst v62  }
0x6d4: {  	v62 =	vand.u32 $0xFFFFFFF8, v40;
	v61 =	vld.idx.msk [tilespmem:v61+s23+$0x0], $0xffff  }
0x6d5: {  	v62 =	vor.u32 v17, v62;
	_ =	sdelay $0x3  }
0x6d6: {  	v32 =	vadd.s32 v0, v60;
	v0 =	vld [tilespmem:$0x1F880];
	[tilespmem:s31+$0x9210] =	vst v61  }
0x6d7: {  	v61 =	vand.u32 $0xFFFFFFF8, v32;
	v62 =	vld.idx.msk [tilespmem:v62+s23+$0x0], $0xffff  }
0x6d8: {  	v61 =	vor.u32 v3, v61;
	_ =	sdelay $0x3  }
0x6d9: {  	v33 =	vadd.s32 v0, v60;
	v0 =	vld [tilespmem:$0x1F890];
	[tilespmem:s31+$0x9410] =	vst v62  }
0x6da: {  	v62 =	vand.u32 $0xFFFFFFF8, v33;
	v61 =	vld.idx.msk [tilespmem:v61+s23+$0x0], $0xffff  }
0x6db: {  	v62 =	vor.u32 v5, v62;
	_ =	sdelay $0x3  }
0x6dc: {  	v35 =	vadd.s32 v0, v60;
	v0 =	vld [tilespmem:$0x1F8A0];
	[tilespmem:s31+$0x9610] =	vst v61  }
0x6dd: {  	v61 =	vand.u32 $0xFFFFFFF8, v35;
	v62 =	vld.idx.msk [tilespmem:v62+s23+$0x0], $0xffff  }
0x6de: {  	v61 =	vor.u32 v7, v61;
	_ =	sdelay $0x3  }
0x6df: {  	v37 =	vadd.s32 v0, v60;
	v0 =	vld [tilespmem:$0x1F8B0];
	[tilespmem:s31+$0x9810] =	vst v62  }
0x6e0: {  	v62 =	vand.u32 $0xFFFFFFF8, v37;
	v61 =	vld.idx.msk [tilespmem:v61+s23+$0x0], $0xffff  }
0x6e1: {  	v62 =	vor.u32 v9, v62;
	_ =	sdelay $0x3  }
0x6e2: {  	v38 =	vadd.s32 v0, v60;
	v0 =	vld [tilespmem:$0x1F8C0];
	[tilespmem:s31+$0x9A10] =	vst v61  }
0x6e3: {  	v61 =	vand.u32 $0xFFFFFFF8, v38;
	v62 =	vld.idx.msk [tilespmem:v62+s23+$0x0], $0xffff  }
0x6e4: {  	v61 =	vor.u32 v11, v61;
	_ =	sdelay $0x3  }
0x6e5: {  	v40 =	vadd.s32 v0, v60;
	v0 =	vld [tilespmem:$0x1F8D0];
	[tilespmem:s31+$0x9290] =	vst v62  }
0x6e6: {  	v62 =	vand.u32 $0xFFFFFFF8, v40;
	v61 =	vld.idx.msk [tilespmem:v61+s23+$0x0], $0xffff  }
0x6e7: {  	v62 =	vor.u32 v13, v62;
	_ =	sdelay $0x3  }
0x6e8: {  	v32 =	vadd.s32 v0, v60;
	v0 =	vld [tilespmem:$0x1F8E0];
	[tilespmem:s31+$0x9490] =	vst v61  }
0x6e9: {  	v61 =	vand.u32 $0xFFFFFFF8, v32;
	v62 =	vld.idx.msk [tilespmem:v62+s23+$0x0], $0xffff  }
0x6ea: {  	v61 =	vor.u32 v15, v61;
	_ =	sdelay $0x3  }
0x6eb: {  	v33 =	vadd.s32 v0, v60;
	v0 =	vld [tilespmem:$0x1F8F0];
	[tilespmem:s31+$0x9690] =	vst v62  }
0x6ec: {  	v62 =	vand.u32 $0xFFFFFFF8, v33;
	v61 =	vld.idx.msk [tilespmem:v61+s23+$0x0], $0xffff  }
0x6ed: {  	v62 =	vor.u32 v17, v62;
	_ =	sdelay $0x3  }
0x6ee: {  	v35 =	vadd.s32 v0, v60;
	v0 =	vld [tilespmem:$0x1F900];
	[tilespmem:s31+$0x9890] =	vst v61  }
0x6ef: {  	v61 =	vand.u32 $0xFFFFFFF8, v35;
	v62 =	vld.idx.msk [tilespmem:v62+s23+$0x0], $0xffff  }
0x6f0: {  	v61 =	vor.u32 v3, v61;
	_ =	sdelay $0x3  }
0x6f1: {  	v37 =	vadd.s32 v0, v60;
	v0 =	vld [tilespmem:$0x1F910];
	[tilespmem:s31+$0x9A90] =	vst v62  }
0x6f2: {  	v62 =	vand.u32 $0xFFFFFFF8, v37;
	v61 =	vld.idx.msk [tilespmem:v61+s23+$0x0], $0xffff  }
0x6f3: {  	v62 =	vor.u32 v5, v62;
	_ =	sdelay $0x3  }
0x6f4: {  	v38 =	vadd.s32 v0, v60;
	v0 =	vld [tilespmem:$0x1F920];
	[tilespmem:s31+$0x9B10] =	vst v61  }
0x6f5: {  	v61 =	vand.u32 $0xFFFFFFF8, v38;
	v62 =	vld.idx.msk [tilespmem:v62+s23+$0x0], $0xffff  }
0x6f6: {  	v61 =	vor.u32 v7, v61;
	_ =	sdelay $0x3  }
0x6f7: {  	v40 =	vadd.s32 v0, v60;
	v0 =	vld [tilespmem:$0x1F930];
	[tilespmem:s31+$0x9D10] =	vst v62  }
0x6f8: {  	v62 =	vand.u32 $0xFFFFFFF8, v40;
	v61 =	vld.idx.msk [tilespmem:v61+s23+$0x0], $0xffff  }
0x6f9: {  	v62 =	vor.u32 v9, v62;
	_ =	sdelay $0x3  }
0x6fa: {  	v32 =	vadd.s32 v0, v60;
	v0 =	vld [tilespmem:$0x1F940];
	[tilespmem:s31+$0x9F10] =	vst v61  }
0x6fb: {  	v61 =	vand.u32 $0xFFFFFFF8, v32;
	v62 =	vld.idx.msk [tilespmem:v62+s23+$0x0], $0xffff  }
0x6fc: {  	v61 =	vor.u32 v11, v61;
	_ =	sdelay $0x3  }
0x6fd: {  	v33 =	vadd.s32 v0, v60;
	v0 =	vld [tilespmem:$0x1F950];
	[tilespmem:s31+$0xA110] =	vst v62  }
0x6fe: {  	v62 =	vand.u32 $0xFFFFFFF8, v33;
	v61 =	vld.idx.msk [tilespmem:v61+s23+$0x0], $0xffff  }
0x6ff: {  	v62 =	vor.u32 v13, v62;
	_ =	sdelay $0x3  }
0x700: {  	v35 =	vadd.s32 v0, v60;
	v0 =	vld [tilespmem:$0x1F960];
	[tilespmem:s31+$0xA310] =	vst v61  }
0x701: {  	v61 =	vand.u32 $0xFFFFFFF8, v35;
	v62 =	vld.idx.msk [tilespmem:v62+s23+$0x0], $0xffff  }
0x702: {  	v61 =	vor.u32 v15, v61;
	_ =	sdelay $0x3  }
0x703: {  	v37 =	vadd.s32 v0, v60;
	v0 =	vld [tilespmem:$0x1F970];
	[tilespmem:s31+$0x9B90] =	vst v62  }
0x704: {  	v62 =	vand.u32 $0xFFFFFFF8, v37;
	v61 =	vld.idx.msk [tilespmem:v61+s23+$0x0], $0xffff  }
0x705: {  	v62 =	vor.u32 v17, v62;
	_ =	sdelay $0x3  }
0x706: {  	v38 =	vadd.s32 v0, v60;
	v0 =	vld [tilespmem:$0x1F980];
	[tilespmem:s31+$0x9D90] =	vst v61  }
0x707: {  	v61 =	vand.u32 $0xFFFFFFF8, v38;
	v62 =	vld.idx.msk [tilespmem:v62+s23+$0x0], $0xffff  }
0x708: {  	v61 =	vor.u32 v3, v61;
	_ =	sdelay $0x3  }
0x709: {  	v40 =	vadd.s32 v0, v60;
	v0 =	vld [tilespmem:$0x1F990];
	[tilespmem:s31+$0x9F90] =	vst v62  }
0x70a: {  	v62 =	vand.u32 $0xFFFFFFF8, v40;
	v61 =	vld.idx.msk [tilespmem:v61+s23+$0x0], $0xffff  }
0x70b: {  	v62 =	vor.u32 v5, v62;
	_ =	sdelay $0x3  }
0x70c: {  	v32 =	vadd.s32 v0, v60;
	v0 =	vld [tilespmem:$0x1F9A0];
	[tilespmem:s31+$0xA190] =	vst v61  }
0x70d: {  	v61 =	vand.u32 $0xFFFFFFF8, v32;
	v62 =	vld.idx.msk [tilespmem:v62+s23+$0x0], $0xffff  }
0x70e: {  	v61 =	vor.u32 v7, v61;
	_ =	sdelay $0x3  }
0x70f: {  	v33 =	vadd.s32 v0, v60;
	v0 =	vld [tilespmem:$0x1F9B0];
	[tilespmem:s31+$0xA390] =	vst v62  }
0x710: {  	v62 =	vand.u32 $0xFFFFFFF8, v33;
	v61 =	vld.idx.msk [tilespmem:v61+s23+$0x0], $0xffff  }
0x711: {  	v62 =	vor.u32 v9, v62;
	_ =	sdelay $0x3  }
0x712: {  	v35 =	vadd.s32 v0, v60;
	v0 =	vld [tilespmem:$0x1F9C0];
	[tilespmem:s31+$0x9C10] =	vst v61  }
0x713: {  	v61 =	vand.u32 $0xFFFFFFF8, v35;
	v62 =	vld.idx.msk [tilespmem:v62+s23+$0x0], $0xffff  }
0x714: {  	v61 =	vor.u32 v11, v61;
	_ =	sdelay $0x3  }
0x715: {  	v37 =	vadd.s32 v0, v60;
	v0 =	vld [tilespmem:$0x1F9D0];
	[tilespmem:s31+$0x9E10] =	vst v62  }
0x716: {  	v62 =	vand.u32 $0xFFFFFFF8, v37;
	v61 =	vld.idx.msk [tilespmem:v61+s23+$0x0], $0xffff  }
0x717: {  	v62 =	vor.u32 v13, v62;
	_ =	sdelay $0x3  }
0x718: {  	v38 =	vadd.s32 v0, v60;
	v0 =	vld [tilespmem:$0x1F9E0];
	[tilespmem:s31+$0xA010] =	vst v61  }
0x719: {  	v61 =	vand.u32 $0xFFFFFFF8, v38;
	v62 =	vld.idx.msk [tilespmem:v62+s23+$0x0], $0xffff  }
0x71a: {  	v61 =	vor.u32 v15, v61;
	_ =	sdelay $0x3  }
0x71b: {  	v40 =	vadd.s32 v0, v60;
	v0 =	vld [tilespmem:$0x1F9F0];
	[tilespmem:s31+$0xA210] =	vst v62  }
0x71c: {  	v62 =	vand.u32 $0xFFFFFFF8, v40;
	v61 =	vld.idx.msk [tilespmem:v61+s23+$0x0], $0xffff  }
0x71d: {  	v62 =	vor.u32 v17, v62;
	_ =	sdelay $0x3  }
0x71e: {  	v32 =	vadd.s32 v0, v60;
	v0 =	vld [tilespmem:$0x1FA00];
	[tilespmem:s31+$0xA410] =	vst v61  }
0x71f: {  	v61 =	vand.u32 $0xFFFFFFF8, v32;
	v62 =	vld.idx.msk [tilespmem:v62+s23+$0x0], $0xffff  }
0x720: {  	v61 =	vor.u32 v3, v61;
	_ =	sdelay $0x3  }
0x721: {  	v33 =	vadd.s32 v0, v60;
	v0 =	vld [tilespmem:$0x1FA10];
	[tilespmem:s31+$0x9C90] =	vst v62  }
0x722: {  	v62 =	vand.u32 $0xFFFFFFF8, v33;
	v61 =	vld.idx.msk [tilespmem:v61+s23+$0x0], $0xffff  }
0x723: {  	v62 =	vor.u32 v5, v62;
	_ =	sdelay $0x3  }
0x724: {  	v35 =	vadd.s32 v0, v60;
	v0 =	vld [tilespmem:$0x1FA20];
	[tilespmem:s31+$0x9E90] =	vst v61  }
0x725: {  	v61 =	vand.u32 $0xFFFFFFF8, v35;
	v62 =	vld.idx.msk [tilespmem:v62+s23+$0x0], $0xffff  }
0x726: {  	v61 =	vor.u32 v7, v61;
	_ =	sdelay $0x3  }
0x727: {  	v37 =	vadd.s32 v0, v60;
	v0 =	vld [tilespmem:$0x1FA30];
	[tilespmem:s31+$0xA090] =	vst v62  }
0x728: {  	v62 =	vand.u32 $0xFFFFFFF8, v37;
	v61 =	vld.idx.msk [tilespmem:v61+s23+$0x0], $0xffff  }
0x729: {  	v62 =	vor.u32 v9, v62;
	_ =	sdelay $0x3  }
0x72a: {  	v38 =	vadd.s32 v0, v60;
	v0 =	vld [tilespmem:$0x1FA40];
	[tilespmem:s31+$0xA290] =	vst v61  }
0x72b: {  	v61 =	vand.u32 $0xFFFFFFF8, v38;
	v62 =	vld.idx.msk [tilespmem:v62+s23+$0x0], $0xffff  }
0x72c: {  	v61 =	vor.u32 v11, v61;
	_ =	sdelay $0x3  }
0x72d: {  	v40 =	vadd.s32 v0, v60;
	v0 =	vld [tilespmem:$0x1FA50];
	[tilespmem:s31+$0xA490] =	vst v62  }
0x72e: {  	v62 =	vand.u32 $0xFFFFFFF8, v40;
	v61 =	vld.idx.msk [tilespmem:v61+s23+$0x0], $0xffff  }
0x72f: {  	v62 =	vor.u32 v13, v62;
	_ =	sdelay $0x3  }
0x730: {  	v32 =	vadd.s32 v0, v60;
	v0 =	vld [tilespmem:$0x1FA60];
	[tilespmem:s31+$0xA510] =	vst v61  }
0x731: {  	v61 =	vand.u32 $0xFFFFFFF8, v32;
	v62 =	vld.idx.msk [tilespmem:v62+s23+$0x0], $0xffff  }
0x732: {  	v61 =	vor.u32 v15, v61;
	_ =	sdelay $0x3  }
0x733: {  	v33 =	vadd.s32 v0, v60;
	v0 =	vld [tilespmem:$0x1FA70];
	[tilespmem:s31+$0xA710] =	vst v62  }
0x734: {  	v62 =	vand.u32 $0xFFFFFFF8, v33;
	v61 =	vld.idx.msk [tilespmem:v61+s23+$0x0], $0xffff  }
0x735: {  	v62 =	vor.u32 v17, v62;
	_ =	sdelay $0x3  }
0x736: {  	v35 =	vadd.s32 v0, v60;
	v0 =	vld [tilespmem:$0x1FA80];
	[tilespmem:s31+$0xA910] =	vst v61  }
0x737: {  	v61 =	vand.u32 $0xFFFFFFF8, v35;
	v62 =	vld.idx.msk [tilespmem:v62+s23+$0x0], $0xffff  }
0x738: {  	v61 =	vor.u32 v3, v61;
	_ =	sdelay $0x3  }
0x739: {  	v37 =	vadd.s32 v0, v60;
	v0 =	vld [tilespmem:$0x1FA90];
	[tilespmem:s31+$0xAB10] =	vst v62  }
0x73a: {  	v62 =	vand.u32 $0xFFFFFFF8, v37;
	v61 =	vld.idx.msk [tilespmem:v61+s23+$0x0], $0xffff  }
0x73b: {  	v62 =	vor.u32 v5, v62;
	_ =	sdelay $0x3  }
0x73c: {  	v38 =	vadd.s32 v0, v60;
	v0 =	vld [tilespmem:$0x1FAA0];
	[tilespmem:s31+$0xAD10] =	vst v61  }
0x73d: {  	v61 =	vand.u32 $0xFFFFFFF8, v38;
	v62 =	vld.idx.msk [tilespmem:v62+s23+$0x0], $0xffff  }
0x73e: {  	v61 =	vor.u32 v7, v61;
	_ =	sdelay $0x3  }
0x73f: {  	v40 =	vadd.s32 v0, v60;
	v0 =	vld [tilespmem:$0x1FAB0];
	[tilespmem:s31+$0xA590] =	vst v62  }
0x740: {  	v62 =	vand.u32 $0xFFFFFFF8, v40;
	v61 =	vld.idx.msk [tilespmem:v61+s23+$0x0], $0xffff  }
0x741: {  	v62 =	vor.u32 v9, v62;
	_ =	sdelay $0x3  }
0x742: {  	v0 =	vadd.s32 v0, v60;
	[tilespmem:s31+$0xA790] =	vst v61  }
0x743: {  	v0 =	vand.u32 $0xFFFFFFF8, v0;
	v61 =	vld.idx.msk [tilespmem:v62+s23+$0x0], $0xffff  }
0x744: {  	v0 =	vor.u32 v11, v0;
	_ =	sdelay $0x3  }
0x745: {  	v1 =	vld [tilespmem:$0x1FAC0];
	[tilespmem:s31+$0xA990] =	vst v61  }
0x746: {  	v0 =	vld.idx.msk [tilespmem:v0+s23+$0x0], $0xffff;
	_ =	sdelay $0x3  }
0x747: {  	v1 =	vadd.s32 v1, v60  }
0x748: {  	v1 =	vand.u32 $0xFFFFFFF8, v1;
	[tilespmem:s31+$0xAB90] =	vst v0;
	v0 =	vld [tilespmem:$0x1FAD0]  }
0x749: {  	v1 =	vor.u32 v13, v1;
	_ =	sdelay $0x3  }
0x74a: {  	v0 =	vadd.s32 v0, v60  }
0x74b: {  	v1 =	vld.idx.msk [tilespmem:v1+s23+$0x0], $0xffff;
	v0 =	vand.u32 $0xFFFFFFF8, v0  }
0x74c: {  	v0 =	vor.u32 v15, v0;
	_ =	sdelay $0x3  }
0x74d: {  	[tilespmem:s31+$0xAD90] =	vst v1;
	v1 =	vld [tilespmem:$0x1FAE0]  }
0x74e: {  	v0 =	vld.idx.msk [tilespmem:v0+s23+$0x0], $0xffff;
	_ =	sdelay $0x3  }
0x74f: {  	v1 =	vadd.s32 v1, v60  }
0x750: {  	v1 =	vand.u32 $0xFFFFFFF8, v1;
	[tilespmem:s31+$0xA610] =	vst v0;
	v0 =	vld [tilespmem:$0x1FAF0]  }
0x751: {  	v1 =	vor.u32 v17, v1;
	_ =	sdelay $0x3  }
0x752: {  	v0 =	vadd.s32 v0, v60  }
0x753: {  	v1 =	vld.idx.msk [tilespmem:v1+s23+$0x0], $0xffff;
	v0 =	vand.u32 $0xFFFFFFF8, v0  }
0x754: {  	v0 =	vor.u32 v3, v0;
	_ =	sdelay $0x3  }
0x755: {  	[tilespmem:s31+$0xA810] =	vst v1;
	v1 =	vld [tilespmem:$0x1FB00]  }
0x756: {  	v0 =	vld.idx.msk [tilespmem:v0+s23+$0x0], $0xffff;
	_ =	sdelay $0x3  }
0x757: {  	v1 =	vadd.s32 v1, v60  }
0x758: {  	v1 =	vand.u32 $0xFFFFFFF8, v1;
	[tilespmem:s31+$0xAA10] =	vst v0;
	v0 =	vld [tilespmem:$0x1FB10]  }
0x759: {  	v1 =	vor.u32 v5, v1;
	_ =	sdelay $0x3  }
0x75a: {  	v0 =	vadd.s32 v0, v60  }
0x75b: {  	v1 =	vld.idx.msk [tilespmem:v1+s23+$0x0], $0xffff;
	v0 =	vand.u32 $0xFFFFFFF8, v0  }
0x75c: {  	v0 =	vor.u32 v7, v0;
	_ =	sdelay $0x3  }
0x75d: {  	[tilespmem:s31+$0xAC10] =	vst v1;
	v1 =	vld [tilespmem:$0x1FB20]  }
0x75e: {  	v0 =	vld.idx.msk [tilespmem:v0+s23+$0x0], $0xffff;
	_ =	sdelay $0x3  }
0x75f: {  	v1 =	vadd.s32 v1, v60  }
0x760: {  	v1 =	vand.u32 $0xFFFFFFF8, v1;
	[tilespmem:s31+$0xAE10] =	vst v0;
	v0 =	vld [tilespmem:$0x1FB30]  }
0x761: {  	v1 =	vor.u32 v9, v1;
	_ =	sdelay $0x3  }
0x762: {  	v0 =	vadd.s32 v0, v60  }
0x763: {  	v1 =	vld.idx.msk [tilespmem:v1+s23+$0x0], $0xffff;
	v0 =	vand.u32 $0xFFFFFFF8, v0  }
0x764: {  	v0 =	vor.u32 v11, v0;
	_ =	sdelay $0x3  }
0x765: {  	[tilespmem:s31+$0xA690] =	vst v1;
	v1 =	vld [tilespmem:$0x1FB40]  }
0x766: {  	v0 =	vld.idx.msk [tilespmem:v0+s23+$0x0], $0xffff;
	_ =	sdelay $0x3  }
0x767: {  	v1 =	vadd.s32 v1, v60  }
0x768: {  	v1 =	vand.u32 $0xFFFFFFF8, v1;
	[tilespmem:s31+$0xA890] =	vst v0;
	v0 =	vld [tilespmem:$0x1FB50]  }
0x769: {  	v1 =	vor.u32 v13, v1;
	_ =	sdelay $0x3  }
0x76a: {  	v0 =	vadd.s32 v0, v60  }
0x76b: {  	v1 =	vld.idx.msk [tilespmem:v1+s23+$0x0], $0xffff;
	v0 =	vand.u32 $0xFFFFFFF8, v0  }
0x76c: {  	v0 =	vor.u32 v15, v0;
	_ =	sdelay $0x3  }
0x76d: {  	[tilespmem:s31+$0xAA90] =	vst v1;
	v1 =	vld [tilespmem:$0x1FB60]  }
0x76e: {  	v0 =	vld.idx.msk [tilespmem:v0+s23+$0x0], $0xffff;
	_ =	sdelay $0x3  }
0x76f: {  	v1 =	vadd.s32 v1, v60  }
0x770: {  	v1 =	vand.u32 $0xFFFFFFF8, v1;
	[tilespmem:s31+$0xAC90] =	vst v0;
	v0 =	vld [tilespmem:$0x1FB70]  }
0x771: {  	v1 =	vor.u32 v17, v1;
	_ =	sdelay $0x3  }
0x772: {  	v0 =	vadd.s32 v0, v60  }
0x773: {  	v1 =	vld.idx.msk [tilespmem:v1+s23+$0x0], $0xffff;
	v0 =	vand.u32 $0xFFFFFFF8, v0  }
0x774: {  	v0 =	vor.u32 v3, v0;
	_ =	sdelay $0x3  }
0x775: {  	[tilespmem:s31+$0xAE90] =	vst v1;
	v1 =	vld [tilespmem:$0x1FB80]  }
0x776: {  	v0 =	vld.idx.msk [tilespmem:v0+s23+$0x0], $0xffff;
	_ =	sdelay $0x3  }
0x777: {  	v1 =	vadd.s32 v1, v60  }
0x778: {  	v1 =	vand.u32 $0xFFFFFFF8, v1;
	[tilespmem:s31+$0xAF10] =	vst v0;
	v0 =	vld [tilespmem:$0x1FB90]  }
0x779: {  	v1 =	vor.u32 v5, v1;
	_ =	sdelay $0x3  }
0x77a: {  	v0 =	vadd.s32 v0, v60  }
0x77b: {  	v1 =	vld.idx.msk [tilespmem:v1+s23+$0x0], $0xffff;
	v0 =	vand.u32 $0xFFFFFFF8, v0  }
0x77c: {  	v0 =	vor.u32 v7, v0;
	_ =	sdelay $0x3  }
0x77d: {  	[tilespmem:s31+$0xB110] =	vst v1;
	v1 =	vld [tilespmem:$0x1FBA0]  }
0x77e: {  	v0 =	vld.idx.msk [tilespmem:v0+s23+$0x0], $0xffff;
	_ =	sdelay $0x3  }
0x77f: {  	v1 =	vadd.s32 v1, v60  }
0x780: {  	v1 =	vand.u32 $0xFFFFFFF8, v1;
	[tilespmem:s31+$0xB310] =	vst v0;
	v0 =	vld [tilespmem:$0x1FBB0]  }
0x781: {  	v1 =	vor.u32 v9, v1;
	_ =	sdelay $0x3  }
0x782: {  	v0 =	vadd.s32 v0, v60  }
0x783: {  	v1 =	vld.idx.msk [tilespmem:v1+s23+$0x0], $0xffff;
	v0 =	vand.u32 $0xFFFFFFF8, v0  }
0x784: {  	v0 =	vor.u32 v11, v0;
	_ =	sdelay $0x3  }
0x785: {  	[tilespmem:s31+$0xB510] =	vst v1;
	v1 =	vld [tilespmem:$0x1FBC0]  }
0x786: {  	v0 =	vld.idx.msk [tilespmem:v0+s23+$0x0], $0xffff;
	_ =	sdelay $0x3  }
0x787: {  	v1 =	vadd.s32 v1, v60  }
0x788: {  	v1 =	vand.u32 $0xFFFFFFF8, v1;
	[tilespmem:s31+$0xB710] =	vst v0;
	v0 =	vld [tilespmem:$0x1FBD0]  }
0x789: {  	v1 =	vor.u32 v13, v1;
	_ =	sdelay $0x3  }
0x78a: {  	v0 =	vadd.s32 v0, v60  }
0x78b: {  	v1 =	vld.idx.msk [tilespmem:v1+s23+$0x0], $0xffff;
	v0 =	vand.u32 $0xFFFFFFF8, v0  }
0x78c: {  	v0 =	vor.u32 v15, v0;
	_ =	sdelay $0x3  }
0x78d: {  	[tilespmem:s31+$0xAF90] =	vst v1;
	v1 =	vld [tilespmem:$0x1FBE0]  }
0x78e: {  	v0 =	vld.idx.msk [tilespmem:v0+s23+$0x0], $0xffff;
	_ =	sdelay $0x3  }
0x78f: {  	v1 =	vadd.s32 v1, v60  }
0x790: {  	v1 =	vand.u32 $0xFFFFFFF8, v1;
	[tilespmem:s31+$0xB190] =	vst v0;
	v0 =	vld [tilespmem:$0x1FBF0]  }
0x791: {  	v1 =	vor.u32 v17, v1;
	_ =	sdelay $0x3  }
0x792: {  	v0 =	vadd.s32 v0, v60  }
0x793: {  	v1 =	vld.idx.msk [tilespmem:v1+s23+$0x0], $0xffff;
	v0 =	vand.u32 $0xFFFFFFF8, v0  }
0x794: {  	v0 =	vor.u32 v3, v0;
	_ =	sdelay $0x3  }
0x795: {  	[tilespmem:s31+$0xB390] =	vst v1;
	v1 =	vld [tilespmem:$0x1FC00]  }
0x796: {  	v0 =	vld.idx.msk [tilespmem:v0+s23+$0x0], $0xffff;
	_ =	sdelay $0x3  }
0x797: {  	v1 =	vadd.s32 v1, v60  }
0x798: {  	v1 =	vand.u32 $0xFFFFFFF8, v1;
	[tilespmem:s31+$0xB590] =	vst v0;
	v0 =	vld [tilespmem:$0x1FC10]  }
0x799: {  	v1 =	vor.u32 v5, v1;
	_ =	sdelay $0x3  }
0x79a: {  	v0 =	vadd.s32 v0, v60  }
0x79b: {  	v1 =	vld.idx.msk [tilespmem:v1+s23+$0x0], $0xffff;
	v0 =	vand.u32 $0xFFFFFFF8, v0  }
0x79c: {  	v0 =	vor.u32 v7, v0;
	_ =	sdelay $0x3  }
0x79d: {  	[tilespmem:s31+$0xB790] =	vst v1;
	v1 =	vld [tilespmem:$0x1FC20]  }
0x79e: {  	v0 =	vld.idx.msk [tilespmem:v0+s23+$0x0], $0xffff;
	_ =	sdelay $0x3  }
0x79f: {  	v1 =	vadd.s32 v1, v60  }
0x7a0: {  	v1 =	vand.u32 $0xFFFFFFF8, v1;
	[tilespmem:s31+$0xB010] =	vst v0;
	v0 =	vld [tilespmem:$0x1FC30]  }
0x7a1: {  	v1 =	vor.u32 v9, v1;
	_ =	sdelay $0x3  }
0x7a2: {  	v0 =	vadd.s32 v0, v60  }
0x7a3: {  	v1 =	vld.idx.msk [tilespmem:v1+s23+$0x0], $0xffff;
	v0 =	vand.u32 $0xFFFFFFF8, v0  }
0x7a4: {  	v0 =	vor.u32 v11, v0;
	_ =	sdelay $0x3  }
0x7a5: {  	[tilespmem:s31+$0xB210] =	vst v1;
	v1 =	vld [tilespmem:$0x1FC40]  }
0x7a6: {  	v0 =	vld.idx.msk [tilespmem:v0+s23+$0x0], $0xffff;
	_ =	sdelay $0x3  }
0x7a7: {  	v1 =	vadd.s32 v1, v60  }
0x7a8: {  	v1 =	vand.u32 $0xFFFFFFF8, v1;
	[tilespmem:s31+$0xB410] =	vst v0;
	v0 =	vld [tilespmem:$0x1FC50]  }
0x7a9: {  	v1 =	vor.u32 v13, v1;
	_ =	sdelay $0x3  }
0x7aa: {  	v0 =	vadd.s32 v0, v60  }
0x7ab: {  	v1 =	vld.idx.msk [tilespmem:v1+s23+$0x0], $0xffff;
	v0 =	vand.u32 $0xFFFFFFF8, v0  }
0x7ac: {  	v0 =	vor.u32 v15, v0;
	_ =	sdelay $0x3  }
0x7ad: {  	[tilespmem:s31+$0xB610] =	vst v1;
	v1 =	vld [tilespmem:$0x1FC60]  }
0x7ae: {  	v0 =	vld.idx.msk [tilespmem:v0+s23+$0x0], $0xffff;
	_ =	sdelay $0x3  }
0x7af: {  	v1 =	vadd.s32 v1, v60  }
0x7b0: {  	v1 =	vand.u32 $0xFFFFFFF8, v1;
	[tilespmem:s31+$0xB810] =	vst v0;
	v0 =	vld [tilespmem:$0x1FC70]  }
0x7b1: {  	v1 =	vor.u32 v17, v1;
	_ =	sdelay $0x3  }
0x7b2: {  	v0 =	vadd.s32 v0, v60  }
0x7b3: {  	v1 =	vld.idx.msk [tilespmem:v1+s23+$0x0], $0xffff;
	v0 =	vand.u32 $0xFFFFFFF8, v0  }
0x7b4: {  	v0 =	vor.u32 v3, v0;
	_ =	sdelay $0x3  }
0x7b5: {  	[tilespmem:s31+$0xB090] =	vst v1;
	v1 =	vld [tilespmem:$0x1FC80]  }
0x7b6: {  	v0 =	vld.idx.msk [tilespmem:v0+s23+$0x0], $0xffff;
	_ =	sdelay $0x3  }
0x7b7: {  	v1 =	vadd.s32 v1, v60  }
0x7b8: {  	v1 =	vand.u32 $0xFFFFFFF8, v1;
	[tilespmem:s31+$0xB290] =	vst v0;
	v0 =	vld [tilespmem:$0x1FC90]  }
0x7b9: {  	v1 =	vor.u32 v5, v1;
	_ =	sdelay $0x3  }
0x7ba: {  	v0 =	vadd.s32 v0, v60  }
0x7bb: {  	v1 =	vld.idx.msk [tilespmem:v1+s23+$0x0], $0xffff;
	v0 =	vand.u32 $0xFFFFFFF8, v0  }
0x7bc: {  	v0 =	vor.u32 v7, v0;
	_ =	sdelay $0x3  }
0x7bd: {  	[tilespmem:s31+$0xB490] =	vst v1;
	v1 =	vld [tilespmem:$0x1FCA0]  }
0x7be: {  	v0 =	vld.idx.msk [tilespmem:v0+s23+$0x0], $0xffff;
	_ =	sdelay $0x3  }
0x7bf: {  	v1 =	vadd.s32 v1, v60  }
0x7c0: {  	v1 =	vand.u32 $0xFFFFFFF8, v1;
	[tilespmem:s31+$0xB690] =	vst v0;
	v0 =	vld [tilespmem:$0x1FCB0]  }
0x7c1: {  	v1 =	vor.u32 v9, v1;
	_ =	sdelay $0x3  }
0x7c2: {  	v0 =	vadd.s32 v0, v60  }
0x7c3: {  	v1 =	vld.idx.msk [tilespmem:v1+s23+$0x0], $0xffff;
	v0 =	vand.u32 $0xFFFFFFF8, v0  }
0x7c4: {  	v0 =	vor.u32 v11, v0;
	_ =	sdelay $0x3  }
0x7c5: {  	[tilespmem:s31+$0xB890] =	vst v1;
	v1 =	vadd.s32 v41, v60  }
0x7c6: {  	v1 =	vand.u32 $0xFFFFFFF8, v1;
	v0 =	vld.idx.msk [tilespmem:v0+s23+$0x0], $0xffff  }
0x7c7: {  	v1 =	vor.u32 v13, v1;
	_ =	sdelay $0x3  }
0x7c8: {  	[tilespmem:s31+$0xB910] =	vst v0;
	v0 =	vadd.s32 v42, v60  }
0x7c9: {  	v1 =	vld.idx.msk [tilespmem:v1+s23+$0x0], $0xffff;
	v0 =	vand.u32 $0xFFFFFFF8, v0  }
0x7ca: {  	v0 =	vor.u32 v15, v0;
	_ =	sdelay $0x3  }
0x7cb: {  	[tilespmem:s31+$0xBB10] =	vst v1;
	v1 =	vadd.s32 v43, v60  }
0x7cc: {  	v0 =	vld.idx.msk [tilespmem:v0+s23+$0x0], $0xffff;
	v1 =	vand.u32 $0xFFFFFFF8, v1  }
0x7cd: {  	v1 =	vor.u32 v17, v1;
	_ =	sdelay $0x3  }
0x7ce: {  	[tilespmem:s31+$0xBD10] =	vst v0;
	v0 =	vadd.s32 v44, v60  }
0x7cf: {  	v1 =	vld.idx.msk [tilespmem:v1+s23+$0x0], $0xffff;
	v0 =	vand.u32 $0xFFFFFFF8, v0  }
0x7d0: {  	v0 =	vor.u32 v3, v0;
	_ =	sdelay $0x3  }
0x7d1: {  	[tilespmem:s31+$0xBF10] =	vst v1;
	v1 =	vadd.s32 v45, v60  }
0x7d2: {  	v0 =	vld.idx.msk [tilespmem:v0+s23+$0x0], $0xffff;
	v1 =	vand.u32 $0xFFFFFFF8, v1  }
0x7d3: {  	v1 =	vor.u32 v5, v1;
	_ =	sdelay $0x3  }
0x7d4: {  	[tilespmem:s31+$0xC110] =	vst v0;
	v0 =	vadd.s32 v46, v60  }
0x7d5: {  	v1 =	vld.idx.msk [tilespmem:v1+s23+$0x0], $0xffff;
	v0 =	vand.u32 $0xFFFFFFF8, v0  }
0x7d6: {  	v0 =	vor.u32 v7, v0;
	_ =	sdelay $0x3  }
0x7d7: {  	[tilespmem:s31+$0xB990] =	vst v1;
	v1 =	vadd.s32 v47, v60  }
0x7d8: {  	v0 =	vld.idx.msk [tilespmem:v0+s23+$0x0], $0xffff;
	v1 =	vand.u32 $0xFFFFFFF8, v1  }
0x7d9: {  	v1 =	vor.u32 v9, v1;
	_ =	sdelay $0x3  }
0x7da: {  	[tilespmem:s31+$0xBB90] =	vst v0;
	v0 =	vadd.s32 v48, v60  }
0x7db: {  	v1 =	vld.idx.msk [tilespmem:v1+s23+$0x0], $0xffff;
	v0 =	vand.u32 $0xFFFFFFF8, v0  }
0x7dc: {  	v0 =	vor.u32 v11, v0;
	_ =	sdelay $0x3  }
0x7dd: {  	[tilespmem:s31+$0xBD90] =	vst v1;
	v1 =	vadd.s32 v49, v60  }
0x7de: {  	v0 =	vld.idx.msk [tilespmem:v0+s23+$0x0], $0xffff;
	v1 =	vand.u32 $0xFFFFFFF8, v1  }
0x7df: {  	v1 =	vor.u32 v13, v1;
	_ =	sdelay $0x3  }
0x7e0: {  	[tilespmem:s31+$0xBF90] =	vst v0;
	v0 =	vadd.s32 v50, v60  }
0x7e1: {  	v1 =	vld.idx.msk [tilespmem:v1+s23+$0x0], $0xffff;
	v0 =	vand.u32 $0xFFFFFFF8, v0  }
0x7e2: {  	v0 =	vor.u32 v15, v0;
	_ =	sdelay $0x3  }
0x7e3: {  	[tilespmem:s31+$0xC190] =	vst v1;
	v1 =	vadd.s32 v51, v60  }
0x7e4: {  	v0 =	vld.idx.msk [tilespmem:v0+s23+$0x0], $0xffff;
	v1 =	vand.u32 $0xFFFFFFF8, v1  }
0x7e5: {  	v1 =	vor.u32 v17, v1;
	_ =	sdelay $0x3  }
0x7e6: {  	[tilespmem:s31+$0xBA10] =	vst v0;
	v0 =	vadd.s32 v52, v60  }
0x7e7: {  	v1 =	vld.idx.msk [tilespmem:v1+s23+$0x0], $0xffff;
	v0 =	vand.u32 $0xFFFFFFF8, v0  }
0x7e8: {  	v0 =	vor.u32 v3, v0;
	_ =	sdelay $0x3  }
0x7e9: {  	[tilespmem:s31+$0xBC10] =	vst v1;
	v1 =	vadd.s32 v53, v60  }
0x7ea: {  	v0 =	vld.idx.msk [tilespmem:v0+s23+$0x0], $0xffff;
	v1 =	vand.u32 $0xFFFFFFF8, v1  }
0x7eb: {  	v1 =	vor.u32 v5, v1;
	_ =	sdelay $0x3  }
0x7ec: {  	[tilespmem:s31+$0xBE10] =	vst v0;
	v0 =	vadd.s32 v54, v60  }
0x7ed: {  	v1 =	vld.idx.msk [tilespmem:v1+s23+$0x0], $0xffff;
	v0 =	vand.u32 $0xFFFFFFF8, v0  }
0x7ee: {  	v0 =	vor.u32 v7, v0;
	_ =	sdelay $0x3  }
0x7ef: {  	[tilespmem:s31+$0xC010] =	vst v1;
	v1 =	vadd.s32 v55, v60  }
0x7f0: {  	v0 =	vld.idx.msk [tilespmem:v0+s23+$0x0], $0xffff;
	v1 =	vand.u32 $0xFFFFFFF8, v1  }
0x7f1: {  	v1 =	vor.u32 v9, v1;
	_ =	sdelay $0x3  }
0x7f2: {  	[tilespmem:s31+$0xC210] =	vst v0;
	v0 =	vadd.s32 v56, v60  }
0x7f3: {  	v1 =	vld.idx.msk [tilespmem:v1+s23+$0x0], $0xffff;
	v0 =	vand.u32 $0xFFFFFFF8, v0  }
0x7f4: {  	v0 =	vor.u32 v11, v0;
	_ =	sdelay $0x3  }
0x7f5: {  	[tilespmem:s31+$0xBA90] =	vst v1;
	v1 =	vadd.s32 v57, v60  }
0x7f6: {  	v0 =	vld.idx.msk [tilespmem:v0+s23+$0x0], $0xffff;
	v1 =	vand.u32 $0xFFFFFFF8, v1  }
0x7f7: {  	v1 =	vor.u32 v13, v1;
	_ =	sdelay $0x3  }
0x7f8: {  	[tilespmem:s31+$0xBC90] =	vst v0;
	v0 =	vadd.s32 v58, v60  }
0x7f9: {  	v1 =	vld.idx.msk [tilespmem:v1+s23+$0x0], $0xffff;
	v0 =	vand.u32 $0xFFFFFFF8, v0  }
0x7fa: {  	v0 =	vor.u32 v15, v0;
	_ =	sdelay $0x3  }
0x7fb: {  	[tilespmem:s31+$0xBE90] =	vst v1;
	v1 =	vadd.s32 v59, v60  }
0x7fc: {  	v0 =	vld.idx.msk [tilespmem:v0+s23+$0x0], $0xffff;
	v1 =	vand.u32 $0xFFFFFFF8, v1  }
0x7fd: {  	v1 =	vor.u32 v17, v1;
	_ =	sdelay $0x3  }
0x7fe: {  	[tilespmem:s31+$0xC090] =	vst v0  }
0x7ff: {  	v0 =	vld.idx.msk [tilespmem:v1+s23+$0x0], $0xffff;
	_ =	sdelay $0x4  }
0x800: {  	v10 =	vlaneseq.u32;
	[tilespmem:s31+$0xC290] =	vst v0  }
.LBB2_6:
0x801: {  	s3 =	sshll.u32 s23, $0x7  }
0x802: {  	s3 =	sand.u32 $0x3FFFFF80, s3  }
0x803: {  	s3 =	sadd.s32 $0x7080, s3  }
0x804: {  	[tilespmem:s21], [sflag:$0x1] =	stream.indirect.gather [hbm4b:s7+s20], $0x30, s3, s20, $0xb8;
	[tilespmem:$0x17CD0] =	vst v63  }
0x805: {  	_ =	swait.ge [sflag:s22], $0x1800  }
0x806: {  	[sflag:s22] =	ssyncset.done $0x0  }
0x807: {  	s4 =	simm.s32 $0xC32E;
	[sflag:s22] =	ssyncadd.s32 $0xFFFFE800  }
0x808: {  	v0 =	vld [tilespmem:s4+$0xFFFFFFE2];
	_ =	sdelay $0x3  }
0x809: {  	s3 =	simm.s32 $0x16B40  }
0x80a: {  	[tilespmem:s3+$0x0] =	vst v0  }
0x80b: {  	v0 =	vld [tilespmem:s4+$0xFFFFFFF0];
	_ =	sdelay $0x4  }
0x80c: {  	[tilespmem:s3+$0xE] =	vst v0  }
0x80d: {  	v0 =	vld [tilespmem:s4+$0x0];
	_ =	sdelay $0x3  }
0x80e: {  	s31 =	simm.s32 $0x0  }
0x80f: {  	s24 =	simm.s32 $0xC35E;
	[tilespmem:s31+$0x17A40] =	vst v0  }
0x810: {  	s26 =	simm.s32 $0x28;
	s4 =	simm.s32 $0x14;
	v0 =	vld [tilespmem:s24+$0xFFFFFFE2]  }
.LBB2_7:
0x811: {  	p0 =	sne.s32 s26, $0x9EC;
	_ =	sdelay $0x2  }
0x812: {  	s3 =	sadd.s32 $0x1E, s3  }
0x813: {  	[tilespmem:s3+$0x0] =	vst v0  }
0x814: {  	v0 =	vld [tilespmem:s24+$0xFFFFFFF0];
	_ =	sdelay $0x4  }
0x815: {  	[tilespmem:s3+$0xE] =	vst v0  }
0x816: {  	v0 =	vld [tilespmem:s24+$0x0];
	_ =	sdelay $0x1  }
.Ltmp2:
0x817: {  	(pc) =	sbr.rel @p0 .LBB2_7-.Ltmp2, $4  }
0x818: {  	_ = 	snop  }
0x819: {  	s28 =	sshra.s32 s4, $0x2;
	s4 =	smov.u32 s26  }
0x81a: {  	s24 =	sadd.s32 $0x30, s24;
	[tilespmem:s28+$0x17A40] =	vst v0  }
0x81b: {  	s26 =	sadd.s32 $0x14, s26;
	v0 =	vld [tilespmem:s24+$0xFFFFFFE2]  }
0x81c: {  	_ =	sdelay $0x2  }
0x81d: {  	s3 =	sadd.s32 $0x1E, s3  }
0x81e: {  	[tilespmem:s3+$0x0] =	vst v0  }
0x81f: {  	v0 =	vld [tilespmem:s24+$0xFFFFFFF0];
	_ =	sdelay $0x4  }
0x820: {  	[tilespmem:s3+$0xE] =	vst v0  }
0x821: {  	v0 =	vld [tilespmem:s24+$0x0]  }
0x822: {  	s31 =	smul.u32 $0xF00, s23;
	_ =	sdelay $0x1  }
0x823: {  	s3 =	sadd.s32 s9, s31  }
0x824: {  	s4 =	sshra.s32 s4, $0x2;
	s3 =	sshrl.u32 s3, $0x3;
	s24 =	rddreg [dreg:$0x1]  }
0x825: {  	s26 =	simm.s32 $0x16B40;
	s3 =	sadd.s32 s24, s3;
	[tilespmem:s4+$0x17A40] =	vst v0  }
0x826: {  	[hbm4b:s3+s6] =	stream.linear.scatter [tilespmem:s26], [sflag:$0x5], $0xF00, $0x38;
	[tilespmem:$0x17CD0] =	vst v63  }
0x827: {  	s25 =	smul.u32 $0x280, s23;
	_ =	swait.ge [sflag:s19], $0xF00  }
0x828: {  	[sflag:s19] =	ssyncset.done $0x0  }
0x829: {  	s23 =	sadd.s32 $0x1, s23;
	s28 =	sadd.s32 s10, s25;
	[sflag:s19] =	ssyncadd.s32 $0xFFFFF100  }
0x82a: {  	p0 =	sne.s32 s23, $0x5;
	s3 =	sshrl.u32 s28, $0x3;
	s30 =	rddreg [dreg:$0x2]  }
.Ltmp3:
0x82b: {  	s31 =	simm.s32 $0x17A40;
	s3 =	sadd.s32 s30, s3;
	(pc) =	sbr.rel @p0 .LBB2_6-.Ltmp3, $4  }
0x82c: {  	[hbm4b:s3+s6] =	stream.linear.scatter [tilespmem:s31], [sflag:$0x5], $0x280, $0x38;
	[tilespmem:$0x17CD0] =	vst v63  }
0x82d: {  	_ =	swait.ge [sflag:s19], $0x280  }
0x82e: {  	[sflag:s19] =	ssyncset.done $0x0  }
0x82f: {  	[sflag:s19] =	ssyncadd.s32 $0xFFFFFD80  }
0x830: {  	s3 =	simm.s32 $0x7310  }
0x831: {  	[tilespmem:s21], [sflag:$0x1] =	stream.indirect.gather [hbm4b:s7+s20], $0x30, s3, s20, $0xb8;
	[tilespmem:$0x17CD0] =	vst v63  }
0x832: {  	s30 =	simm.s32 $0x7390;
	s4 =	simm.s32 $0xDB10  }
0x833: {  	[tilespmem:s4], [sflag:$0x1] =	stream.indirect.gather [hbm4b:s7+s20], $0x30, s30, s20, $0xb8;
	[tilespmem:$0x17CD0] =	vst v63  }
0x834: {  	s31 =	simm.s32 $0x12310;
	s3 =	simm.s32 $0x420;
	s4 =	rddreg [dreg:$0x7]  }
0x835: {  	[hbm4b:s4+s6] =	stream.linear.scatter [tilespmem:s31], [sflag:$0x3], $0x100, $0x38;
	[tilespmem:$0x17CD0] =	vst v63  }
.LBB2_10:
0x836: {  	p0 =	sne.s32 s3, $0x77A0  }
.Ltmp4:
0x837: {  	_ = 	snop;
	(pc) =	sbr.rel @p0 .LBB2_10-.Ltmp4, $4  }
0x838: {  	_ = 	snop  }
0x839: {  	s23 =	sshra.s32 s3, $0x2;
	s3 =	sadd.s32 $0x420, s3  }
0x83a: {  	s4 =	sadd.s32 $0x800, s4;
	s23 =	sadd.s32 $0x12310, s23  }
0x83b: {  	[hbm4b:s4+s6] =	stream.linear.scatter [tilespmem:s23], [sflag:$0x3], $0x100, $0x38;
	[tilespmem:$0x17CD0] =	vst v63  }
0x83c: {  	v19 =	vld [tilespmem:$0x1FD60]  }
0x83d: {  	v18 =	vmov v2;
	v2 =	vld [tilespmem:$0x1FD70]  }
0x83e: {  	v22 =	vld [tilespmem:$0x1FDB0]  }
0x83f: {  	v21 =	vld [tilespmem:$0x1FDC0]  }
0x840: {  	v31 =	vld [tilespmem:$0x1FDD0]  }
0x841: {  	v32 =	vld [tilespmem:$0x1FDE0]  }
0x842: {  	v25 =	vld [tilespmem:$0x1FDF0]  }
0x843: {  	v33 =	vld [tilespmem:$0x1FE00]  }
0x844: {  	s3 =	simm.s32 $0x0;
	s23 =	rddreg [dreg:$0x8];
	v1 =	vld [tilespmem:$0x1FE10]  }
0x845: {  	v42 =	vld [tilespmem:$0x1FE20];
	[hbm4b:s23+s3] =	stream.linear.scatter [tilespmem:s29], [sflag:$0x3], $0x100, $0x38  }
0x846: {  	s24 =	simm.s32 $0x161F8;
	v54 =	vld [tilespmem:$0x1FE30];
	s4 =	sadd.s32 $0x800, s23  }
0x847: {  	v55 =	vld [tilespmem:$0x1FE40];
	[hbm4b:s4+s3] =	stream.linear.scatter [tilespmem:s24], [sflag:$0x3], $0x100, $0x38  }
0x848: {  	s28 =	simm.s32 $0x16300;
	v46 =	vld [tilespmem:$0x1FE50];
	s26 =	sadd.s32 $0x1000, s23  }
0x849: {  	v62 =	vld [tilespmem:$0x1FE60];
	[hbm4b:s26+s3] =	stream.linear.scatter [tilespmem:s28], [sflag:$0x3], $0x100, $0x38  }
0x84a: {  	s31 =	simm.s32 $0x16408;
	v59 =	vld [tilespmem:$0x1FE70];
	s30 =	sadd.s32 $0x1800, s23  }
0x84b: {  	v60 =	vld [tilespmem:$0x1FE80];
	[hbm4b:s30+s3] =	stream.linear.scatter [tilespmem:s31], [sflag:$0x3], $0x100, $0x38  }
0x84c: {  	v52 =	vld [tilespmem:$0x1FE90];
	s23 =	sadd.s32 $0x2000, s23;
	s24 =	simm.s32 $0x16510  }
0x84d: {  	v50 =	vld [tilespmem:$0x1FEA0];
	[hbm4b:s23+s3] =	stream.linear.scatter [tilespmem:s24], [sflag:$0x3], $0x100, $0x38  }
0x84e: {  	s25 =	simm.s32 $0x7410;
	v49 =	vld [tilespmem:$0x1FEB0];
	s26 =	simm.s32 $0xF310  }
0x84f: {  	v47 =	vld [tilespmem:$0x1FEC0];
	[tilespmem:s26], [sflag:$0x2] =	stream.indirect.gather [hbm4b:s7+s20], $0x30, s25, s20, $0xb8  }
0x850: {  	v45 =	vld [tilespmem:$0x1FED0];
	s28 =	simm.s32 $0x7490;
	s30 =	simm.s32 $0x10B10  }
0x851: {  	v43 =	vld [tilespmem:$0x1FEE0];
	[tilespmem:s30], [sflag:$0x2] =	stream.indirect.gather [hbm4b:s7+s20], $0x30, s28, s20, $0xb8  }
0x852: {  	v20 =	vmov v8;
	v41 =	vld [tilespmem:$0x1FEF0];
	s4 =	rddreg [dreg:$0x9];
	s31 =	simm.s32 $0x14200;
	s3 =	simm.s32 $0x420  }
0x853: {  	v44 =	vld [tilespmem:$0x1FFF0];
	v48 =	vmovc v34;
	v53 =	vmovc v30;
	v56 =	vmov v4;
	v57 =	vmov v39;
	v58 =	vmov v27;
	[hbm4b:s4+s6] =	stream.linear.scatter [tilespmem:s31], [sflag:$0x4], $0x100, $0x38  }
.LBB2_12:
0x854: {  	p0 =	sne.s32 s3, $0x77A0  }
.Ltmp5:
0x855: {  	_ = 	snop;
	(pc) =	sbr.rel @p0 .LBB2_12-.Ltmp5, $4  }
0x856: {  	_ = 	snop  }
0x857: {  	s23 =	sshra.s32 s3, $0x2;
	s3 =	sadd.s32 $0x420, s3  }
0x858: {  	s4 =	sadd.s32 $0x800, s4;
	s23 =	sadd.s32 $0x14200, s23  }
0x859: {  	[hbm4b:s4+s6] =	stream.linear.scatter [tilespmem:s23], [sflag:$0x4], $0x100, $0x38;
	[tilespmem:$0x17CD0] =	vst v63  }
0x85a: {  	s23 =	simm.s32 $0x0;
	s4 =	rddreg [dreg:$0xa]  }
0x85b: {  	[hbm4b:s4+s23] =	stream.linear.scatter [tilespmem:s8], [sflag:$0x4], $0x100, $0x38;
	[tilespmem:$0x17CD0] =	vst v63  }
0x85c: {  	s3 =	sadd.s32 $0x800, s4  }
0x85d: {  	[hbm4b:s3+s23] =	stream.linear.scatter [tilespmem:s18], [sflag:$0x4], $0x100, $0x38;
	[tilespmem:$0x17CD0] =	vst v63  }
0x85e: {  	s28 =	sadd.s32 $0x1000, s4  }
0x85f: {  	[hbm4b:s28+s23] =	stream.linear.scatter [tilespmem:s12], [sflag:$0x4], $0x100, $0x38;
	[tilespmem:$0x17CD0] =	vst v63  }
0x860: {  	s30 =	sadd.s32 $0x1800, s4  }
0x861: {  	[hbm4b:s30+s23] =	stream.linear.scatter [tilespmem:s14], [sflag:$0x4], $0x100, $0x38;
	[tilespmem:$0x17CD0] =	vst v63  }
0x862: {  	s24 =	simm.s32 $0x0;
	v40 =	vld [tilespmem:$0x1FF00];
	v30 =	vmov v14;
	s31 =	sadd.s32 $0x2000, s4  }
0x863: {  	v34 =	vld [tilespmem:$0x1FFE0];
	v27 =	vmovc v23;
	v61 =	vmovc v36;
	v51 =	vmov v16;
	v39 =	vmov v1;
	v16 =	vmov v2;
	[hbm4b:s31+s23] =	stream.linear.scatter [tilespmem:s13], [sflag:$0x4], $0x100, $0x38  }
.LBB2_14:
0x864: {  	_ =	swait.ge [sflag:s15], $0x1E00  }
0x865: {  	[sflag:s15] =	ssyncset.done $0x0  }
0x866: {  	[sflag:s15] =	ssyncadd.s32 $0xFFFFE200  }
0x867: {  	_ =	swait.ge [sflag:s15], $0x500  }
0x868: {  	[sflag:s15] =	ssyncset.done $0x0  }
0x869: {  	[sflag:s15] =	ssyncadd.s32 $0xFFFFFB00  }
0x86a: {  	_ =	swait.ge [sflag:s22], $0x3000  }
0x86b: {  	v1 =	vmov s23;
	v0 =	vmul.u32 $0x108, v10;
	[sflag:s22] =	ssyncset.done $0x0  }
0x86c: {  	s28 =	simm.s32 $0xC340;
	v2 =	vand.u32 $0xFE, v1;
	[sflag:s22] =	ssyncadd.s32 $0xFFFFD000  }
0x86d: {  	v4 =	vadd.s32 v0, v2;
	v1 =	vld [tilespmem:s28+$0xFFFFFFD0];
	_ =	sdelay $0x4  }
0x86e: {  	[tilespmem:v4+s0+$0x0] =	vst.idx.msk $0xffff, v1;
	v1 =	vadd.s32 $0xE70, v0  }
0x86f: {  	v4 =	vld [tilespmem:s28+$0xFFFFFFDE];
	v6 =	vadd.s32 v1, v2;
	_ =	sdelay $0x4  }
0x870: {  	[tilespmem:v6+s0+$0x0] =	vst.idx.msk $0xffff, v4  }
0x871: {  	v2 =	vadd.s32 v63, v2;
	v4 =	vld [tilespmem:s28+$0xFFFFFFEE];
	_ =	sdelay $0x2  }
0x872: {  	s3 =	simm.s32 $0x1  }
0x873: {  	v6 =	vmov s3  }
0x874: {  	[tilespmem:v2+s29+$0x0] =	vst.idx.msk $0x1f, v4;
	v4 =	vand.u32 $0xFF, v6  }
0x875: {  	v2 =	vld [tilespmem:s28+$0x0];
	v6 =	vadd.s32 v0, v4;
	_ =	sdelay $0x4  }
0x876: {  	[tilespmem:v6+s0+$0x0] =	vst.idx.msk $0xffff, v2  }
0x877: {  	v6 =	vadd.s32 v1, v4;
	v2 =	vld [tilespmem:s28+$0xE];
	_ =	sdelay $0x4  }
0x878: {  	[tilespmem:v6+s0+$0x0] =	vst.idx.msk $0xffff, v2  }
0x879: {  	v4 =	vadd.s32 v63, v4;
	v2 =	vld [tilespmem:s28+$0x1E];
	_ =	sdelay $0x2  }
0x87a: {  	s4 =	simm.s32 $0x2  }
0x87b: {  	s3 =	simm.s32 $0x4;
	v6 =	vmov s4  }
.LBB2_15:
0x87c: {  	p0 =	sne.s32 s3, $0xFE;
	v6 =	vand.u32 $0xFE, v6;
	[tilespmem:v4+s29+$0x0] =	vst.idx.msk $0x1f, v2;
	s28 =	sadd.s32 $0x60, s28  }
0x87d: {  	v2 =	vld [tilespmem:s28+$0xFFFFFFD0];
	v4 =	vadd.s32 v0, v6;
	_ =	sdelay $0x4  }
0x87e: {  	[tilespmem:v4+s0+$0x0] =	vst.idx.msk $0xffff, v2;
	v2 =	vadd.s32 $0xE70, v0  }
0x87f: {  	v4 =	vld [tilespmem:s28+$0xFFFFFFDE];
	v8 =	vadd.s32 v2, v6;
	_ =	sdelay $0x4  }
0x880: {  	[tilespmem:v8+s0+$0x0] =	vst.idx.msk $0xffff, v4  }
0x881: {  	v6 =	vadd.s32 v63, v6;
	v4 =	vld [tilespmem:s28+$0xFFFFFFEE];
	_ =	sdelay $0x2  }
0x882: {  	s26 =	sadd.s32 $0x1, s4;
	s4 =	smov.u32 s3  }
0x883: {  	v8 =	vmov s26  }
0x884: {  	[tilespmem:v6+s29+$0x0] =	vst.idx.msk $0x1f, v4;
	v4 =	vand.u32 $0xFF, v8  }
0x885: {  	v6 =	vld [tilespmem:s28+$0x0];
	v8 =	vadd.s32 v0, v4;
	_ =	sdelay $0x4  }
0x886: {  	[tilespmem:v8+s0+$0x0] =	vst.idx.msk $0xffff, v6  }
0x887: {  	v2 =	vadd.s32 v2, v4;
	v6 =	vld [tilespmem:s28+$0xE];
	_ =	sdelay $0x4  }
0x888: {  	[tilespmem:v2+s0+$0x0] =	vst.idx.msk $0xffff, v6  }
.Ltmp6:
0x889: {  	v4 =	vadd.s32 v63, v4;
	v2 =	vld [tilespmem:s28+$0x1E];
	(pc) =	sbr.rel @p0 .LBB2_15-.Ltmp6, $2  }
0x88a: {  	_ =	sdelay $0x2  }
0x88b: {  	s3 =	sadd.s32 $0x2, s3;
	v6 =	vmov s4  }
0x88c: {  	_ =	sdelay $0x3  }
0x88d: {  	v6 =	vand.u32 $0xFE, v6;
	[tilespmem:v4+s29+$0x0] =	vst.idx.msk $0x1f, v2;
	s3 =	sadd.s32 $0x60, s28  }
0x88e: {  	v2 =	vld [tilespmem:s3+$0xFFFFFFD0];
	v4 =	vadd.s32 v0, v6;
	_ =	sdelay $0x4  }
0x88f: {  	[tilespmem:v4+s0+$0x0] =	vst.idx.msk $0xffff, v2  }
0x890: {  	v4 =	vadd.s32 v1, v6;
	v2 =	vld [tilespmem:s3+$0xFFFFFFDE];
	_ =	sdelay $0x4  }
0x891: {  	[tilespmem:v4+s0+$0x0] =	vst.idx.msk $0xffff, v2  }
0x892: {  	v4 =	vadd.s32 v63, v6;
	v2 =	vld [tilespmem:s3+$0xFFFFFFEE];
	_ =	sdelay $0x2  }
0x893: {  	s4 =	sadd.s32 $0x1, s4  }
0x894: {  	v6 =	vmov s4  }
0x895: {  	[tilespmem:v4+s29+$0x0] =	vst.idx.msk $0x1f, v2;
	v2 =	vand.u32 $0xFF, v6  }
0x896: {  	v4 =	vld [tilespmem:s3+$0x0];
	v6 =	vadd.s32 v0, v2;
	_ =	sdelay $0x4  }
0x897: {  	[tilespmem:v6+s0+$0x0] =	vst.idx.msk $0xffff, v4  }
0x898: {  	v6 =	vadd.s32 v1, v2;
	v4 =	vld [tilespmem:s3+$0xE];
	_ =	sdelay $0x4  }
0x899: {  	[tilespmem:v6+s0+$0x0] =	vst.idx.msk $0xffff, v4  }
0x89a: {  	v2 =	vadd.s32 v63, v2;
	v4 =	vld [tilespmem:s3+$0x1E];
	_ =	sdelay $0x1  }
0x89b: {  	s28 =	sshll.u32 s24, $0x1  }
0x89c: {  	s25 =	smin.u32 s28, $0x4D  }
0x89d: {  	s3 =	sshll.u32 s25, $0x8  }
0x89e: {  	s26 =	sadd.s32 $0x7510, s3;
	[tilespmem:v2+s29+$0x0] =	vst.idx.msk $0x1f, v4  }
0x89f: {  	[tilespmem:s21], [sflag:$0x1] =	stream.indirect.gather [hbm4b:s7+s20], $0x30, s26, s20, $0xb8;
	[tilespmem:$0x17CD0] =	vst v63  }
0x8a0: {  	s31 =	smul.u32 $0x78000, s24;
	s25 =	simm.s32 $0xDB10;
	s3 =	sadd.s32 $0x7590, s3  }
0x8a1: {  	[tilespmem:s25], [sflag:$0x1] =	stream.indirect.gather [hbm4b:s7+s20], $0x30, s3, s20, $0xb8;
	[tilespmem:$0x17CD0] =	vst v63  }
0x8a2: {  	s25 =	sor.u32 s11, s31  }
0x8a3: {  	s26 =	rddreg [dreg:$0x3];
	s30 =	sshrl.u32 s25, $0x3  }
0x8a4: {  	s4 =	simm.s32 $0x420;
	s31 =	simm.s32 $0x12310;
	s3 =	sadd.s32 s26, s30  }
0x8a5: {  	[hbm4b:s3+s6] =	stream.linear.scatter [tilespmem:s31], [sflag:$0x3], $0x100, $0x38;
	[tilespmem:$0x17CD0] =	vst v63  }
.LBB2_17:
0x8a6: {  	p0 =	sne.s32 s4, $0x77A0  }
.Ltmp7:
0x8a7: {  	_ = 	snop;
	(pc) =	sbr.rel @p0 .LBB2_17-.Ltmp7, $4  }
0x8a8: {  	_ = 	snop  }
0x8a9: {  	s26 =	sshra.s32 s4, $0x2;
	s4 =	sadd.s32 $0x420, s4  }
0x8aa: {  	s3 =	sadd.s32 $0x800, s3;
	s26 =	sadd.s32 $0x12310, s26  }
0x8ab: {  	[hbm4b:s3+s6] =	stream.linear.scatter [tilespmem:s26], [sflag:$0x3], $0x100, $0x38;
	[tilespmem:$0x17CD0] =	vst v63  }
0x8ac: {  	s3 =	smul.u32 $0x14000, s24;
	_ =	sdelay $0x1  }
0x8ad: {  	s3 =	sor.u32 s11, s3  }
0x8ae: {  	s25 =	rddreg [dreg:$0x4];
	s31 =	sshrl.u32 s3, $0x3  }
0x8af: {  	s4 =	simm.s32 $0x0;
	s3 =	sadd.s32 s25, s31  }
0x8b0: {  	[hbm4b:s3+s4] =	stream.linear.scatter [tilespmem:s29], [sflag:$0x3], $0x100, $0x38;
	[tilespmem:$0x17CD0] =	vst v63  }
0x8b1: {  	s25 =	simm.s32 $0x161F8;
	s26 =	sadd.s32 $0x800, s3  }
0x8b2: {  	[hbm4b:s26+s4] =	stream.linear.scatter [tilespmem:s25], [sflag:$0x3], $0x100, $0x38;
	[tilespmem:$0x17CD0] =	vst v63  }
0x8b3: {  	s26 =	sadd.s32 $0x1000, s3;
	s25 =	simm.s32 $0x16300  }
0x8b4: {  	[hbm4b:s26+s4] =	stream.linear.scatter [tilespmem:s25], [sflag:$0x3], $0x100, $0x38;
	[tilespmem:$0x17CD0] =	vst v63  }
0x8b5: {  	s26 =	sadd.s32 $0x1800, s3;
	s25 =	simm.s32 $0x16408  }
0x8b6: {  	[hbm4b:s26+s4] =	stream.linear.scatter [tilespmem:s25], [sflag:$0x3], $0x100, $0x38;
	[tilespmem:$0x17CD0] =	vst v63  }
0x8b7: {  	s3 =	sadd.s32 $0x2000, s3;
	s26 =	simm.s32 $0x16510  }
0x8b8: {  	[hbm4b:s3+s4] =	stream.linear.scatter [tilespmem:s26], [sflag:$0x3], $0x100, $0x38;
	[tilespmem:$0x17CD0] =	vst v63  }
0x8b9: {  	_ =	swait.ge [sflag:s1], $0x1E00  }
0x8ba: {  	[sflag:s1] =	ssyncset.done $0x0  }
0x8bb: {  	[sflag:s1] =	ssyncadd.s32 $0xFFFFE200  }
0x8bc: {  	_ =	swait.ge [sflag:s1], $0x500  }
0x8bd: {  	[sflag:s1] =	ssyncset.done $0x0  }
0x8be: {  	[sflag:s1] =	ssyncadd.s32 $0xFFFFFB00  }
0x8bf: {  	_ =	swait.ge [sflag:s2], $0x3000  }
0x8c0: {  	v2 =	vmov s4;
	[sflag:s2] =	ssyncset.done $0x0  }
0x8c1: {  	v2 =	vand.u32 $0xFE, v2;
	s4 =	simm.s32 $0xF340;
	[sflag:s2] =	ssyncadd.s32 $0xFFFFD000  }
0x8c2: {  	v6 =	vadd.s32 v0, v2;
	v4 =	vld [tilespmem:s4+$0xFFFFFFD0];
	_ =	sdelay $0x4  }
0x8c3: {  	[tilespmem:v6+s5+$0x0] =	vst.idx.msk $0xffff, v4  }
0x8c4: {  	v6 =	vadd.s32 v1, v2;
	v4 =	vld [tilespmem:s4+$0xFFFFFFDE];
	_ =	sdelay $0x4  }
0x8c5: {  	[tilespmem:v6+s5+$0x0] =	vst.idx.msk $0xffff, v4  }
0x8c6: {  	v2 =	vadd.s32 v63, v2;
	v4 =	vld [tilespmem:s4+$0xFFFFFFEE];
	_ =	sdelay $0x2  }
0x8c7: {  	s26 =	simm.s32 $0x1  }
0x8c8: {  	v6 =	vmov s26  }
0x8c9: {  	[tilespmem:v2+s8+$0x0] =	vst.idx.msk $0x1f, v4;
	v4 =	vand.u32 $0xFF, v6  }
0x8ca: {  	v2 =	vld [tilespmem:s4+$0x0];
	v6 =	vadd.s32 v0, v4;
	_ =	sdelay $0x4  }
0x8cb: {  	[tilespmem:v6+s5+$0x0] =	vst.idx.msk $0xffff, v2  }
0x8cc: {  	v6 =	vadd.s32 v1, v4;
	v2 =	vld [tilespmem:s4+$0xE];
	_ =	sdelay $0x4  }
0x8cd: {  	[tilespmem:v6+s5+$0x0] =	vst.idx.msk $0xffff, v2  }
0x8ce: {  	v4 =	vadd.s32 v63, v4;
	v2 =	vld [tilespmem:s4+$0x1E];
	_ =	sdelay $0x2  }
0x8cf: {  	s3 =	simm.s32 $0x2  }
0x8d0: {  	s26 =	simm.s32 $0x4;
	v6 =	vmov s3  }
.LBB2_19:
0x8d1: {  	p0 =	sne.s32 s26, $0xFE;
	v6 =	vand.u32 $0xFE, v6;
	[tilespmem:v4+s8+$0x0] =	vst.idx.msk $0x1f, v2;
	s4 =	sadd.s32 $0x60, s4  }
0x8d2: {  	v2 =	vld [tilespmem:s4+$0xFFFFFFD0];
	v4 =	vadd.s32 v0, v6;
	_ =	sdelay $0x4  }
0x8d3: {  	[tilespmem:v4+s5+$0x0] =	vst.idx.msk $0xffff, v2  }
0x8d4: {  	v4 =	vadd.s32 v1, v6;
	v2 =	vld [tilespmem:s4+$0xFFFFFFDE];
	_ =	sdelay $0x4  }
0x8d5: {  	[tilespmem:v4+s5+$0x0] =	vst.idx.msk $0xffff, v2  }
0x8d6: {  	v4 =	vadd.s32 v63, v6;
	v2 =	vld [tilespmem:s4+$0xFFFFFFEE];
	_ =	sdelay $0x2  }
0x8d7: {  	s25 =	sadd.s32 $0x1, s3;
	s3 =	smov.u32 s26  }
0x8d8: {  	v6 =	vmov s25  }
0x8d9: {  	[tilespmem:v4+s8+$0x0] =	vst.idx.msk $0x1f, v2;
	v4 =	vand.u32 $0xFF, v6  }
0x8da: {  	v2 =	vld [tilespmem:s4+$0x0];
	v6 =	vadd.s32 v0, v4;
	_ =	sdelay $0x4  }
0x8db: {  	[tilespmem:v6+s5+$0x0] =	vst.idx.msk $0xffff, v2  }
0x8dc: {  	v6 =	vadd.s32 v1, v4;
	v2 =	vld [tilespmem:s4+$0xE];
	_ =	sdelay $0x4  }
0x8dd: {  	[tilespmem:v6+s5+$0x0] =	vst.idx.msk $0xffff, v2  }
.Ltmp8:
0x8de: {  	v4 =	vadd.s32 v63, v4;
	v2 =	vld [tilespmem:s4+$0x1E];
	(pc) =	sbr.rel @p0 .LBB2_19-.Ltmp8, $2  }
0x8df: {  	_ =	sdelay $0x2  }
0x8e0: {  	s26 =	sadd.s32 $0x2, s26;
	v6 =	vmov s3  }
0x8e1: {  	_ =	sdelay $0x3  }
0x8e2: {  	v6 =	vand.u32 $0xFE, v6;
	[tilespmem:v4+s8+$0x0] =	vst.idx.msk $0x1f, v2;
	s4 =	sadd.s32 $0x60, s4  }
0x8e3: {  	v2 =	vld [tilespmem:s4+$0xFFFFFFD0];
	v4 =	vadd.s32 v0, v6;
	_ =	sdelay $0x4  }
0x8e4: {  	[tilespmem:v4+s5+$0x0] =	vst.idx.msk $0xffff, v2  }
0x8e5: {  	v4 =	vadd.s32 v1, v6;
	v2 =	vld [tilespmem:s4+$0xFFFFFFDE];
	_ =	sdelay $0x4  }
0x8e6: {  	[tilespmem:v4+s5+$0x0] =	vst.idx.msk $0xffff, v2  }
0x8e7: {  	v4 =	vadd.s32 v63, v6;
	v2 =	vld [tilespmem:s4+$0xFFFFFFEE];
	_ =	sdelay $0x2  }
0x8e8: {  	s3 =	sadd.s32 $0x1, s3  }
0x8e9: {  	v6 =	vmov s3  }
0x8ea: {  	[tilespmem:v4+s8+$0x0] =	vst.idx.msk $0x1f, v2;
	v2 =	vand.u32 $0xFF, v6  }
0x8eb: {  	v4 =	vld [tilespmem:s4+$0x0];
	v0 =	vadd.s32 v0, v2;
	_ =	sdelay $0x4  }
0x8ec: {  	[tilespmem:v0+s5+$0x0] =	vst.idx.msk $0xffff, v4  }
0x8ed: {  	v1 =	vadd.s32 v1, v2;
	v0 =	vld [tilespmem:s4+$0xE];
	_ =	sdelay $0x4  }
0x8ee: {  	[tilespmem:v1+s5+$0x0] =	vst.idx.msk $0xffff, v0  }
0x8ef: {  	v1 =	vadd.s32 v63, v2;
	v0 =	vld [tilespmem:s4+$0x1E];
	_ =	sdelay $0x2  }
0x8f0: {  	s25 =	smin.u32 s28, $0x4C  }
0x8f1: {  	s3 =	sshll.u32 s25, $0x8  }
0x8f2: {  	s25 =	simm.s32 $0xF310;
	s26 =	sadd.s32 $0x7610, s3;
	[tilespmem:v1+s8+$0x0] =	vst.idx.msk $0x1f, v0  }
0x8f3: {  	[tilespmem:s25], [sflag:$0x2] =	stream.indirect.gather [hbm4b:s7+s20], $0x30, s26, s20, $0xb8;
	[tilespmem:$0x17CD0] =	vst v63  }
0x8f4: {  	s28 =	simm.s32 $0x10B10;
	s3 =	sadd.s32 $0x7690, s3  }
0x8f5: {  	[tilespmem:s28], [sflag:$0x2] =	stream.indirect.gather [hbm4b:s7+s20], $0x30, s3, s20, $0xb8;
	[tilespmem:$0x17CD0] =	vst v63  }
0x8f6: {  	s4 =	simm.s32 $0x420;
	s3 =	sadd.s32 s30, s16;
	s30 =	simm.s32 $0x14200  }
0x8f7: {  	[hbm4b:s3+s6] =	stream.linear.scatter [tilespmem:s30], [sflag:$0x4], $0x100, $0x38;
	[tilespmem:$0x17CD0] =	vst v63  }
.LBB2_21:
0x8f8: {  	p0 =	sne.s32 s4, $0x77A0  }
.Ltmp9:
0x8f9: {  	_ = 	snop;
	(pc) =	sbr.rel @p0 .LBB2_21-.Ltmp9, $4  }
0x8fa: {  	_ = 	snop  }
0x8fb: {  	s25 =	sshra.s32 s4, $0x2;
	s4 =	sadd.s32 $0x420, s4  }
0x8fc: {  	s3 =	sadd.s32 $0x800, s3;
	s25 =	sadd.s32 $0x14200, s25  }
0x8fd: {  	[hbm4b:s3+s6] =	stream.linear.scatter [tilespmem:s25], [sflag:$0x4], $0x100, $0x38;
	[tilespmem:$0x17CD0] =	vst v63  }
0x8fe: {  	s3 =	sadd.s32 s31, s17  }
0x8ff: {  	[hbm4b:s3+s6] =	stream.linear.scatter [tilespmem:s8], [sflag:$0x4], $0x100, $0x38;
	[tilespmem:$0x17CD0] =	vst v63  }
0x900: {  	s24 =	sadd.s32 $0x1, s24;
	s4 =	sadd.s32 $0x800, s3  }
0x901: {  	[hbm4b:s4+s6] =	stream.linear.scatter [tilespmem:s18], [sflag:$0x4], $0x100, $0x38;
	[tilespmem:$0x17CD0] =	vst v63  }
0x902: {  	s30 =	sadd.s32 $0x1000, s3;
	p0 =	sne.s32 s24, $0x28  }
0x903: {  	[hbm4b:s30+s6] =	stream.linear.scatter [tilespmem:s12], [sflag:$0x4], $0x100, $0x38;
	[tilespmem:$0x17CD0] =	vst v63  }
.Ltmp10:
0x904: {  	_ = 	snop;
	(pc) =	sbr.rel @p0 .LBB2_14-.Ltmp10, $4  }
0x905: {  	s31 =	sadd.s32 $0x1800, s3  }
0x906: {  	[hbm4b:s31+s6] =	stream.linear.scatter [tilespmem:s14], [sflag:$0x4], $0x100, $0x38;
	[tilespmem:$0x17CD0] =	vst v63  }
0x907: {  	s3 =	sadd.s32 $0x2000, s3  }
0x908: {  	[hbm4b:s3+s6] =	stream.linear.scatter [tilespmem:s13], [sflag:$0x4], $0x100, $0x38;
	[tilespmem:$0x17CD0] =	vst v63  }
0x909: {  	_ =	swait.ge [sflag:s22], $0x3000  }
0x90a: {  	[sflag:s22] =	ssyncset.done $0x0  }
0x90b: {  	[sflag:s22] =	ssyncadd.s32 $0xFFFFD000  }
0x90c: {  	_ =	swait.ge [sflag:s15], $0x1E00  }
0x90d: {  	[sflag:s15] =	ssyncset.done $0x0  }
0x90e: {  	[sflag:s15] =	ssyncadd.s32 $0xFFFFE200  }
0x90f: {  	_ =	swait.ge [sflag:s15], $0x500  }
0x910: {  	[sflag:s15] =	ssyncset.done $0x0  }
0x911: {  	[sflag:s15] =	ssyncadd.s32 $0xFFFFFB00  }
0x912: {  	_ =	swait.ge [sflag:s2], $0x3000  }
0x913: {  	[sflag:s2] =	ssyncset.done $0x0  }
0x914: {  	[sflag:s2] =	ssyncadd.s32 $0xFFFFD000  }
0x915: {  	_ =	swait.ge [sflag:s1], $0x1E00  }
0x916: {  	[sflag:s1] =	ssyncset.done $0x0  }
0x917: {  	[sflag:s1] =	ssyncadd.s32 $0xFFFFE200  }
0x918: {  	_ =	swait.ge [sflag:s1], $0x500  }
0x919: {  	s4 =	rddreg [dreg:$0xc]  }
0x91a: {  	s3 =	rddreg [dreg:$0xb];
	s4 =	sadd.s32 $0x1, s4  }
0x91b: {  	p0 =	sne.s32 s4, s3  }
.Ltmp11:
0x91c: {  	v10 =	vld [tilespmem:$0x1FD50];
	(pc) =	sbr.rel @p0 .LBB2_1-.Ltmp11, $4  }
0x91d: {  	v38 =	vld [tilespmem:$0x1FD80]  }
0x91e: {  	v2 =	vld [tilespmem:$0x1FD90]  }
0x91f: {  	v6 =	vmov v20;
	[sflag:s1] =	ssyncset.done $0x0;
	v20 =	vld [tilespmem:$0x1FDA0]  }
0x920: {  	v4 =	vmov v18;
	v8 =	vld [tilespmem:$0x1FF10];
	[sflag:s1] =	ssyncadd.s32 $0xFFFFFB00  }
0x921: {  	_ =	sfence.sel $0x180000  }
0x922: {  	[bflag:$0x0] =	sbarrier.arrive $0xFFFF  }
0x923: {  	_ =	strace $0x9000004A  }
0x924: {  	s0 =	stileid.u32;
	[bflag:$0x2] =	sbarrier.arrive $0xFFFF  }
0x925: {  	p0 =	sne.s32 s0, $0x0;
	s0 =	rddreg [dreg:$0x5]  }
0x926: {  	s0 =	sadd.s32 @!p0 $0x100000, s0  }
0x927: {  	[sflag:s0] =	ssyncadd.tile.s32 @!p0 $0x1;
	_ =	shalt  }
.Lfunc_end2:
_tile_overlayer_lowered:
.L_overlay_start_2:
0x928: {  	(tag) =	ssettag $0x2  }
0x929: {  	s0 =	rddreg [dreg:$0x0];
	s2 =	stileid.u32  }
0x92a: {  	s1 =	rddreg [dreg:$0x1];
	p0 =	sne.s32 s2, $0x0  }
0x92b: {  	s3 =	rddreg [dreg:$0x2];
	[bflag:$0x3] =	sbarrier.arrive $0xFFFF;
	s2 =	simm.s32 @!p0 $0x1C05  }
0x92c: {  	[timem:s3], [sflag:s2] =	dma.local @!p0 [hbm:s0], s1  }
0x92d: {  	s0 =	simm.s32 @!p0 $0x5  }
0x92e: {  	_ =	swait.ge @!p0 [sflag:s0], s1  }
0x92f: {  	s1 =	ssub.s32 @!p0 $0x0, s1;
	[sflag:s0] =	ssyncset.done @!p0 $0x0  }
0x930: {  	[sflag:s0] =	ssyncadd.s32 @!p0 s1  }
0x931: {  	[bflag:$0x3] =	sbarrier.arrive $0xFFFF  }
0x932: {  	_ =	shalt  }

</sc_bundles>
